<compile_context>
chip_gen: v7x
topology: tpu7x:2x2x1
jax: 0.10.2.dev20260603
libtpu: 0.0.44.dev20260713+nightly
codegen_flags: <defaults>
</compile_context>

<pallas_src>
import functools

import jax
import jax.numpy as jnp
from jax import lax
from jax.experimental import pallas as pl
from jax.experimental.pallas import tpu as pltpu
from jax.experimental.pallas import tpu_sc as plsc

_B, _Mb, _Nb, _C = 4, 8192, 4096, 128
_N = _B * _Nb

_QBLK = 256
_SLC = 128
_GRP = 32

_INF = 3.0e38
_BIGI = 2**30


def _nn3_kernel(q_ref, xt_ref, w_ref, idx_ref):
    b = pl.program_id(0)
    qx = jnp.broadcast_to(q_ref[0, :, 0:1], (_QBLK, _SLC))
    qy = jnp.broadcast_to(q_ref[0, :, 1:2], (_QBLK, _SLC))
    qz = jnp.broadcast_to(q_ref[0, :, 2:3], (_QBLK, _SLC))
    lane = lax.broadcasted_iota(jnp.int32, (1, _SLC), 1)

    nsl = _Mb // _SLC
    imask = nsl - 1

    def _leaf(sl):
        off = sl * _SLC
        xsx = xt_ref[0, 0:1, pl.ds(off, _SLC)]
        xsy = xt_ref[0, 1:2, pl.ds(off, _SLC)]
        xsz = xt_ref[0, 2:3, pl.ds(off, _SLC)]
        dx = qx - xsx
        dy = qy - xsy
        dz = qz - xsz
        v = dx * dx + dy * dy + dz * dz
        vi = lax.bitcast_convert_type(v, jnp.int32)
        vi = (vi & jnp.int32(~imask)) | sl
        return lax.bitcast_convert_type(vi, jnp.float32)

    def _m22(a, b):
        a1, a2 = a
        b1_, b2_ = b
        t1 = jnp.maximum(a1, b1_)
        t2 = jnp.minimum(a2, b2_)
        return (jnp.minimum(a1, b1_), jnp.minimum(t1, t2),
                jnp.maximum(t1, t2))

    def _m33(a, b):
        a1, a2, a3 = a
        b1_, b2_, b3_ = b
        t1 = jnp.maximum(a1, b1_)
        t2 = jnp.minimum(a2, b2_)
        u = jnp.maximum(t1, t2)
        t3 = jnp.minimum(a3, b3_)
        return (jnp.minimum(a1, b1_), jnp.minimum(t1, t2),
                jnp.minimum(u, t3))

    def group_step(g, st):
        base = g * _GRP

        def pair(j):
            va = _leaf(base + j)
            vb = _leaf(base + j + 1)
            return jnp.minimum(va, vb), jnp.maximum(va, vb)

        ts = [_m22(pair(4 * k), pair(4 * k + 2)) for k in range(_GRP // 4)]
        while len(ts) > 1:
            ts = [_m33(ts[2 * k], ts[2 * k + 1]) for k in range(len(ts) // 2)]
        return _m33(st, ts[0])

    finit = jnp.full((_QBLK, _SLC), _INF, dtype=jnp.float32)
    b1, b2, b3 = lax.fori_loop(
        0, _Mb // (_SLC * _GRP), group_step,
        (finit, finit, finit), unroll=1)

    lane_f = lane.astype(jnp.float32)
    off = b * _Mb
    for k in range(3):
        m = jnp.min(b1, axis=1, keepdims=True)
        im = jnp.min(jnp.where(b1 <= m, lane_f, _INF),
                     axis=1, keepdims=True)
        mi = lax.bitcast_convert_type(m, jnp.int32)
        gid = (mi & imask) * _SLC + im.astype(jnp.int32)
        mv = lax.bitcast_convert_type(mi & jnp.int32(~imask), jnp.float32)
        d = jnp.sqrt(jnp.maximum(mv, 0.0))
        w_ref[:, k:k + 1] = 1.0 / (d + 1e-8)
        idx_ref[:, k:k + 1] = gid + off
        if k < 2:
            cond = (b1 <= m) & (lane_f == im)
            b1 = jnp.where(cond, b2, b1)
            b2 = jnp.where(cond, b3, b2)
            b3 = jnp.where(cond, _INF, b3)
    w = w_ref[...]
    w_ref[...] = w / jnp.sum(w, axis=1, keepdims=True)


def _three_nn_weights(new_xyz, xyz):
    qb = new_xyz.reshape(_B, _Nb, 3)
    xt = xyz.reshape(_B, _Mb, 3).transpose(0, 2, 1)
    nq = _Nb // _QBLK
    w_q, idx_q = pl.pallas_call(
        _nn3_kernel,
        grid=(_B, nq),
        in_specs=[
            pl.BlockSpec((1, _QBLK, 3), lambda b, i: (b, i, 0)),
            pl.BlockSpec((1, 3, _Mb), lambda b, i: (b, 0, 0)),
        ],
        out_specs=[
            pl.BlockSpec((_QBLK, 3), lambda b, i: (b * nq + i, 0)),
            pl.BlockSpec((_QBLK, 3), lambda b, i: (b * nq + i, 0)),
        ],
        out_shape=[
            jax.ShapeDtypeStruct((_N, 3), jnp.float32),
            jax.ShapeDtypeStruct((_N, 3), jnp.int32),
        ],
    )(qb, xt)
    return w_q.T, idx_q.T


_NW = 32
_NQW = _N // _NW
_CH = 128


def _interp_sc(features, w_t, idx_t):
    mesh = plsc.VectorSubcoreMesh(core_axis_name="c", subcore_axis_name="s")

    @functools.partial(
        pl.kernel,
        mesh=mesh,
        out_type=jax.ShapeDtypeStruct((_N, _C), jnp.float32),
        scratch_types=[
            pltpu.VMEM((_CH,), jnp.int32),
            pltpu.VMEM((_CH,), jnp.int32),
            pltpu.VMEM((_CH,), jnp.int32),
            pltpu.VMEM((_CH, _C), jnp.float32),
            pltpu.VMEM((_CH, _C), jnp.float32),
            pltpu.VMEM((_CH, _C), jnp.float32),
            pltpu.VMEM((3, _CH), jnp.float32),
            pltpu.VMEM((_CH, _C), jnp.float32),
            pltpu.SemaphoreType.DMA,
        ],
    )
    def k(feat_hbm, w_hbm, i1_hbm, i2_hbm, i3_hbm, out_hbm,
          i1_v, i2_v, i3_v, r1_v, r2_v, r3_v, w_v, out_v, sem):
        wid = lax.axis_index("s") * 2 + lax.axis_index("c")

        def do_chunk(ch, _):
            base = wid * _NQW + ch * _CH
            pltpu.sync_copy(i1_hbm.at[pl.ds(base, _CH)], i1_v)
            pltpu.sync_copy(i2_hbm.at[pl.ds(base, _CH)], i2_v)
            pltpu.sync_copy(i3_hbm.at[pl.ds(base, _CH)], i3_v)
            pltpu.sync_copy(w_hbm.at[:, pl.ds(base, _CH)], w_v)
            c1 = pltpu.async_copy(feat_hbm.at[i1_v], r1_v, sem)
            c2 = pltpu.async_copy(feat_hbm.at[i2_v], r2_v, sem)
            c3 = pltpu.async_copy(feat_hbm.at[i3_v], r3_v, sem)
            c1.wait()
            c2.wait()
            c3.wait()

            def per_grp(g2, _):
                w1g = w_v[0, pl.ds(g2 * 16, 16)]
                w2g = w_v[1, pl.ds(g2 * 16, 16)]
                w3g = w_v[2, pl.ds(g2 * 16, 16)]
                for j in range(16):
                    q = g2 * 16 + j
                    w1 = w1g[j]
                    w2 = w2g[j]
                    w3 = w3g[j]
                    for g in range(_C // 16):
                        sl = pl.ds(g * 16, 16)
                        out_v[q, sl] = (w1 * r1_v[q, sl] + w2 * r2_v[q, sl]
                                        + w3 * r3_v[q, sl])
                return 0

            lax.fori_loop(0, _CH // 16, per_grp, 0)
            pltpu.sync_copy(out_v, out_hbm.at[pl.ds(base, _CH)])
            return 0

        lax.fori_loop(0, _NQW // _CH, do_chunk, 0)

    return k(features, w_t, idx_t[0], idx_t[1], idx_t[2])


def kernel(xyz, xyz_batch_cnt, new_xyz, new_xyz_batch_cnt, features):
    w_t, idx_t = _three_nn_weights(new_xyz, xyz)
    return _interp_sc(features, w_t, idx_t)

# --- scband reference (transcript-rebuilt; emitter-appended) ---
"""Pipeline reference for scband-resample-feature-map-64295660421504 (READ-ONLY COPY).

The authoritative reference and input builder live on the scoring server;
editing this copy changes nothing except your own understanding.
"""

import jax, jax.numpy as jnp
import numpy as np

B = 4
Mb = 8192
Nb = 4096
C = 128

def setup_inputs(seed: int = 0) -> dict:
    key = jax.random.key(seed)
    k1, k2, k3 = jax.random.split(key, 3)
    xyz = jax.random.uniform(k1, (B * Mb, 3), dtype=jnp.float32) * 100.0
    new_xyz = jax.random.uniform(k2, (B * Nb, 3), dtype=jnp.float32) * 100.0
    features = jax.random.normal(k3, (B * Mb, C), dtype=jnp.float32)
    xyz_batch_cnt = jnp.full((B,), Mb, dtype=jnp.int32)
    new_xyz_batch_cnt = jnp.full((B,), Nb, dtype=jnp.int32)
    return {
        "xyz": xyz,
        "xyz_batch_cnt": xyz_batch_cnt,
        "new_xyz": new_xyz,
        "new_xyz_batch_cnt": new_xyz_batch_cnt,
        "features": features,
    }

def _three_nn_stack(new_xyz, xyz):
    # per-batch exact 3-NN; equal batch counts assumed (Mb/Nb per cloud)
    xyz_b = xyz.reshape(B, Mb, 3)
    new_b = new_xyz.reshape(B, Nb, 3)
    dists = []
    idxs = []
    for b in range(B):
        diff = new_b[b][:, None, :] - xyz_b[b][None, :, :]  # (Nb, Mb, 3)
        d2 = jnp.sum(diff * diff, axis=-1)                  # (Nb, Mb)
        neg_top, idx = jax.lax.top_k(-d2, 3)                # 3 smallest d2
        dists.append(jnp.sqrt(jnp.maximum(-neg_top, 0.0)))
        idxs.append(idx + b * Mb)                           # global stacked index
    dist = jnp.concatenate(dists, axis=0)  # (N, 3)
    idx = jnp.concatenate(idxs, axis=0)    # (N, 3) int32
    return dist, idx

def reference(xyz, xyz_batch_cnt, new_xyz, new_xyz_batch_cnt, features):
    dist, idx = _three_nn_stack(new_xyz, xyz)
    dist_recip = 1.0 / (dist + 1e-08)
    norm = jnp.sum(dist_recip, axis=-1, keepdims=True)
    weight = dist_recip / norm                      # (N, 3)
    gathered = jnp.take(features, idx, axis=0)      # (N, 3, C) gather
    interpolated = jnp.sum(gathered * weight[..., None], axis=1)  # (N, C)
    return interpolated

if __name__ == "__main__":
    import jax
    _d = setup_inputs()
    print(jax.jit(kernel)(*tuple(_d.values())))

</pallas_src>

<mosaic_0001>
#map = affine_map<(d0, d1) -> (0, 0)>
#map1 = affine_map<(d0, d1) -> (0)>
module attributes {stable_mosaic.version = 14 : i64} {
  func.func @k(%arg0: i32, %arg1: i32, %arg2: memref<32768x128xf32, #tpu.memory_space<hbm>>, %arg3: memref<3x16384xf32, #tpu.memory_space<hbm>>, %arg4: memref<16384xi32, #tpu.memory_space<hbm>>, %arg5: memref<16384xi32, #tpu.memory_space<hbm>>, %arg6: memref<16384xi32, #tpu.memory_space<hbm>>, %arg7: memref<16384x128xf32, #tpu.memory_space<hbm>>, %arg8: memref<128xi32, #tpu.memory_space<vmem>>, %arg9: memref<128xi32, #tpu.memory_space<vmem>>, %arg10: memref<128xi32, #tpu.memory_space<vmem>>, %arg11: memref<128x128xf32, #tpu.memory_space<vmem>>, %arg12: memref<128x128xf32, #tpu.memory_space<vmem>>, %arg13: memref<128x128xf32, #tpu.memory_space<vmem>>, %arg14: memref<3x128xf32, #tpu.memory_space<vmem>>, %arg15: memref<128x128xf32, #tpu.memory_space<vmem>>, %arg16: memref<!tpu.dma_semaphore, #tpu.memory_space<semaphore_mem>>) attributes {dimension_semantics = [#tpu.dimension_semantics<core_parallel>, #tpu.dimension_semantics<subcore_parallel>], iteration_bounds = array<i64: 2, 16>, scalar_prefetch = 0 : i64, scratch_operands = 9 : i64, tpu.core_type = #tpu.core_type<sc_vector_subcore>, window_params = [{transform_indices = #map}, {transform_indices = #map}, {transform_indices = #map1}, {transform_indices = #map1}, {transform_indices = #map1}, {transform_indices = #map}]} {
    %mul3A = arith.constant 2 : i32
    %mul3A_0 = arith.muli %arg1, %mul3A : i32
    %add3A = arith.addi %mul3A_0, %arg0 : i32
    %scan3A = arith.constant 0 : i32
    %scan3A_1 = arith.constant 0 : i32
    %scan3A_2 = arith.constant 4 : i32
    %scan3A_3 = arith.addi %scan3A_1, %scan3A_2 : i32
    %scan3A_4 = arith.constant 1 : i32
    %scan3A_5 = scf.for %scan3A_7 = %scan3A_1 to %scan3A_3 step %scan3A_4 iter_args(%scan3A_8 = %scan3A) -> (i32)  : i32 {
      %mul3A_9 = arith.constant 512 : i32
      %mul3A_10 = arith.muli %add3A, %mul3A_9 : i32
      %mul3A_11 = arith.constant 128 : i32
      %mul3A_12 = arith.muli %scan3A_7, %mul3A_11 : i32
      %add3A_13 = arith.addi %mul3A_10, %mul3A_12 : i32
      "tpu.region"() ({
        %run_scoped3A = tpu.sem_alloc : memref<!tpu.dma_semaphore, #tpu.memory_space<semaphore_mem>>
        %dma_start3A_38 = tpu.memref_slice %arg4[%add3A_13] : memref<16384xi32, #tpu.memory_space<hbm>> -> memref<128xi32, #tpu.memory_space<hbm>>
        %dma_start3A_39 = tpu.memref_slice %arg4[%add3A_13] : memref<16384xi32, #tpu.memory_space<hbm>> -> memref<128xi32, #tpu.memory_space<hbm>>
        tpu.enqueue_dma source(%dma_start3A_39 : memref<128xi32, #tpu.memory_space<hbm>>) target(%arg8 : memref<128xi32, #tpu.memory_space<vmem>>) target_semaphore(%run_scoped3A : memref<!tpu.dma_semaphore, #tpu.memory_space<semaphore_mem>>)
        %dma_wait3A_40 = tpu.memref_slice %arg4[%add3A_13] : memref<16384xi32, #tpu.memory_space<hbm>> -> memref<128xi32, #tpu.memory_space<hbm>>
        %dma_wait3A_41 = tpu.memref_slice %arg4[%add3A_13] : memref<16384xi32, #tpu.memory_space<hbm>> -> memref<128xi32, #tpu.memory_space<hbm>>
        tpu.wait_dma2 semaphore(%run_scoped3A : memref<!tpu.dma_semaphore, #tpu.memory_space<semaphore_mem>>) src(%dma_wait3A_41 : memref<128xi32, #tpu.memory_space<hbm>>) dst(%arg8 : memref<128xi32, #tpu.memory_space<vmem>>)
        tpu.yield
      }) : () -> ()
      "tpu.region"() ({
        %run_scoped3A = tpu.sem_alloc : memref<!tpu.dma_semaphore, #tpu.memory_space<semaphore_mem>>
        %dma_start3A_38 = tpu.memref_slice %arg5[%add3A_13] : memref<16384xi32, #tpu.memory_space<hbm>> -> memref<128xi32, #tpu.memory_space<hbm>>
        %dma_start3A_39 = tpu.memref_slice %arg5[%add3A_13] : memref<16384xi32, #tpu.memory_space<hbm>> -> memref<128xi32, #tpu.memory_space<hbm>>
        tpu.enqueue_dma source(%dma_start3A_39 : memref<128xi32, #tpu.memory_space<hbm>>) target(%arg9 : memref<128xi32, #tpu.memory_space<vmem>>) target_semaphore(%run_scoped3A : memref<!tpu.dma_semaphore, #tpu.memory_space<semaphore_mem>>)
        %dma_wait3A_40 = tpu.memref_slice %arg5[%add3A_13] : memref<16384xi32, #tpu.memory_space<hbm>> -> memref<128xi32, #tpu.memory_space<hbm>>
        %dma_wait3A_41 = tpu.memref_slice %arg5[%add3A_13] : memref<16384xi32, #tpu.memory_space<hbm>> -> memref<128xi32, #tpu.memory_space<hbm>>
        tpu.wait_dma2 semaphore(%run_scoped3A : memref<!tpu.dma_semaphore, #tpu.memory_space<semaphore_mem>>) src(%dma_wait3A_41 : memref<128xi32, #tpu.memory_space<hbm>>) dst(%arg9 : memref<128xi32, #tpu.memory_space<vmem>>)
        tpu.yield
      }) : () -> ()
      "tpu.region"() ({
        %run_scoped3A = tpu.sem_alloc : memref<!tpu.dma_semaphore, #tpu.memory_space<semaphore_mem>>
        %dma_start3A_38 = tpu.memref_slice %arg6[%add3A_13] : memref<16384xi32, #tpu.memory_space<hbm>> -> memref<128xi32, #tpu.memory_space<hbm>>
        %dma_start3A_39 = tpu.memref_slice %arg6[%add3A_13] : memref<16384xi32, #tpu.memory_space<hbm>> -> memref<128xi32, #tpu.memory_space<hbm>>
        tpu.enqueue_dma source(%dma_start3A_39 : memref<128xi32, #tpu.memory_space<hbm>>) target(%arg10 : memref<128xi32, #tpu.memory_space<vmem>>) target_semaphore(%run_scoped3A : memref<!tpu.dma_semaphore, #tpu.memory_space<semaphore_mem>>)
        %dma_wait3A_40 = tpu.memref_slice %arg6[%add3A_13] : memref<16384xi32, #tpu.memory_space<hbm>> -> memref<128xi32, #tpu.memory_space<hbm>>
        %dma_wait3A_41 = tpu.memref_slice %arg6[%add3A_13] : memref<16384xi32, #tpu.memory_space<hbm>> -> memref<128xi32, #tpu.memory_space<hbm>>
        tpu.wait_dma2 semaphore(%run_scoped3A : memref<!tpu.dma_semaphore, #tpu.memory_space<semaphore_mem>>) src(%dma_wait3A_41 : memref<128xi32, #tpu.memory_space<hbm>>) dst(%arg10 : memref<128xi32, #tpu.memory_space<vmem>>)
        tpu.yield
      }) : () -> ()
      "tpu.region"() ({
        %run_scoped3A = tpu.sem_alloc : memref<!tpu.dma_semaphore, #tpu.memory_space<semaphore_mem>>
        %dma_start3A_38 = arith.constant 0 : i32
        %dma_start3A_39 = tpu.memref_slice %arg3[%dma_start3A_38, %add3A_13] : memref<3x16384xf32, #tpu.memory_space<hbm>> -> memref<3x128xf32, #tpu.memory_space<hbm>>
        %dma_start3A_40 = arith.constant 0 : i32
        %dma_start3A_41 = tpu.memref_slice %arg3[%dma_start3A_40, %add3A_13] : memref<3x16384xf32, #tpu.memory_space<hbm>> -> memref<3x128xf32, #tpu.memory_space<hbm>>
        tpu.enqueue_dma source(%dma_start3A_41 : memref<3x128xf32, #tpu.memory_space<hbm>>) target(%arg14 : memref<3x128xf32, #tpu.memory_space<vmem>>) target_semaphore(%run_scoped3A : memref<!tpu.dma_semaphore, #tpu.memory_space<semaphore_mem>>)
        %dma_wait3A_42 = arith.constant 0 : i32
        %dma_wait3A_43 = tpu.memref_slice %arg3[%dma_wait3A_42, %add3A_13] : memref<3x16384xf32, #tpu.memory_space<hbm>> -> memref<3x128xf32, #tpu.memory_space<hbm>>
        %dma_wait3A_44 = arith.constant 0 : i32
        %dma_wait3A_45 = tpu.memref_slice %arg3[%dma_wait3A_44, %add3A_13] : memref<3x16384xf32, #tpu.memory_space<hbm>> -> memref<3x128xf32, #tpu.memory_space<hbm>>
        tpu.wait_dma2 semaphore(%run_scoped3A : memref<!tpu.dma_semaphore, #tpu.memory_space<semaphore_mem>>) src(%dma_wait3A_45 : memref<3x128xf32, #tpu.memory_space<hbm>>) dst(%arg14 : memref<3x128xf32, #tpu.memory_space<vmem>>)
        tpu.yield
      }) : () -> ()
      %dma_start3A = arith.constant 0 : i32
      %dma_start3A_14 = arith.constant 0 : i32
      %dma_start3A_15 = tpu.memref_slice %arg2[%dma_start3A, %dma_start3A_14] : memref<32768x128xf32, #tpu.memory_space<hbm>> -> memref<32768x128xf32, #tpu.memory_space<hbm>>
      tpu.enqueue_indirect_dma source(%dma_start3A_15 : memref<32768x128xf32, #tpu.memory_space<hbm>>) target(%arg11 : memref<128x128xf32, #tpu.memory_space<vmem>>) offsets(%arg8 : memref<128xi32, #tpu.memory_space<vmem>>) semaphore(%arg16 : memref<!tpu.dma_semaphore, #tpu.memory_space<semaphore_mem>>)
      %dma_start3A_16 = arith.constant 0 : i32
      %dma_start3A_17 = arith.constant 0 : i32
      %dma_start3A_18 = tpu.memref_slice %arg2[%dma_start3A_16, %dma_start3A_17] : memref<32768x128xf32, #tpu.memory_space<hbm>> -> memref<32768x128xf32, #tpu.memory_space<hbm>>
      tpu.enqueue_indirect_dma source(%dma_start3A_18 : memref<32768x128xf32, #tpu.memory_space<hbm>>) target(%arg12 : memref<128x128xf32, #tpu.memory_space<vmem>>) offsets(%arg9 : memref<128xi32, #tpu.memory_space<vmem>>) semaphore(%arg16 : memref<!tpu.dma_semaphore, #tpu.memory_space<semaphore_mem>>)
      %dma_start3A_19 = arith.constant 0 : i32
      %dma_start3A_20 = arith.constant 0 : i32
      %dma_start3A_21 = tpu.memref_slice %arg2[%dma_start3A_19, %dma_start3A_20] : memref<32768x128xf32, #tpu.memory_space<hbm>> -> memref<32768x128xf32, #tpu.memory_space<hbm>>
      tpu.enqueue_indirect_dma source(%dma_start3A_21 : memref<32768x128xf32, #tpu.memory_space<hbm>>) target(%arg13 : memref<128x128xf32, #tpu.memory_space<vmem>>) offsets(%arg10 : memref<128xi32, #tpu.memory_space<vmem>>) semaphore(%arg16 : memref<!tpu.dma_semaphore, #tpu.memory_space<semaphore_mem>>)
      %dma_wait3A = arith.constant 0 : i32
      %dma_wait3A_22 = arith.constant 0 : i32
      %dma_wait3A_23 = tpu.memref_slice %arg2[%dma_wait3A, %dma_wait3A_22] : memref<32768x128xf32, #tpu.memory_space<hbm>> -> memref<32768x128xf32, #tpu.memory_space<hbm>>
      tpu.wait_indirect_dma semaphore(%arg16 : memref<!tpu.dma_semaphore, #tpu.memory_space<semaphore_mem>>) src(%dma_wait3A_23 : memref<32768x128xf32, #tpu.memory_space<hbm>>) dst(%arg11 : memref<128x128xf32, #tpu.memory_space<vmem>>)
      %dma_wait3A_24 = arith.constant 0 : i32
      %dma_wait3A_25 = arith.constant 0 : i32
      %dma_wait3A_26 = tpu.memref_slice %arg2[%dma_wait3A_24, %dma_wait3A_25] : memref<32768x128xf32, #tpu.memory_space<hbm>> -> memref<32768x128xf32, #tpu.memory_space<hbm>>
      tpu.wait_indirect_dma semaphore(%arg16 : memref<!tpu.dma_semaphore, #tpu.memory_space<semaphore_mem>>) src(%dma_wait3A_26 : memref<32768x128xf32, #tpu.memory_space<hbm>>) dst(%arg12 : memref<128x128xf32, #tpu.memory_space<vmem>>)
      %dma_wait3A_27 = arith.constant 0 : i32
      %dma_wait3A_28 = arith.constant 0 : i32
      %dma_wait3A_29 = tpu.memref_slice %arg2[%dma_wait3A_27, %dma_wait3A_28] : memref<32768x128xf32, #tpu.memory_space<hbm>> -> memref<32768x128xf32, #tpu.memory_space<hbm>>
      tpu.wait_indirect_dma semaphore(%arg16 : memref<!tpu.dma_semaphore, #tpu.memory_space<semaphore_mem>>) src(%dma_wait3A_29 : memref<32768x128xf32, #tpu.memory_space<hbm>>) dst(%arg13 : memref<128x128xf32, #tpu.memory_space<vmem>>)
      %scan3A_30 = arith.constant 0 : i32
      %scan3A_31 = arith.constant 0 : i32
      %scan3A_32 = arith.constant 8 : i32
      %scan3A_33 = arith.addi %scan3A_31, %scan3A_32 : i32
      %scan3A_34 = arith.constant 1 : i32
      %scan3A_35 = scf.for %scan3A_38 = %scan3A_31 to %scan3A_33 step %scan3A_34 iter_args(%scan3A_39 = %scan3A_30) -> (i32)  : i32 {
        %mul3A_40 = arith.constant 16 : i32
        %mul3A_41 = arith.muli %scan3A_38, %mul3A_40 : i32
        %get3A = arith.constant 0 : i32
        %get3A_42 = arith.index_cast %get3A : i32 to index
        %get3A_43 = arith.index_cast %mul3A_41 : i32 to index
        %get3A_44 = tpu.vector_load %arg14[%get3A_42, %get3A_43] {strides = array<i32>} : memref<3x128xf32, #tpu.memory_space<vmem>>, vector<1x16xf32>,
        %get3A_45 = vector.shape_cast %get3A_44 : vector<1x16xf32> to vector<16xf32>
        %mul3A_46 = arith.constant 16 : i32
        %mul3A_47 = arith.muli %scan3A_38, %mul3A_46 : i32
        %get3A_48 = arith.constant 1 : i32
        %get3A_49 = arith.index_cast %get3A_48 : i32 to index
        %get3A_50 = arith.index_cast %mul3A_47 : i32 to index
        %get3A_51 = tpu.vector_load %arg14[%get3A_49, %get3A_50] {strides = array<i32>} : memref<3x128xf32, #tpu.memory_space<vmem>>, vector<1x16xf32>,
        %get3A_52 = vector.shape_cast %get3A_51 : vector<1x16xf32> to vector<16xf32>
        %mul3A_53 = arith.constant 16 : i32
        %mul3A_54 = arith.muli %scan3A_38, %mul3A_53 : i32
        %get3A_55 = arith.constant 2 : i32
        %get3A_56 = arith.index_cast %get3A_55 : i32 to index
        %get3A_57 = arith.index_cast %mul3A_54 : i32 to index
        %get3A_58 = tpu.vector_load %arg14[%get3A_56, %get3A_57] {strides = array<i32>} : memref<3x128xf32, #tpu.memory_space<vmem>>, vector<1x16xf32>,
        %get3A_59 = vector.shape_cast %get3A_58 : vector<1x16xf32> to vector<16xf32>
        %mul3A_60 = arith.constant 16 : i32
        %mul3A_61 = arith.muli %scan3A_38, %mul3A_60 : i32
        %add3A_62 = arith.constant 0 : i32
        %add3A_63 = arith.addi %mul3A_61, %add3A_62 : i32
        %slice3A = vector.extract_strided_slice %get3A_45 {offsets = [0], sizes = [1], strides = [1]} : vector<16xf32> to vector<1xf32>
        %squeeze3A = vector.extract %slice3A[0] : f32 from vector<1xf32>
        %slice3A_64 = vector.extract_strided_slice %get3A_52 {offsets = [0], sizes = [1], strides = [1]} : vector<16xf32> to vector<1xf32>
        %squeeze3A_65 = vector.extract %slice3A_64[0] : f32 from vector<1xf32>
        %slice3A_66 = vector.extract_strided_slice %get3A_59 {offsets = [0], sizes = [1], strides = [1]} : vector<16xf32> to vector<1xf32>
        %squeeze3A_67 = vector.extract %slice3A_66[0] : f32 from vector<1xf32>
        %get3A_68 = arith.index_cast %add3A_63 : i32 to index
        %get3A_69 = arith.constant 0 : index
        %get3A_70 = tpu.vector_load %arg11[%get3A_68, %get3A_69] {strides = array<i32>} : memref<128x128xf32, #tpu.memory_space<vmem>>, vector<1x16xf32>,
        %get3A_71 = vector.shape_cast %get3A_70 : vector<1x16xf32> to vector<16xf32>
        %mul3A_72 = vector.broadcast %squeeze3A : f32 to vector<16xf32>
        %mul3A_73 = arith.mulf %mul3A_72, %get3A_71 : vector<16xf32>
        %get3A_74 = arith.index_cast %add3A_63 : i32 to index
        %get3A_75 = arith.constant 0 : index
        %get3A_76 = tpu.vector_load %arg12[%get3A_74, %get3A_75] {strides = array<i32>} : memref<128x128xf32, #tpu.memory_space<vmem>>, vector<1x16xf32>,
        %get3A_77 = vector.shape_cast %get3A_76 : vector<1x16xf32> to vector<16xf32>
        %mul3A_78 = vector.broadcast %squeeze3A_65 : f32 to vector<16xf32>
        %mul3A_79 = arith.mulf %mul3A_78, %get3A_77 : vector<16xf32>
        %add3A_80 = arith.addf %mul3A_73, %mul3A_79 : vector<16xf32>
        %get3A_81 = arith.index_cast %add3A_63 : i32 to index
        %get3A_82 = arith.constant 0 : index
        %get3A_83 = tpu.vector_load %arg13[%get3A_81, %get3A_82] {strides = array<i32>} : memref<128x128xf32, #tpu.memory_space<vmem>>, vector<1x16xf32>,
        %get3A_84 = vector.shape_cast %get3A_83 : vector<1x16xf32> to vector<16xf32>
        %mul3A_85 = vector.broadcast %squeeze3A_67 : f32 to vector<16xf32>
        %mul3A_86 = arith.mulf %mul3A_85, %get3A_84 : vector<16xf32>
        %add3A_87 = arith.addf %add3A_80, %mul3A_86 : vector<16xf32>
        %swap3A = arith.index_cast %add3A_63 : i32 to index
        %swap3A_88 = arith.constant 0 : index
        %swap3A_89 = tpu.vector_load %arg15[%swap3A, %swap3A_88] {strides = array<i32>} : memref<128x128xf32, #tpu.memory_space<vmem>>, vector<1x16xf32>,
        %swap3A_90 = vector.shape_cast %swap3A_89 : vector<1x16xf32> to vector<16xf32>
        %swap3A_91 = vector.shape_cast %add3A_87 : vector<16xf32> to vector<1x16xf32>
        tpu.vector_store %arg15[%swap3A, %swap3A_88], %swap3A_91 {strides = array<i32>} : memref<128x128xf32, #tpu.memory_space<vmem>>, vector<1x16xf32>,
        %get3A_92 = arith.index_cast %add3A_63 : i32 to index
        %get3A_93 = arith.constant 16 : index
        %get3A_94 = tpu.vector_load %arg11[%get3A_92, %get3A_93] {strides = array<i32>} : memref<128x128xf32, #tpu.memory_space<vmem>>, vector<1x16xf32>,
        %get3A_95 = vector.shape_cast %get3A_94 : vector<1x16xf32> to vector<16xf32>
        %mul3A_96 = vector.broadcast %squeeze3A : f32 to vector<16xf32>
        %mul3A_97 = arith.mulf %mul3A_96, %get3A_95 : vector<16xf32>
        %get3A_98 = arith.index_cast %add3A_63 : i32 to index
        %get3A_99 = arith.constant 16 : index
        %get3A_100 = tpu.vector_load %arg12[%get3A_98, %get3A_99] {strides = array<i32>} : memref<128x128xf32, #tpu.memory_space<vmem>>, vector<1x16xf32>,
        %get3A_101 = vector.shape_cast %get3A_100 : vector<1x16xf32> to vector<16xf32>
        %mul3A_102 = vector.broadcast %squeeze3A_65 : f32 to vector<16xf32>
        %mul3A_103 = arith.mulf %mul3A_102, %get3A_101 : vector<16xf32>
        %add3A_104 = arith.addf %mul3A_97, %mul3A_103 : vector<16xf32>
        %get3A_105 = arith.index_cast %add3A_63 : i32 to index
        %get3A_106 = arith.constant 16 : index
        %get3A_107 = tpu.vector_load %arg13[%get3A_105, %get3A_106] {strides = array<i32>} : memref<128x128xf32, #tpu.memory_space<vmem>>, vector<1x16xf32>,
        %get3A_108 = vector.shape_cast %get3A_107 : vector<1x16xf32> to vector<16xf32>
        %mul3A_109 = vector.broadcast %squeeze3A_67 : f32 to vector<16xf32>
        %mul3A_110 = arith.mulf %mul3A_109, %get3A_108 : vector<16xf32>
        %add3A_111 = arith.addf %add3A_104, %mul3A_110 : vector<16xf32>
        %swap3A_112 = arith.index_cast %add3A_63 : i32 to index
        %swap3A_113 = arith.constant 16 : index
        %swap3A_114 = tpu.vector_load %arg15[%swap3A_112, %swap3A_113] {strides = array<i32>} : memref<128x128xf32, #tpu.memory_space<vmem>>, vector<1x16xf32>,
        %swap3A_115 = vector.shape_cast %swap3A_114 : vector<1x16xf32> to vector<16xf32>
        %swap3A_116 = vector.shape_cast %add3A_111 : vector<16xf32> to vector<1x16xf32>
        tpu.vector_store %arg15[%swap3A_112, %swap3A_113], %swap3A_116 {strides = array<i32>} : memref<128x128xf32, #tpu.memory_space<vmem>>, vector<1x16xf32>,
        %get3A_117 = arith.index_cast %add3A_63 : i32 to index
        %get3A_118 = arith.constant 32 : index
        %get3A_119 = tpu.vector_load %arg11[%get3A_117, %get3A_118] {strides = array<i32>} : memref<128x128xf32, #tpu.memory_space<vmem>>, vector<1x16xf32>,
        %get3A_120 = vector.shape_cast %get3A_119 : vector<1x16xf32> to vector<16xf32>
        %mul3A_121 = vector.broadcast %squeeze3A : f32 to vector<16xf32>
        %mul3A_122 = arith.mulf %mul3A_121, %get3A_120 : vector<16xf32>
        %get3A_123 = arith.index_cast %add3A_63 : i32 to index
        %get3A_124 = arith.constant 32 : index
        %get3A_125 = tpu.vector_load %arg12[%get3A_123, %get3A_124] {strides = array<i32>} : memref<128x128xf32, #tpu.memory_space<vmem>>, vector<1x16xf32>,
        %get3A_126 = vector.shape_cast %get3A_125 : vector<1x16xf32> to vector<16xf32>
        %mul3A_127 = vector.broadcast %squeeze3A_65 : f32 to vector<16xf32>
        %mul3A_128 = arith.mulf %mul3A_127, %get3A_126 : vector<16xf32>
        %add3A_129 = arith.addf %mul3A_122, %mul3A_128 : vector<16xf32>
        %get3A_130 = arith.index_cast %add3A_63 : i32 to index
        %get3A_131 = arith.constant 32 : index
        %get3A_132 = tpu.vector_load %arg13[%get3A_130, %get3A_131] {strides = array<i32>} : memref<128x128xf32, #tpu.memory_space<vmem>>, vector<1x16xf32>,
        %get3A_133 = vector.shape_cast %get3A_132 : vector<1x16xf32> to vector<16xf32>
        %mul3A_134 = vector.broadcast %squeeze3A_67 : f32 to vector<16xf32>
        %mul3A_135 = arith.mulf %mul3A_134, %get3A_133 : vector<16xf32>
        %add3A_136 = arith.addf %add3A_129, %mul3A_135 : vector<16xf32>
        %swap3A_137 = arith.index_cast %add3A_63 : i32 to index
        %swap3A_138 = arith.constant 32 : index
        %swap3A_139 = tpu.vector_load %arg15[%swap3A_137, %swap3A_138] {strides = array<i32>} : memref<128x128xf32, #tpu.memory_space<vmem>>, vector<1x16xf32>,
        %swap3A_140 = vector.shape_cast %swap3A_139 : vector<1x16xf32> to vector<16xf32>
        %swap3A_141 = vector.shape_cast %add3A_136 : vector<16xf32> to vector<1x16xf32>
        tpu.vector_store %arg15[%swap3A_137, %swap3A_138], %swap3A_141 {strides = array<i32>} : memref<128x128xf32, #tpu.memory_space<vmem>>, vector<1x16xf32>,
        %get3A_142 = arith.index_cast %add3A_63 : i32 to index
        %get3A_143 = arith.constant 48 : index
        %get3A_144 = tpu.vector_load %arg11[%get3A_142, %get3A_143] {strides = array<i32>} : memref<128x128xf32, #tpu.memory_space<vmem>>, vector<1x16xf32>,
        %get3A_145 = vector.shape_cast %get3A_144 : vector<1x16xf32> to vector<16xf32>
        %mul3A_146 = vector.broadcast %squeeze3A : f32 to vector<16xf32>
        %mul3A_147 = arith.mulf %mul3A_146, %get3A_145 : vector<16xf32>
        %get3A_148 = arith.index_cast %add3A_63 : i32 to index
        %get3A_149 = arith.constant 48 : index
        %get3A_150 = tpu.vector_load %arg12[%get3A_148, %get3A_149] {strides = array<i32>} : memref<128x128xf32, #tpu.memory_space<vmem>>, vector<1x16xf32>,
        %get3A_151 = vector.shape_cast %get3A_150 : vector<1x16xf32> to vector<16xf32>
        %mul3A_152 = vector.broadcast %squeeze3A_65 : f32 to vector<16xf32>
        %mul3A_153 = arith.mulf %mul3A_152, %get3A_151 : vector<16xf32>
        %add3A_154 = arith.addf %mul3A_147, %mul3A_153 : vector<16xf32>
        %get3A_155 = arith.index_cast %add3A_63 : i32 to index
        %get3A_156 = arith.constant 48 : index
        %get3A_157 = tpu.vector_load %arg13[%get3A_155, %get3A_156] {strides = array<i32>} : memref<128x128xf32, #tpu.memory_space<vmem>>, vector<1x16xf32>,
        %get3A_158 = vector.shape_cast %get3A_157 : vector<1x16xf32> to vector<16xf32>
        %mul3A_159 = vector.broadcast %squeeze3A_67 : f32 to vector<16xf32>
        %mul3A_160 = arith.mulf %mul3A_159, %get3A_158 : vector<16xf32>
        %add3A_161 = arith.addf %add3A_154, %mul3A_160 : vector<16xf32>
        %swap3A_162 = arith.index_cast %add3A_63 : i32 to index
        %swap3A_163 = arith.constant 48 : index
        %swap3A_164 = tpu.vector_load %arg15[%swap3A_162, %swap3A_163] {strides = array<i32>} : memref<128x128xf32, #tpu.memory_space<vmem>>, vector<1x16xf32>,
        %swap3A_165 = vector.shape_cast %swap3A_164 : vector<1x16xf32> to vector<16xf32>
        %swap3A_166 = vector.shape_cast %add3A_161 : vector<16xf32> to vector<1x16xf32>
        tpu.vector_store %arg15[%swap3A_162, %swap3A_163], %swap3A_166 {strides = array<i32>} : memref<128x128xf32, #tpu.memory_space<vmem>>, vector<1x16xf32>,
        %get3A_167 = arith.index_cast %add3A_63 : i32 to index
        %get3A_168 = arith.constant 64 : index
        %get3A_169 = tpu.vector_load %arg11[%get3A_167, %get3A_168] {strides = array<i32>} : memref<128x128xf32, #tpu.memory_space<vmem>>, vector<1x16xf32>,
        %get3A_170 = vector.shape_cast %get3A_169 : vector<1x16xf32> to vector<16xf32>
        %mul3A_171 = vector.broadcast %squeeze3A : f32 to vector<16xf32>
        %mul3A_172 = arith.mulf %mul3A_171, %get3A_170 : vector<16xf32>
        %get3A_173 = arith.index_cast %add3A_63 : i32 to index
        %get3A_174 = arith.constant 64 : index
        %get3A_175 = tpu.vector_load %arg12[%get3A_173, %get3A_174] {strides = array<i32>} : memref<128x128xf32, #tpu.memory_space<vmem>>, vector<1x16xf32>,
        %get3A_176 = vector.shape_cast %get3A_175 : vector<1x16xf32> to vector<16xf32>
        %mul3A_177 = vector.broadcast %squeeze3A_65 : f32 to vector<16xf32>
        %mul3A_178 = arith.mulf %mul3A_177, %get3A_176 : vector<16xf32>
        %add3A_179 = arith.addf %mul3A_172, %mul3A_178 : vector<16xf32>
        %get3A_180 = arith.index_cast %add3A_63 : i32 to index
        %get3A_181 = arith.constant 64 : index
        %get3A_182 = tpu.vector_load %arg13[%get3A_180, %get3A_181] {strides = array<i32>} : memref<128x128xf32, #tpu.memory_space<vmem>>, vector<1x16xf32>,
        %get3A_183 = vector.shape_cast %get3A_182 : vector<1x16xf32> to vector<16xf32>
        %mul3A_184 = vector.broadcast %squeeze3A_67 : f32 to vector<16xf32>
        %mul3A_185 = arith.mulf %mul3A_184, %get3A_183 : vector<16xf32>
        %add3A_186 = arith.addf %add3A_179, %mul3A_185 : vector<16xf32>
        %swap3A_187 = arith.index_cast %add3A_63 : i32 to index
        %swap3A_188 = arith.constant 64 : index
        %swap3A_189 = tpu.vector_load %arg15[%swap3A_187, %swap3A_188] {strides = array<i32>} : memref<128x128xf32, #tpu.memory_space<vmem>>, vector<1x16xf32>,
        %swap3A_190 = vector.shape_cast %swap3A_189 : vector<1x16xf32> to vector<16xf32>
        %swap3A_191 = vector.shape_cast %add3A_186 : vector<16xf32> to vector<1x16xf32>
        tpu.vector_store %arg15[%swap3A_187, %swap3A_188], %swap3A_191 {strides = array<i32>} : memref<128x128xf32, #tpu.memory_space<vmem>>, vector<1x16xf32>,
        %get3A_192 = arith.index_cast %add3A_63 : i32 to index
        %get3A_193 = arith.constant 80 : index
        %get3A_194 = tpu.vector_load %arg11[%get3A_192, %get3A_193] {strides = array<i32>} : memref<128x128xf32, #tpu.memory_space<vmem>>, vector<1x16xf32>,
        %get3A_195 = vector.shape_cast %get3A_194 : vector<1x16xf32> to vector<16xf32>
        %mul3A_196 = vector.broadcast %squeeze3A : f32 to vector<16xf32>
        %mul3A_197 = arith.mulf %mul3A_196, %get3A_195 : vector<16xf32>
        %get3A_198 = arith.index_cast %add3A_63 : i32 to index
        %get3A_199 = arith.constant 80 : index
        %get3A_200 = tpu.vector_load %arg12[%get3A_198, %get3A_199] {strides = array<i32>} : memref<128x128xf32, #tpu.memory_space<vmem>>, vector<1x16xf32>,
        %get3A_201 = vector.shape_cast %get3A_200 : vector<1x16xf32> to vector<16xf32>
        %mul3A_202 = vector.broadcast %squeeze3A_65 : f32 to vector<16xf32>
        %mul3A_203 = arith.mulf %mul3A_202, %get3A_201 : vector<16xf32>
        %add3A_204 = arith.addf %mul3A_197, %mul3A_203 : vector<16xf32>
        %get3A_205 = arith.index_cast %add3A_63 : i32 to index
        %get3A_206 = arith.constant 80 : index
        %get3A_207 = tpu.vector_load %arg13[%get3A_205, %get3A_206] {strides = array<i32>} : memref<128x128xf32, #tpu.memory_space<vmem>>, vector<1x16xf32>,
        %get3A_208 = vector.shape_cast %get3A_207 : vector<1x16xf32> to vector<16xf32>
        %mul3A_209 = vector.broadcast %squeeze3A_67 : f32 to vector<16xf32>
        %mul3A_210 = arith.mulf %mul3A_209, %get3A_208 : vector<16xf32>
        %add3A_211 = arith.addf %add3A_204, %mul3A_210 : vector<16xf32>
        %swap3A_212 = arith.index_cast %add3A_63 : i32 to index
        %swap3A_213 = arith.constant 80 : index
        %swap3A_214 = tpu.vector_load %arg15[%swap3A_212, %swap3A_213] {strides = array<i32>} : memref<128x128xf32, #tpu.memory_space<vmem>>, vector<1x16xf32>,
        %swap3A_215 = vector.shape_cast %swap3A_214 : vector<1x16xf32> to vector<16xf32>
        %swap3A_216 = vector.shape_cast %add3A_211 : vector<16xf32> to vector<1x16xf32>
        tpu.vector_store %arg15[%swap3A_212, %swap3A_213], %swap3A_216 {strides = array<i32>} : memref<128x128xf32, #tpu.memory_space<vmem>>, vector<1x16xf32>,
        %get3A_217 = arith.index_cast %add3A_63 : i32 to index
        %get3A_218 = arith.constant 96 : index
        %get3A_219 = tpu.vector_load %arg11[%get3A_217, %get3A_218] {strides = array<i32>} : memref<128x128xf32, #tpu.memory_space<vmem>>, vector<1x16xf32>,
        %get3A_220 = vector.shape_cast %get3A_219 : vector<1x16xf32> to vector<16xf32>
        %mul3A_221 = vector.broadcast %squeeze3A : f32 to vector<16xf32>
        %mul3A_222 = arith.mulf %mul3A_221, %get3A_220 : vector<16xf32>
        %get3A_223 = arith.index_cast %add3A_63 : i32 to index
        %get3A_224 = arith.constant 96 : index
        %get3A_225 = tpu.vector_load %arg12[%get3A_223, %get3A_224] {strides = array<i32>} : memref<128x128xf32, #tpu.memory_space<vmem>>, vector<1x16xf32>,
        %get3A_226 = vector.shape_cast %get3A_225 : vector<1x16xf32> to vector<16xf32>
        %mul3A_227 = vector.broadcast %squeeze3A_65 : f32 to vector<16xf32>
        %mul3A_228 = arith.mulf %mul3A_227, %get3A_226 : vector<16xf32>
        %add3A_229 = arith.addf %mul3A_222, %mul3A_228 : vector<16xf32>
        %get3A_230 = arith.index_cast %add3A_63 : i32 to index
        %get3A_231 = arith.constant 96 : index
        %get3A_232 = tpu.vector_load %arg13[%get3A_230, %get3A_231] {strides = array<i32>} : memref<128x128xf32, #tpu.memory_space<vmem>>, vector<1x16xf32>,
        %get3A_233 = vector.shape_cast %get3A_232 : vector<1x16xf32> to vector<16xf32>
        %mul3A_234 = vector.broadcast %squeeze3A_67 : f32 to vector<16xf32>
        %mul3A_235 = arith.mulf %mul3A_234, %get3A_233 : vector<16xf32>
        %add3A_236 = arith.addf %add3A_229, %mul3A_235 : vector<16xf32>
        %swap3A_237 = arith.index_cast %add3A_63 : i32 to index
        %swap3A_238 = arith.constant 96 : index
        %swap3A_239 = tpu.vector_load %arg15[%swap3A_237, %swap3A_238] {strides = array<i32>} : memref<128x128xf32, #tpu.memory_space<vmem>>, vector<1x16xf32>,
        %swap3A_240 = vector.shape_cast %swap3A_239 : vector<1x16xf32> to vector<16xf32>
        %swap3A_241 = vector.shape_cast %add3A_236 : vector<16xf32> to vector<1x16xf32>
        tpu.vector_store %arg15[%swap3A_237, %swap3A_238], %swap3A_241 {strides = array<i32>} : memref<128x128xf32, #tpu.memory_space<vmem>>, vector<1x16xf32>,
        %get3A_242 = arith.index_cast %add3A_63 : i32 to index
        %get3A_243 = arith.constant 112 : index
        %get3A_244 = tpu.vector_load %arg11[%get3A_242, %get3A_243] {strides = array<i32>} : memref<128x128xf32, #tpu.memory_space<vmem>>, vector<1x16xf32>,
        %get3A_245 = vector.shape_cast %get3A_244 : vector<1x16xf32> to vector<16xf32>
        %mul3A_246 = vector.broadcast %squeeze3A : f32 to vector<16xf32>
        %mul3A_247 = arith.mulf %mul3A_246, %get3A_245 : vector<16xf32>
        %get3A_248 = arith.index_cast %add3A_63 : i32 to index
        %get3A_249 = arith.constant 112 : index
        %get3A_250 = tpu.vector_load %arg12[%get3A_248, %get3A_249] {strides = array<i32>} : memref<128x128xf32, #tpu.memory_space<vmem>>, vector<1x16xf32>,
        %get3A_251 = vector.shape_cast %get3A_250 : vector<1x16xf32> to vector<16xf32>
        %mul3A_252 = vector.broadcast %squeeze3A_65 : f32 to vector<16xf32>
        %mul3A_253 = arith.mulf %mul3A_252, %get3A_251 : vector<16xf32>
        %add3A_254 = arith.addf %mul3A_247, %mul3A_253 : vector<16xf32>
        %get3A_255 = arith.index_cast %add3A_63 : i32 to index
        %get3A_256 = arith.constant 112 : index
        %get3A_257 = tpu.vector_load %arg13[%get3A_255, %get3A_256] {strides = array<i32>} : memref<128x128xf32, #tpu.memory_space<vmem>>, vector<1x16xf32>,
        %get3A_258 = vector.shape_cast %get3A_257 : vector<1x16xf32> to vector<16xf32>
        %mul3A_259 = vector.broadcast %squeeze3A_67 : f32 to vector<16xf32>
        %mul3A_260 = arith.mulf %mul3A_259, %get3A_258 : vector<16xf32>
        %add3A_261 = arith.addf %add3A_254, %mul3A_260 : vector<16xf32>
        %swap3A_262 = arith.index_cast %add3A_63 : i32 to index
        %swap3A_263 = arith.constant 112 : index
        %swap3A_264 = tpu.vector_load %arg15[%swap3A_262, %swap3A_263] {strides = array<i32>} : memref<128x128xf32, #tpu.memory_space<vmem>>, vector<1x16xf32>,
        %swap3A_265 = vector.shape_cast %swap3A_264 : vector<1x16xf32> to vector<16xf32>
        %swap3A_266 = vector.shape_cast %add3A_261 : vector<16xf32> to vector<1x16xf32>
        tpu.vector_store %arg15[%swap3A_262, %swap3A_263], %swap3A_266 {strides = array<i32>} : memref<128x128xf32, #tpu.memory_space<vmem>>, vector<1x16xf32>,
        %mul3A_267 = arith.constant 16 : i32
        %mul3A_268 = arith.muli %scan3A_38, %mul3A_267 : i32
        %add3A_269 = arith.constant 1 : i32
        %add3A_270 = arith.addi %mul3A_268, %add3A_269 : i32
        %slice3A_271 = vector.extract_strided_slice %get3A_45 {offsets = [1], sizes = [1], strides = [1]} : vector<16xf32> to vector<1xf32>
        %squeeze3A_272 = vector.extract %slice3A_271[0] : f32 from vector<1xf32>
        %slice3A_273 = vector.extract_strided_slice %get3A_52 {offsets = [1], sizes = [1], strides = [1]} : vector<16xf32> to vector<1xf32>
        %squeeze3A_274 = vector.extract %slice3A_273[0] : f32 from vector<1xf32>
        %slice3A_275 = vector.extract_strided_slice %get3A_59 {offsets = [1], sizes = [1], strides = [1]} : vector<16xf32> to vector<1xf32>
        %squeeze3A_276 = vector.extract %slice3A_275[0] : f32 from vector<1xf32>
        %get3A_277 = arith.index_cast %add3A_270 : i32 to index
        %get3A_278 = arith.constant 0 : index
        %get3A_279 = tpu.vector_load %arg11[%get3A_277, %get3A_278] {strides = array<i32>} : memref<128x128xf32, #tpu.memory_space<vmem>>, vector<1x16xf32>,
        %get3A_280 = vector.shape_cast %get3A_279 : vector<1x16xf32> to vector<16xf32>
        %mul3A_281 = vector.broadcast %squeeze3A_272 : f32 to vector<16xf32>
        %mul3A_282 = arith.mulf %mul3A_281, %get3A_280 : vector<16xf32>
        %get3A_283 = arith.index_cast %add3A_270 : i32 to index
        %get3A_284 = arith.constant 0 : index
        %get3A_285 = tpu.vector_load %arg12[%get3A_283, %get3A_284] {strides = array<i32>} : memref<128x128xf32, #tpu.memory_space<vmem>>, vector<1x16xf32>,
        %get3A_286 = vector.shape_cast %get3A_285 : vector<1x16xf32> to vector<16xf32>
        %mul3A_287 = vector.broadcast %squeeze3A_274 : f32 to vector<16xf32>
        %mul3A_288 = arith.mulf %mul3A_287, %get3A_286 : vector<16xf32>
        %add3A_289 = arith.addf %mul3A_282, %mul3A_288 : vector<16xf32>
        %get3A_290 = arith.index_cast %add3A_270 : i32 to index
        %get3A_291 = arith.constant 0 : index
        %get3A_292 = tpu.vector_load %arg13[%get3A_290, %get3A_291] {strides = array<i32>} : memref<128x128xf32, #tpu.memory_space<vmem>>, vector<1x16xf32>,
        %get3A_293 = vector.shape_cast %get3A_292 : vector<1x16xf32> to vector<16xf32>
        %mul3A_294 = vector.broadcast %squeeze3A_276 : f32 to vector<16xf32>
        %mul3A_295 = arith.mulf %mul3A_294, %get3A_293 : vector<16xf32>
        %add3A_296 = arith.addf %add3A_289, %mul3A_295 : vector<16xf32>
        %swap3A_297 = arith.index_cast %add3A_270 : i32 to index
        %swap3A_298 = arith.constant 0 : index
        %swap3A_299 = tpu.vector_load %arg15[%swap3A_297, %swap3A_298] {strides = array<i32>} : memref<128x128xf32, #tpu.memory_space<vmem>>, vector<1x16xf32>,
        %swap3A_300 = vector.shape_cast %swap3A_299 : vector<1x16xf32> to vector<16xf32>
        %swap3A_301 = vector.shape_cast %add3A_296 : vector<16xf32> to vector<1x16xf32>
        tpu.vector_store %arg15[%swap3A_297, %swap3A_298], %swap3A_301 {strides = array<i32>} : memref<128x128xf32, #tpu.memory_space<vmem>>, vector<1x16xf32>,
        %get3A_302 = arith.index_cast %add3A_270 : i32 to index
        %get3A_303 = arith.constant 16 : index
        %get3A_304 = tpu.vector_load %arg11[%get3A_302, %get3A_303] {strides = array<i32>} : memref<128x128xf32, #tpu.memory_space<vmem>>, vector<1x16xf32>,
        %get3A_305 = vector.shape_cast %get3A_304 : vector<1x16xf32> to vector<16xf32>
        %mul3A_306 = vector.broadcast %squeeze3A_272 : f32 to vector<16xf32>
        %mul3A_307 = arith.mulf %mul3A_306, %get3A_305 : vector<16xf32>
        %get3A_308 = arith.index_cast %add3A_270 : i32 to index
        %get3A_309 = arith.constant 16 : index
        %get3A_310 = tpu.vector_load %arg12[%get3A_308, %get3A_309] {strides = array<i32>} : memref<128x128xf32, #tpu.memory_space<vmem>>, vector<1x16xf32>,
        %get3A_311 = vector.shape_cast %get3A_310 : vector<1x16xf32> to vector<16xf32>
        %mul3A_312 = vector.broadcast %squeeze3A_274 : f32 to vector<16xf32>
        %mul3A_313 = arith.mulf %mul3A_312, %get3A_311 : vector<16xf32>
        %add3A_314 = arith.addf %mul3A_307, %mul3A_313 : vector<16xf32>
        %get3A_315 = arith.index_cast %add3A_270 : i32 to index
        %get3A_316 = arith.constant 16 : index
        %get3A_317 = tpu.vector_load %arg13[%get3A_315, %get3A_316] {strides = array<i32>} : memref<128x128xf32, #tpu.memory_space<vmem>>, vector<1x16xf32>,
        %get3A_318 = vector.shape_cast %get3A_317 : vector<1x16xf32> to vector<16xf32>
        %mul3A_319 = vector.broadcast %squeeze3A_276 : f32 to vector<16xf32>
        %mul3A_320 = arith.mulf %mul3A_319, %get3A_318 : vector<16xf32>
        %add3A_321 = arith.addf %add3A_314, %mul3A_320 : vector<16xf32>
        %swap3A_322 = arith.index_cast %add3A_270 : i32 to index
        %swap3A_323 = arith.constant 16 : index
        %swap3A_324 = tpu.vector_load %arg15[%swap3A_322, %swap3A_323] {strides = array<i32>} : memref<128x128xf32, #tpu.memory_space<vmem>>, vector<1x16xf32>,
        %swap3A_325 = vector.shape_cast %swap3A_324 : vector<1x16xf32> to vector<16xf32>
        %swap3A_326 = vector.shape_cast %add3A_321 : vector<16xf32> to vector<1x16xf32>
        tpu.vector_store %arg15[%swap3A_322, %swap3A_323], %swap3A_326 {strides = array<i32>} : memref<128x128xf32, #tpu.memory_space<vmem>>, vector<1x16xf32>,
        %get3A_327 = arith.index_cast %add3A_270 : i32 to index
        %get3A_328 = arith.constant 32 : index
        %get3A_329 = tpu.vector_load %arg11[%get3A_327, %get3A_328] {strides = array<i32>} : memref<128x128xf32, #tpu.memory_space<vmem>>, vector<1x16xf32>,
        %get3A_330 = vector.shape_cast %get3A_329 : vector<1x16xf32> to vector<16xf32>
        %mul3A_331 = vector.broadcast %squeeze3A_272 : f32 to vector<16xf32>
        %mul3A_332 = arith.mulf %mul3A_331, %get3A_330 : vector<16xf32>
        %get3A_333 = arith.index_cast %add3A_270 : i32 to index
        %get3A_334 = arith.constant 32 : index
        %get3A_335 = tpu.vector_load %arg12[%get3A_333, %get3A_334] {strides = array<i32>} : memref<128x128xf32, #tpu.memory_space<vmem>>, vector<1x16xf32>,
        %get3A_336 = vector.shape_cast %get3A_335 : vector<1x16xf32> to vector<16xf32>
        %mul3A_337 = vector.broadcast %squeeze3A_274 : f32 to vector<16xf32>
        %mul3A_338 = arith.mulf %mul3A_337, %get3A_336 : vector<16xf32>
        %add3A_339 = arith.addf %mul3A_332, %mul3A_338 : vector<16xf32>
        %get3A_340 = arith.index_cast %add3A_270 : i32 to index
        %get3A_341 = arith.constant 32 : index
        %get3A_342 = tpu.vector_load %arg13[%get3A_340, %get3A_341] {strides = array<i32>} : memref<128x128xf32, #tpu.memory_space<vmem>>, vector<1x16xf32>,
        %get3A_343 = vector.shape_cast %get3A_342 : vector<1x16xf32> to vector<16xf32>
        %mul3A_344 = vector.broadcast %squeeze3A_276 : f32 to vector<16xf32>
        %mul3A_345 = arith.mulf %mul3A_344, %get3A_343 : vector<16xf32>
        %add3A_346 = arith.addf %add3A_339, %mul3A_345 : vector<16xf32>
        %swap3A_347 = arith.index_cast %add3A_270 : i32 to index
        %swap3A_348 = arith.constant 32 : index
        %swap3A_349 = tpu.vector_load %arg15[%swap3A_347, %swap3A_348] {strides = array<i32>} : memref<128x128xf32, #tpu.memory_space<vmem>>, vector<1x16xf32>,
        %swap3A_350 = vector.shape_cast %swap3A_349 : vector<1x16xf32> to vector<16xf32>
        %swap3A_351 = vector.shape_cast %add3A_346 : vector<16xf32> to vector<1x16xf32>
        tpu.vector_store %arg15[%swap3A_347, %swap3A_348], %swap3A_351 {strides = array<i32>} : memref<128x128xf32, #tpu.memory_space<vmem>>, vector<1x16xf32>,
        %get3A_352 = arith.index_cast %add3A_270 : i32 to index
        %get3A_353 = arith.constant 48 : index
        %get3A_354 = tpu.vector_load %arg11[%get3A_352, %get3A_353] {strides = array<i32>} : memref<128x128xf32, #tpu.memory_space<vmem>>, vector<1x16xf32>,
        %get3A_355 = vector.shape_cast %get3A_354 : vector<1x16xf32> to vector<16xf32>
        %mul3A_356 = vector.broadcast %squeeze3A_272 : f32 to vector<16xf32>
        %mul3A_357 = arith.mulf %mul3A_356, %get3A_355 : vector<16xf32>
        %get3A_358 = arith.index_cast %add3A_270 : i32 to index
        %get3A_359 = arith.constant 48 : index
        %get3A_360 = tpu.vector_load %arg12[%get3A_358, %get3A_359] {strides = array<i32>} : memref<128x128xf32, #tpu.memory_space<vmem>>, vector<1x16xf32>,
        %get3A_361 = vector.shape_cast %get3A_360 : vector<1x16xf32> to vector<16xf32>
        %mul3A_362 = vector.broadcast %squeeze3A_274 : f32 to vector<16xf32>
        %mul3A_363 = arith.mulf %mul3A_362, %get3A_361 : vector<16xf32>
        %add3A_364 = arith.addf %mul3A_357, %mul3A_363 : vector<16xf32>
        %get3A_365 = arith.index_cast %add3A_270 : i32 to index
        %get3A_366 = arith.constant 48 : index
        %get3A_367 = tpu.vector_load %arg13[%get3A_365, %get3A_366] {strides = array<i32>} : memref<128x128xf32, #tpu.memory_space<vmem>>, vector<1x16xf32>,
        %get3A_368 = vector.shape_cast %get3A_367 : vector<1x16xf32> to vector<16xf32>
        %mul3A_369 = vector.broadcast %squeeze3A_276 : f32 to vector<16xf32>
        %mul3A_370 = arith.mulf %mul3A_369, %get3A_368 : vector<16xf32>
        %add3A_371 = arith.addf %add3A_364, %mul3A_370 : vector<16xf32>
        %swap3A_372 = arith.index_cast %add3A_270 : i32 to index
        %swap3A_373 = arith.constant 48 : index
        %swap3A_374 = tpu.vector_load %arg15[%swap3A_372, %swap3A_373] {strides = array<i32>} : memref<128x128xf32, #tpu.memory_space<vmem>>, vector<1x16xf32>,
        %swap3A_375 = vector.shape_cast %swap3A_374 : vector<1x16xf32> to vector<16xf32>
        %swap3A_376 = vector.shape_cast %add3A_371 : vector<16xf32> to vector<1x16xf32>
        tpu.vector_store %arg15[%swap3A_372, %swap3A_373], %swap3A_376 {strides = array<i32>} : memref<128x128xf32, #tpu.memory_space<vmem>>, vector<1x16xf32>,
        %get3A_377 = arith.index_cast %add3A_270 : i32 to index
        %get3A_378 = arith.constant 64 : index
        %get3A_379 = tpu.vector_load %arg11[%get3A_377, %get3A_378] {strides = array<i32>} : memref<128x128xf32, #tpu.memory_space<vmem>>, vector<1x16xf32>,
        %get3A_380 = vector.shape_cast %get3A_379 : vector<1x16xf32> to vector<16xf32>
        %mul3A_381 = vector.broadcast %squeeze3A_272 : f32 to vector<16xf32>
        %mul3A_382 = arith.mulf %mul3A_381, %get3A_380 : vector<16xf32>
        %get3A_383 = arith.index_cast %add3A_270 : i32 to index
        %get3A_384 = arith.constant 64 : index
        %get3A_385 = tpu.vector_load %arg12[%get3A_383, %get3A_384] {strides = array<i32>} : memref<128x128xf32, #tpu.memory_space<vmem>>, vector<1x16xf32>,
        %get3A_386 = vector.shape_cast %get3A_385 : vector<1x16xf32> to vector<16xf32>
        %mul3A_387 = vector.broadcast %squeeze3A_274 : f32 to vector<16xf32>
        %mul3A_388 = arith.mulf %mul3A_387, %get3A_386 : vector<16xf32>
        %add3A_389 = arith.addf %mul3A_382, %mul3A_388 : vector<16xf32>
        %get3A_390 = arith.index_cast %add3A_270 : i32 to index
        %get3A_391 = arith.constant 64 : index
        %get3A_392 = tpu.vector_load %arg13[%get3A_390, %get3A_391] {strides = array<i32>} : memref<128x128xf32, #tpu.memory_space<vmem>>, vector<1x16xf32>,
        %get3A_393 = vector.shape_cast %get3A_392 : vector<1x16xf32> to vector<16xf32>
        %mul3A_394 = vector.broadcast %squeeze3A_276 : f32 to vector<16xf32>
        %mul3A_395 = arith.mulf %mul3A_394, %get3A_393 : vector<16xf32>
        %add3A_396 = arith.addf %add3A_389, %mul3A_395 : vector<16xf32>
        %swap3A_397 = arith.index_cast %add3A_270 : i32 to index
        %swap3A_398 = arith.constant 64 : index
        %swap3A_399 = tpu.vector_load %arg15[%swap3A_397, %swap3A_398] {strides = array<i32>} : memref<128x128xf32, #tpu.memory_space<vmem>>, vector<1x16xf32>,
        %swap3A_400 = vector.shape_cast %swap3A_399 : vector<1x16xf32> to vector<16xf32>
        %swap3A_401 = vector.shape_cast %add3A_396 : vector<16xf32> to vector<1x16xf32>
        tpu.vector_store %arg15[%swap3A_397, %swap3A_398], %swap3A_401 {strides = array<i32>} : memref<128x128xf32, #tpu.memory_space<vmem>>, vector<1x16xf32>,
        %get3A_402 = arith.index_cast %add3A_270 : i32 to index
        %get3A_403 = arith.constant 80 : index
        %get3A_404 = tpu.vector_load %arg11[%get3A_402, %get3A_403] {strides = array<i32>} : memref<128x128xf32, #tpu.memory_space<vmem>>, vector<1x16xf32>,
        %get3A_405 = vector.shape_cast %get3A_404 : vector<1x16xf32> to vector<16xf32>
        %mul3A_406 = vector.broadcast %squeeze3A_272 : f32 to vector<16xf32>
        %mul3A_407 = arith.mulf %mul3A_406, %get3A_405 : vector<16xf32>
        %get3A_408 = arith.index_cast %add3A_270 : i32 to index
        %get3A_409 = arith.constant 80 : index
        %get3A_410 = tpu.vector_load %arg12[%get3A_408, %get3A_409] {strides = array<i32>} : memref<128x128xf32, #tpu.memory_space<vmem>>, vector<1x16xf32>,
        %get3A_411 = vector.shape_cast %get3A_410 : vector<1x16xf32> to vector<16xf32>
        %mul3A_412 = vector.broadcast %squeeze3A_274 : f32 to vector<16xf32>
        %mul3A_413 = arith.mulf %mul3A_412, %get3A_411 : vector<16xf32>
        %add3A_414 = arith.addf %mul3A_407, %mul3A_413 : vector<16xf32>
        %get3A_415 = arith.index_cast %add3A_270 : i32 to index
        %get3A_416 = arith.constant 80 : index
        %get3A_417 = tpu.vector_load %arg13[%get3A_415, %get3A_416] {strides = array<i32>} : memref<128x128xf32, #tpu.memory_space<vmem>>, vector<1x16xf32>,
        %get3A_418 = vector.shape_cast %get3A_417 : vector<1x16xf32> to vector<16xf32>
        %mul3A_419 = vector.broadcast %squeeze3A_276 : f32 to vector<16xf32>
        %mul3A_420 = arith.mulf %mul3A_419, %get3A_418 : vector<16xf32>
        %add3A_421 = arith.addf %add3A_414, %mul3A_420 : vector<16xf32>
        %swap3A_422 = arith.index_cast %add3A_270 : i32 to index
        %swap3A_423 = arith.constant 80 : index
        %swap3A_424 = tpu.vector_load %arg15[%swap3A_422, %swap3A_423] {strides = array<i32>} : memref<128x128xf32, #tpu.memory_space<vmem>>, vector<1x16xf32>,
        %swap3A_425 = vector.shape_cast %swap3A_424 : vector<1x16xf32> to vector<16xf32>
        %swap3A_426 = vector.shape_cast %add3A_421 : vector<16xf32> to vector<1x16xf32>
        tpu.vector_store %arg15[%swap3A_422, %swap3A_423], %swap3A_426 {strides = array<i32>} : memref<128x128xf32, #tpu.memory_space<vmem>>, vector<1x16xf32>,
        %get3A_427 = arith.index_cast %add3A_270 : i32 to index
        %get3A_428 = arith.constant 96 : index
        %get3A_429 = tpu.vector_load %arg11[%get3A_427, %get3A_428] {strides = array<i32>} : memref<128x128xf32, #tpu.memory_space<vmem>>, vector<1x16xf32>,
        %get3A_430 = vector.shape_cast %get3A_429 : vector<1x16xf32> to vector<16xf32>
        %mul3A_431 = vector.broadcast %squeeze3A_272 : f32 to vector<16xf32>
        %mul3A_432 = arith.mulf %mul3A_431, %get3A_430 : vector<16xf32>
        %get3A_433 = arith.index_cast %add3A_270 : i32 to index
        %get3A_434 = arith.constant 96 : index
        %get3A_435 = tpu.vector_load %arg12[%get3A_433, %get3A_434] {strides = array<i32>} : memref<128x128xf32, #tpu.memory_space<vmem>>, vector<1x16xf32>,
        %get3A_436 = vector.shape_cast %get3A_435 : vector<1x16xf32> to vector<16xf32>
        %mul3A_437 = vector.broadcast %squeeze3A_274 : f32 to vector<16xf32>
        %mul3A_438 = arith.mulf %mul3A_437, %get3A_436 : vector<16xf32>
        %add3A_439 = arith.addf %mul3A_432, %mul3A_438 : vector<16xf32>
        %get3A_440 = arith.index_cast %add3A_270 : i32 to index
        %get3A_441 = arith.constant 96 : index
        %get3A_442 = tpu.vector_load %arg13[%get3A_440, %get3A_441] {strides = array<i32>} : memref<128x128xf32, #tpu.memory_space<vmem>>, vector<1x16xf32>,
        %get3A_443 = vector.shape_cast %get3A_442 : vector<1x16xf32> to vector<16xf32>
        %mul3A_444 = vector.broadcast %squeeze3A_276 : f32 to vector<16xf32>
        %mul3A_445 = arith.mulf %mul3A_444, %get3A_443 : vector<16xf32>
        %add3A_446 = arith.addf %add3A_439, %mul3A_445 : vector<16xf32>
        %swap3A_447 = arith.index_cast %add3A_270 : i32 to index
        %swap3A_448 = arith.constant 96 : index
        %swap3A_449 = tpu.vector_load %arg15[%swap3A_447, %swap3A_448] {strides = array<i32>} : memref<128x128xf32, #tpu.memory_space<vmem>>, vector<1x16xf32>,
        %swap3A_450 = vector.shape_cast %swap3A_449 : vector<1x16xf32> to vector<16xf32>
        %swap3A_451 = vector.shape_cast %add3A_446 : vector<16xf32> to vector<1x16xf32>
        tpu.vector_store %arg15[%swap3A_447, %swap3A_448], %swap3A_451 {strides = array<i32>} : memref<128x128xf32, #tpu.memory_space<vmem>>, vector<1x16xf32>,
        %get3A_452 = arith.index_cast %add3A_270 : i32 to index
        %get3A_453 = arith.constant 112 : index
        %get3A_454 = tpu.vector_load %arg11[%get3A_452, %get3A_453] {strides = array<i32>} : memref<128x128xf32, #tpu.memory_space<vmem>>, vector<1x16xf32>,
        %get3A_455 = vector.shape_cast %get3A_454 : vector<1x16xf32> to vector<16xf32>
        %mul3A_456 = vector.broadcast %squeeze3A_272 : f32 to vector<16xf32>
        %mul3A_457 = arith.mulf %mul3A_456, %get3A_455 : vector<16xf32>
        %get3A_458 = arith.index_cast %add3A_270 : i32 to index
        %get3A_459 = arith.constant 112 : index
        %get3A_460 = tpu.vector_load %arg12[%get3A_458, %get3A_459] {strides = array<i32>} : memref<128x128xf32, #tpu.memory_space<vmem>>, vector<1x16xf32>,
        %get3A_461 = vector.shape_cast %get3A_460 : vector<1x16xf32> to vector<16xf32>
        %mul3A_462 = vector.broadcast %squeeze3A_274 : f32 to vector<16xf32>
        %mul3A_463 = arith.mulf %mul3A_462, %get3A_461 : vector<16xf32>
        %add3A_464 = arith.addf %mul3A_457, %mul3A_463 : vector<16xf32>
        %get3A_465 = arith.index_cast %add3A_270 : i32 to index
        %get3A_466 = arith.constant 112 : index
        %get3A_467 = tpu.vector_load %arg13[%get3A_465, %get3A_466] {strides = array<i32>} : memref<128x128xf32, #tpu.memory_space<vmem>>, vector<1x16xf32>,
        %get3A_468 = vector.shape_cast %get3A_467 : vector<1x16xf32> to vector<16xf32>
        %mul3A_469 = vector.broadcast %squeeze3A_276 : f32 to vector<16xf32>
        %mul3A_470 = arith.mulf %mul3A_469, %get3A_468 : vector<16xf32>
        %add3A_471 = arith.addf %add3A_464, %mul3A_470 : vector<16xf32>
        %swap3A_472 = arith.index_cast %add3A_270 : i32 to index
        %swap3A_473 = arith.constant 112 : index
        %swap3A_474 = tpu.vector_load %arg15[%swap3A_472, %swap3A_473] {strides = array<i32>} : memref<128x128xf32, #tpu.memory_space<vmem>>, vector<1x16xf32>,
        %swap3A_475 = vector.shape_cast %swap3A_474 : vector<1x16xf32> to vector<16xf32>
        %swap3A_476 = vector.shape_cast %add3A_471 : vector<16xf32> to vector<1x16xf32>
        tpu.vector_store %arg15[%swap3A_472, %swap3A_473], %swap3A_476 {strides = array<i32>} : memref<128x128xf32, #tpu.memory_space<vmem>>, vector<1x16xf32>,
        %mul3A_477 = arith.constant 16 : i32
        %mul3A_478 = arith.muli %scan3A_38, %mul3A_477 : i32
        %add3A_479 = arith.constant 2 : i32
        %add3A_480 = arith.addi %mul3A_478, %add3A_479 : i32
        %slice3A_481 = vector.extract_strided_slice %get3A_45 {offsets = [2], sizes = [1], strides = [1]} : vector<16xf32> to vector<1xf32>
        %squeeze3A_482 = vector.extract %slice3A_481[0] : f32 from vector<1xf32>
        %slice3A_483 = vector.extract_strided_slice %get3A_52 {offsets = [2], sizes = [1], strides = [1]} : vector<16xf32> to vector<1xf32>
        %squeeze3A_484 = vector.extract %slice3A_483[0] : f32 from vector<1xf32>
        %slice3A_485 = vector.extract_strided_slice %get3A_59 {offsets = [2], sizes = [1], strides = [1]} : vector<16xf32> to vector<1xf32>
        %squeeze3A_486 = vector.extract %slice3A_485[0] : f32 from vector<1xf32>
        %get3A_487 = arith.index_cast %add3A_480 : i32 to index
        %get3A_488 = arith.constant 0 : index
        %get3A_489 = tpu.vector_load %arg11[%get3A_487, %get3A_488] {strides = array<i32>} : memref<128x128xf32, #tpu.memory_space<vmem>>, vector<1x16xf32>,
        %get3A_490 = vector.shape_cast %get3A_489 : vector<1x16xf32> to vector<16xf32>
        %mul3A_491 = vector.broadcast %squeeze3A_482 : f32 to vector<16xf32>
        %mul3A_492 = arith.mulf %mul3A_491, %get3A_490 : vector<16xf32>
        %get3A_493 = arith.index_cast %add3A_480 : i32 to index
        %get3A_494 = arith.constant 0 : index
        %get3A_495 = tpu.vector_load %arg12[%get3A_493, %get3A_494] {strides = array<i32>} : memref<128x128xf32, #tpu.memory_space<vmem>>, vector<1x16xf32>,
        %get3A_496 = vector.shape_cast %get3A_495 : vector<1x16xf32> to vector<16xf32>
        %mul3A_497 = vector.broadcast %squeeze3A_484 : f32 to vector<16xf32>
        %mul3A_498 = arith.mulf %mul3A_497, %get3A_496 : vector<16xf32>
        %add3A_499 = arith.addf %mul3A_492, %mul3A_498 : vector<16xf32>
        %get3A_500 = arith.index_cast %add3A_480 : i32 to index
        %get3A_501 = arith.constant 0 : index
        %get3A_502 = tpu.vector_load %arg13[%get3A_500, %get3A_501] {strides = array<i32>} : memref<128x128xf32, #tpu.memory_space<vmem>>, vector<1x16xf32>,
        %get3A_503 = vector.shape_cast %get3A_502 : vector<1x16xf32> to vector<16xf32>
        %mul3A_504 = vector.broadcast %squeeze3A_486 : f32 to vector<16xf32>
        %mul3A_505 = arith.mulf %mul3A_504, %get3A_503 : vector<16xf32>
        %add3A_506 = arith.addf %add3A_499, %mul3A_505 : vector<16xf32>
        %swap3A_507 = arith.index_cast %add3A_480 : i32 to index
        %swap3A_508 = arith.constant 0 : index
        %swap3A_509 = tpu.vector_load %arg15[%swap3A_507, %swap3A_508] {strides = array<i32>} : memref<128x128xf32, #tpu.memory_space<vmem>>, vector<1x16xf32>,
        %swap3A_510 = vector.shape_cast %swap3A_509 : vector<1x16xf32> to vector<16xf32>
        %swap3A_511 = vector.shape_cast %add3A_506 : vector<16xf32> to vector<1x16xf32>
        tpu.vector_store %arg15[%swap3A_507, %swap3A_508], %swap3A_511 {strides = array<i32>} : memref<128x128xf32, #tpu.memory_space<vmem>>, vector<1x16xf32>,
        %get3A_512 = arith.index_cast %add3A_480 : i32 to index
        %get3A_513 = arith.constant 16 : index
        %get3A_514 = tpu.vector_load %arg11[%get3A_512, %get3A_513] {strides = array<i32>} : memref<128x128xf32, #tpu.memory_space<vmem>>, vector<1x16xf32>,
        %get3A_515 = vector.shape_cast %get3A_514 : vector<1x16xf32> to vector<16xf32>
        %mul3A_516 = vector.broadcast %squeeze3A_482 : f32 to vector<16xf32>
        %mul3A_517 = arith.mulf %mul3A_516, %get3A_515 : vector<16xf32>
        %get3A_518 = arith.index_cast %add3A_480 : i32 to index
        %get3A_519 = arith.constant 16 : index
        %get3A_520 = tpu.vector_load %arg12[%get3A_518, %get3A_519] {strides = array<i32>} : memref<128x128xf32, #tpu.memory_space<vmem>>, vector<1x16xf32>,
        %get3A_521 = vector.shape_cast %get3A_520 : vector<1x16xf32> to vector<16xf32>
        %mul3A_522 = vector.broadcast %squeeze3A_484 : f32 to vector<16xf32>
        %mul3A_523 = arith.mulf %mul3A_522, %get3A_521 : vector<16xf32>
        %add3A_524 = arith.addf %mul3A_517, %mul3A_523 : vector<16xf32>
        %get3A_525 = arith.index_cast %add3A_480 : i32 to index
        %get3A_526 = arith.constant 16 : index
        %get3A_527 = tpu.vector_load %arg13[%get3A_525, %get3A_526] {strides = array<i32>} : memref<128x128xf32, #tpu.memory_space<vmem>>, vector<1x16xf32>,
        %get3A_528 = vector.shape_cast %get3A_527 : vector<1x16xf32> to vector<16xf32>
        %mul3A_529 = vector.broadcast %squeeze3A_486 : f32 to vector<16xf32>
        %mul3A_530 = arith.mulf %mul3A_529, %get3A_528 : vector<16xf32>
        %add3A_531 = arith.addf %add3A_524, %mul3A_530 : vector<16xf32>
        %swap3A_532 = arith.index_cast %add3A_480 : i32 to index
        %swap3A_533 = arith.constant 16 : index
        %swap3A_534 = tpu.vector_load %arg15[%swap3A_532, %swap3A_533] {strides = array<i32>} : memref<128x128xf32, #tpu.memory_space<vmem>>, vector<1x16xf32>,
        %swap3A_535 = vector.shape_cast %swap3A_534 : vector<1x16xf32> to vector<16xf32>
        %swap3A_536 = vector.shape_cast %add3A_531 : vector<16xf32> to vector<1x16xf32>
        tpu.vector_store %arg15[%swap3A_532, %swap3A_533], %swap3A_536 {strides = array<i32>} : memref<128x128xf32, #tpu.memory_space<vmem>>, vector<1x16xf32>,
        %get3A_537 = arith.index_cast %add3A_480 : i32 to index
        %get3A_538 = arith.constant 32 : index
        %get3A_539 = tpu.vector_load %arg11[%get3A_537, %get3A_538] {strides = array<i32>} : memref<128x128xf32, #tpu.memory_space<vmem>>, vector<1x16xf32>,
        %get3A_540 = vector.shape_cast %get3A_539 : vector<1x16xf32> to vector<16xf32>
        %mul3A_541 = vector.broadcast %squeeze3A_482 : f32 to vector<16xf32>
        %mul3A_542 = arith.mulf %mul3A_541, %get3A_540 : vector<16xf32>
        %get3A_543 = arith.index_cast %add3A_480 : i32 to index
        %get3A_544 = arith.constant 32 : index
        %get3A_545 = tpu.vector_load %arg12[%get3A_543, %get3A_544] {strides = array<i32>} : memref<128x128xf32, #tpu.memory_space<vmem>>, vector<1x16xf32>,
        %get3A_546 = vector.shape_cast %get3A_545 : vector<1x16xf32> to vector<16xf32>
        %mul3A_547 = vector.broadcast %squeeze3A_484 : f32 to vector<16xf32>
        %mul3A_548 = arith.mulf %mul3A_547, %get3A_546 : vector<16xf32>
        %add3A_549 = arith.addf %mul3A_542, %mul3A_548 : vector<16xf32>
        %get3A_550 = arith.index_cast %add3A_480 : i32 to index
        %get3A_551 = arith.constant 32 : index
        %get3A_552 = tpu.vector_load %arg13[%get3A_550, %get3A_551] {strides = array<i32>} : memref<128x128xf32, #tpu.memory_space<vmem>>, vector<1x16xf32>,
        %get3A_553 = vector.shape_cast %get3A_552 : vector<1x16xf32> to vector<16xf32>
        %mul3A_554 = vector.broadcast %squeeze3A_486 : f32 to vector<16xf32>
        %mul3A_555 = arith.mulf %mul3A_554, %get3A_553 : vector<16xf32>
        %add3A_556 = arith.addf %add3A_549, %mul3A_555 : vector<16xf32>
        %swap3A_557 = arith.index_cast %add3A_480 : i32 to index
        %swap3A_558 = arith.constant 32 : index
        %swap3A_559 = tpu.vector_load %arg15[%swap3A_557, %swap3A_558] {strides = array<i32>} : memref<128x128xf32, #tpu.memory_space<vmem>>, vector<1x16xf32>,
        %swap3A_560 = vector.shape_cast %swap3A_559 : vector<1x16xf32> to vector<16xf32>
        %swap3A_561 = vector.shape_cast %add3A_556 : vector<16xf32> to vector<1x16xf32>
        tpu.vector_store %arg15[%swap3A_557, %swap3A_558], %swap3A_561 {strides = array<i32>} : memref<128x128xf32, #tpu.memory_space<vmem>>, vector<1x16xf32>,
        %get3A_562 = arith.index_cast %add3A_480 : i32 to index
        %get3A_563 = arith.constant 48 : index
        %get3A_564 = tpu.vector_load %arg11[%get3A_562, %get3A_563] {strides = array<i32>} : memref<128x128xf32, #tpu.memory_space<vmem>>, vector<1x16xf32>,
        %get3A_565 = vector.shape_cast %get3A_564 : vector<1x16xf32> to vector<16xf32>
        %mul3A_566 = vector.broadcast %squeeze3A_482 : f32 to vector<16xf32>
        %mul3A_567 = arith.mulf %mul3A_566, %get3A_565 : vector<16xf32>
        %get3A_568 = arith.index_cast %add3A_480 : i32 to index
        %get3A_569 = arith.constant 48 : index
        %get3A_570 = tpu.vector_load %arg12[%get3A_568, %get3A_569] {strides = array<i32>} : memref<128x128xf32, #tpu.memory_space<vmem>>, vector<1x16xf32>,
        %get3A_571 = vector.shape_cast %get3A_570 : vector<1x16xf32> to vector<16xf32>
        %mul3A_572 = vector.broadcast %squeeze3A_484 : f32 to vector<16xf32>
        %mul3A_573 = arith.mulf %mul3A_572, %get3A_571 : vector<16xf32>
        %add3A_574 = arith.addf %mul3A_567, %mul3A_573 : vector<16xf32>
        %get3A_575 = arith.index_cast %add3A_480 : i32 to index
        %get3A_576 = arith.constant 48 : index
        %get3A_577 = tpu.vector_load %arg13[%get3A_575, %get3A_576] {strides = array<i32>} : memref<128x128xf32, #tpu.memory_space<vmem>>, vector<1x16xf32>,
        %get3A_578 = vector.shape_cast %get3A_577 : vector<1x16xf32> to vector<16xf32>
        %mul3A_579 = vector.broadcast %squeeze3A_486 : f32 to vector<16xf32>
        %mul3A_580 = arith.mulf %mul3A_579, %get3A_578 : vector<16xf32>
        %add3A_581 = arith.addf %add3A_574, %mul3A_580 : vector<16xf32>
        %swap3A_582 = arith.index_cast %add3A_480 : i32 to index
        %swap3A_583 = arith.constant 48 : index
        %swap3A_584 = tpu.vector_load %arg15[%swap3A_582, %swap3A_583] {strides = array<i32>} : memref<128x128xf32, #tpu.memory_space<vmem>>, vector<1x16xf32>,
        %swap3A_585 = vector.shape_cast %swap3A_584 : vector<1x16xf32> to vector<16xf32>
        %swap3A_586 = vector.shape_cast %add3A_581 : vector<16xf32> to vector<1x16xf32>
        tpu.vector_store %arg15[%swap3A_582, %swap3A_583], %swap3A_586 {strides = array<i32>} : memref<128x128xf32, #tpu.memory_space<vmem>>, vector<1x16xf32>,
        %get3A_587 = arith.index_cast %add3A_480 : i32 to index
        %get3A_588 = arith.constant 64 : index
        %get3A_589 = tpu.vector_load %arg11[%get3A_587, %get3A_588] {strides = array<i32>} : memref<128x128xf32, #tpu.memory_space<vmem>>, vector<1x16xf32>,
        %get3A_590 = vector.shape_cast %get3A_589 : vector<1x16xf32> to vector<16xf32>
        %mul3A_591 = vector.broadcast %squeeze3A_482 : f32 to vector<16xf32>
        %mul3A_592 = arith.mulf %mul3A_591, %get3A_590 : vector<16xf32>
        %get3A_593 = arith.index_cast %add3A_480 : i32 to index
        %get3A_594 = arith.constant 64 : index
        %get3A_595 = tpu.vector_load %arg12[%get3A_593, %get3A_594] {strides = array<i32>} : memref<128x128xf32, #tpu.memory_space<vmem>>, vector<1x16xf32>,
        %get3A_596 = vector.shape_cast %get3A_595 : vector<1x16xf32> to vector<16xf32>
        %mul3A_597 = vector.broadcast %squeeze3A_484 : f32 to vector<16xf32>
        %mul3A_598 = arith.mulf %mul3A_597, %get3A_596 : vector<16xf32>
        %add3A_599 = arith.addf %mul3A_592, %mul3A_598 : vector<16xf32>
        %get3A_600 = arith.index_cast %add3A_480 : i32 to index
        %get3A_601 = arith.constant 64 : index
        %get3A_602 = tpu.vector_load %arg13[%get3A_600, %get3A_601] {strides = array<i32>} : memref<128x128xf32, #tpu.memory_space<vmem>>, vector<1x16xf32>,
        %get3A_603 = vector.shape_cast %get3A_602 : vector<1x16xf32> to vector<16xf32>
        %mul3A_604 = vector.broadcast %squeeze3A_486 : f32 to vector<16xf32>
        %mul3A_605 = arith.mulf %mul3A_604, %get3A_603 : vector<16xf32>
        %add3A_606 = arith.addf %add3A_599, %mul3A_605 : vector<16xf32>
        %swap3A_607 = arith.index_cast %add3A_480 : i32 to index
        %swap3A_608 = arith.constant 64 : index
        %swap3A_609 = tpu.vector_load %arg15[%swap3A_607, %swap3A_608] {strides = array<i32>} : memref<128x128xf32, #tpu.memory_space<vmem>>, vector<1x16xf32>,
        %swap3A_610 = vector.shape_cast %swap3A_609 : vector<1x16xf32> to vector<16xf32>
        %swap3A_611 = vector.shape_cast %add3A_606 : vector<16xf32> to vector<1x16xf32>
        tpu.vector_store %arg15[%swap3A_607, %swap3A_608], %swap3A_611 {strides = array<i32>} : memref<128x128xf32, #tpu.memory_space<vmem>>, vector<1x16xf32>,
        %get3A_612 = arith.index_cast %add3A_480 : i32 to index
        %get3A_613 = arith.constant 80 : index
        %get3A_614 = tpu.vector_load %arg11[%get3A_612, %get3A_613] {strides = array<i32>} : memref<128x128xf32, #tpu.memory_space<vmem>>, vector<1x16xf32>,
        %get3A_615 = vector.shape_cast %get3A_614 : vector<1x16xf32> to vector<16xf32>
        %mul3A_616 = vector.broadcast %squeeze3A_482 : f32 to vector<16xf32>
        %mul3A_617 = arith.mulf %mul3A_616, %get3A_615 : vector<16xf32>
        %get3A_618 = arith.index_cast %add3A_480 : i32 to index
        %get3A_619 = arith.constant 80 : index
        %get3A_620 = tpu.vector_load %arg12[%get3A_618, %get3A_619] {strides = array<i32>} : memref<128x128xf32, #tpu.memory_space<vmem>>, vector<1x16xf32>,
        %get3A_621 = vector.shape_cast %get3A_620 : vector<1x16xf32> to vector<16xf32>
        %mul3A_622 = vector.broadcast %squeeze3A_484 : f32 to vector<16xf32>
        %mul3A_623 = arith.mulf %mul3A_622, %get3A_621 : vector<16xf32>
        %add3A_624 = arith.addf %mul3A_617, %mul3A_623 : vector<16xf32>
        %get3A_625 = arith.index_cast %add3A_480 : i32 to index
        %get3A_626 = arith.constant 80 : index
        %get3A_627 = tpu.vector_load %arg13[%get3A_625, %get3A_626] {strides = array<i32>} : memref<128x128xf32, #tpu.memory_space<vmem>>, vector<1x16xf32>,
        %get3A_628 = vector.shape_cast %get3A_627 : vector<1x16xf32> to vector<16xf32>
        %mul3A_629 = vector.broadcast %squeeze3A_486 : f32 to vector<16xf32>
        %mul3A_630 = arith.mulf %mul3A_629, %get3A_628 : vector<16xf32>
        %add3A_631 = arith.addf %add3A_624, %mul3A_630 : vector<16xf32>
        %swap3A_632 = arith.index_cast %add3A_480 : i32 to index
        %swap3A_633 = arith.constant 80 : index
        %swap3A_634 = tpu.vector_load %arg15[%swap3A_632, %swap3A_633] {strides = array<i32>} : memref<128x128xf32, #tpu.memory_space<vmem>>, vector<1x16xf32>,
        %swap3A_635 = vector.shape_cast %swap3A_634 : vector<1x16xf32> to vector<16xf32>
        %swap3A_636 = vector.shape_cast %add3A_631 : vector<16xf32> to vector<1x16xf32>
        tpu.vector_store %arg15[%swap3A_632, %swap3A_633], %swap3A_636 {strides = array<i32>} : memref<128x128xf32, #tpu.memory_space<vmem>>, vector<1x16xf32>,
        %get3A_637 = arith.index_cast %add3A_480 : i32 to index
        %get3A_638 = arith.constant 96 : index
        %get3A_639 = tpu.vector_load %arg11[%get3A_637, %get3A_638] {strides = array<i32>} : memref<128x128xf32, #tpu.memory_space<vmem>>, vector<1x16xf32>,
        %get3A_640 = vector.shape_cast %get3A_639 : vector<1x16xf32> to vector<16xf32>
        %mul3A_641 = vector.broadcast %squeeze3A_482 : f32 to vector<16xf32>
        %mul3A_642 = arith.mulf %mul3A_641, %get3A_640 : vector<16xf32>
        %get3A_643 = arith.index_cast %add3A_480 : i32 to index
        %get3A_644 = arith.constant 96 : index
        %get3A_645 = tpu.vector_load %arg12[%get3A_643, %get3A_644] {strides = array<i32>} : memref<128x128xf32, #tpu.memory_space<vmem>>, vector<1x16xf32>,
        %get3A_646 = vector.shape_cast %get3A_645 : vector<1x16xf32> to vector<16xf32>
        %mul3A_647 = vector.broadcast %squeeze3A_484 : f32 to vector<16xf32>
        %mul3A_648 = arith.mulf %mul3A_647, %get3A_646 : vector<16xf32>
        %add3A_649 = arith.addf %mul3A_642, %mul3A_648 : vector<16xf32>
        %get3A_650 = arith.index_cast %add3A_480 : i32 to index
        %get3A_651 = arith.constant 96 : index
        %get3A_652 = tpu.vector_load %arg13[%get3A_650, %get3A_651] {strides = array<i32>} : memref<128x128xf32, #tpu.memory_space<vmem>>, vector<1x16xf32>,
        %get3A_653 = vector.shape_cast %get3A_652 : vector<1x16xf32> to vector<16xf32>
        %mul3A_654 = vector.broadcast %squeeze3A_486 : f32 to vector<16xf32>
        %mul3A_655 = arith.mulf %mul3A_654, %get3A_653 : vector<16xf32>
        %add3A_656 = arith.addf %add3A_649, %mul3A_655 : vector<16xf32>
        %swap3A_657 = arith.index_cast %add3A_480 : i32 to index
        %swap3A_658 = arith.constant 96 : index
        %swap3A_659 = tpu.vector_load %arg15[%swap3A_657, %swap3A_658] {strides = array<i32>} : memref<128x128xf32, #tpu.memory_space<vmem>>, vector<1x16xf32>,
        %swap3A_660 = vector.shape_cast %swap3A_659 : vector<1x16xf32> to vector<16xf32>
        %swap3A_661 = vector.shape_cast %add3A_656 : vector<16xf32> to vector<1x16xf32>
        tpu.vector_store %arg15[%swap3A_657, %swap3A_658], %swap3A_661 {strides = array<i32>} : memref<128x128xf32, #tpu.memory_space<vmem>>, vector<1x16xf32>,
        %get3A_662 = arith.index_cast %add3A_480 : i32 to index
        %get3A_663 = arith.constant 112 : index
        %get3A_664 = tpu.vector_load %arg11[%get3A_662, %get3A_663] {strides = array<i32>} : memref<128x128xf32, #tpu.memory_space<vmem>>, vector<1x16xf32>,
        %get3A_665 = vector.shape_cast %get3A_664 : vector<1x16xf32> to vector<16xf32>
        %mul3A_666 = vector.broadcast %squeeze3A_482 : f32 to vector<16xf32>
        %mul3A_667 = arith.mulf %mul3A_666, %get3A_665 : vector<16xf32>
        %get3A_668 = arith.index_cast %add3A_480 : i32 to index
        %get3A_669 = arith.constant 112 : index
        %get3A_670 = tpu.vector_load %arg12[%get3A_668, %get3A_669] {strides = array<i32>} : memref<128x128xf32, #tpu.memory_space<vmem>>, vector<1x16xf32>,
        %get3A_671 = vector.shape_cast %get3A_670 : vector<1x16xf32> to vector<16xf32>
        %mul3A_672 = vector.broadcast %squeeze3A_484 : f32 to vector<16xf32>
        %mul3A_673 = arith.mulf %mul3A_672, %get3A_671 : vector<16xf32>
        %add3A_674 = arith.addf %mul3A_667, %mul3A_673 : vector<16xf32>
        %get3A_675 = arith.index_cast %add3A_480 : i32 to index
        %get3A_676 = arith.constant 112 : index
        %get3A_677 = tpu.vector_load %arg13[%get3A_675, %get3A_676] {strides = array<i32>} : memref<128x128xf32, #tpu.memory_space<vmem>>, vector<1x16xf32>,
        %get3A_678 = vector.shape_cast %get3A_677 : vector<1x16xf32> to vector<16xf32>
        %mul3A_679 = vector.broadcast %squeeze3A_486 : f32 to vector<16xf32>
        %mul3A_680 = arith.mulf %mul3A_679, %get3A_678 : vector<16xf32>
        %add3A_681 = arith.addf %add3A_674, %mul3A_680 : vector<16xf32>
        %swap3A_682 = arith.index_cast %add3A_480 : i32 to index
        %swap3A_683 = arith.constant 112 : index
        %swap3A_684 = tpu.vector_load %arg15[%swap3A_682, %swap3A_683] {strides = array<i32>} : memref<128x128xf32, #tpu.memory_space<vmem>>, vector<1x16xf32>,
        %swap3A_685 = vector.shape_cast %swap3A_684 : vector<1x16xf32> to vector<16xf32>
        %swap3A_686 = vector.shape_cast %add3A_681 : vector<16xf32> to vector<1x16xf32>
        tpu.vector_store %arg15[%swap3A_682, %swap3A_683], %swap3A_686 {strides = array<i32>} : memref<128x128xf32, #tpu.memory_space<vmem>>, vector<1x16xf32>,
        %mul3A_687 = arith.constant 16 : i32
        %mul3A_688 = arith.muli %scan3A_38, %mul3A_687 : i32
        %add3A_689 = arith.constant 3 : i32
        %add3A_690 = arith.addi %mul3A_688, %add3A_689 : i32
        %slice3A_691 = vector.extract_strided_slice %get3A_45 {offsets = [3], sizes = [1], strides = [1]} : vector<16xf32> to vector<1xf32>
        %squeeze3A_692 = vector.extract %slice3A_691[0] : f32 from vector<1xf32>
        %slice3A_693 = vector.extract_strided_slice %get3A_52 {offsets = [3], sizes = [1], strides = [1]} : vector<16xf32> to vector<1xf32>
        %squeeze3A_694 = vector.extract %slice3A_693[0] : f32 from vector<1xf32>
        %slice3A_695 = vector.extract_strided_slice %get3A_59 {offsets = [3], sizes = [1], strides = [1]} : vector<16xf32> to vector<1xf32>
        %squeeze3A_696 = vector.extract %slice3A_695[0] : f32 from vector<1xf32>
        %get3A_697 = arith.index_cast %add3A_690 : i32 to index
        %get3A_698 = arith.constant 0 : index
        %get3A_699 = tpu.vector_load %arg11[%get3A_697, %get3A_698] {strides = array<i32>} : memref<128x128xf32, #tpu.memory_space<vmem>>, vector<1x16xf32>,
        %get3A_700 = vector.shape_cast %get3A_699 : vector<1x16xf32> to vector<16xf32>
        %mul3A_701 = vector.broadcast %squeeze3A_692 : f32 to vector<16xf32>
        %mul3A_702 = arith.mulf %mul3A_701, %get3A_700 : vector<16xf32>
        %get3A_703 = arith.index_cast %add3A_690 : i32 to index
        %get3A_704 = arith.constant 0 : index
        %get3A_705 = tpu.vector_load %arg12[%get3A_703, %get3A_704] {strides = array<i32>} : memref<128x128xf32, #tpu.memory_space<vmem>>, vector<1x16xf32>,
        %get3A_706 = vector.shape_cast %get3A_705 : vector<1x16xf32> to vector<16xf32>
        %mul3A_707 = vector.broadcast %squeeze3A_694 : f32 to vector<16xf32>
        %mul3A_708 = arith.mulf %mul3A_707, %get3A_706 : vector<16xf32>
        %add3A_709 = arith.addf %mul3A_702, %mul3A_708 : vector<16xf32>
        %get3A_710 = arith.index_cast %add3A_690 : i32 to index
        %get3A_711 = arith.constant 0 : index
        %get3A_712 = tpu.vector_load %arg13[%get3A_710, %get3A_711] {strides = array<i32>} : memref<128x128xf32, #tpu.memory_space<vmem>>, vector<1x16xf32>,
        %get3A_713 = vector.shape_cast %get3A_712 : vector<1x16xf32> to vector<16xf32>
        %mul3A_714 = vector.broadcast %squeeze3A_696 : f32 to vector<16xf32>
        %mul3A_715 = arith.mulf %mul3A_714, %get3A_713 : vector<16xf32>
        %add3A_716 = arith.addf %add3A_709, %mul3A_715 : vector<16xf32>
        %swap3A_717 = arith.index_cast %add3A_690 : i32 to index
        %swap3A_718 = arith.constant 0 : index
        %swap3A_719 = tpu.vector_load %arg15[%swap3A_717, %swap3A_718] {strides = array<i32>} : memref<128x128xf32, #tpu.memory_space<vmem>>, vector<1x16xf32>,
        %swap3A_720 = vector.shape_cast %swap3A_719 : vector<1x16xf32> to vector<16xf32>
        %swap3A_721 = vector.shape_cast %add3A_716 : vector<16xf32> to vector<1x16xf32>
        tpu.vector_store %arg15[%swap3A_717, %swap3A_718], %swap3A_721 {strides = array<i32>} : memref<128x128xf32, #tpu.memory_space<vmem>>, vector<1x16xf32>,
        %get3A_722 = arith.index_cast %add3A_690 : i32 to index
        %get3A_723 = arith.constant 16 : index
        %get3A_724 = tpu.vector_load %arg11[%get3A_722, %get3A_723] {strides = array<i32>} : memref<128x128xf32, #tpu.memory_space<vmem>>, vector<1x16xf32>,
        %get3A_725 = vector.shape_cast %get3A_724 : vector<1x16xf32> to vector<16xf32>
        %mul3A_726 = vector.broadcast %squeeze3A_692 : f32 to vector<16xf32>
        %mul3A_727 = arith.mulf %mul3A_726, %get3A_725 : vector<16xf32>
        %get3A_728 = arith.index_cast %add3A_690 : i32 to index
        %get3A_729 = arith.constant 16 : index
        %get3A_730 = tpu.vector_load %arg12[%get3A_728, %get3A_729] {strides = array<i32>} : memref<128x128xf32, #tpu.memory_space<vmem>>, vector<1x16xf32>,
        %get3A_731 = vector.shape_cast %get3A_730 : vector<1x16xf32> to vector<16xf32>
        %mul3A_732 = vector.broadcast %squeeze3A_694 : f32 to vector<16xf32>
        %mul3A_733 = arith.mulf %mul3A_732, %get3A_731 : vector<16xf32>
        %add3A_734 = arith.addf %mul3A_727, %mul3A_733 : vector<16xf32>
        %get3A_735 = arith.index_cast %add3A_690 : i32 to index
        %get3A_736 = arith.constant 16 : index
        %get3A_737 = tpu.vector_load %arg13[%get3A_735, %get3A_736] {strides = array<i32>} : memref<128x128xf32, #tpu.memory_space<vmem>>, vector<1x16xf32>,
        %get3A_738 = vector.shape_cast %get3A_737 : vector<1x16xf32> to vector<16xf32>
        %mul3A_739 = vector.broadcast %squeeze3A_696 : f32 to vector<16xf32>
        %mul3A_740 = arith.mulf %mul3A_739, %get3A_738 : vector<16xf32>
        %add3A_741 = arith.addf %add3A_734, %mul3A_740 : vector<16xf32>
        %swap3A_742 = arith.index_cast %add3A_690 : i32 to index
        %swap3A_743 = arith.constant 16 : index
        %swap3A_744 = tpu.vector_load %arg15[%swap3A_742, %swap3A_743] {strides = array<i32>} : memref<128x128xf32, #tpu.memory_space<vmem>>, vector<1x16xf32>,
        %swap3A_745 = vector.shape_cast %swap3A_744 : vector<1x16xf32> to vector<16xf32>
        %swap3A_746 = vector.shape_cast %add3A_741 : vector<16xf32> to vector<1x16xf32>
        tpu.vector_store %arg15[%swap3A_742, %swap3A_743], %swap3A_746 {strides = array<i32>} : memref<128x128xf32, #tpu.memory_space<vmem>>, vector<1x16xf32>,
        %get3A_747 = arith.index_cast %add3A_690 : i32 to index
        %get3A_748 = arith.constant 32 : index
        %get3A_749 = tpu.vector_load %arg11[%get3A_747, %get3A_748] {strides = array<i32>} : memref<128x128xf32, #tpu.memory_space<vmem>>, vector<1x16xf32>,
        %get3A_750 = vector.shape_cast %get3A_749 : vector<1x16xf32> to vector<16xf32>
        %mul3A_751 = vector.broadcast %squeeze3A_692 : f32 to vector<16xf32>
        %mul3A_752 = arith.mulf %mul3A_751, %get3A_750 : vector<16xf32>
        %get3A_753 = arith.index_cast %add3A_690 : i32 to index
        %get3A_754 = arith.constant 32 : index
        %get3A_755 = tpu.vector_load %arg12[%get3A_753, %get3A_754] {strides = array<i32>} : memref<128x128xf32, #tpu.memory_space<vmem>>, vector<1x16xf32>,
        %get3A_756 = vector.shape_cast %get3A_755 : vector<1x16xf32> to vector<16xf32>
        %mul3A_757 = vector.broadcast %squeeze3A_694 : f32 to vector<16xf32>
        %mul3A_758 = arith.mulf %mul3A_757, %get3A_756 : vector<16xf32>
        %add3A_759 = arith.addf %mul3A_752, %mul3A_758 : vector<16xf32>
        %get3A_760 = arith.index_cast %add3A_690 : i32 to index
        %get3A_761 = arith.constant 32 : index
        %get3A_762 = tpu.vector_load %arg13[%get3A_760, %get3A_761] {strides = array<i32>} : memref<128x128xf32, #tpu.memory_space<vmem>>, vector<1x16xf32>,
        %get3A_763 = vector.shape_cast %get3A_762 : vector<1x16xf32> to vector<16xf32>
        %mul3A_764 = vector.broadcast %squeeze3A_696 : f32 to vector<16xf32>
        %mul3A_765 = arith.mulf %mul3A_764, %get3A_763 : vector<16xf32>
        %add3A_766 = arith.addf %add3A_759, %mul3A_765 : vector<16xf32>
        %swap3A_767 = arith.index_cast %add3A_690 : i32 to index
        %swap3A_768 = arith.constant 32 : index
        %swap3A_769 = tpu.vector_load %arg15[%swap3A_767, %swap3A_768] {strides = array<i32>} : memref<128x128xf32, #tpu.memory_space<vmem>>, vector<1x16xf32>,
        %swap3A_770 = vector.shape_cast %swap3A_769 : vector<1x16xf32> to vector<16xf32>
        %swap3A_771 = vector.shape_cast %add3A_766 : vector<16xf32> to vector<1x16xf32>
        tpu.vector_store %arg15[%swap3A_767, %swap3A_768], %swap3A_771 {strides = array<i32>} : memref<128x128xf32, #tpu.memory_space<vmem>>, vector<1x16xf32>,
        %get3A_772 = arith.index_cast %add3A_690 : i32 to index
        %get3A_773 = arith.constant 48 : index
        %get3A_774 = tpu.vector_load %arg11[%get3A_772, %get3A_773] {strides = array<i32>} : memref<128x128xf32, #tpu.memory_space<vmem>>, vector<1x16xf32>,
        %get3A_775 = vector.shape_cast %get3A_774 : vector<1x16xf32> to vector<16xf32>
        %mul3A_776 = vector.broadcast %squeeze3A_692 : f32 to vector<16xf32>
        %mul3A_777 = arith.mulf %mul3A_776, %get3A_775 : vector<16xf32>
        %get3A_778 = arith.index_cast %add3A_690 : i32 to index
        %get3A_779 = arith.constant 48 : index
        %get3A_780 = tpu.vector_load %arg12[%get3A_778, %get3A_779] {strides = array<i32>} : memref<128x128xf32, #tpu.memory_space<vmem>>, vector<1x16xf32>,
        %get3A_781 = vector.shape_cast %get3A_780 : vector<1x16xf32> to vector<16xf32>
        %mul3A_782 = vector.broadcast %squeeze3A_694 : f32 to vector<16xf32>
        %mul3A_783 = arith.mulf %mul3A_782, %get3A_781 : vector<16xf32>
        %add3A_784 = arith.addf %mul3A_777, %mul3A_783 : vector<16xf32>
        %get3A_785 = arith.index_cast %add3A_690 : i32 to index
        %get3A_786 = arith.constant 48 : index
        %get3A_787 = tpu.vector_load %arg13[%get3A_785, %get3A_786] {strides = array<i32>} : memref<128x128xf32, #tpu.memory_space<vmem>>, vector<1x16xf32>,
        %get3A_788 = vector.shape_cast %get3A_787 : vector<1x16xf32> to vector<16xf32>
        %mul3A_789 = vector.broadcast %squeeze3A_696 : f32 to vector<16xf32>
        %mul3A_790 = arith.mulf %mul3A_789, %get3A_788 : vector<16xf32>
        %add3A_791 = arith.addf %add3A_784, %mul3A_790 : vector<16xf32>
        %swap3A_792 = arith.index_cast %add3A_690 : i32 to index
        %swap3A_793 = arith.constant 48 : index
        %swap3A_794 = tpu.vector_load %arg15[%swap3A_792, %swap3A_793] {strides = array<i32>} : memref<128x128xf32, #tpu.memory_space<vmem>>, vector<1x16xf32>,
        %swap3A_795 = vector.shape_cast %swap3A_794 : vector<1x16xf32> to vector<16xf32>
        %swap3A_796 = vector.shape_cast %add3A_791 : vector<16xf32> to vector<1x16xf32>
        tpu.vector_store %arg15[%swap3A_792, %swap3A_793], %swap3A_796 {strides = array<i32>} : memref<128x128xf32, #tpu.memory_space<vmem>>, vector<1x16xf32>,
        %get3A_797 = arith.index_cast %add3A_690 : i32 to index
        %get3A_798 = arith.constant 64 : index
        %get3A_799 = tpu.vector_load %arg11[%get3A_797, %get3A_798] {strides = array<i32>} : memref<128x128xf32, #tpu.memory_space<vmem>>, vector<1x16xf32>,
        %get3A_800 = vector.shape_cast %get3A_799 : vector<1x16xf32> to vector<16xf32>
        %mul3A_801 = vector.broadcast %squeeze3A_692 : f32 to vector<16xf32>
        %mul3A_802 = arith.mulf %mul3A_801, %get3A_800 : vector<16xf32>
        %get3A_803 = arith.index_cast %add3A_690 : i32 to index
        %get3A_804 = arith.constant 64 : index
        %get3A_805 = tpu.vector_load %arg12[%get3A_803, %get3A_804] {strides = array<i32>} : memref<128x128xf32, #tpu.memory_space<vmem>>, vector<1x16xf32>,
        %get3A_806 = vector.shape_cast %get3A_805 : vector<1x16xf32> to vector<16xf32>
        %mul3A_807 = vector.broadcast %squeeze3A_694 : f32 to vector<16xf32>
        %mul3A_808 = arith.mulf %mul3A_807, %get3A_806 : vector<16xf32>
        %add3A_809 = arith.addf %mul3A_802, %mul3A_808 : vector<16xf32>
        %get3A_810 = arith.index_cast %add3A_690 : i32 to index
        %get3A_811 = arith.constant 64 : index
        %get3A_812 = tpu.vector_load %arg13[%get3A_810, %get3A_811] {strides = array<i32>} : memref<128x128xf32, #tpu.memory_space<vmem>>, vector<1x16xf32>,
        %get3A_813 = vector.shape_cast %get3A_812 : vector<1x16xf32> to vector<16xf32>
        %mul3A_814 = vector.broadcast %squeeze3A_696 : f32 to vector<16xf32>
        %mul3A_815 = arith.mulf %mul3A_814, %get3A_813 : vector<16xf32>
        %add3A_816 = arith.addf %add3A_809, %mul3A_815 : vector<16xf32>
        %swap3A_817 = arith.index_cast %add3A_690 : i32 to index
        %swap3A_818 = arith.constant 64 : index
        %swap3A_819 = tpu.vector_load %arg15[%swap3A_817, %swap3A_818] {strides = array<i32>} : memref<128x128xf32, #tpu.memory_space<vmem>>, vector<1x16xf32>,
        %swap3A_820 = vector.shape_cast %swap3A_819 : vector<1x16xf32> to vector<16xf32>
        %swap3A_821 = vector.shape_cast %add3A_816 : vector<16xf32> to vector<1x16xf32>
        tpu.vector_store %arg15[%swap3A_817, %swap3A_818], %swap3A_821 {strides = array<i32>} : memref<128x128xf32, #tpu.memory_space<vmem>>, vector<1x16xf32>,
        %get3A_822 = arith.index_cast %add3A_690 : i32 to index
        %get3A_823 = arith.constant 80 : index
        %get3A_824 = tpu.vector_load %arg11[%get3A_822, %get3A_823] {strides = array<i32>} : memref<128x128xf32, #tpu.memory_space<vmem>>, vector<1x16xf32>,
        %get3A_825 = vector.shape_cast %get3A_824 : vector<1x16xf32> to vector<16xf32>
        %mul3A_826 = vector.broadcast %squeeze3A_692 : f32 to vector<16xf32>
        %mul3A_827 = arith.mulf %mul3A_826, %get3A_825 : vector<16xf32>
        %get3A_828 = arith.index_cast %add3A_690 : i32 to index
        %get3A_829 = arith.constant 80 : index
        %get3A_830 = tpu.vector_load %arg12[%get3A_828, %get3A_829] {strides = array<i32>} : memref<128x128xf32, #tpu.memory_space<vmem>>, vector<1x16xf32>,
        %get3A_831 = vector.shape_cast %get3A_830 : vector<1x16xf32> to vector<16xf32>
        %mul3A_832 = vector.broadcast %squeeze3A_694 : f32 to vector<16xf32>
        %mul3A_833 = arith.mulf %mul3A_832, %get3A_831 : vector<16xf32>
        %add3A_834 = arith.addf %mul3A_827, %mul3A_833 : vector<16xf32>
        %get3A_835 = arith.index_cast %add3A_690 : i32 to index
        %get3A_836 = arith.constant 80 : index
        %get3A_837 = tpu.vector_load %arg13[%get3A_835, %get3A_836] {strides = array<i32>} : memref<128x128xf32, #tpu.memory_space<vmem>>, vector<1x16xf32>,
        %get3A_838 = vector.shape_cast %get3A_837 : vector<1x16xf32> to vector<16xf32>
        %mul3A_839 = vector.broadcast %squeeze3A_696 : f32 to vector<16xf32>
        %mul3A_840 = arith.mulf %mul3A_839, %get3A_838 : vector<16xf32>
        %add3A_841 = arith.addf %add3A_834, %mul3A_840 : vector<16xf32>
        %swap3A_842 = arith.index_cast %add3A_690 : i32 to index
        %swap3A_843 = arith.constant 80 : index
        %swap3A_844 = tpu.vector_load %arg15[%swap3A_842, %swap3A_843] {strides = array<i32>} : memref<128x128xf32, #tpu.memory_space<vmem>>, vector<1x16xf32>,
        %swap3A_845 = vector.shape_cast %swap3A_844 : vector<1x16xf32> to vector<16xf32>
        %swap3A_846 = vector.shape_cast %add3A_841 : vector<16xf32> to vector<1x16xf32>
        tpu.vector_store %arg15[%swap3A_842, %swap3A_843], %swap3A_846 {strides = array<i32>} : memref<128x128xf32, #tpu.memory_space<vmem>>, vector<1x16xf32>,
        %get3A_847 = arith.index_cast %add3A_690 : i32 to index
        %get3A_848 = arith.constant 96 : index
        %get3A_849 = tpu.vector_load %arg11[%get3A_847, %get3A_848] {strides = array<i32>} : memref<128x128xf32, #tpu.memory_space<vmem>>, vector<1x16xf32>,
        %get3A_850 = vector.shape_cast %get3A_849 : vector<1x16xf32> to vector<16xf32>
        %mul3A_851 = vector.broadcast %squeeze3A_692 : f32 to vector<16xf32>
        %mul3A_852 = arith.mulf %mul3A_851, %get3A_850 : vector<16xf32>
        %get3A_853 = arith.index_cast %add3A_690 : i32 to index
        %get3A_854 = arith.constant 96 : index
        %get3A_855 = tpu.vector_load %arg12[%get3A_853, %get3A_854] {strides = array<i32>} : memref<128x128xf32, #tpu.memory_space<vmem>>, vector<1x16xf32>,
        %get3A_856 = vector.shape_cast %get3A_855 : vector<1x16xf32> to vector<16xf32>
        %mul3A_857 = vector.broadcast %squeeze3A_694 : f32 to vector<16xf32>
        %mul3A_858 = arith.mulf %mul3A_857, %get3A_856 : vector<16xf32>
        %add3A_859 = arith.addf %mul3A_852, %mul3A_858 : vector<16xf32>
        %get3A_860 = arith.index_cast %add3A_690 : i32 to index
        %get3A_861 = arith.constant 96 : index
        %get3A_862 = tpu.vector_load %arg13[%get3A_860, %get3A_861] {strides = array<i32>} : memref<128x128xf32, #tpu.memory_space<vmem>>, vector<1x16xf32>,
        %get3A_863 = vector.shape_cast %get3A_862 : vector<1x16xf32> to vector<16xf32>
        %mul3A_864 = vector.broadcast %squeeze3A_696 : f32 to vector<16xf32>
        %mul3A_865 = arith.mulf %mul3A_864, %get3A_863 : vector<16xf32>
        %add3A_866 = arith.addf %add3A_859, %mul3A_865 : vector<16xf32>
        %swap3A_867 = arith.index_cast %add3A_690 : i32 to index
        %swap3A_868 = arith.constant 96 : index
        %swap3A_869 = tpu.vector_load %arg15[%swap3A_867, %swap3A_868] {strides = array<i32>} : memref<128x128xf32, #tpu.memory_space<vmem>>, vector<1x16xf32>,
        %swap3A_870 = vector.shape_cast %swap3A_869 : vector<1x16xf32> to vector<16xf32>
        %swap3A_871 = vector.shape_cast %add3A_866 : vector<16xf32> to vector<1x16xf32>
        tpu.vector_store %arg15[%swap3A_867, %swap3A_868], %swap3A_871 {strides = array<i32>} : memref<128x128xf32, #tpu.memory_space<vmem>>, vector<1x16xf32>,
        %get3A_872 = arith.index_cast %add3A_690 : i32 to index
        %get3A_873 = arith.constant 112 : index
        %get3A_874 = tpu.vector_load %arg11[%get3A_872, %get3A_873] {strides = array<i32>} : memref<128x128xf32, #tpu.memory_space<vmem>>, vector<1x16xf32>,
        %get3A_875 = vector.shape_cast %get3A_874 : vector<1x16xf32> to vector<16xf32>
        %mul3A_876 = vector.broadcast %squeeze3A_692 : f32 to vector<16xf32>
        %mul3A_877 = arith.mulf %mul3A_876, %get3A_875 : vector<16xf32>
        %get3A_878 = arith.index_cast %add3A_690 : i32 to index
        %get3A_879 = arith.constant 112 : index
        %get3A_880 = tpu.vector_load %arg12[%get3A_878, %get3A_879] {strides = array<i32>} : memref<128x128xf32, #tpu.memory_space<vmem>>, vector<1x16xf32>,
        %get3A_881 = vector.shape_cast %get3A_880 : vector<1x16xf32> to vector<16xf32>
        %mul3A_882 = vector.broadcast %squeeze3A_694 : f32 to vector<16xf32>
        %mul3A_883 = arith.mulf %mul3A_882, %get3A_881 : vector<16xf32>
        %add3A_884 = arith.addf %mul3A_877, %mul3A_883 : vector<16xf32>
        %get3A_885 = arith.index_cast %add3A_690 : i32 to index
        %get3A_886 = arith.constant 112 : index
        %get3A_887 = tpu.vector_load %arg13[%get3A_885, %get3A_886] {strides = array<i32>} : memref<128x128xf32, #tpu.memory_space<vmem>>, vector<1x16xf32>,
        %get3A_888 = vector.shape_cast %get3A_887 : vector<1x16xf32> to vector<16xf32>
        %mul3A_889 = vector.broadcast %squeeze3A_696 : f32 to vector<16xf32>
        %mul3A_890 = arith.mulf %mul3A_889, %get3A_888 : vector<16xf32>
        %add3A_891 = arith.addf %add3A_884, %mul3A_890 : vector<16xf32>
        %swap3A_892 = arith.index_cast %add3A_690 : i32 to index
        %swap3A_893 = arith.constant 112 : index
        %swap3A_894 = tpu.vector_load %arg15[%swap3A_892, %swap3A_893] {strides = array<i32>} : memref<128x128xf32, #tpu.memory_space<vmem>>, vector<1x16xf32>,
        %swap3A_895 = vector.shape_cast %swap3A_894 : vector<1x16xf32> to vector<16xf32>
        %swap3A_896 = vector.shape_cast %add3A_891 : vector<16xf32> to vector<1x16xf32>
        tpu.vector_store %arg15[%swap3A_892, %swap3A_893], %swap3A_896 {strides = array<i32>} : memref<128x128xf32, #tpu.memory_space<vmem>>, vector<1x16xf32>,
        %mul3A_897 = arith.constant 16 : i32
        %mul3A_898 = arith.muli %scan3A_38, %mul3A_897 : i32
        %add3A_899 = arith.constant 4 : i32
        %add3A_900 = arith.addi %mul3A_898, %add3A_899 : i32
        %slice3A_901 = vector.extract_strided_slice %get3A_45 {offsets = [4], sizes = [1], strides = [1]} : vector<16xf32> to vector<1xf32>
        %squeeze3A_902 = vector.extract %slice3A_901[0] : f32 from vector<1xf32>
        %slice3A_903 = vector.extract_strided_slice %get3A_52 {offsets = [4], sizes = [1], strides = [1]} : vector<16xf32> to vector<1xf32>
        %squeeze3A_904 = vector.extract %slice3A_903[0] : f32 from vector<1xf32>
        %slice3A_905 = vector.extract_strided_slice %get3A_59 {offsets = [4], sizes = [1], strides = [1]} : vector<16xf32> to vector<1xf32>
        %squeeze3A_906 = vector.extract %slice3A_905[0] : f32 from vector<1xf32>
        %get3A_907 = arith.index_cast %add3A_900 : i32 to index
        %get3A_908 = arith.constant 0 : index
        %get3A_909 = tpu.vector_load %arg11[%get3A_907, %get3A_908] {strides = array<i32>} : memref<128x128xf32, #tpu.memory_space<vmem>>, vector<1x16xf32>,
        %get3A_910 = vector.shape_cast %get3A_909 : vector<1x16xf32> to vector<16xf32>
        %mul3A_911 = vector.broadcast %squeeze3A_902 : f32 to vector<16xf32>
        %mul3A_912 = arith.mulf %mul3A_911, %get3A_910 : vector<16xf32>
        %get3A_913 = arith.index_cast %add3A_900 : i32 to index
        %get3A_914 = arith.constant 0 : index
        %get3A_915 = tpu.vector_load %arg12[%get3A_913, %get3A_914] {strides = array<i32>} : memref<128x128xf32, #tpu.memory_space<vmem>>, vector<1x16xf32>,
        %get3A_916 = vector.shape_cast %get3A_915 : vector<1x16xf32> to vector<16xf32>
        %mul3A_917 = vector.broadcast %squeeze3A_904 : f32 to vector<16xf32>
        %mul3A_918 = arith.mulf %mul3A_917, %get3A_916 : vector<16xf32>
        %add3A_919 = arith.addf %mul3A_912, %mul3A_918 : vector<16xf32>
        %get3A_920 = arith.index_cast %add3A_900 : i32 to index
        %get3A_921 = arith.constant 0 : index
        %get3A_922 = tpu.vector_load %arg13[%get3A_920, %get3A_921] {strides = array<i32>} : memref<128x128xf32, #tpu.memory_space<vmem>>, vector<1x16xf32>,
        %get3A_923 = vector.shape_cast %get3A_922 : vector<1x16xf32> to vector<16xf32>
        %mul3A_924 = vector.broadcast %squeeze3A_906 : f32 to vector<16xf32>
        %mul3A_925 = arith.mulf %mul3A_924, %get3A_923 : vector<16xf32>
        %add3A_926 = arith.addf %add3A_919, %mul3A_925 : vector<16xf32>
        %swap3A_927 = arith.index_cast %add3A_900 : i32 to index
        %swap3A_928 = arith.constant 0 : index
        %swap3A_929 = tpu.vector_load %arg15[%swap3A_927, %swap3A_928] {strides = array<i32>} : memref<128x128xf32, #tpu.memory_space<vmem>>, vector<1x16xf32>,
        %swap3A_930 = vector.shape_cast %swap3A_929 : vector<1x16xf32> to vector<16xf32>
        %swap3A_931 = vector.shape_cast %add3A_926 : vector<16xf32> to vector<1x16xf32>
        tpu.vector_store %arg15[%swap3A_927, %swap3A_928], %swap3A_931 {strides = array<i32>} : memref<128x128xf32, #tpu.memory_space<vmem>>, vector<1x16xf32>,
        %get3A_932 = arith.index_cast %add3A_900 : i32 to index
        %get3A_933 = arith.constant 16 : index
        %get3A_934 = tpu.vector_load %arg11[%get3A_932, %get3A_933] {strides = array<i32>} : memref<128x128xf32, #tpu.memory_space<vmem>>, vector<1x16xf32>,
        %get3A_935 = vector.shape_cast %get3A_934 : vector<1x16xf32> to vector<16xf32>
        %mul3A_936 = vector.broadcast %squeeze3A_902 : f32 to vector<16xf32>
        %mul3A_937 = arith.mulf %mul3A_936, %get3A_935 : vector<16xf32>
        %get3A_938 = arith.index_cast %add3A_900 : i32 to index
        %get3A_939 = arith.constant 16 : index
        %get3A_940 = tpu.vector_load %arg12[%get3A_938, %get3A_939] {strides = array<i32>} : memref<128x128xf32, #tpu.memory_space<vmem>>, vector<1x16xf32>,
        %get3A_941 = vector.shape_cast %get3A_940 : vector<1x16xf32> to vector<16xf32>
        %mul3A_942 = vector.broadcast %squeeze3A_904 : f32 to vector<16xf32>
        %mul3A_943 = arith.mulf %mul3A_942, %get3A_941 : vector<16xf32>
        %add3A_944 = arith.addf %mul3A_937, %mul3A_943 : vector<16xf32>
        %get3A_945 = arith.index_cast %add3A_900 : i32 to index
        %get3A_946 = arith.constant 16 : index
        %get3A_947 = tpu.vector_load %arg13[%get3A_945, %get3A_946] {strides = array<i32>} : memref<128x128xf32, #tpu.memory_space<vmem>>, vector<1x16xf32>,
        %get3A_948 = vector.shape_cast %get3A_947 : vector<1x16xf32> to vector<16xf32>
        %mul3A_949 = vector.broadcast %squeeze3A_906 : f32 to vector<16xf32>
        %mul3A_950 = arith.mulf %mul3A_949, %get3A_948 : vector<16xf32>
        %add3A_951 = arith.addf %add3A_944, %mul3A_950 : vector<16xf32>
        %swap3A_952 = arith.index_cast %add3A_900 : i32 to index
        %swap3A_953 = arith.constant 16 : index
        %swap3A_954 = tpu.vector_load %arg15[%swap3A_952, %swap3A_953] {strides = array<i32>} : memref<128x128xf32, #tpu.memory_space<vmem>>, vector<1x16xf32>,
        %swap3A_955 = vector.shape_cast %swap3A_954 : vector<1x16xf32> to vector<16xf32>
        %swap3A_956 = vector.shape_cast %add3A_951 : vector<16xf32> to vector<1x16xf32>
        tpu.vector_store %arg15[%swap3A_952, %swap3A_953], %swap3A_956 {strides = array<i32>} : memref<128x128xf32, #tpu.memory_space<vmem>>, vector<1x16xf32>,
        %get3A_957 = arith.index_cast %add3A_900 : i32 to index
        %get3A_958 = arith.constant 32 : index
        %get3A_959 = tpu.vector_load %arg11[%get3A_957, %get3A_958] {strides = array<i32>} : memref<128x128xf32, #tpu.memory_space<vmem>>, vector<1x16xf32>,
        %get3A_960 = vector.shape_cast %get3A_959 : vector<1x16xf32> to vector<16xf32>
        %mul3A_961 = vector.broadcast %squeeze3A_902 : f32 to vector<16xf32>
        %mul3A_962 = arith.mulf %mul3A_961, %get3A_960 : vector<16xf32>
        %get3A_963 = arith.index_cast %add3A_900 : i32 to index
        %get3A_964 = arith.constant 32 : index
        %get3A_965 = tpu.vector_load %arg12[%get3A_963, %get3A_964] {strides = array<i32>} : memref<128x128xf32, #tpu.memory_space<vmem>>, vector<1x16xf32>,
        %get3A_966 = vector.shape_cast %get3A_965 : vector<1x16xf32> to vector<16xf32>
        %mul3A_967 = vector.broadcast %squeeze3A_904 : f32 to vector<16xf32>
        %mul3A_968 = arith.mulf %mul3A_967, %get3A_966 : vector<16xf32>
        %add3A_969 = arith.addf %mul3A_962, %mul3A_968 : vector<16xf32>
        %get3A_970 = arith.index_cast %add3A_900 : i32 to index
        %get3A_971 = arith.constant 32 : index
        %get3A_972 = tpu.vector_load %arg13[%get3A_970, %get3A_971] {strides = array<i32>} : memref<128x128xf32, #tpu.memory_space<vmem>>, vector<1x16xf32>,
        %get3A_973 = vector.shape_cast %get3A_972 : vector<1x16xf32> to vector<16xf32>
        %mul3A_974 = vector.broadcast %squeeze3A_906 : f32 to vector<16xf32>
        %mul3A_975 = arith.mulf %mul3A_974, %get3A_973 : vector<16xf32>
        %add3A_976 = arith.addf %add3A_969, %mul3A_975 : vector<16xf32>
        %swap3A_977 = arith.index_cast %add3A_900 : i32 to index
        %swap3A_978 = arith.constant 32 : index
        %swap3A_979 = tpu.vector_load %arg15[%swap3A_977, %swap3A_978] {strides = array<i32>} : memref<128x128xf32, #tpu.memory_space<vmem>>, vector<1x16xf32>,
        %swap3A_980 = vector.shape_cast %swap3A_979 : vector<1x16xf32> to vector<16xf32>
        %swap3A_981 = vector.shape_cast %add3A_976 : vector<16xf32> to vector<1x16xf32>
        tpu.vector_store %arg15[%swap3A_977, %swap3A_978], %swap3A_981 {strides = array<i32>} : memref<128x128xf32, #tpu.memory_space<vmem>>, vector<1x16xf32>,
        %get3A_982 = arith.index_cast %add3A_900 : i32 to index
        %get3A_983 = arith.constant 48 : index
        %get3A_984 = tpu.vector_load %arg11[%get3A_982, %get3A_983] {strides = array<i32>} : memref<128x128xf32, #tpu.memory_space<vmem>>, vector<1x16xf32>,
        %get3A_985 = vector.shape_cast %get3A_984 : vector<1x16xf32> to vector<16xf32>
        %mul3A_986 = vector.broadcast %squeeze3A_902 : f32 to vector<16xf32>
        %mul3A_987 = arith.mulf %mul3A_986, %get3A_985 : vector<16xf32>
        %get3A_988 = arith.index_cast %add3A_900 : i32 to index
        %get3A_989 = arith.constant 48 : index
        %get3A_990 = tpu.vector_load %arg12[%get3A_988, %get3A_989] {strides = array<i32>} : memref<128x128xf32, #tpu.memory_space<vmem>>, vector<1x16xf32>,
        %get3A_991 = vector.shape_cast %get3A_990 : vector<1x16xf32> to vector<16xf32>
        %mul3A_992 = vector.broadcast %squeeze3A_904 : f32 to vector<16xf32>
        %mul3A_993 = arith.mulf %mul3A_992, %get3A_991 : vector<16xf32>
        %add3A_994 = arith.addf %mul3A_987, %mul3A_993 : vector<16xf32>
        %get3A_995 = arith.index_cast %add3A_900 : i32 to index
        %get3A_996 = arith.constant 48 : index
        %get3A_997 = tpu.vector_load %arg13[%get3A_995, %get3A_996] {strides = array<i32>} : memref<128x128xf32, #tpu.memory_space<vmem>>, vector<1x16xf32>,
        %get3A_998 = vector.shape_cast %get3A_997 : vector<1x16xf32> to vector<16xf32>
        %mul3A_999 = vector.broadcast %squeeze3A_906 : f32 to vector<16xf32>
        %mul3A_1000 = arith.mulf %mul3A_999, %get3A_998 : vector<16xf32>
        %add3A_1001 = arith.addf %add3A_994, %mul3A_1000 : vector<16xf32>
        %swap3A_1002 = arith.index_cast %add3A_900 : i32 to index
        %swap3A_1003 = arith.constant 48 : index
        %swap3A_1004 = tpu.vector_load %arg15[%swap3A_1002, %swap3A_1003] {strides = array<i32>} : memref<128x128xf32, #tpu.memory_space<vmem>>, vector<1x16xf32>,
        %swap3A_1005 = vector.shape_cast %swap3A_1004 : vector<1x16xf32> to vector<16xf32>
        %swap3A_1006 = vector.shape_cast %add3A_1001 : vector<16xf32> to vector<1x16xf32>
        tpu.vector_store %arg15[%swap3A_1002, %swap3A_1003], %swap3A_1006 {strides = array<i32>} : memref<128x128xf32, #tpu.memory_space<vmem>>, vector<1x16xf32>,
        %get3A_1007 = arith.index_cast %add3A_900 : i32 to index
        %get3A_1008 = arith.constant 64 : index
        %get3A_1009 = tpu.vector_load %arg11[%get3A_1007, %get3A_1008] {strides = array<i32>} : memref<128x128xf32, #tpu.memory_space<vmem>>, vector<1x16xf32>,
        %get3A_1010 = vector.shape_cast %get3A_1009 : vector<1x16xf32> to vector<16xf32>
        %mul3A_1011 = vector.broadcast %squeeze3A_902 : f32 to vector<16xf32>
        %mul3A_1012 = arith.mulf %mul3A_1011, %get3A_1010 : vector<16xf32>
        %get3A_1013 = arith.index_cast %add3A_900 : i32 to index
        %get3A_1014 = arith.constant 64 : index
        %get3A_1015 = tpu.vector_load %arg12[%get3A_1013, %get3A_1014] {strides = array<i32>} : memref<128x128xf32, #tpu.memory_space<vmem>>, vector<1x16xf32>,
        %get3A_1016 = vector.shape_cast %get3A_1015 : vector<1x16xf32> to vector<16xf32>
        %mul3A_1017 = vector.broadcast %squeeze3A_904 : f32 to vector<16xf32>
        %mul3A_1018 = arith.mulf %mul3A_1017, %get3A_1016 : vector<16xf32>
        %add3A_1019 = arith.addf %mul3A_1012, %mul3A_1018 : vector<16xf32>
        %get3A_1020 = arith.index_cast %add3A_900 : i32 to index
        %get3A_1021 = arith.constant 64 : index
        %get3A_1022 = tpu.vector_load %arg13[%get3A_1020, %get3A_1021] {strides = array<i32>} : memref<128x128xf32, #tpu.memory_space<vmem>>, vector<1x16xf32>,
        %get3A_1023 = vector.shape_cast %get3A_1022 : vector<1x16xf32> to vector<16xf32>
        %mul3A_1024 = vector.broadcast %squeeze3A_906 : f32 to vector<16xf32>
        %mul3A_1025 = arith.mulf %mul3A_1024, %get3A_1023 : vector<16xf32>
        %add3A_1026 = arith.addf %add3A_1019, %mul3A_1025 : vector<16xf32>
        %swap3A_1027 = arith.index_cast %add3A_900 : i32 to index
        %swap3A_1028 = arith.constant 64 : index
        %swap3A_1029 = tpu.vector_load %arg15[%swap3A_1027, %swap3A_1028] {strides = array<i32>} : memref<128x128xf32, #tpu.memory_space<vmem>>, vector<1x16xf32>,
        %swap3A_1030 = vector.shape_cast %swap3A_1029 : vector<1x16xf32> to vector<16xf32>
        %swap3A_1031 = vector.shape_cast %add3A_1026 : vector<16xf32> to vector<1x16xf32>
        tpu.vector_store %arg15[%swap3A_1027, %swap3A_1028], %swap3A_1031 {strides = array<i32>} : memref<128x128xf32, #tpu.memory_space<vmem>>, vector<1x16xf32>,
        %get3A_1032 = arith.index_cast %add3A_900 : i32 to index
        %get3A_1033 = arith.constant 80 : index
        %get3A_1034 = tpu.vector_load %arg11[%get3A_1032, %get3A_1033] {strides = array<i32>} : memref<128x128xf32, #tpu.memory_space<vmem>>, vector<1x16xf32>,
        %get3A_1035 = vector.shape_cast %get3A_1034 : vector<1x16xf32> to vector<16xf32>
        %mul3A_1036 = vector.broadcast %squeeze3A_902 : f32 to vector<16xf32>
        %mul3A_1037 = arith.mulf %mul3A_1036, %get3A_1035 : vector<16xf32>
        %get3A_1038 = arith.index_cast %add3A_900 : i32 to index
        %get3A_1039 = arith.constant 80 : index
        %get3A_1040 = tpu.vector_load %arg12[%get3A_1038, %get3A_1039] {strides = array<i32>} : memref<128x128xf32, #tpu.memory_space<vmem>>, vector<1x16xf32>,
        %get3A_1041 = vector.shape_cast %get3A_1040 : vector<1x16xf32> to vector<16xf32>
        %mul3A_1042 = vector.broadcast %squeeze3A_904 : f32 to vector<16xf32>
        %mul3A_1043 = arith.mulf %mul3A_1042, %get3A_1041 : vector<16xf32>
        %add3A_1044 = arith.addf %mul3A_1037, %mul3A_1043 : vector<16xf32>
        %get3A_1045 = arith.index_cast %add3A_900 : i32 to index
        %get3A_1046 = arith.constant 80 : index
        %get3A_1047 = tpu.vector_load %arg13[%get3A_1045, %get3A_1046] {strides = array<i32>} : memref<128x128xf32, #tpu.memory_space<vmem>>, vector<1x16xf32>,
        %get3A_1048 = vector.shape_cast %get3A_1047 : vector<1x16xf32> to vector<16xf32>
        %mul3A_1049 = vector.broadcast %squeeze3A_906 : f32 to vector<16xf32>
        %mul3A_1050 = arith.mulf %mul3A_1049, %get3A_1048 : vector<16xf32>
        %add3A_1051 = arith.addf %add3A_1044, %mul3A_1050 : vector<16xf32>
        %swap3A_1052 = arith.index_cast %add3A_900 : i32 to index
        %swap3A_1053 = arith.constant 80 : index
        %swap3A_1054 = tpu.vector_load %arg15[%swap3A_1052, %swap3A_1053] {strides = array<i32>} : memref<128x128xf32, #tpu.memory_space<vmem>>, vector<1x16xf32>,
        %swap3A_1055 = vector.shape_cast %swap3A_1054 : vector<1x16xf32> to vector<16xf32>
        %swap3A_1056 = vector.shape_cast %add3A_1051 : vector<16xf32> to vector<1x16xf32>
        tpu.vector_store %arg15[%swap3A_1052, %swap3A_1053], %swap3A_1056 {strides = array<i32>} : memref<128x128xf32, #tpu.memory_space<vmem>>, vector<1x16xf32>,
        %get3A_1057 = arith.index_cast %add3A_900 : i32 to index
        %get3A_1058 = arith.constant 96 : index
        %get3A_1059 = tpu.vector_load %arg11[%get3A_1057, %get3A_1058] {strides = array<i32>} : memref<128x128xf32, #tpu.memory_space<vmem>>, vector<1x16xf32>,
        %get3A_1060 = vector.shape_cast %get3A_1059 : vector<1x16xf32> to vector<16xf32>
        %mul3A_1061 = vector.broadcast %squeeze3A_902 : f32 to vector<16xf32>
        %mul3A_1062 = arith.mulf %mul3A_1061, %get3A_1060 : vector<16xf32>
        %get3A_1063 = arith.index_cast %add3A_900 : i32 to index
        %get3A_1064 = arith.constant 96 : index
        %get3A_1065 = tpu.vector_load %arg12[%get3A_1063, %get3A_1064] {strides = array<i32>} : memref<128x128xf32, #tpu.memory_space<vmem>>, vector<1x16xf32>,
        %get3A_1066 = vector.shape_cast %get3A_1065 : vector<1x16xf32> to vector<16xf32>
        %mul3A_1067 = vector.broadcast %squeeze3A_904 : f32 to vector<16xf32>
        %mul3A_1068 = arith.mulf %mul3A_1067, %get3A_1066 : vector<16xf32>
        %add3A_1069 = arith.addf %mul3A_1062, %mul3A_1068 : vector<16xf32>
        %get3A_1070 = arith.index_cast %add3A_900 : i32 to index
        %get3A_1071 = arith.constant 96 : index
        %get3A_1072 = tpu.vector_load %arg13[%get3A_1070, %get3A_1071] {strides = array<i32>} : memref<128x128xf32, #tpu.memory_space<vmem>>, vector<1x16xf32>,
        %get3A_1073 = vector.shape_cast %get3A_1072 : vector<1x16xf32> to vector<16xf32>
        %mul3A_1074 = vector.broadcast %squeeze3A_906 : f32 to vector<16xf32>
        %mul3A_1075 = arith.mulf %mul3A_1074, %get3A_1073 : vector<16xf32>
        %add3A_1076 = arith.addf %add3A_1069, %mul3A_1075 : vector<16xf32>
        %swap3A_1077 = arith.index_cast %add3A_900 : i32 to index
        %swap3A_1078 = arith.constant 96 : index
        %swap3A_1079 = tpu.vector_load %arg15[%swap3A_1077, %swap3A_1078] {strides = array<i32>} : memref<128x128xf32, #tpu.memory_space<vmem>>, vector<1x16xf32>,
        %swap3A_1080 = vector.shape_cast %swap3A_1079 : vector<1x16xf32> to vector<16xf32>
        %swap3A_1081 = vector.shape_cast %add3A_1076 : vector<16xf32> to vector<1x16xf32>
        tpu.vector_store %arg15[%swap3A_1077, %swap3A_1078], %swap3A_1081 {strides = array<i32>} : memref<128x128xf32, #tpu.memory_space<vmem>>, vector<1x16xf32>,
        %get3A_1082 = arith.index_cast %add3A_900 : i32 to index
        %get3A_1083 = arith.constant 112 : index
        %get3A_1084 = tpu.vector_load %arg11[%get3A_1082, %get3A_1083] {strides = array<i32>} : memref<128x128xf32, #tpu.memory_space<vmem>>, vector<1x16xf32>,
        %get3A_1085 = vector.shape_cast %get3A_1084 : vector<1x16xf32> to vector<16xf32>
        %mul3A_1086 = vector.broadcast %squeeze3A_902 : f32 to vector<16xf32>
        %mul3A_1087 = arith.mulf %mul3A_1086, %get3A_1085 : vector<16xf32>
        %get3A_1088 = arith.index_cast %add3A_900 : i32 to index
        %get3A_1089 = arith.constant 112 : index
        %get3A_1090 = tpu.vector_load %arg12[%get3A_1088, %get3A_1089] {strides = array<i32>} : memref<128x128xf32, #tpu.memory_space<vmem>>, vector<1x16xf32>,
        %get3A_1091 = vector.shape_cast %get3A_1090 : vector<1x16xf32> to vector<16xf32>
        %mul3A_1092 = vector.broadcast %squeeze3A_904 : f32 to vector<16xf32>
        %mul3A_1093 = arith.mulf %mul3A_1092, %get3A_1091 : vector<16xf32>
        %add3A_1094 = arith.addf %mul3A_1087, %mul3A_1093 : vector<16xf32>
        %get3A_1095 = arith.index_cast %add3A_900 : i32 to index
        %get3A_1096 = arith.constant 112 : index
        %get3A_1097 = tpu.vector_load %arg13[%get3A_1095, %get3A_1096] {strides = array<i32>} : memref<128x128xf32, #tpu.memory_space<vmem>>, vector<1x16xf32>,
        %get3A_1098 = vector.shape_cast %get3A_1097 : vector<1x16xf32> to vector<16xf32>
        %mul3A_1099 = vector.broadcast %squeeze3A_906 : f32 to vector<16xf32>
        %mul3A_1100 = arith.mulf %mul3A_1099, %get3A_1098 : vector<16xf32>
        %add3A_1101 = arith.addf %add3A_1094, %mul3A_1100 : vector<16xf32>
        %swap3A_1102 = arith.index_cast %add3A_900 : i32 to index
        %swap3A_1103 = arith.constant 112 : index
        %swap3A_1104 = tpu.vector_load %arg15[%swap3A_1102, %swap3A_1103] {strides = array<i32>} : memref<128x128xf32, #tpu.memory_space<vmem>>, vector<1x16xf32>,
        %swap3A_1105 = vector.shape_cast %swap3A_1104 : vector<1x16xf32> to vector<16xf32>
        %swap3A_1106 = vector.shape_cast %add3A_1101 : vector<16xf32> to vector<1x16xf32>
        tpu.vector_store %arg15[%swap3A_1102, %swap3A_1103], %swap3A_1106 {strides = array<i32>} : memref<128x128xf32, #tpu.memory_space<vmem>>, vector<1x16xf32>,
        %mul3A_1107 = arith.constant 16 : i32
        %mul3A_1108 = arith.muli %scan3A_38, %mul3A_1107 : i32
        %add3A_1109 = arith.constant 5 : i32
        %add3A_1110 = arith.addi %mul3A_1108, %add3A_1109 : i32
        %slice3A_1111 = vector.extract_strided_slice %get3A_45 {offsets = [5], sizes = [1], strides = [1]} : vector<16xf32> to vector<1xf32>
        %squeeze3A_1112 = vector.extract %slice3A_1111[0] : f32 from vector<1xf32>
        %slice3A_1113 = vector.extract_strided_slice %get3A_52 {offsets = [5], sizes = [1], strides = [1]} : vector<16xf32> to vector<1xf32>
        %squeeze3A_1114 = vector.extract %slice3A_1113[0] : f32 from vector<1xf32>
        %slice3A_1115 = vector.extract_strided_slice %get3A_59 {offsets = [5], sizes = [1], strides = [1]} : vector<16xf32> to vector<1xf32>
        %squeeze3A_1116 = vector.extract %slice3A_1115[0] : f32 from vector<1xf32>
        %get3A_1117 = arith.index_cast %add3A_1110 : i32 to index
        %get3A_1118 = arith.constant 0 : index
        %get3A_1119 = tpu.vector_load %arg11[%get3A_1117, %get3A_1118] {strides = array<i32>} : memref<128x128xf32, #tpu.memory_space<vmem>>, vector<1x16xf32>,
        %get3A_1120 = vector.shape_cast %get3A_1119 : vector<1x16xf32> to vector<16xf32>
        %mul3A_1121 = vector.broadcast %squeeze3A_1112 : f32 to vector<16xf32>
        %mul3A_1122 = arith.mulf %mul3A_1121, %get3A_1120 : vector<16xf32>
        %get3A_1123 = arith.index_cast %add3A_1110 : i32 to index
        %get3A_1124 = arith.constant 0 : index
        %get3A_1125 = tpu.vector_load %arg12[%get3A_1123, %get3A_1124] {strides = array<i32>} : memref<128x128xf32, #tpu.memory_space<vmem>>, vector<1x16xf32>,
        %get3A_1126 = vector.shape_cast %get3A_1125 : vector<1x16xf32> to vector<16xf32>
        %mul3A_1127 = vector.broadcast %squeeze3A_1114 : f32 to vector<16xf32>
        %mul3A_1128 = arith.mulf %mul3A_1127, %get3A_1126 : vector<16xf32>
        %add3A_1129 = arith.addf %mul3A_1122, %mul3A_1128 : vector<16xf32>
        %get3A_1130 = arith.index_cast %add3A_1110 : i32 to index
        %get3A_1131 = arith.constant 0 : index
        %get3A_1132 = tpu.vector_load %arg13[%get3A_1130, %get3A_1131] {strides = array<i32>} : memref<128x128xf32, #tpu.memory_space<vmem>>, vector<1x16xf32>,
        %get3A_1133 = vector.shape_cast %get3A_1132 : vector<1x16xf32> to vector<16xf32>
        %mul3A_1134 = vector.broadcast %squeeze3A_1116 : f32 to vector<16xf32>
        %mul3A_1135 = arith.mulf %mul3A_1134, %get3A_1133 : vector<16xf32>
        %add3A_1136 = arith.addf %add3A_1129, %mul3A_1135 : vector<16xf32>
        %swap3A_1137 = arith.index_cast %add3A_1110 : i32 to index
        %swap3A_1138 = arith.constant 0 : index
        %swap3A_1139 = tpu.vector_load %arg15[%swap3A_1137, %swap3A_1138] {strides = array<i32>} : memref<128x128xf32, #tpu.memory_space<vmem>>, vector<1x16xf32>,
        %swap3A_1140 = vector.shape_cast %swap3A_1139 : vector<1x16xf32> to vector<16xf32>
        %swap3A_1141 = vector.shape_cast %add3A_1136 : vector<16xf32> to vector<1x16xf32>
        tpu.vector_store %arg15[%swap3A_1137, %swap3A_1138], %swap3A_1141 {strides = array<i32>} : memref<128x128xf32, #tpu.memory_space<vmem>>, vector<1x16xf32>,
        %get3A_1142 = arith.index_cast %add3A_1110 : i32 to index
        %get3A_1143 = arith.constant 16 : index
        %get3A_1144 = tpu.vector_load %arg11[%get3A_1142, %get3A_1143] {strides = array<i32>} : memref<128x128xf32, #tpu.memory_space<vmem>>, vector<1x16xf32>,
        %get3A_1145 = vector.shape_cast %get3A_1144 : vector<1x16xf32> to vector<16xf32>
        %mul3A_1146 = vector.broadcast %squeeze3A_1112 : f32 to vector<16xf32>
        %mul3A_1147 = arith.mulf %mul3A_1146, %get3A_1145 : vector<16xf32>
        %get3A_1148 = arith.index_cast %add3A_1110 : i32 to index
        %get3A_1149 = arith.constant 16 : index
        %get3A_1150 = tpu.vector_load %arg12[%get3A_1148, %get3A_1149] {strides = array<i32>} : memref<128x128xf32, #tpu.memory_space<vmem>>, vector<1x16xf32>,
        %get3A_1151 = vector.shape_cast %get3A_1150 : vector<1x16xf32> to vector<16xf32>
        %mul3A_1152 = vector.broadcast %squeeze3A_1114 : f32 to vector<16xf32>
        %mul3A_1153 = arith.mulf %mul3A_1152, %get3A_1151 : vector<16xf32>
        %add3A_1154 = arith.addf %mul3A_1147, %mul3A_1153 : vector<16xf32>
        %get3A_1155 = arith.index_cast %add3A_1110 : i32 to index
        %get3A_1156 = arith.constant 16 : index
        %get3A_1157 = tpu.vector_load %arg13[%get3A_1155, %get3A_1156] {strides = array<i32>} : memref<128x128xf32, #tpu.memory_space<vmem>>, vector<1x16xf32>,
        %get3A_1158 = vector.shape_cast %get3A_1157 : vector<1x16xf32> to vector<16xf32>
        %mul3A_1159 = vector.broadcast %squeeze3A_1116 : f32 to vector<16xf32>
        %mul3A_1160 = arith.mulf %mul3A_1159, %get3A_1158 : vector<16xf32>
        %add3A_1161 = arith.addf %add3A_1154, %mul3A_1160 : vector<16xf32>
        %swap3A_1162 = arith.index_cast %add3A_1110 : i32 to index
        %swap3A_1163 = arith.constant 16 : index
        %swap3A_1164 = tpu.vector_load %arg15[%swap3A_1162, %swap3A_1163] {strides = array<i32>} : memref<128x128xf32, #tpu.memory_space<vmem>>, vector<1x16xf32>,
        %swap3A_1165 = vector.shape_cast %swap3A_1164 : vector<1x16xf32> to vector<16xf32>
        %swap3A_1166 = vector.shape_cast %add3A_1161 : vector<16xf32> to vector<1x16xf32>
        tpu.vector_store %arg15[%swap3A_1162, %swap3A_1163], %swap3A_1166 {strides = array<i32>} : memref<128x128xf32, #tpu.memory_space<vmem>>, vector<1x16xf32>,
        %get3A_1167 = arith.index_cast %add3A_1110 : i32 to index
        %get3A_1168 = arith.constant 32 : index
        %get3A_1169 = tpu.vector_load %arg11[%get3A_1167, %get3A_1168] {strides = array<i32>} : memref<128x128xf32, #tpu.memory_space<vmem>>, vector<1x16xf32>,
        %get3A_1170 = vector.shape_cast %get3A_1169 : vector<1x16xf32> to vector<16xf32>
        %mul3A_1171 = vector.broadcast %squeeze3A_1112 : f32 to vector<16xf32>
        %mul3A_1172 = arith.mulf %mul3A_1171, %get3A_1170 : vector<16xf32>
        %get3A_1173 = arith.index_cast %add3A_1110 : i32 to index
        %get3A_1174 = arith.constant 32 : index
        %get3A_1175 = tpu.vector_load %arg12[%get3A_1173, %get3A_1174] {strides = array<i32>} : memref<128x128xf32, #tpu.memory_space<vmem>>, vector<1x16xf32>,
        %get3A_1176 = vector.shape_cast %get3A_1175 : vector<1x16xf32> to vector<16xf32>
        %mul3A_1177 = vector.broadcast %squeeze3A_1114 : f32 to vector<16xf32>
        %mul3A_1178 = arith.mulf %mul3A_1177, %get3A_1176 : vector<16xf32>
        %add3A_1179 = arith.addf %mul3A_1172, %mul3A_1178 : vector<16xf32>
        %get3A_1180 = arith.index_cast %add3A_1110 : i32 to index
        %get3A_1181 = arith.constant 32 : index
        %get3A_1182 = tpu.vector_load %arg13[%get3A_1180, %get3A_1181] {strides = array<i32>} : memref<128x128xf32, #tpu.memory_space<vmem>>, vector<1x16xf32>,
        %get3A_1183 = vector.shape_cast %get3A_1182 : vector<1x16xf32> to vector<16xf32>
        %mul3A_1184 = vector.broadcast %squeeze3A_1116 : f32 to vector<16xf32>
        %mul3A_1185 = arith.mulf %mul3A_1184, %get3A_1183 : vector<16xf32>
        %add3A_1186 = arith.addf %add3A_1179, %mul3A_1185 : vector<16xf32>
        %swap3A_1187 = arith.index_cast %add3A_1110 : i32 to index
        %swap3A_1188 = arith.constant 32 : index
        %swap3A_1189 = tpu.vector_load %arg15[%swap3A_1187, %swap3A_1188] {strides = array<i32>} : memref<128x128xf32, #tpu.memory_space<vmem>>, vector<1x16xf32>,
        %swap3A_1190 = vector.shape_cast %swap3A_1189 : vector<1x16xf32> to vector<16xf32>
        %swap3A_1191 = vector.shape_cast %add3A_1186 : vector<16xf32> to vector<1x16xf32>
        tpu.vector_store %arg15[%swap3A_1187, %swap3A_1188], %swap3A_1191 {strides = array<i32>} : memref<128x128xf32, #tpu.memory_space<vmem>>, vector<1x16xf32>,
        %get3A_1192 = arith.index_cast %add3A_1110 : i32 to index
        %get3A_1193 = arith.constant 48 : index
        %get3A_1194 = tpu.vector_load %arg11[%get3A_1192, %get3A_1193] {strides = array<i32>} : memref<128x128xf32, #tpu.memory_space<vmem>>, vector<1x16xf32>,
        %get3A_1195 = vector.shape_cast %get3A_1194 : vector<1x16xf32> to vector<16xf32>
        %mul3A_1196 = vector.broadcast %squeeze3A_1112 : f32 to vector<16xf32>
        %mul3A_1197 = arith.mulf %mul3A_1196, %get3A_1195 : vector<16xf32>
        %get3A_1198 = arith.index_cast %add3A_1110 : i32 to index
        %get3A_1199 = arith.constant 48 : index
        %get3A_1200 = tpu.vector_load %arg12[%get3A_1198, %get3A_1199] {strides = array<i32>} : memref<128x128xf32, #tpu.memory_space<vmem>>, vector<1x16xf32>,
        %get3A_1201 = vector.shape_cast %get3A_1200 : vector<1x16xf32> to vector<16xf32>
        %mul3A_1202 = vector.broadcast %squeeze3A_1114 : f32 to vector<16xf32>
        %mul3A_1203 = arith.mulf %mul3A_1202, %get3A_1201 : vector<16xf32>
        %add3A_1204 = arith.addf %mul3A_1197, %mul3A_1203 : vector<16xf32>
        %get3A_1205 = arith.index_cast %add3A_1110 : i32 to index
        %get3A_1206 = arith.constant 48 : index
        %get3A_1207 = tpu.vector_load %arg13[%get3A_1205, %get3A_1206] {strides = array<i32>} : memref<128x128xf32, #tpu.memory_space<vmem>>, vector<1x16xf32>,
        %get3A_1208 = vector.shape_cast %get3A_1207 : vector<1x16xf32> to vector<16xf32>
        %mul3A_1209 = vector.broadcast %squeeze3A_1116 : f32 to vector<16xf32>
        %mul3A_1210 = arith.mulf %mul3A_1209, %get3A_1208 : vector<16xf32>
        %add3A_1211 = arith.addf %add3A_1204, %mul3A_1210 : vector<16xf32>
        %swap3A_1212 = arith.index_cast %add3A_1110 : i32 to index
        %swap3A_1213 = arith.constant 48 : index
        %swap3A_1214 = tpu.vector_load %arg15[%swap3A_1212, %swap3A_1213] {strides = array<i32>} : memref<128x128xf32, #tpu.memory_space<vmem>>, vector<1x16xf32>,
        %swap3A_1215 = vector.shape_cast %swap3A_1214 : vector<1x16xf32> to vector<16xf32>
        %swap3A_1216 = vector.shape_cast %add3A_1211 : vector<16xf32> to vector<1x16xf32>
        tpu.vector_store %arg15[%swap3A_1212, %swap3A_1213], %swap3A_1216 {strides = array<i32>} : memref<128x128xf32, #tpu.memory_space<vmem>>, vector<1x16xf32>,
        %get3A_1217 = arith.index_cast %add3A_1110 : i32 to index
        %get3A_1218 = arith.constant 64 : index
        %get3A_1219 = tpu.vector_load %arg11[%get3A_1217, %get3A_1218] {strides = array<i32>} : memref<128x128xf32, #tpu.memory_space<vmem>>, vector<1x16xf32>,
        %get3A_1220 = vector.shape_cast %get3A_1219 : vector<1x16xf32> to vector<16xf32>
        %mul3A_1221 = vector.broadcast %squeeze3A_1112 : f32 to vector<16xf32>
        %mul3A_1222 = arith.mulf %mul3A_1221, %get3A_1220 : vector<16xf32>
        %get3A_1223 = arith.index_cast %add3A_1110 : i32 to index
        %get3A_1224 = arith.constant 64 : index
        %get3A_1225 = tpu.vector_load %arg12[%get3A_1223, %get3A_1224] {strides = array<i32>} : memref<128x128xf32, #tpu.memory_space<vmem>>, vector<1x16xf32>,
        %get3A_1226 = vector.shape_cast %get3A_1225 : vector<1x16xf32> to vector<16xf32>
        %mul3A_1227 = vector.broadcast %squeeze3A_1114 : f32 to vector<16xf32>
        %mul3A_1228 = arith.mulf %mul3A_1227, %get3A_1226 : vector<16xf32>
        %add3A_1229 = arith.addf %mul3A_1222, %mul3A_1228 : vector<16xf32>
        %get3A_1230 = arith.index_cast %add3A_1110 : i32 to index
        %get3A_1231 = arith.constant 64 : index
        %get3A_1232 = tpu.vector_load %arg13[%get3A_1230, %get3A_1231] {strides = array<i32>} : memref<128x128xf32, #tpu.memory_space<vmem>>, vector<1x16xf32>,
        %get3A_1233 = vector.shape_cast %get3A_1232 : vector<1x16xf32> to vector<16xf32>
        %mul3A_1234 = vector.broadcast %squeeze3A_1116 : f32 to vector<16xf32>
        %mul3A_1235 = arith.mulf %mul3A_1234, %get3A_1233 : vector<16xf32>
        %add3A_1236 = arith.addf %add3A_1229, %mul3A_1235 : vector<16xf32>
        %swap3A_1237 = arith.index_cast %add3A_1110 : i32 to index
        %swap3A_1238 = arith.constant 64 : index
        %swap3A_1239 = tpu.vector_load %arg15[%swap3A_1237, %swap3A_1238] {strides = array<i32>} : memref<128x128xf32, #tpu.memory_space<vmem>>, vector<1x16xf32>,
        %swap3A_1240 = vector.shape_cast %swap3A_1239 : vector<1x16xf32> to vector<16xf32>
        %swap3A_1241 = vector.shape_cast %add3A_1236 : vector<16xf32> to vector<1x16xf32>
        tpu.vector_store %arg15[%swap3A_1237, %swap3A_1238], %swap3A_1241 {strides = array<i32>} : memref<128x128xf32, #tpu.memory_space<vmem>>, vector<1x16xf32>,
        %get3A_1242 = arith.index_cast %add3A_1110 : i32 to index
        %get3A_1243 = arith.constant 80 : index
        %get3A_1244 = tpu.vector_load %arg11[%get3A_1242, %get3A_1243] {strides = array<i32>} : memref<128x128xf32, #tpu.memory_space<vmem>>, vector<1x16xf32>,
        %get3A_1245 = vector.shape_cast %get3A_1244 : vector<1x16xf32> to vector<16xf32>
        %mul3A_1246 = vector.broadcast %squeeze3A_1112 : f32 to vector<16xf32>
        %mul3A_1247 = arith.mulf %mul3A_1246, %get3A_1245 : vector<16xf32>
        %get3A_1248 = arith.index_cast %add3A_1110 : i32 to index
        %get3A_1249 = arith.constant 80 : index
        %get3A_1250 = tpu.vector_load %arg12[%get3A_1248, %get3A_1249] {strides = array<i32>} : memref<128x128xf32, #tpu.memory_space<vmem>>, vector<1x16xf32>,
        %get3A_1251 = vector.shape_cast %get3A_1250 : vector<1x16xf32> to vector<16xf32>
        %mul3A_1252 = vector.broadcast %squeeze3A_1114 : f32 to vector<16xf32>
        %mul3A_1253 = arith.mulf %mul3A_1252, %get3A_1251 : vector<16xf32>
        %add3A_1254 = arith.addf %mul3A_1247, %mul3A_1253 : vector<16xf32>
        %get3A_1255 = arith.index_cast %add3A_1110 : i32 to index
        %get3A_1256 = arith.constant 80 : index
        %get3A_1257 = tpu.vector_load %arg13[%get3A_1255, %get3A_1256] {strides = array<i32>} : memref<128x128xf32, #tpu.memory_space<vmem>>, vector<1x16xf32>,
        %get3A_1258 = vector.shape_cast %get3A_1257 : vector<1x16xf32> to vector<16xf32>
        %mul3A_1259 = vector.broadcast %squeeze3A_1116 : f32 to vector<16xf32>
        %mul3A_1260 = arith.mulf %mul3A_1259, %get3A_1258 : vector<16xf32>
        %add3A_1261 = arith.addf %add3A_1254, %mul3A_1260 : vector<16xf32>
        %swap3A_1262 = arith.index_cast %add3A_1110 : i32 to index
        %swap3A_1263 = arith.constant 80 : index
        %swap3A_1264 = tpu.vector_load %arg15[%swap3A_1262, %swap3A_1263] {strides = array<i32>} : memref<128x128xf32, #tpu.memory_space<vmem>>, vector<1x16xf32>,
        %swap3A_1265 = vector.shape_cast %swap3A_1264 : vector<1x16xf32> to vector<16xf32>
        %swap3A_1266 = vector.shape_cast %add3A_1261 : vector<16xf32> to vector<1x16xf32>
        tpu.vector_store %arg15[%swap3A_1262, %swap3A_1263], %swap3A_1266 {strides = array<i32>} : memref<128x128xf32, #tpu.memory_space<vmem>>, vector<1x16xf32>,
        %get3A_1267 = arith.index_cast %add3A_1110 : i32 to index
        %get3A_1268 = arith.constant 96 : index
        %get3A_1269 = tpu.vector_load %arg11[%get3A_1267, %get3A_1268] {strides = array<i32>} : memref<128x128xf32, #tpu.memory_space<vmem>>, vector<1x16xf32>,
        %get3A_1270 = vector.shape_cast %get3A_1269 : vector<1x16xf32> to vector<16xf32>
        %mul3A_1271 = vector.broadcast %squeeze3A_1112 : f32 to vector<16xf32>
        %mul3A_1272 = arith.mulf %mul3A_1271, %get3A_1270 : vector<16xf32>
        %get3A_1273 = arith.index_cast %add3A_1110 : i32 to index
        %get3A_1274 = arith.constant 96 : index
        %get3A_1275 = tpu.vector_load %arg12[%get3A_1273, %get3A_1274] {strides = array<i32>} : memref<128x128xf32, #tpu.memory_space<vmem>>, vector<1x16xf32>,
        %get3A_1276 = vector.shape_cast %get3A_1275 : vector<1x16xf32> to vector<16xf32>
        %mul3A_1277 = vector.broadcast %squeeze3A_1114 : f32 to vector<16xf32>
        %mul3A_1278 = arith.mulf %mul3A_1277, %get3A_1276 : vector<16xf32>
        %add3A_1279 = arith.addf %mul3A_1272, %mul3A_1278 : vector<16xf32>
        %get3A_1280 = arith.index_cast %add3A_1110 : i32 to index
        %get3A_1281 = arith.constant 96 : index
        %get3A_1282 = tpu.vector_load %arg13[%get3A_1280, %get3A_1281] {strides = array<i32>} : memref<128x128xf32, #tpu.memory_space<vmem>>, vector<1x16xf32>,
        %get3A_1283 = vector.shape_cast %get3A_1282 : vector<1x16xf32> to vector<16xf32>
        %mul3A_1284 = vector.broadcast %squeeze3A_1116 : f32 to vector<16xf32>
        %mul3A_1285 = arith.mulf %mul3A_1284, %get3A_1283 : vector<16xf32>
        %add3A_1286 = arith.addf %add3A_1279, %mul3A_1285 : vector<16xf32>
        %swap3A_1287 = arith.index_cast %add3A_1110 : i32 to index
        %swap3A_1288 = arith.constant 96 : index
        %swap3A_1289 = tpu.vector_load %arg15[%swap3A_1287, %swap3A_1288] {strides = array<i32>} : memref<128x128xf32, #tpu.memory_space<vmem>>, vector<1x16xf32>,
        %swap3A_1290 = vector.shape_cast %swap3A_1289 : vector<1x16xf32> to vector<16xf32>
        %swap3A_1291 = vector.shape_cast %add3A_1286 : vector<16xf32> to vector<1x16xf32>
        tpu.vector_store %arg15[%swap3A_1287, %swap3A_1288], %swap3A_1291 {strides = array<i32>} : memref<128x128xf32, #tpu.memory_space<vmem>>, vector<1x16xf32>,
        %get3A_1292 = arith.index_cast %add3A_1110 : i32 to index
        %get3A_1293 = arith.constant 112 : index
        %get3A_1294 = tpu.vector_load %arg11[%get3A_1292, %get3A_1293] {strides = array<i32>} : memref<128x128xf32, #tpu.memory_space<vmem>>, vector<1x16xf32>,
        %get3A_1295 = vector.shape_cast %get3A_1294 : vector<1x16xf32> to vector<16xf32>
        %mul3A_1296 = vector.broadcast %squeeze3A_1112 : f32 to vector<16xf32>
        %mul3A_1297 = arith.mulf %mul3A_1296, %get3A_1295 : vector<16xf32>
        %get3A_1298 = arith.index_cast %add3A_1110 : i32 to index
        %get3A_1299 = arith.constant 112 : index
        %get3A_1300 = tpu.vector_load %arg12[%get3A_1298, %get3A_1299] {strides = array<i32>} : memref<128x128xf32, #tpu.memory_space<vmem>>, vector<1x16xf32>,
        %get3A_1301 = vector.shape_cast %get3A_1300 : vector<1x16xf32> to vector<16xf32>
        %mul3A_1302 = vector.broadcast %squeeze3A_1114 : f32 to vector<16xf32>
        %mul3A_1303 = arith.mulf %mul3A_1302, %get3A_1301 : vector<16xf32>
        %add3A_1304 = arith.addf %mul3A_1297, %mul3A_1303 : vector<16xf32>
        %get3A_1305 = arith.index_cast %add3A_1110 : i32 to index
        %get3A_1306 = arith.constant 112 : index
        %get3A_1307 = tpu.vector_load %arg13[%get3A_1305, %get3A_1306] {strides = array<i32>} : memref<128x128xf32, #tpu.memory_space<vmem>>, vector<1x16xf32>,
        %get3A_1308 = vector.shape_cast %get3A_1307 : vector<1x16xf32> to vector<16xf32>
        %mul3A_1309 = vector.broadcast %squeeze3A_1116 : f32 to vector<16xf32>
        %mul3A_1310 = arith.mulf %mul3A_1309, %get3A_1308 : vector<16xf32>
        %add3A_1311 = arith.addf %add3A_1304, %mul3A_1310 : vector<16xf32>
        %swap3A_1312 = arith.index_cast %add3A_1110 : i32 to index
        %swap3A_1313 = arith.constant 112 : index
        %swap3A_1314 = tpu.vector_load %arg15[%swap3A_1312, %swap3A_1313] {strides = array<i32>} : memref<128x128xf32, #tpu.memory_space<vmem>>, vector<1x16xf32>,
        %swap3A_1315 = vector.shape_cast %swap3A_1314 : vector<1x16xf32> to vector<16xf32>
        %swap3A_1316 = vector.shape_cast %add3A_1311 : vector<16xf32> to vector<1x16xf32>
        tpu.vector_store %arg15[%swap3A_1312, %swap3A_1313], %swap3A_1316 {strides = array<i32>} : memref<128x128xf32, #tpu.memory_space<vmem>>, vector<1x16xf32>,
        %mul3A_1317 = arith.constant 16 : i32
        %mul3A_1318 = arith.muli %scan3A_38, %mul3A_1317 : i32
        %add3A_1319 = arith.constant 6 : i32
        %add3A_1320 = arith.addi %mul3A_1318, %add3A_1319 : i32
        %slice3A_1321 = vector.extract_strided_slice %get3A_45 {offsets = [6], sizes = [1], strides = [1]} : vector<16xf32> to vector<1xf32>
        %squeeze3A_1322 = vector.extract %slice3A_1321[0] : f32 from vector<1xf32>
        %slice3A_1323 = vector.extract_strided_slice %get3A_52 {offsets = [6], sizes = [1], strides = [1]} : vector<16xf32> to vector<1xf32>
        %squeeze3A_1324 = vector.extract %slice3A_1323[0] : f32 from vector<1xf32>
        %slice3A_1325 = vector.extract_strided_slice %get3A_59 {offsets = [6], sizes = [1], strides = [1]} : vector<16xf32> to vector<1xf32>
        %squeeze3A_1326 = vector.extract %slice3A_1325[0] : f32 from vector<1xf32>
        %get3A_1327 = arith.index_cast %add3A_1320 : i32 to index
        %get3A_1328 = arith.constant 0 : index
        %get3A_1329 = tpu.vector_load %arg11[%get3A_1327, %get3A_1328] {strides = array<i32>} : memref<128x128xf32, #tpu.memory_space<vmem>>, vector<1x16xf32>,
        %get3A_1330 = vector.shape_cast %get3A_1329 : vector<1x16xf32> to vector<16xf32>
        %mul3A_1331 = vector.broadcast %squeeze3A_1322 : f32 to vector<16xf32>
        %mul3A_1332 = arith.mulf %mul3A_1331, %get3A_1330 : vector<16xf32>
        %get3A_1333 = arith.index_cast %add3A_1320 : i32 to index
        %get3A_1334 = arith.constant 0 : index
        %get3A_1335 = tpu.vector_load %arg12[%get3A_1333, %get3A_1334] {strides = array<i32>} : memref<128x128xf32, #tpu.memory_space<vmem>>, vector<1x16xf32>,
        %get3A_1336 = vector.shape_cast %get3A_1335 : vector<1x16xf32> to vector<16xf32>
        %mul3A_1337 = vector.broadcast %squeeze3A_1324 : f32 to vector<16xf32>
        %mul3A_1338 = arith.mulf %mul3A_1337, %get3A_1336 : vector<16xf32>
        %add3A_1339 = arith.addf %mul3A_1332, %mul3A_1338 : vector<16xf32>
        %get3A_1340 = arith.index_cast %add3A_1320 : i32 to index
        %get3A_1341 = arith.constant 0 : index
        %get3A_1342 = tpu.vector_load %arg13[%get3A_1340, %get3A_1341] {strides = array<i32>} : memref<128x128xf32, #tpu.memory_space<vmem>>, vector<1x16xf32>,
        %get3A_1343 = vector.shape_cast %get3A_1342 : vector<1x16xf32> to vector<16xf32>
        %mul3A_1344 = vector.broadcast %squeeze3A_1326 : f32 to vector<16xf32>
        %mul3A_1345 = arith.mulf %mul3A_1344, %get3A_1343 : vector<16xf32>
        %add3A_1346 = arith.addf %add3A_1339, %mul3A_1345 : vector<16xf32>
        %swap3A_1347 = arith.index_cast %add3A_1320 : i32 to index
        %swap3A_1348 = arith.constant 0 : index
        %swap3A_1349 = tpu.vector_load %arg15[%swap3A_1347, %swap3A_1348] {strides = array<i32>} : memref<128x128xf32, #tpu.memory_space<vmem>>, vector<1x16xf32>,
        %swap3A_1350 = vector.shape_cast %swap3A_1349 : vector<1x16xf32> to vector<16xf32>
        %swap3A_1351 = vector.shape_cast %add3A_1346 : vector<16xf32> to vector<1x16xf32>
        tpu.vector_store %arg15[%swap3A_1347, %swap3A_1348], %swap3A_1351 {strides = array<i32>} : memref<128x128xf32, #tpu.memory_space<vmem>>, vector<1x16xf32>,
        %get3A_1352 = arith.index_cast %add3A_1320 : i32 to index
        %get3A_1353 = arith.constant 16 : index
        %get3A_1354 = tpu.vector_load %arg11[%get3A_1352, %get3A_1353] {strides = array<i32>} : memref<128x128xf32, #tpu.memory_space<vmem>>, vector<1x16xf32>,
        %get3A_1355 = vector.shape_cast %get3A_1354 : vector<1x16xf32> to vector<16xf32>
        %mul3A_1356 = vector.broadcast %squeeze3A_1322 : f32 to vector<16xf32>
        %mul3A_1357 = arith.mulf %mul3A_1356, %get3A_1355 : vector<16xf32>
        %get3A_1358 = arith.index_cast %add3A_1320 : i32 to index
        %get3A_1359 = arith.constant 16 : index
        %get3A_1360 = tpu.vector_load %arg12[%get3A_1358, %get3A_1359] {strides = array<i32>} : memref<128x128xf32, #tpu.memory_space<vmem>>, vector<1x16xf32>,
        %get3A_1361 = vector.shape_cast %get3A_1360 : vector<1x16xf32> to vector<16xf32>
        %mul3A_1362 = vector.broadcast %squeeze3A_1324 : f32 to vector<16xf32>
        %mul3A_1363 = arith.mulf %mul3A_1362, %get3A_1361 : vector<16xf32>
        %add3A_1364 = arith.addf %mul3A_1357, %mul3A_1363 : vector<16xf32>
        %get3A_1365 = arith.index_cast %add3A_1320 : i32 to index
        %get3A_1366 = arith.constant 16 : index
        %get3A_1367 = tpu.vector_load %arg13[%get3A_1365, %get3A_1366] {strides = array<i32>} : memref<128x128xf32, #tpu.memory_space<vmem>>, vector<1x16xf32>,
        %get3A_1368 = vector.shape_cast %get3A_1367 : vector<1x16xf32> to vector<16xf32>
        %mul3A_1369 = vector.broadcast %squeeze3A_1326 : f32 to vector<16xf32>
        %mul3A_1370 = arith.mulf %mul3A_1369, %get3A_1368 : vector<16xf32>
        %add3A_1371 = arith.addf %add3A_1364, %mul3A_1370 : vector<16xf32>
        %swap3A_1372 = arith.index_cast %add3A_1320 : i32 to index
        %swap3A_1373 = arith.constant 16 : index
        %swap3A_1374 = tpu.vector_load %arg15[%swap3A_1372, %swap3A_1373] {strides = array<i32>} : memref<128x128xf32, #tpu.memory_space<vmem>>, vector<1x16xf32>,
        %swap3A_1375 = vector.shape_cast %swap3A_1374 : vector<1x16xf32> to vector<16xf32>
        %swap3A_1376 = vector.shape_cast %add3A_1371 : vector<16xf32> to vector<1x16xf32>
        tpu.vector_store %arg15[%swap3A_1372, %swap3A_1373], %swap3A_1376 {strides = array<i32>} : memref<128x128xf32, #tpu.memory_space<vmem>>, vector<1x16xf32>,
        %get3A_1377 = arith.index_cast %add3A_1320 : i32 to index
        %get3A_1378 = arith.constant 32 : index
        %get3A_1379 = tpu.vector_load %arg11[%get3A_1377, %get3A_1378] {strides = array<i32>} : memref<128x128xf32, #tpu.memory_space<vmem>>, vector<1x16xf32>,
        %get3A_1380 = vector.shape_cast %get3A_1379 : vector<1x16xf32> to vector<16xf32>
        %mul3A_1381 = vector.broadcast %squeeze3A_1322 : f32 to vector<16xf32>
        %mul3A_1382 = arith.mulf %mul3A_1381, %get3A_1380 : vector<16xf32>
        %get3A_1383 = arith.index_cast %add3A_1320 : i32 to index
        %get3A_1384 = arith.constant 32 : index
        %get3A_1385 = tpu.vector_load %arg12[%get3A_1383, %get3A_1384] {strides = array<i32>} : memref<128x128xf32, #tpu.memory_space<vmem>>, vector<1x16xf32>,
        %get3A_1386 = vector.shape_cast %get3A_1385 : vector<1x16xf32> to vector<16xf32>
        %mul3A_1387 = vector.broadcast %squeeze3A_1324 : f32 to vector<16xf32>
        %mul3A_1388 = arith.mulf %mul3A_1387, %get3A_1386 : vector<16xf32>
        %add3A_1389 = arith.addf %mul3A_1382, %mul3A_1388 : vector<16xf32>
        %get3A_1390 = arith.index_cast %add3A_1320 : i32 to index
        %get3A_1391 = arith.constant 32 : index
        %get3A_1392 = tpu.vector_load %arg13[%get3A_1390, %get3A_1391] {strides = array<i32>} : memref<128x128xf32, #tpu.memory_space<vmem>>, vector<1x16xf32>,
        %get3A_1393 = vector.shape_cast %get3A_1392 : vector<1x16xf32> to vector<16xf32>
        %mul3A_1394 = vector.broadcast %squeeze3A_1326 : f32 to vector<16xf32>
        %mul3A_1395 = arith.mulf %mul3A_1394, %get3A_1393 : vector<16xf32>
        %add3A_1396 = arith.addf %add3A_1389, %mul3A_1395 : vector<16xf32>
        %swap3A_1397 = arith.index_cast %add3A_1320 : i32 to index
        %swap3A_1398 = arith.constant 32 : index
        %swap3A_1399 = tpu.vector_load %arg15[%swap3A_1397, %swap3A_1398] {strides = array<i32>} : memref<128x128xf32, #tpu.memory_space<vmem>>, vector<1x16xf32>,
        %swap3A_1400 = vector.shape_cast %swap3A_1399 : vector<1x16xf32> to vector<16xf32>
        %swap3A_1401 = vector.shape_cast %add3A_1396 : vector<16xf32> to vector<1x16xf32>
        tpu.vector_store %arg15[%swap3A_1397, %swap3A_1398], %swap3A_1401 {strides = array<i32>} : memref<128x128xf32, #tpu.memory_space<vmem>>, vector<1x16xf32>,
        %get3A_1402 = arith.index_cast %add3A_1320 : i32 to index
        %get3A_1403 = arith.constant 48 : index
        %get3A_1404 = tpu.vector_load %arg11[%get3A_1402, %get3A_1403] {strides = array<i32>} : memref<128x128xf32, #tpu.memory_space<vmem>>, vector<1x16xf32>,
        %get3A_1405 = vector.shape_cast %get3A_1404 : vector<1x16xf32> to vector<16xf32>
        %mul3A_1406 = vector.broadcast %squeeze3A_1322 : f32 to vector<16xf32>
        %mul3A_1407 = arith.mulf %mul3A_1406, %get3A_1405 : vector<16xf32>
        %get3A_1408 = arith.index_cast %add3A_1320 : i32 to index
        %get3A_1409 = arith.constant 48 : index
        %get3A_1410 = tpu.vector_load %arg12[%get3A_1408, %get3A_1409] {strides = array<i32>} : memref<128x128xf32, #tpu.memory_space<vmem>>, vector<1x16xf32>,
        %get3A_1411 = vector.shape_cast %get3A_1410 : vector<1x16xf32> to vector<16xf32>
        %mul3A_1412 = vector.broadcast %squeeze3A_1324 : f32 to vector<16xf32>
        %mul3A_1413 = arith.mulf %mul3A_1412, %get3A_1411 : vector<16xf32>
        %add3A_1414 = arith.addf %mul3A_1407, %mul3A_1413 : vector<16xf32>
        %get3A_1415 = arith.index_cast %add3A_1320 : i32 to index
        %get3A_1416 = arith.constant 48 : index
        %get3A_1417 = tpu.vector_load %arg13[%get3A_1415, %get3A_1416] {strides = array<i32>} : memref<128x128xf32, #tpu.memory_space<vmem>>, vector<1x16xf32>,
        %get3A_1418 = vector.shape_cast %get3A_1417 : vector<1x16xf32> to vector<16xf32>
        %mul3A_1419 = vector.broadcast %squeeze3A_1326 : f32 to vector<16xf32>
        %mul3A_1420 = arith.mulf %mul3A_1419, %get3A_1418 : vector<16xf32>
        %add3A_1421 = arith.addf %add3A_1414, %mul3A_1420 : vector<16xf32>
        %swap3A_1422 = arith.index_cast %add3A_1320 : i32 to index
        %swap3A_1423 = arith.constant 48 : index
        %swap3A_1424 = tpu.vector_load %arg15[%swap3A_1422, %swap3A_1423] {strides = array<i32>} : memref<128x128xf32, #tpu.memory_space<vmem>>, vector<1x16xf32>,
        %swap3A_1425 = vector.shape_cast %swap3A_1424 : vector<1x16xf32> to vector<16xf32>
        %swap3A_1426 = vector.shape_cast %add3A_1421 : vector<16xf32> to vector<1x16xf32>
        tpu.vector_store %arg15[%swap3A_1422, %swap3A_1423], %swap3A_1426 {strides = array<i32>} : memref<128x128xf32, #tpu.memory_space<vmem>>, vector<1x16xf32>,
        %get3A_1427 = arith.index_cast %add3A_1320 : i32 to index
        %get3A_1428 = arith.constant 64 : index
        %get3A_1429 = tpu.vector_load %arg11[%get3A_1427, %get3A_1428] {strides = array<i32>} : memref<128x128xf32, #tpu.memory_space<vmem>>, vector<1x16xf32>,
        %get3A_1430 = vector.shape_cast %get3A_1429 : vector<1x16xf32> to vector<16xf32>
        %mul3A_1431 = vector.broadcast %squeeze3A_1322 : f32 to vector<16xf32>
        %mul3A_1432 = arith.mulf %mul3A_1431, %get3A_1430 : vector<16xf32>
        %get3A_1433 = arith.index_cast %add3A_1320 : i32 to index
        %get3A_1434 = arith.constant 64 : index
        %get3A_1435 = tpu.vector_load %arg12[%get3A_1433, %get3A_1434] {strides = array<i32>} : memref<128x128xf32, #tpu.memory_space<vmem>>, vector<1x16xf32>,
        %get3A_1436 = vector.shape_cast %get3A_1435 : vector<1x16xf32> to vector<16xf32>
        %mul3A_1437 = vector.broadcast %squeeze3A_1324 : f32 to vector<16xf32>
        %mul3A_1438 = arith.mulf %mul3A_1437, %get3A_1436 : vector<16xf32>
        %add3A_1439 = arith.addf %mul3A_1432, %mul3A_1438 : vector<16xf32>
        %get3A_1440 = arith.index_cast %add3A_1320 : i32 to index
        %get3A_1441 = arith.constant 64 : index
        %get3A_1442 = tpu.vector_load %arg13[%get3A_1440, %get3A_1441] {strides = array<i32>} : memref<128x128xf32, #tpu.memory_space<vmem>>, vector<1x16xf32>,
        %get3A_1443 = vector.shape_cast %get3A_1442 : vector<1x16xf32> to vector<16xf32>
        %mul3A_1444 = vector.broadcast %squeeze3A_1326 : f32 to vector<16xf32>
        %mul3A_1445 = arith.mulf %mul3A_1444, %get3A_1443 : vector<16xf32>
        %add3A_1446 = arith.addf %add3A_1439, %mul3A_1445 : vector<16xf32>
        %swap3A_1447 = arith.index_cast %add3A_1320 : i32 to index
        %swap3A_1448 = arith.constant 64 : index
        %swap3A_1449 = tpu.vector_load %arg15[%swap3A_1447, %swap3A_1448] {strides = array<i32>} : memref<128x128xf32, #tpu.memory_space<vmem>>, vector<1x16xf32>,
        %swap3A_1450 = vector.shape_cast %swap3A_1449 : vector<1x16xf32> to vector<16xf32>
        %swap3A_1451 = vector.shape_cast %add3A_1446 : vector<16xf32> to vector<1x16xf32>
        tpu.vector_store %arg15[%swap3A_1447, %swap3A_1448], %swap3A_1451 {strides = array<i32>} : memref<128x128xf32, #tpu.memory_space<vmem>>, vector<1x16xf32>,
        %get3A_1452 = arith.index_cast %add3A_1320 : i32 to index
        %get3A_1453 = arith.constant 80 : index
        %get3A_1454 = tpu.vector_load %arg11[%get3A_1452, %get3A_1453] {strides = array<i32>} : memref<128x128xf32, #tpu.memory_space<vmem>>, vector<1x16xf32>,
        %get3A_1455 = vector.shape_cast %get3A_1454 : vector<1x16xf32> to vector<16xf32>
        %mul3A_1456 = vector.broadcast %squeeze3A_1322 : f32 to vector<16xf32>
        %mul3A_1457 = arith.mulf %mul3A_1456, %get3A_1455 : vector<16xf32>
        %get3A_1458 = arith.index_cast %add3A_1320 : i32 to index
        %get3A_1459 = arith.constant 80 : index
        %get3A_1460 = tpu.vector_load %arg12[%get3A_1458, %get3A_1459] {strides = array<i32>} : memref<128x128xf32, #tpu.memory_space<vmem>>, vector<1x16xf32>,
        %get3A_1461 = vector.shape_cast %get3A_1460 : vector<1x16xf32> to vector<16xf32>
        %mul3A_1462 = vector.broadcast %squeeze3A_1324 : f32 to vector<16xf32>
        %mul3A_1463 = arith.mulf %mul3A_1462, %get3A_1461 : vector<16xf32>
        %add3A_1464 = arith.addf %mul3A_1457, %mul3A_1463 : vector<16xf32>
        %get3A_1465 = arith.index_cast %add3A_1320 : i32 to index
        %get3A_1466 = arith.constant 80 : index
        %get3A_1467 = tpu.vector_load %arg13[%get3A_1465, %get3A_1466] {strides = array<i32>} : memref<128x128xf32, #tpu.memory_space<vmem>>, vector<1x16xf32>,
        %get3A_1468 = vector.shape_cast %get3A_1467 : vector<1x16xf32> to vector<16xf32>
        %mul3A_1469 = vector.broadcast %squeeze3A_1326 : f32 to vector<16xf32>
        %mul3A_1470 = arith.mulf %mul3A_1469, %get3A_1468 : vector<16xf32>
        %add3A_1471 = arith.addf %add3A_1464, %mul3A_1470 : vector<16xf32>
        %swap3A_1472 = arith.index_cast %add3A_1320 : i32 to index
        %swap3A_1473 = arith.constant 80 : index
        %swap3A_1474 = tpu.vector_load %arg15[%swap3A_1472, %swap3A_1473] {strides = array<i32>} : memref<128x128xf32, #tpu.memory_space<vmem>>, vector<1x16xf32>,
        %swap3A_1475 = vector.shape_cast %swap3A_1474 : vector<1x16xf32> to vector<16xf32>
        %swap3A_1476 = vector.shape_cast %add3A_1471 : vector<16xf32> to vector<1x16xf32>
        tpu.vector_store %arg15[%swap3A_1472, %swap3A_1473], %swap3A_1476 {strides = array<i32>} : memref<128x128xf32, #tpu.memory_space<vmem>>, vector<1x16xf32>,
        %get3A_1477 = arith.index_cast %add3A_1320 : i32 to index
        %get3A_1478 = arith.constant 96 : index
        %get3A_1479 = tpu.vector_load %arg11[%get3A_1477, %get3A_1478] {strides = array<i32>} : memref<128x128xf32, #tpu.memory_space<vmem>>, vector<1x16xf32>,
        %get3A_1480 = vector.shape_cast %get3A_1479 : vector<1x16xf32> to vector<16xf32>
        %mul3A_1481 = vector.broadcast %squeeze3A_1322 : f32 to vector<16xf32>
        %mul3A_1482 = arith.mulf %mul3A_1481, %get3A_1480 : vector<16xf32>
        %get3A_1483 = arith.index_cast %add3A_1320 : i32 to index
        %get3A_1484 = arith.constant 96 : index
        %get3A_1485 = tpu.vector_load %arg12[%get3A_1483, %get3A_1484] {strides = array<i32>} : memref<128x128xf32, #tpu.memory_space<vmem>>, vector<1x16xf32>,
        %get3A_1486 = vector.shape_cast %get3A_1485 : vector<1x16xf32> to vector<16xf32>
        %mul3A_1487 = vector.broadcast %squeeze3A_1324 : f32 to vector<16xf32>
        %mul3A_1488 = arith.mulf %mul3A_1487, %get3A_1486 : vector<16xf32>
        %add3A_1489 = arith.addf %mul3A_1482, %mul3A_1488 : vector<16xf32>
        %get3A_1490 = arith.index_cast %add3A_1320 : i32 to index
        %get3A_1491 = arith.constant 96 : index
        %get3A_1492 = tpu.vector_load %arg13[%get3A_1490, %get3A_1491] {strides = array<i32>} : memref<128x128xf32, #tpu.memory_space<vmem>>, vector<1x16xf32>,
        %get3A_1493 = vector.shape_cast %get3A_1492 : vector<1x16xf32> to vector<16xf32>
        %mul3A_1494 = vector.broadcast %squeeze3A_1326 : f32 to vector<16xf32>
        %mul3A_1495 = arith.mulf %mul3A_1494, %get3A_1493 : vector<16xf32>
        %add3A_1496 = arith.addf %add3A_1489, %mul3A_1495 : vector<16xf32>
        %swap3A_1497 = arith.index_cast %add3A_1320 : i32 to index
        %swap3A_1498 = arith.constant 96 : index
        %swap3A_1499 = tpu.vector_load %arg15[%swap3A_1497, %swap3A_1498] {strides = array<i32>} : memref<128x128xf32, #tpu.memory_space<vmem>>, vector<1x16xf32>,
        %swap3A_1500 = vector.shape_cast %swap3A_1499 : vector<1x16xf32> to vector<16xf32>
        %swap3A_1501 = vector.shape_cast %add3A_1496 : vector<16xf32> to vector<1x16xf32>
        tpu.vector_store %arg15[%swap3A_1497, %swap3A_1498], %swap3A_1501 {strides = array<i32>} : memref<128x128xf32, #tpu.memory_space<vmem>>, vector<1x16xf32>,
        %get3A_1502 = arith.index_cast %add3A_1320 : i32 to index
        %get3A_1503 = arith.constant 112 : index
        %get3A_1504 = tpu.vector_load %arg11[%get3A_1502, %get3A_1503] {strides = array<i32>} : memref<128x128xf32, #tpu.memory_space<vmem>>, vector<1x16xf32>,
        %get3A_1505 = vector.shape_cast %get3A_1504 : vector<1x16xf32> to vector<16xf32>
        %mul3A_1506 = vector.broadcast %squeeze3A_1322 : f32 to vector<16xf32>
        %mul3A_1507 = arith.mulf %mul3A_1506, %get3A_1505 : vector<16xf32>
        %get3A_1508 = arith.index_cast %add3A_1320 : i32 to index
        %get3A_1509 = arith.constant 112 : index
        %get3A_1510 = tpu.vector_load %arg12[%get3A_1508, %get3A_1509] {strides = array<i32>} : memref<128x128xf32, #tpu.memory_space<vmem>>, vector<1x16xf32>,
        %get3A_1511 = vector.shape_cast %get3A_1510 : vector<1x16xf32> to vector<16xf32>
        %mul3A_1512 = vector.broadcast %squeeze3A_1324 : f32 to vector<16xf32>
        %mul3A_1513 = arith.mulf %mul3A_1512, %get3A_1511 : vector<16xf32>
        %add3A_1514 = arith.addf %mul3A_1507, %mul3A_1513 : vector<16xf32>
        %get3A_1515 = arith.index_cast %add3A_1320 : i32 to index
        %get3A_1516 = arith.constant 112 : index
        %get3A_1517 = tpu.vector_load %arg13[%get3A_1515, %get3A_1516] {strides = array<i32>} : memref<128x128xf32, #tpu.memory_space<vmem>>, vector<1x16xf32>,
        %get3A_1518 = vector.shape_cast %get3A_1517 : vector<1x16xf32> to vector<16xf32>
        %mul3A_1519 = vector.broadcast %squeeze3A_1326 : f32 to vector<16xf32>
        %mul3A_1520 = arith.mulf %mul3A_1519, %get3A_1518 : vector<16xf32>
        %add3A_1521 = arith.addf %add3A_1514, %mul3A_1520 : vector<16xf32>
        %swap3A_1522 = arith.index_cast %add3A_1320 : i32 to index
        %swap3A_1523 = arith.constant 112 : index
        %swap3A_1524 = tpu.vector_load %arg15[%swap3A_1522, %swap3A_1523] {strides = array<i32>} : memref<128x128xf32, #tpu.memory_space<vmem>>, vector<1x16xf32>,
        %swap3A_1525 = vector.shape_cast %swap3A_1524 : vector<1x16xf32> to vector<16xf32>
        %swap3A_1526 = vector.shape_cast %add3A_1521 : vector<16xf32> to vector<1x16xf32>
        tpu.vector_store %arg15[%swap3A_1522, %swap3A_1523], %swap3A_1526 {strides = array<i32>} : memref<128x128xf32, #tpu.memory_space<vmem>>, vector<1x16xf32>,
        %mul3A_1527 = arith.constant 16 : i32
        %mul3A_1528 = arith.muli %scan3A_38, %mul3A_1527 : i32
        %add3A_1529 = arith.constant 7 : i32
        %add3A_1530 = arith.addi %mul3A_1528, %add3A_1529 : i32
        %slice3A_1531 = vector.extract_strided_slice %get3A_45 {offsets = [7], sizes = [1], strides = [1]} : vector<16xf32> to vector<1xf32>
        %squeeze3A_1532 = vector.extract %slice3A_1531[0] : f32 from vector<1xf32>
        %slice3A_1533 = vector.extract_strided_slice %get3A_52 {offsets = [7], sizes = [1], strides = [1]} : vector<16xf32> to vector<1xf32>
        %squeeze3A_1534 = vector.extract %slice3A_1533[0] : f32 from vector<1xf32>
        %slice3A_1535 = vector.extract_strided_slice %get3A_59 {offsets = [7], sizes = [1], strides = [1]} : vector<16xf32> to vector<1xf32>
        %squeeze3A_1536 = vector.extract %slice3A_1535[0] : f32 from vector<1xf32>
        %get3A_1537 = arith.index_cast %add3A_1530 : i32 to index
        %get3A_1538 = arith.constant 0 : index
        %get3A_1539 = tpu.vector_load %arg11[%get3A_1537, %get3A_1538] {strides = array<i32>} : memref<128x128xf32, #tpu.memory_space<vmem>>, vector<1x16xf32>,
        %get3A_1540 = vector.shape_cast %get3A_1539 : vector<1x16xf32> to vector<16xf32>
        %mul3A_1541 = vector.broadcast %squeeze3A_1532 : f32 to vector<16xf32>
        %mul3A_1542 = arith.mulf %mul3A_1541, %get3A_1540 : vector<16xf32>
        %get3A_1543 = arith.index_cast %add3A_1530 : i32 to index
        %get3A_1544 = arith.constant 0 : index
        %get3A_1545 = tpu.vector_load %arg12[%get3A_1543, %get3A_1544] {strides = array<i32>} : memref<128x128xf32, #tpu.memory_space<vmem>>, vector<1x16xf32>,
        %get3A_1546 = vector.shape_cast %get3A_1545 : vector<1x16xf32> to vector<16xf32>
        %mul3A_1547 = vector.broadcast %squeeze3A_1534 : f32 to vector<16xf32>
        %mul3A_1548 = arith.mulf %mul3A_1547, %get3A_1546 : vector<16xf32>
        %add3A_1549 = arith.addf %mul3A_1542, %mul3A_1548 : vector<16xf32>
        %get3A_1550 = arith.index_cast %add3A_1530 : i32 to index
        %get3A_1551 = arith.constant 0 : index
        %get3A_1552 = tpu.vector_load %arg13[%get3A_1550, %get3A_1551] {strides = array<i32>} : memref<128x128xf32, #tpu.memory_space<vmem>>, vector<1x16xf32>,
        %get3A_1553 = vector.shape_cast %get3A_1552 : vector<1x16xf32> to vector<16xf32>
        %mul3A_1554 = vector.broadcast %squeeze3A_1536 : f32 to vector<16xf32>
        %mul3A_1555 = arith.mulf %mul3A_1554, %get3A_1553 : vector<16xf32>
        %add3A_1556 = arith.addf %add3A_1549, %mul3A_1555 : vector<16xf32>
        %swap3A_1557 = arith.index_cast %add3A_1530 : i32 to index
        %swap3A_1558 = arith.constant 0 : index
        %swap3A_1559 = tpu.vector_load %arg15[%swap3A_1557, %swap3A_1558] {strides = array<i32>} : memref<128x128xf32, #tpu.memory_space<vmem>>, vector<1x16xf32>,
        %swap3A_1560 = vector.shape_cast %swap3A_1559 : vector<1x16xf32> to vector<16xf32>
        %swap3A_1561 = vector.shape_cast %add3A_1556 : vector<16xf32> to vector<1x16xf32>
        tpu.vector_store %arg15[%swap3A_1557, %swap3A_1558], %swap3A_1561 {strides = array<i32>} : memref<128x128xf32, #tpu.memory_space<vmem>>, vector<1x16xf32>,
        %get3A_1562 = arith.index_cast %add3A_1530 : i32 to index
        %get3A_1563 = arith.constant 16 : index
        %get3A_1564 = tpu.vector_load %arg11[%get3A_1562, %get3A_1563] {strides = array<i32>} : memref<128x128xf32, #tpu.memory_space<vmem>>, vector<1x16xf32>,
        %get3A_1565 = vector.shape_cast %get3A_1564 : vector<1x16xf32> to vector<16xf32>
        %mul3A_1566 = vector.broadcast %squeeze3A_1532 : f32 to vector<16xf32>
        %mul3A_1567 = arith.mulf %mul3A_1566, %get3A_1565 : vector<16xf32>
        %get3A_1568 = arith.index_cast %add3A_1530 : i32 to index
        %get3A_1569 = arith.constant 16 : index
        %get3A_1570 = tpu.vector_load %arg12[%get3A_1568, %get3A_1569] {strides = array<i32>} : memref<128x128xf32, #tpu.memory_space<vmem>>, vector<1x16xf32>,
        %get3A_1571 = vector.shape_cast %get3A_1570 : vector<1x16xf32> to vector<16xf32>
        %mul3A_1572 = vector.broadcast %squeeze3A_1534 : f32 to vector<16xf32>
        %mul3A_1573 = arith.mulf %mul3A_1572, %get3A_1571 : vector<16xf32>
        %add3A_1574 = arith.addf %mul3A_1567, %mul3A_1573 : vector<16xf32>
        %get3A_1575 = arith.index_cast %add3A_1530 : i32 to index
        %get3A_1576 = arith.constant 16 : index
        %get3A_1577 = tpu.vector_load %arg13[%get3A_1575, %get3A_1576] {strides = array<i32>} : memref<128x128xf32, #tpu.memory_space<vmem>>, vector<1x16xf32>,
        %get3A_1578 = vector.shape_cast %get3A_1577 : vector<1x16xf32> to vector<16xf32>
        %mul3A_1579 = vector.broadcast %squeeze3A_1536 : f32 to vector<16xf32>
        %mul3A_1580 = arith.mulf %mul3A_1579, %get3A_1578 : vector<16xf32>
        %add3A_1581 = arith.addf %add3A_1574, %mul3A_1580 : vector<16xf32>
        %swap3A_1582 = arith.index_cast %add3A_1530 : i32 to index
        %swap3A_1583 = arith.constant 16 : index
        %swap3A_1584 = tpu.vector_load %arg15[%swap3A_1582, %swap3A_1583] {strides = array<i32>} : memref<128x128xf32, #tpu.memory_space<vmem>>, vector<1x16xf32>,
        %swap3A_1585 = vector.shape_cast %swap3A_1584 : vector<1x16xf32> to vector<16xf32>
        %swap3A_1586 = vector.shape_cast %add3A_1581 : vector<16xf32> to vector<1x16xf32>
        tpu.vector_store %arg15[%swap3A_1582, %swap3A_1583], %swap3A_1586 {strides = array<i32>} : memref<128x128xf32, #tpu.memory_space<vmem>>, vector<1x16xf32>,
        %get3A_1587 = arith.index_cast %add3A_1530 : i32 to index
        %get3A_1588 = arith.constant 32 : index
        %get3A_1589 = tpu.vector_load %arg11[%get3A_1587, %get3A_1588] {strides = array<i32>} : memref<128x128xf32, #tpu.memory_space<vmem>>, vector<1x16xf32>,
        %get3A_1590 = vector.shape_cast %get3A_1589 : vector<1x16xf32> to vector<16xf32>
        %mul3A_1591 = vector.broadcast %squeeze3A_1532 : f32 to vector<16xf32>
        %mul3A_1592 = arith.mulf %mul3A_1591, %get3A_1590 : vector<16xf32>
        %get3A_1593 = arith.index_cast %add3A_1530 : i32 to index
        %get3A_1594 = arith.constant 32 : index
        %get3A_1595 = tpu.vector_load %arg12[%get3A_1593, %get3A_1594] {strides = array<i32>} : memref<128x128xf32, #tpu.memory_space<vmem>>, vector<1x16xf32>,
        %get3A_1596 = vector.shape_cast %get3A_1595 : vector<1x16xf32> to vector<16xf32>
        %mul3A_1597 = vector.broadcast %squeeze3A_1534 : f32 to vector<16xf32>
        %mul3A_1598 = arith.mulf %mul3A_1597, %get3A_1596 : vector<16xf32>
        %add3A_1599 = arith.addf %mul3A_1592, %mul3A_1598 : vector<16xf32>
        %get3A_1600 = arith.index_cast %add3A_1530 : i32 to index
        %get3A_1601 = arith.constant 32 : index
        %get3A_1602 = tpu.vector_load %arg13[%get3A_1600, %get3A_1601] {strides = array<i32>} : memref<128x128xf32, #tpu.memory_space<vmem>>, vector<1x16xf32>,
        %get3A_1603 = vector.shape_cast %get3A_1602 : vector<1x16xf32> to vector<16xf32>
        %mul3A_1604 = vector.broadcast %squeeze3A_1536 : f32 to vector<16xf32>
        %mul3A_1605 = arith.mulf %mul3A_1604, %get3A_1603 : vector<16xf32>
        %add3A_1606 = arith.addf %add3A_1599, %mul3A_1605 : vector<16xf32>
        %swap3A_1607 = arith.index_cast %add3A_1530 : i32 to index
        %swap3A_1608 = arith.constant 32 : index
        %swap3A_1609 = tpu.vector_load %arg15[%swap3A_1607, %swap3A_1608] {strides = array<i32>} : memref<128x128xf32, #tpu.memory_space<vmem>>, vector<1x16xf32>,
        %swap3A_1610 = vector.shape_cast %swap3A_1609 : vector<1x16xf32> to vector<16xf32>
        %swap3A_1611 = vector.shape_cast %add3A_1606 : vector<16xf32> to vector<1x16xf32>
        tpu.vector_store %arg15[%swap3A_1607, %swap3A_1608], %swap3A_1611 {strides = array<i32>} : memref<128x128xf32, #tpu.memory_space<vmem>>, vector<1x16xf32>,
        %get3A_1612 = arith.index_cast %add3A_1530 : i32 to index
        %get3A_1613 = arith.constant 48 : index
        %get3A_1614 = tpu.vector_load %arg11[%get3A_1612, %get3A_1613] {strides = array<i32>} : memref<128x128xf32, #tpu.memory_space<vmem>>, vector<1x16xf32>,
        %get3A_1615 = vector.shape_cast %get3A_1614 : vector<1x16xf32> to vector<16xf32>
        %mul3A_1616 = vector.broadcast %squeeze3A_1532 : f32 to vector<16xf32>
        %mul3A_1617 = arith.mulf %mul3A_1616, %get3A_1615 : vector<16xf32>
        %get3A_1618 = arith.index_cast %add3A_1530 : i32 to index
        %get3A_1619 = arith.constant 48 : index
        %get3A_1620 = tpu.vector_load %arg12[%get3A_1618, %get3A_1619] {strides = array<i32>} : memref<128x128xf32, #tpu.memory_space<vmem>>, vector<1x16xf32>,
        %get3A_1621 = vector.shape_cast %get3A_1620 : vector<1x16xf32> to vector<16xf32>
        %mul3A_1622 = vector.broadcast %squeeze3A_1534 : f32 to vector<16xf32>
        %mul3A_1623 = arith.mulf %mul3A_1622, %get3A_1621 : vector<16xf32>
        %add3A_1624 = arith.addf %mul3A_1617, %mul3A_1623 : vector<16xf32>
        %get3A_1625 = arith.index_cast %add3A_1530 : i32 to index
        %get3A_1626 = arith.constant 48 : index
        %get3A_1627 = tpu.vector_load %arg13[%get3A_1625, %get3A_1626] {strides = array<i32>} : memref<128x128xf32, #tpu.memory_space<vmem>>, vector<1x16xf32>,
        %get3A_1628 = vector.shape_cast %get3A_1627 : vector<1x16xf32> to vector<16xf32>
        %mul3A_1629 = vector.broadcast %squeeze3A_1536 : f32 to vector<16xf32>
        %mul3A_1630 = arith.mulf %mul3A_1629, %get3A_1628 : vector<16xf32>
        %add3A_1631 = arith.addf %add3A_1624, %mul3A_1630 : vector<16xf32>
        %swap3A_1632 = arith.index_cast %add3A_1530 : i32 to index
        %swap3A_1633 = arith.constant 48 : index
        %swap3A_1634 = tpu.vector_load %arg15[%swap3A_1632, %swap3A_1633] {strides = array<i32>} : memref<128x128xf32, #tpu.memory_space<vmem>>, vector<1x16xf32>,
        %swap3A_1635 = vector.shape_cast %swap3A_1634 : vector<1x16xf32> to vector<16xf32>
        %swap3A_1636 = vector.shape_cast %add3A_1631 : vector<16xf32> to vector<1x16xf32>
        tpu.vector_store %arg15[%swap3A_1632, %swap3A_1633], %swap3A_1636 {strides = array<i32>} : memref<128x128xf32, #tpu.memory_space<vmem>>, vector<1x16xf32>,
        %get3A_1637 = arith.index_cast %add3A_1530 : i32 to index
        %get3A_1638 = arith.constant 64 : index
        %get3A_1639 = tpu.vector_load %arg11[%get3A_1637, %get3A_1638] {strides = array<i32>} : memref<128x128xf32, #tpu.memory_space<vmem>>, vector<1x16xf32>,
        %get3A_1640 = vector.shape_cast %get3A_1639 : vector<1x16xf32> to vector<16xf32>
        %mul3A_1641 = vector.broadcast %squeeze3A_1532 : f32 to vector<16xf32>
        %mul3A_1642 = arith.mulf %mul3A_1641, %get3A_1640 : vector<16xf32>
        %get3A_1643 = arith.index_cast %add3A_1530 : i32 to index
        %get3A_1644 = arith.constant 64 : index
        %get3A_1645 = tpu.vector_load %arg12[%get3A_1643, %get3A_1644] {strides = array<i32>} : memref<128x128xf32, #tpu.memory_space<vmem>>, vector<1x16xf32>,
        %get3A_1646 = vector.shape_cast %get3A_1645 : vector<1x16xf32> to vector<16xf32>
        %mul3A_1647 = vector.broadcast %squeeze3A_1534 : f32 to vector<16xf32>
        %mul3A_1648 = arith.mulf %mul3A_1647, %get3A_1646 : vector<16xf32>
        %add3A_1649 = arith.addf %mul3A_1642, %mul3A_1648 : vector<16xf32>
        %get3A_1650 = arith.index_cast %add3A_1530 : i32 to index
        %get3A_1651 = arith.constant 64 : index
        %get3A_1652 = tpu.vector_load %arg13[%get3A_1650, %get3A_1651] {strides = array<i32>} : memref<128x128xf32, #tpu.memory_space<vmem>>, vector<1x16xf32>,
        %get3A_1653 = vector.shape_cast %get3A_1652 : vector<1x16xf32> to vector<16xf32>
        %mul3A_1654 = vector.broadcast %squeeze3A_1536 : f32 to vector<16xf32>
        %mul3A_1655 = arith.mulf %mul3A_1654, %get3A_1653 : vector<16xf32>
        %add3A_1656 = arith.addf %add3A_1649, %mul3A_1655 : vector<16xf32>
        %swap3A_1657 = arith.index_cast %add3A_1530 : i32 to index
        %swap3A_1658 = arith.constant 64 : index
        %swap3A_1659 = tpu.vector_load %arg15[%swap3A_1657, %swap3A_1658] {strides = array<i32>} : memref<128x128xf32, #tpu.memory_space<vmem>>, vector<1x16xf32>,
        %swap3A_1660 = vector.shape_cast %swap3A_1659 : vector<1x16xf32> to vector<16xf32>
        %swap3A_1661 = vector.shape_cast %add3A_1656 : vector<16xf32> to vector<1x16xf32>
        tpu.vector_store %arg15[%swap3A_1657, %swap3A_1658], %swap3A_1661 {strides = array<i32>} : memref<128x128xf32, #tpu.memory_space<vmem>>, vector<1x16xf32>,
        %get3A_1662 = arith.index_cast %add3A_1530 : i32 to index
        %get3A_1663 = arith.constant 80 : index
        %get3A_1664 = tpu.vector_load %arg11[%get3A_1662, %get3A_1663] {strides = array<i32>} : memref<128x128xf32, #tpu.memory_space<vmem>>, vector<1x16xf32>,
        %get3A_1665 = vector.shape_cast %get3A_1664 : vector<1x16xf32> to vector<16xf32>
        %mul3A_1666 = vector.broadcast %squeeze3A_1532 : f32 to vector<16xf32>
        %mul3A_1667 = arith.mulf %mul3A_1666, %get3A_1665 : vector<16xf32>
        %get3A_1668 = arith.index_cast %add3A_1530 : i32 to index
        %get3A_1669 = arith.constant 80 : index
        %get3A_1670 = tpu.vector_load %arg12[%get3A_1668, %get3A_1669] {strides = array<i32>} : memref<128x128xf32, #tpu.memory_space<vmem>>, vector<1x16xf32>,
        %get3A_1671 = vector.shape_cast %get3A_1670 : vector<1x16xf32> to vector<16xf32>
        %mul3A_1672 = vector.broadcast %squeeze3A_1534 : f32 to vector<16xf32>
        %mul3A_1673 = arith.mulf %mul3A_1672, %get3A_1671 : vector<16xf32>
        %add3A_1674 = arith.addf %mul3A_1667, %mul3A_1673 : vector<16xf32>
        %get3A_1675 = arith.index_cast %add3A_1530 : i32 to index
        %get3A_1676 = arith.constant 80 : index
        %get3A_1677 = tpu.vector_load %arg13[%get3A_1675, %get3A_1676] {strides = array<i32>} : memref<128x128xf32, #tpu.memory_space<vmem>>, vector<1x16xf32>,
        %get3A_1678 = vector.shape_cast %get3A_1677 : vector<1x16xf32> to vector<16xf32>
        %mul3A_1679 = vector.broadcast %squeeze3A_1536 : f32 to vector<16xf32>
        %mul3A_1680 = arith.mulf %mul3A_1679, %get3A_1678 : vector<16xf32>
        %add3A_1681 = arith.addf %add3A_1674, %mul3A_1680 : vector<16xf32>
        %swap3A_1682 = arith.index_cast %add3A_1530 : i32 to index
        %swap3A_1683 = arith.constant 80 : index
        %swap3A_1684 = tpu.vector_load %arg15[%swap3A_1682, %swap3A_1683] {strides = array<i32>} : memref<128x128xf32, #tpu.memory_space<vmem>>, vector<1x16xf32>,
        %swap3A_1685 = vector.shape_cast %swap3A_1684 : vector<1x16xf32> to vector<16xf32>
        %swap3A_1686 = vector.shape_cast %add3A_1681 : vector<16xf32> to vector<1x16xf32>
        tpu.vector_store %arg15[%swap3A_1682, %swap3A_1683], %swap3A_1686 {strides = array<i32>} : memref<128x128xf32, #tpu.memory_space<vmem>>, vector<1x16xf32>,
        %get3A_1687 = arith.index_cast %add3A_1530 : i32 to index
        %get3A_1688 = arith.constant 96 : index
        %get3A_1689 = tpu.vector_load %arg11[%get3A_1687, %get3A_1688] {strides = array<i32>} : memref<128x128xf32, #tpu.memory_space<vmem>>, vector<1x16xf32>,
        %get3A_1690 = vector.shape_cast %get3A_1689 : vector<1x16xf32> to vector<16xf32>
        %mul3A_1691 = vector.broadcast %squeeze3A_1532 : f32 to vector<16xf32>
        %mul3A_1692 = arith.mulf %mul3A_1691, %get3A_1690 : vector<16xf32>
        %get3A_1693 = arith.index_cast %add3A_1530 : i32 to index
        %get3A_1694 = arith.constant 96 : index
        %get3A_1695 = tpu.vector_load %arg12[%get3A_1693, %get3A_1694] {strides = array<i32>} : memref<128x128xf32, #tpu.memory_space<vmem>>, vector<1x16xf32>,
        %get3A_1696 = vector.shape_cast %get3A_1695 : vector<1x16xf32> to vector<16xf32>
        %mul3A_1697 = vector.broadcast %squeeze3A_1534 : f32 to vector<16xf32>
        %mul3A_1698 = arith.mulf %mul3A_1697, %get3A_1696 : vector<16xf32>
        %add3A_1699 = arith.addf %mul3A_1692, %mul3A_1698 : vector<16xf32>
        %get3A_1700 = arith.index_cast %add3A_1530 : i32 to index
        %get3A_1701 = arith.constant 96 : index
        %get3A_1702 = tpu.vector_load %arg13[%get3A_1700, %get3A_1701] {strides = array<i32>} : memref<128x128xf32, #tpu.memory_space<vmem>>, vector<1x16xf32>,
        %get3A_1703 = vector.shape_cast %get3A_1702 : vector<1x16xf32> to vector<16xf32>
        %mul3A_1704 = vector.broadcast %squeeze3A_1536 : f32 to vector<16xf32>
        %mul3A_1705 = arith.mulf %mul3A_1704, %get3A_1703 : vector<16xf32>
        %add3A_1706 = arith.addf %add3A_1699, %mul3A_1705 : vector<16xf32>
        %swap3A_1707 = arith.index_cast %add3A_1530 : i32 to index
        %swap3A_1708 = arith.constant 96 : index
        %swap3A_1709 = tpu.vector_load %arg15[%swap3A_1707, %swap3A_1708] {strides = array<i32>} : memref<128x128xf32, #tpu.memory_space<vmem>>, vector<1x16xf32>,
        %swap3A_1710 = vector.shape_cast %swap3A_1709 : vector<1x16xf32> to vector<16xf32>
        %swap3A_1711 = vector.shape_cast %add3A_1706 : vector<16xf32> to vector<1x16xf32>
        tpu.vector_store %arg15[%swap3A_1707, %swap3A_1708], %swap3A_1711 {strides = array<i32>} : memref<128x128xf32, #tpu.memory_space<vmem>>, vector<1x16xf32>,
        %get3A_1712 = arith.index_cast %add3A_1530 : i32 to index
        %get3A_1713 = arith.constant 112 : index
        %get3A_1714 = tpu.vector_load %arg11[%get3A_1712, %get3A_1713] {strides = array<i32>} : memref<128x128xf32, #tpu.memory_space<vmem>>, vector<1x16xf32>,
        %get3A_1715 = vector.shape_cast %get3A_1714 : vector<1x16xf32> to vector<16xf32>
        %mul3A_1716 = vector.broadcast %squeeze3A_1532 : f32 to vector<16xf32>
        %mul3A_1717 = arith.mulf %mul3A_1716, %get3A_1715 : vector<16xf32>
        %get3A_1718 = arith.index_cast %add3A_1530 : i32 to index
        %get3A_1719 = arith.constant 112 : index
        %get3A_1720 = tpu.vector_load %arg12[%get3A_1718, %get3A_1719] {strides = array<i32>} : memref<128x128xf32, #tpu.memory_space<vmem>>, vector<1x16xf32>,
        %get3A_1721 = vector.shape_cast %get3A_1720 : vector<1x16xf32> to vector<16xf32>
        %mul3A_1722 = vector.broadcast %squeeze3A_1534 : f32 to vector<16xf32>
        %mul3A_1723 = arith.mulf %mul3A_1722, %get3A_1721 : vector<16xf32>
        %add3A_1724 = arith.addf %mul3A_1717, %mul3A_1723 : vector<16xf32>
        %get3A_1725 = arith.index_cast %add3A_1530 : i32 to index
        %get3A_1726 = arith.constant 112 : index
        %get3A_1727 = tpu.vector_load %arg13[%get3A_1725, %get3A_1726] {strides = array<i32>} : memref<128x128xf32, #tpu.memory_space<vmem>>, vector<1x16xf32>,
        %get3A_1728 = vector.shape_cast %get3A_1727 : vector<1x16xf32> to vector<16xf32>
        %mul3A_1729 = vector.broadcast %squeeze3A_1536 : f32 to vector<16xf32>
        %mul3A_1730 = arith.mulf %mul3A_1729, %get3A_1728 : vector<16xf32>
        %add3A_1731 = arith.addf %add3A_1724, %mul3A_1730 : vector<16xf32>
        %swap3A_1732 = arith.index_cast %add3A_1530 : i32 to index
        %swap3A_1733 = arith.constant 112 : index
        %swap3A_1734 = tpu.vector_load %arg15[%swap3A_1732, %swap3A_1733] {strides = array<i32>} : memref<128x128xf32, #tpu.memory_space<vmem>>, vector<1x16xf32>,
        %swap3A_1735 = vector.shape_cast %swap3A_1734 : vector<1x16xf32> to vector<16xf32>
        %swap3A_1736 = vector.shape_cast %add3A_1731 : vector<16xf32> to vector<1x16xf32>
        tpu.vector_store %arg15[%swap3A_1732, %swap3A_1733], %swap3A_1736 {strides = array<i32>} : memref<128x128xf32, #tpu.memory_space<vmem>>, vector<1x16xf32>,
        %mul3A_1737 = arith.constant 16 : i32
        %mul3A_1738 = arith.muli %scan3A_38, %mul3A_1737 : i32
        %add3A_1739 = arith.constant 8 : i32
        %add3A_1740 = arith.addi %mul3A_1738, %add3A_1739 : i32
        %slice3A_1741 = vector.extract_strided_slice %get3A_45 {offsets = [8], sizes = [1], strides = [1]} : vector<16xf32> to vector<1xf32>
        %squeeze3A_1742 = vector.extract %slice3A_1741[0] : f32 from vector<1xf32>
        %slice3A_1743 = vector.extract_strided_slice %get3A_52 {offsets = [8], sizes = [1], strides = [1]} : vector<16xf32> to vector<1xf32>
        %squeeze3A_1744 = vector.extract %slice3A_1743[0] : f32 from vector<1xf32>
        %slice3A_1745 = vector.extract_strided_slice %get3A_59 {offsets = [8], sizes = [1], strides = [1]} : vector<16xf32> to vector<1xf32>
        %squeeze3A_1746 = vector.extract %slice3A_1745[0] : f32 from vector<1xf32>
        %get3A_1747 = arith.index_cast %add3A_1740 : i32 to index
        %get3A_1748 = arith.constant 0 : index
        %get3A_1749 = tpu.vector_load %arg11[%get3A_1747, %get3A_1748] {strides = array<i32>} : memref<128x128xf32, #tpu.memory_space<vmem>>, vector<1x16xf32>,
        %get3A_1750 = vector.shape_cast %get3A_1749 : vector<1x16xf32> to vector<16xf32>
        %mul3A_1751 = vector.broadcast %squeeze3A_1742 : f32 to vector<16xf32>
        %mul3A_1752 = arith.mulf %mul3A_1751, %get3A_1750 : vector<16xf32>
        %get3A_1753 = arith.index_cast %add3A_1740 : i32 to index
        %get3A_1754 = arith.constant 0 : index
        %get3A_1755 = tpu.vector_load %arg12[%get3A_1753, %get3A_1754] {strides = array<i32>} : memref<128x128xf32, #tpu.memory_space<vmem>>, vector<1x16xf32>,
        %get3A_1756 = vector.shape_cast %get3A_1755 : vector<1x16xf32> to vector<16xf32>
        %mul3A_1757 = vector.broadcast %squeeze3A_1744 : f32 to vector<16xf32>
        %mul3A_1758 = arith.mulf %mul3A_1757, %get3A_1756 : vector<16xf32>
        %add3A_1759 = arith.addf %mul3A_1752, %mul3A_1758 : vector<16xf32>
        %get3A_1760 = arith.index_cast %add3A_1740 : i32 to index
        %get3A_1761 = arith.constant 0 : index
        %get3A_1762 = tpu.vector_load %arg13[%get3A_1760, %get3A_1761] {strides = array<i32>} : memref<128x128xf32, #tpu.memory_space<vmem>>, vector<1x16xf32>,
        %get3A_1763 = vector.shape_cast %get3A_1762 : vector<1x16xf32> to vector<16xf32>
        %mul3A_1764 = vector.broadcast %squeeze3A_1746 : f32 to vector<16xf32>
        %mul3A_1765 = arith.mulf %mul3A_1764, %get3A_1763 : vector<16xf32>
        %add3A_1766 = arith.addf %add3A_1759, %mul3A_1765 : vector<16xf32>
        %swap3A_1767 = arith.index_cast %add3A_1740 : i32 to index
        %swap3A_1768 = arith.constant 0 : index
        %swap3A_1769 = tpu.vector_load %arg15[%swap3A_1767, %swap3A_1768] {strides = array<i32>} : memref<128x128xf32, #tpu.memory_space<vmem>>, vector<1x16xf32>,
        %swap3A_1770 = vector.shape_cast %swap3A_1769 : vector<1x16xf32> to vector<16xf32>
        %swap3A_1771 = vector.shape_cast %add3A_1766 : vector<16xf32> to vector<1x16xf32>
        tpu.vector_store %arg15[%swap3A_1767, %swap3A_1768], %swap3A_1771 {strides = array<i32>} : memref<128x128xf32, #tpu.memory_space<vmem>>, vector<1x16xf32>,
        %get3A_1772 = arith.index_cast %add3A_1740 : i32 to index
        %get3A_1773 = arith.constant 16 : index
        %get3A_1774 = tpu.vector_load %arg11[%get3A_1772, %get3A_1773] {strides = array<i32>} : memref<128x128xf32, #tpu.memory_space<vmem>>, vector<1x16xf32>,
        %get3A_1775 = vector.shape_cast %get3A_1774 : vector<1x16xf32> to vector<16xf32>
        %mul3A_1776 = vector.broadcast %squeeze3A_1742 : f32 to vector<16xf32>
        %mul3A_1777 = arith.mulf %mul3A_1776, %get3A_1775 : vector<16xf32>
        %get3A_1778 = arith.index_cast %add3A_1740 : i32 to index
        %get3A_1779 = arith.constant 16 : index
        %get3A_1780 = tpu.vector_load %arg12[%get3A_1778, %get3A_1779] {strides = array<i32>} : memref<128x128xf32, #tpu.memory_space<vmem>>, vector<1x16xf32>,
        %get3A_1781 = vector.shape_cast %get3A_1780 : vector<1x16xf32> to vector<16xf32>
        %mul3A_1782 = vector.broadcast %squeeze3A_1744 : f32 to vector<16xf32>
        %mul3A_1783 = arith.mulf %mul3A_1782, %get3A_1781 : vector<16xf32>
        %add3A_1784 = arith.addf %mul3A_1777, %mul3A_1783 : vector<16xf32>
        %get3A_1785 = arith.index_cast %add3A_1740 : i32 to index
        %get3A_1786 = arith.constant 16 : index
        %get3A_1787 = tpu.vector_load %arg13[%get3A_1785, %get3A_1786] {strides = array<i32>} : memref<128x128xf32, #tpu.memory_space<vmem>>, vector<1x16xf32>,
        %get3A_1788 = vector.shape_cast %get3A_1787 : vector<1x16xf32> to vector<16xf32>
        %mul3A_1789 = vector.broadcast %squeeze3A_1746 : f32 to vector<16xf32>
        %mul3A_1790 = arith.mulf %mul3A_1789, %get3A_1788 : vector<16xf32>
        %add3A_1791 = arith.addf %add3A_1784, %mul3A_1790 : vector<16xf32>
        %swap3A_1792 = arith.index_cast %add3A_1740 : i32 to index
        %swap3A_1793 = arith.constant 16 : index
        %swap3A_1794 = tpu.vector_load %arg15[%swap3A_1792, %swap3A_1793] {strides = array<i32>} : memref<128x128xf32, #tpu.memory_space<vmem>>, vector<1x16xf32>,
        %swap3A_1795 = vector.shape_cast %swap3A_1794 : vector<1x16xf32> to vector<16xf32>
        %swap3A_1796 = vector.shape_cast %add3A_1791 : vector<16xf32> to vector<1x16xf32>
        tpu.vector_store %arg15[%swap3A_1792, %swap3A_1793], %swap3A_1796 {strides = array<i32>} : memref<128x128xf32, #tpu.memory_space<vmem>>, vector<1x16xf32>,
        %get3A_1797 = arith.index_cast %add3A_1740 : i32 to index
        %get3A_1798 = arith.constant 32 : index
        %get3A_1799 = tpu.vector_load %arg11[%get3A_1797, %get3A_1798] {strides = array<i32>} : memref<128x128xf32, #tpu.memory_space<vmem>>, vector<1x16xf32>,
        %get3A_1800 = vector.shape_cast %get3A_1799 : vector<1x16xf32> to vector<16xf32>
        %mul3A_1801 = vector.broadcast %squeeze3A_1742 : f32 to vector<16xf32>
        %mul3A_1802 = arith.mulf %mul3A_1801, %get3A_1800 : vector<16xf32>
        %get3A_1803 = arith.index_cast %add3A_1740 : i32 to index
        %get3A_1804 = arith.constant 32 : index
        %get3A_1805 = tpu.vector_load %arg12[%get3A_1803, %get3A_1804] {strides = array<i32>} : memref<128x128xf32, #tpu.memory_space<vmem>>, vector<1x16xf32>,
        %get3A_1806 = vector.shape_cast %get3A_1805 : vector<1x16xf32> to vector<16xf32>
        %mul3A_1807 = vector.broadcast %squeeze3A_1744 : f32 to vector<16xf32>
        %mul3A_1808 = arith.mulf %mul3A_1807, %get3A_1806 : vector<16xf32>
        %add3A_1809 = arith.addf %mul3A_1802, %mul3A_1808 : vector<16xf32>
        %get3A_1810 = arith.index_cast %add3A_1740 : i32 to index
        %get3A_1811 = arith.constant 32 : index
        %get3A_1812 = tpu.vector_load %arg13[%get3A_1810, %get3A_1811] {strides = array<i32>} : memref<128x128xf32, #tpu.memory_space<vmem>>, vector<1x16xf32>,
        %get3A_1813 = vector.shape_cast %get3A_1812 : vector<1x16xf32> to vector<16xf32>
        %mul3A_1814 = vector.broadcast %squeeze3A_1746 : f32 to vector<16xf32>
        %mul3A_1815 = arith.mulf %mul3A_1814, %get3A_1813 : vector<16xf32>
        %add3A_1816 = arith.addf %add3A_1809, %mul3A_1815 : vector<16xf32>
        %swap3A_1817 = arith.index_cast %add3A_1740 : i32 to index
        %swap3A_1818 = arith.constant 32 : index
        %swap3A_1819 = tpu.vector_load %arg15[%swap3A_1817, %swap3A_1818] {strides = array<i32>} : memref<128x128xf32, #tpu.memory_space<vmem>>, vector<1x16xf32>,
        %swap3A_1820 = vector.shape_cast %swap3A_1819 : vector<1x16xf32> to vector<16xf32>
        %swap3A_1821 = vector.shape_cast %add3A_1816 : vector<16xf32> to vector<1x16xf32>
        tpu.vector_store %arg15[%swap3A_1817, %swap3A_1818], %swap3A_1821 {strides = array<i32>} : memref<128x128xf32, #tpu.memory_space<vmem>>, vector<1x16xf32>,
        %get3A_1822 = arith.index_cast %add3A_1740 : i32 to index
        %get3A_1823 = arith.constant 48 : index
        %get3A_1824 = tpu.vector_load %arg11[%get3A_1822, %get3A_1823] {strides = array<i32>} : memref<128x128xf32, #tpu.memory_space<vmem>>, vector<1x16xf32>,
        %get3A_1825 = vector.shape_cast %get3A_1824 : vector<1x16xf32> to vector<16xf32>
        %mul3A_1826 = vector.broadcast %squeeze3A_1742 : f32 to vector<16xf32>
        %mul3A_1827 = arith.mulf %mul3A_1826, %get3A_1825 : vector<16xf32>
        %get3A_1828 = arith.index_cast %add3A_1740 : i32 to index
        %get3A_1829 = arith.constant 48 : index
        %get3A_1830 = tpu.vector_load %arg12[%get3A_1828, %get3A_1829] {strides = array<i32>} : memref<128x128xf32, #tpu.memory_space<vmem>>, vector<1x16xf32>,
        %get3A_1831 = vector.shape_cast %get3A_1830 : vector<1x16xf32> to vector<16xf32>
        %mul3A_1832 = vector.broadcast %squeeze3A_1744 : f32 to vector<16xf32>
        %mul3A_1833 = arith.mulf %mul3A_1832, %get3A_1831 : vector<16xf32>
        %add3A_1834 = arith.addf %mul3A_1827, %mul3A_1833 : vector<16xf32>
        %get3A_1835 = arith.index_cast %add3A_1740 : i32 to index
        %get3A_1836 = arith.constant 48 : index
        %get3A_1837 = tpu.vector_load %arg13[%get3A_1835, %get3A_1836] {strides = array<i32>} : memref<128x128xf32, #tpu.memory_space<vmem>>, vector<1x16xf32>,
        %get3A_1838 = vector.shape_cast %get3A_1837 : vector<1x16xf32> to vector<16xf32>
        %mul3A_1839 = vector.broadcast %squeeze3A_1746 : f32 to vector<16xf32>
        %mul3A_1840 = arith.mulf %mul3A_1839, %get3A_1838 : vector<16xf32>
        %add3A_1841 = arith.addf %add3A_1834, %mul3A_1840 : vector<16xf32>
        %swap3A_1842 = arith.index_cast %add3A_1740 : i32 to index
        %swap3A_1843 = arith.constant 48 : index
        %swap3A_1844 = tpu.vector_load %arg15[%swap3A_1842, %swap3A_1843] {strides = array<i32>} : memref<128x128xf32, #tpu.memory_space<vmem>>, vector<1x16xf32>,
        %swap3A_1845 = vector.shape_cast %swap3A_1844 : vector<1x16xf32> to vector<16xf32>
        %swap3A_1846 = vector.shape_cast %add3A_1841 : vector<16xf32> to vector<1x16xf32>
        tpu.vector_store %arg15[%swap3A_1842, %swap3A_1843], %swap3A_1846 {strides = array<i32>} : memref<128x128xf32, #tpu.memory_space<vmem>>, vector<1x16xf32>,
        %get3A_1847 = arith.index_cast %add3A_1740 : i32 to index
        %get3A_1848 = arith.constant 64 : index
        %get3A_1849 = tpu.vector_load %arg11[%get3A_1847, %get3A_1848] {strides = array<i32>} : memref<128x128xf32, #tpu.memory_space<vmem>>, vector<1x16xf32>,
        %get3A_1850 = vector.shape_cast %get3A_1849 : vector<1x16xf32> to vector<16xf32>
        %mul3A_1851 = vector.broadcast %squeeze3A_1742 : f32 to vector<16xf32>
        %mul3A_1852 = arith.mulf %mul3A_1851, %get3A_1850 : vector<16xf32>
        %get3A_1853 = arith.index_cast %add3A_1740 : i32 to index
        %get3A_1854 = arith.constant 64 : index
        %get3A_1855 = tpu.vector_load %arg12[%get3A_1853, %get3A_1854] {strides = array<i32>} : memref<128x128xf32, #tpu.memory_space<vmem>>, vector<1x16xf32>,
        %get3A_1856 = vector.shape_cast %get3A_1855 : vector<1x16xf32> to vector<16xf32>
        %mul3A_1857 = vector.broadcast %squeeze3A_1744 : f32 to vector<16xf32>
        %mul3A_1858 = arith.mulf %mul3A_1857, %get3A_1856 : vector<16xf32>
        %add3A_1859 = arith.addf %mul3A_1852, %mul3A_1858 : vector<16xf32>
        %get3A_1860 = arith.index_cast %add3A_1740 : i32 to index
        %get3A_1861 = arith.constant 64 : index
        %get3A_1862 = tpu.vector_load %arg13[%get3A_1860, %get3A_1861] {strides = array<i32>} : memref<128x128xf32, #tpu.memory_space<vmem>>, vector<1x16xf32>,
        %get3A_1863 = vector.shape_cast %get3A_1862 : vector<1x16xf32> to vector<16xf32>
        %mul3A_1864 = vector.broadcast %squeeze3A_1746 : f32 to vector<16xf32>
        %mul3A_1865 = arith.mulf %mul3A_1864, %get3A_1863 : vector<16xf32>
        %add3A_1866 = arith.addf %add3A_1859, %mul3A_1865 : vector<16xf32>
        %swap3A_1867 = arith.index_cast %add3A_1740 : i32 to index
        %swap3A_1868 = arith.constant 64 : index
        %swap3A_1869 = tpu.vector_load %arg15[%swap3A_1867, %swap3A_1868] {strides = array<i32>} : memref<128x128xf32, #tpu.memory_space<vmem>>, vector<1x16xf32>,
        %swap3A_1870 = vector.shape_cast %swap3A_1869 : vector<1x16xf32> to vector<16xf32>
        %swap3A_1871 = vector.shape_cast %add3A_1866 : vector<16xf32> to vector<1x16xf32>
        tpu.vector_store %arg15[%swap3A_1867, %swap3A_1868], %swap3A_1871 {strides = array<i32>} : memref<128x128xf32, #tpu.memory_space<vmem>>, vector<1x16xf32>,
        %get3A_1872 = arith.index_cast %add3A_1740 : i32 to index
        %get3A_1873 = arith.constant 80 : index
        %get3A_1874 = tpu.vector_load %arg11[%get3A_1872, %get3A_1873] {strides = array<i32>} : memref<128x128xf32, #tpu.memory_space<vmem>>, vector<1x16xf32>,
        %get3A_1875 = vector.shape_cast %get3A_1874 : vector<1x16xf32> to vector<16xf32>
        %mul3A_1876 = vector.broadcast %squeeze3A_1742 : f32 to vector<16xf32>
        %mul3A_1877 = arith.mulf %mul3A_1876, %get3A_1875 : vector<16xf32>
        %get3A_1878 = arith.index_cast %add3A_1740 : i32 to index
        %get3A_1879 = arith.constant 80 : index
        %get3A_1880 = tpu.vector_load %arg12[%get3A_1878, %get3A_1879] {strides = array<i32>} : memref<128x128xf32, #tpu.memory_space<vmem>>, vector<1x16xf32>,
        %get3A_1881 = vector.shape_cast %get3A_1880 : vector<1x16xf32> to vector<16xf32>
        %mul3A_1882 = vector.broadcast %squeeze3A_1744 : f32 to vector<16xf32>
        %mul3A_1883 = arith.mulf %mul3A_1882, %get3A_1881 : vector<16xf32>
        %add3A_1884 = arith.addf %mul3A_1877, %mul3A_1883 : vector<16xf32>
        %get3A_1885 = arith.index_cast %add3A_1740 : i32 to index
        %get3A_1886 = arith.constant 80 : index
        %get3A_1887 = tpu.vector_load %arg13[%get3A_1885, %get3A_1886] {strides = array<i32>} : memref<128x128xf32, #tpu.memory_space<vmem>>, vector<1x16xf32>,
        %get3A_1888 = vector.shape_cast %get3A_1887 : vector<1x16xf32> to vector<16xf32>
        %mul3A_1889 = vector.broadcast %squeeze3A_1746 : f32 to vector<16xf32>
        %mul3A_1890 = arith.mulf %mul3A_1889, %get3A_1888 : vector<16xf32>
        %add3A_1891 = arith.addf %add3A_1884, %mul3A_1890 : vector<16xf32>
        %swap3A_1892 = arith.index_cast %add3A_1740 : i32 to index
        %swap3A_1893 = arith.constant 80 : index
        %swap3A_1894 = tpu.vector_load %arg15[%swap3A_1892, %swap3A_1893] {strides = array<i32>} : memref<128x128xf32, #tpu.memory_space<vmem>>, vector<1x16xf32>,
        %swap3A_1895 = vector.shape_cast %swap3A_1894 : vector<1x16xf32> to vector<16xf32>
        %swap3A_1896 = vector.shape_cast %add3A_1891 : vector<16xf32> to vector<1x16xf32>
        tpu.vector_store %arg15[%swap3A_1892, %swap3A_1893], %swap3A_1896 {strides = array<i32>} : memref<128x128xf32, #tpu.memory_space<vmem>>, vector<1x16xf32>,
        %get3A_1897 = arith.index_cast %add3A_1740 : i32 to index
        %get3A_1898 = arith.constant 96 : index
        %get3A_1899 = tpu.vector_load %arg11[%get3A_1897, %get3A_1898] {strides = array<i32>} : memref<128x128xf32, #tpu.memory_space<vmem>>, vector<1x16xf32>,
        %get3A_1900 = vector.shape_cast %get3A_1899 : vector<1x16xf32> to vector<16xf32>
        %mul3A_1901 = vector.broadcast %squeeze3A_1742 : f32 to vector<16xf32>
        %mul3A_1902 = arith.mulf %mul3A_1901, %get3A_1900 : vector<16xf32>
        %get3A_1903 = arith.index_cast %add3A_1740 : i32 to index
        %get3A_1904 = arith.constant 96 : index
        %get3A_1905 = tpu.vector_load %arg12[%get3A_1903, %get3A_1904] {strides = array<i32>} : memref<128x128xf32, #tpu.memory_space<vmem>>, vector<1x16xf32>,
        %get3A_1906 = vector.shape_cast %get3A_1905 : vector<1x16xf32> to vector<16xf32>
        %mul3A_1907 = vector.broadcast %squeeze3A_1744 : f32 to vector<16xf32>
        %mul3A_1908 = arith.mulf %mul3A_1907, %get3A_1906 : vector<16xf32>
        %add3A_1909 = arith.addf %mul3A_1902, %mul3A_1908 : vector<16xf32>
        %get3A_1910 = arith.index_cast %add3A_1740 : i32 to index
        %get3A_1911 = arith.constant 96 : index
        %get3A_1912 = tpu.vector_load %arg13[%get3A_1910, %get3A_1911] {strides = array<i32>} : memref<128x128xf32, #tpu.memory_space<vmem>>, vector<1x16xf32>,
        %get3A_1913 = vector.shape_cast %get3A_1912 : vector<1x16xf32> to vector<16xf32>
        %mul3A_1914 = vector.broadcast %squeeze3A_1746 : f32 to vector<16xf32>
        %mul3A_1915 = arith.mulf %mul3A_1914, %get3A_1913 : vector<16xf32>
        %add3A_1916 = arith.addf %add3A_1909, %mul3A_1915 : vector<16xf32>
        %swap3A_1917 = arith.index_cast %add3A_1740 : i32 to index
        %swap3A_1918 = arith.constant 96 : index
        %swap3A_1919 = tpu.vector_load %arg15[%swap3A_1917, %swap3A_1918] {strides = array<i32>} : memref<128x128xf32, #tpu.memory_space<vmem>>, vector<1x16xf32>,
        %swap3A_1920 = vector.shape_cast %swap3A_1919 : vector<1x16xf32> to vector<16xf32>
        %swap3A_1921 = vector.shape_cast %add3A_1916 : vector<16xf32> to vector<1x16xf32>
        tpu.vector_store %arg15[%swap3A_1917, %swap3A_1918], %swap3A_1921 {strides = array<i32>} : memref<128x128xf32, #tpu.memory_space<vmem>>, vector<1x16xf32>,
        %get3A_1922 = arith.index_cast %add3A_1740 : i32 to index
        %get3A_1923 = arith.constant 112 : index
        %get3A_1924 = tpu.vector_load %arg11[%get3A_1922, %get3A_1923] {strides = array<i32>} : memref<128x128xf32, #tpu.memory_space<vmem>>, vector<1x16xf32>,
        %get3A_1925 = vector.shape_cast %get3A_1924 : vector<1x16xf32> to vector<16xf32>
        %mul3A_1926 = vector.broadcast %squeeze3A_1742 : f32 to vector<16xf32>
        %mul3A_1927 = arith.mulf %mul3A_1926, %get3A_1925 : vector<16xf32>
        %get3A_1928 = arith.index_cast %add3A_1740 : i32 to index
        %get3A_1929 = arith.constant 112 : index
        %get3A_1930 = tpu.vector_load %arg12[%get3A_1928, %get3A_1929] {strides = array<i32>} : memref<128x128xf32, #tpu.memory_space<vmem>>, vector<1x16xf32>,
        %get3A_1931 = vector.shape_cast %get3A_1930 : vector<1x16xf32> to vector<16xf32>
        %mul3A_1932 = vector.broadcast %squeeze3A_1744 : f32 to vector<16xf32>
        %mul3A_1933 = arith.mulf %mul3A_1932, %get3A_1931 : vector<16xf32>
        %add3A_1934 = arith.addf %mul3A_1927, %mul3A_1933 : vector<16xf32>
        %get3A_1935 = arith.index_cast %add3A_1740 : i32 to index
        %get3A_1936 = arith.constant 112 : index
        %get3A_1937 = tpu.vector_load %arg13[%get3A_1935, %get3A_1936] {strides = array<i32>} : memref<128x128xf32, #tpu.memory_space<vmem>>, vector<1x16xf32>,
        %get3A_1938 = vector.shape_cast %get3A_1937 : vector<1x16xf32> to vector<16xf32>
        %mul3A_1939 = vector.broadcast %squeeze3A_1746 : f32 to vector<16xf32>
        %mul3A_1940 = arith.mulf %mul3A_1939, %get3A_1938 : vector<16xf32>
        %add3A_1941 = arith.addf %add3A_1934, %mul3A_1940 : vector<16xf32>
        %swap3A_1942 = arith.index_cast %add3A_1740 : i32 to index
        %swap3A_1943 = arith.constant 112 : index
        %swap3A_1944 = tpu.vector_load %arg15[%swap3A_1942, %swap3A_1943] {strides = array<i32>} : memref<128x128xf32, #tpu.memory_space<vmem>>, vector<1x16xf32>,
        %swap3A_1945 = vector.shape_cast %swap3A_1944 : vector<1x16xf32> to vector<16xf32>
        %swap3A_1946 = vector.shape_cast %add3A_1941 : vector<16xf32> to vector<1x16xf32>
        tpu.vector_store %arg15[%swap3A_1942, %swap3A_1943], %swap3A_1946 {strides = array<i32>} : memref<128x128xf32, #tpu.memory_space<vmem>>, vector<1x16xf32>,
        %mul3A_1947 = arith.constant 16 : i32
        %mul3A_1948 = arith.muli %scan3A_38, %mul3A_1947 : i32
        %add3A_1949 = arith.constant 9 : i32
        %add3A_1950 = arith.addi %mul3A_1948, %add3A_1949 : i32
        %slice3A_1951 = vector.extract_strided_slice %get3A_45 {offsets = [9], sizes = [1], strides = [1]} : vector<16xf32> to vector<1xf32>
        %squeeze3A_1952 = vector.extract %slice3A_1951[0] : f32 from vector<1xf32>
        %slice3A_1953 = vector.extract_strided_slice %get3A_52 {offsets = [9], sizes = [1], strides = [1]} : vector<16xf32> to vector<1xf32>
        %squeeze3A_1954 = vector.extract %slice3A_1953[0] : f32 from vector<1xf32>
        %slice3A_1955 = vector.extract_strided_slice %get3A_59 {offsets = [9], sizes = [1], strides = [1]} : vector<16xf32> to vector<1xf32>
        %squeeze3A_1956 = vector.extract %slice3A_1955[0] : f32 from vector<1xf32>
        %get3A_1957 = arith.index_cast %add3A_1950 : i32 to index
        %get3A_1958 = arith.constant 0 : index
        %get3A_1959 = tpu.vector_load %arg11[%get3A_1957, %get3A_1958] {strides = array<i32>} : memref<128x128xf32, #tpu.memory_space<vmem>>, vector<1x16xf32>,
        %get3A_1960 = vector.shape_cast %get3A_1959 : vector<1x16xf32> to vector<16xf32>
        %mul3A_1961 = vector.broadcast %squeeze3A_1952 : f32 to vector<16xf32>
        %mul3A_1962 = arith.mulf %mul3A_1961, %get3A_1960 : vector<16xf32>
        %get3A_1963 = arith.index_cast %add3A_1950 : i32 to index
        %get3A_1964 = arith.constant 0 : index
        %get3A_1965 = tpu.vector_load %arg12[%get3A_1963, %get3A_1964] {strides = array<i32>} : memref<128x128xf32, #tpu.memory_space<vmem>>, vector<1x16xf32>,
        %get3A_1966 = vector.shape_cast %get3A_1965 : vector<1x16xf32> to vector<16xf32>
        %mul3A_1967 = vector.broadcast %squeeze3A_1954 : f32 to vector<16xf32>
        %mul3A_1968 = arith.mulf %mul3A_1967, %get3A_1966 : vector<16xf32>
        %add3A_1969 = arith.addf %mul3A_1962, %mul3A_1968 : vector<16xf32>
        %get3A_1970 = arith.index_cast %add3A_1950 : i32 to index
        %get3A_1971 = arith.constant 0 : index
        %get3A_1972 = tpu.vector_load %arg13[%get3A_1970, %get3A_1971] {strides = array<i32>} : memref<128x128xf32, #tpu.memory_space<vmem>>, vector<1x16xf32>,
        %get3A_1973 = vector.shape_cast %get3A_1972 : vector<1x16xf32> to vector<16xf32>
        %mul3A_1974 = vector.broadcast %squeeze3A_1956 : f32 to vector<16xf32>
        %mul3A_1975 = arith.mulf %mul3A_1974, %get3A_1973 : vector<16xf32>
        %add3A_1976 = arith.addf %add3A_1969, %mul3A_1975 : vector<16xf32>
        %swap3A_1977 = arith.index_cast %add3A_1950 : i32 to index
        %swap3A_1978 = arith.constant 0 : index
        %swap3A_1979 = tpu.vector_load %arg15[%swap3A_1977, %swap3A_1978] {strides = array<i32>} : memref<128x128xf32, #tpu.memory_space<vmem>>, vector<1x16xf32>,
        %swap3A_1980 = vector.shape_cast %swap3A_1979 : vector<1x16xf32> to vector<16xf32>
        %swap3A_1981 = vector.shape_cast %add3A_1976 : vector<16xf32> to vector<1x16xf32>
        tpu.vector_store %arg15[%swap3A_1977, %swap3A_1978], %swap3A_1981 {strides = array<i32>} : memref<128x128xf32, #tpu.memory_space<vmem>>, vector<1x16xf32>,
        %get3A_1982 = arith.index_cast %add3A_1950 : i32 to index
        %get3A_1983 = arith.constant 16 : index
        %get3A_1984 = tpu.vector_load %arg11[%get3A_1982, %get3A_1983] {strides = array<i32>} : memref<128x128xf32, #tpu.memory_space<vmem>>, vector<1x16xf32>,
        %get3A_1985 = vector.shape_cast %get3A_1984 : vector<1x16xf32> to vector<16xf32>
        %mul3A_1986 = vector.broadcast %squeeze3A_1952 : f32 to vector<16xf32>
        %mul3A_1987 = arith.mulf %mul3A_1986, %get3A_1985 : vector<16xf32>
        %get3A_1988 = arith.index_cast %add3A_1950 : i32 to index
        %get3A_1989 = arith.constant 16 : index
        %get3A_1990 = tpu.vector_load %arg12[%get3A_1988, %get3A_1989] {strides = array<i32>} : memref<128x128xf32, #tpu.memory_space<vmem>>, vector<1x16xf32>,
        %get3A_1991 = vector.shape_cast %get3A_1990 : vector<1x16xf32> to vector<16xf32>
        %mul3A_1992 = vector.broadcast %squeeze3A_1954 : f32 to vector<16xf32>
        %mul3A_1993 = arith.mulf %mul3A_1992, %get3A_1991 : vector<16xf32>
        %add3A_1994 = arith.addf %mul3A_1987, %mul3A_1993 : vector<16xf32>
        %get3A_1995 = arith.index_cast %add3A_1950 : i32 to index
        %get3A_1996 = arith.constant 16 : index
        %get3A_1997 = tpu.vector_load %arg13[%get3A_1995, %get3A_1996] {strides = array<i32>} : memref<128x128xf32, #tpu.memory_space<vmem>>, vector<1x16xf32>,
        %get3A_1998 = vector.shape_cast %get3A_1997 : vector<1x16xf32> to vector<16xf32>
        %mul3A_1999 = vector.broadcast %squeeze3A_1956 : f32 to vector<16xf32>
        %mul3A_2000 = arith.mulf %mul3A_1999, %get3A_1998 : vector<16xf32>
        %add3A_2001 = arith.addf %add3A_1994, %mul3A_2000 : vector<16xf32>
        %swap3A_2002 = arith.index_cast %add3A_1950 : i32 to index
        %swap3A_2003 = arith.constant 16 : index
        %swap3A_2004 = tpu.vector_load %arg15[%swap3A_2002, %swap3A_2003] {strides = array<i32>} : memref<128x128xf32, #tpu.memory_space<vmem>>, vector<1x16xf32>,
        %swap3A_2005 = vector.shape_cast %swap3A_2004 : vector<1x16xf32> to vector<16xf32>
        %swap3A_2006 = vector.shape_cast %add3A_2001 : vector<16xf32> to vector<1x16xf32>
        tpu.vector_store %arg15[%swap3A_2002, %swap3A_2003], %swap3A_2006 {strides = array<i32>} : memref<128x128xf32, #tpu.memory_space<vmem>>, vector<1x16xf32>,
        %get3A_2007 = arith.index_cast %add3A_1950 : i32 to index
        %get3A_2008 = arith.constant 32 : index
        %get3A_2009 = tpu.vector_load %arg11[%get3A_2007, %get3A_2008] {strides = array<i32>} : memref<128x128xf32, #tpu.memory_space<vmem>>, vector<1x16xf32>,
        %get3A_2010 = vector.shape_cast %get3A_2009 : vector<1x16xf32> to vector<16xf32>
        %mul3A_2011 = vector.broadcast %squeeze3A_1952 : f32 to vector<16xf32>
        %mul3A_2012 = arith.mulf %mul3A_2011, %get3A_2010 : vector<16xf32>
        %get3A_2013 = arith.index_cast %add3A_1950 : i32 to index
        %get3A_2014 = arith.constant 32 : index
        %get3A_2015 = tpu.vector_load %arg12[%get3A_2013, %get3A_2014] {strides = array<i32>} : memref<128x128xf32, #tpu.memory_space<vmem>>, vector<1x16xf32>,
        %get3A_2016 = vector.shape_cast %get3A_2015 : vector<1x16xf32> to vector<16xf32>
        %mul3A_2017 = vector.broadcast %squeeze3A_1954 : f32 to vector<16xf32>
        %mul3A_2018 = arith.mulf %mul3A_2017, %get3A_2016 : vector<16xf32>
        %add3A_2019 = arith.addf %mul3A_2012, %mul3A_2018 : vector<16xf32>
        %get3A_2020 = arith.index_cast %add3A_1950 : i32 to index
        %get3A_2021 = arith.constant 32 : index
        %get3A_2022 = tpu.vector_load %arg13[%get3A_2020, %get3A_2021] {strides = array<i32>} : memref<128x128xf32, #tpu.memory_space<vmem>>, vector<1x16xf32>,
        %get3A_2023 = vector.shape_cast %get3A_2022 : vector<1x16xf32> to vector<16xf32>
        %mul3A_2024 = vector.broadcast %squeeze3A_1956 : f32 to vector<16xf32>
        %mul3A_2025 = arith.mulf %mul3A_2024, %get3A_2023 : vector<16xf32>
        %add3A_2026 = arith.addf %add3A_2019, %mul3A_2025 : vector<16xf32>
        %swap3A_2027 = arith.index_cast %add3A_1950 : i32 to index
        %swap3A_2028 = arith.constant 32 : index
        %swap3A_2029 = tpu.vector_load %arg15[%swap3A_2027, %swap3A_2028] {strides = array<i32>} : memref<128x128xf32, #tpu.memory_space<vmem>>, vector<1x16xf32>,
        %swap3A_2030 = vector.shape_cast %swap3A_2029 : vector<1x16xf32> to vector<16xf32>
        %swap3A_2031 = vector.shape_cast %add3A_2026 : vector<16xf32> to vector<1x16xf32>
        tpu.vector_store %arg15[%swap3A_2027, %swap3A_2028], %swap3A_2031 {strides = array<i32>} : memref<128x128xf32, #tpu.memory_space<vmem>>, vector<1x16xf32>,
        %get3A_2032 = arith.index_cast %add3A_1950 : i32 to index
        %get3A_2033 = arith.constant 48 : index
        %get3A_2034 = tpu.vector_load %arg11[%get3A_2032, %get3A_2033] {strides = array<i32>} : memref<128x128xf32, #tpu.memory_space<vmem>>, vector<1x16xf32>,
        %get3A_2035 = vector.shape_cast %get3A_2034 : vector<1x16xf32> to vector<16xf32>
        %mul3A_2036 = vector.broadcast %squeeze3A_1952 : f32 to vector<16xf32>
        %mul3A_2037 = arith.mulf %mul3A_2036, %get3A_2035 : vector<16xf32>
        %get3A_2038 = arith.index_cast %add3A_1950 : i32 to index
        %get3A_2039 = arith.constant 48 : index
        %get3A_2040 = tpu.vector_load %arg12[%get3A_2038, %get3A_2039] {strides = array<i32>} : memref<128x128xf32, #tpu.memory_space<vmem>>, vector<1x16xf32>,
        %get3A_2041 = vector.shape_cast %get3A_2040 : vector<1x16xf32> to vector<16xf32>
        %mul3A_2042 = vector.broadcast %squeeze3A_1954 : f32 to vector<16xf32>
        %mul3A_2043 = arith.mulf %mul3A_2042, %get3A_2041 : vector<16xf32>
        %add3A_2044 = arith.addf %mul3A_2037, %mul3A_2043 : vector<16xf32>
        %get3A_2045 = arith.index_cast %add3A_1950 : i32 to index
        %get3A_2046 = arith.constant 48 : index
        %get3A_2047 = tpu.vector_load %arg13[%get3A_2045, %get3A_2046] {strides = array<i32>} : memref<128x128xf32, #tpu.memory_space<vmem>>, vector<1x16xf32>,
        %get3A_2048 = vector.shape_cast %get3A_2047 : vector<1x16xf32> to vector<16xf32>
        %mul3A_2049 = vector.broadcast %squeeze3A_1956 : f32 to vector<16xf32>
        %mul3A_2050 = arith.mulf %mul3A_2049, %get3A_2048 : vector<16xf32>
        %add3A_2051 = arith.addf %add3A_2044, %mul3A_2050 : vector<16xf32>
        %swap3A_2052 = arith.index_cast %add3A_1950 : i32 to index
        %swap3A_2053 = arith.constant 48 : index
        %swap3A_2054 = tpu.vector_load %arg15[%swap3A_2052, %swap3A_2053] {strides = array<i32>} : memref<128x128xf32, #tpu.memory_space<vmem>>, vector<1x16xf32>,
        %swap3A_2055 = vector.shape_cast %swap3A_2054 : vector<1x16xf32> to vector<16xf32>
        %swap3A_2056 = vector.shape_cast %add3A_2051 : vector<16xf32> to vector<1x16xf32>
        tpu.vector_store %arg15[%swap3A_2052, %swap3A_2053], %swap3A_2056 {strides = array<i32>} : memref<128x128xf32, #tpu.memory_space<vmem>>, vector<1x16xf32>,
        %get3A_2057 = arith.index_cast %add3A_1950 : i32 to index
        %get3A_2058 = arith.constant 64 : index
        %get3A_2059 = tpu.vector_load %arg11[%get3A_2057, %get3A_2058] {strides = array<i32>} : memref<128x128xf32, #tpu.memory_space<vmem>>, vector<1x16xf32>,
        %get3A_2060 = vector.shape_cast %get3A_2059 : vector<1x16xf32> to vector<16xf32>
        %mul3A_2061 = vector.broadcast %squeeze3A_1952 : f32 to vector<16xf32>
        %mul3A_2062 = arith.mulf %mul3A_2061, %get3A_2060 : vector<16xf32>
        %get3A_2063 = arith.index_cast %add3A_1950 : i32 to index
        %get3A_2064 = arith.constant 64 : index
        %get3A_2065 = tpu.vector_load %arg12[%get3A_2063, %get3A_2064] {strides = array<i32>} : memref<128x128xf32, #tpu.memory_space<vmem>>, vector<1x16xf32>,
        %get3A_2066 = vector.shape_cast %get3A_2065 : vector<1x16xf32> to vector<16xf32>
        %mul3A_2067 = vector.broadcast %squeeze3A_1954 : f32 to vector<16xf32>
        %mul3A_2068 = arith.mulf %mul3A_2067, %get3A_2066 : vector<16xf32>
        %add3A_2069 = arith.addf %mul3A_2062, %mul3A_2068 : vector<16xf32>
        %get3A_2070 = arith.index_cast %add3A_1950 : i32 to index
        %get3A_2071 = arith.constant 64 : index
        %get3A_2072 = tpu.vector_load %arg13[%get3A_2070, %get3A_2071] {strides = array<i32>} : memref<128x128xf32, #tpu.memory_space<vmem>>, vector<1x16xf32>,
        %get3A_2073 = vector.shape_cast %get3A_2072 : vector<1x16xf32> to vector<16xf32>
        %mul3A_2074 = vector.broadcast %squeeze3A_1956 : f32 to vector<16xf32>
        %mul3A_2075 = arith.mulf %mul3A_2074, %get3A_2073 : vector<16xf32>
        %add3A_2076 = arith.addf %add3A_2069, %mul3A_2075 : vector<16xf32>
        %swap3A_2077 = arith.index_cast %add3A_1950 : i32 to index
        %swap3A_2078 = arith.constant 64 : index
        %swap3A_2079 = tpu.vector_load %arg15[%swap3A_2077, %swap3A_2078] {strides = array<i32>} : memref<128x128xf32, #tpu.memory_space<vmem>>, vector<1x16xf32>,
        %swap3A_2080 = vector.shape_cast %swap3A_2079 : vector<1x16xf32> to vector<16xf32>
        %swap3A_2081 = vector.shape_cast %add3A_2076 : vector<16xf32> to vector<1x16xf32>
        tpu.vector_store %arg15[%swap3A_2077, %swap3A_2078], %swap3A_2081 {strides = array<i32>} : memref<128x128xf32, #tpu.memory_space<vmem>>, vector<1x16xf32>,
        %get3A_2082 = arith.index_cast %add3A_1950 : i32 to index
        %get3A_2083 = arith.constant 80 : index
        %get3A_2084 = tpu.vector_load %arg11[%get3A_2082, %get3A_2083] {strides = array<i32>} : memref<128x128xf32, #tpu.memory_space<vmem>>, vector<1x16xf32>,
        %get3A_2085 = vector.shape_cast %get3A_2084 : vector<1x16xf32> to vector<16xf32>
        %mul3A_2086 = vector.broadcast %squeeze3A_1952 : f32 to vector<16xf32>
        %mul3A_2087 = arith.mulf %mul3A_2086, %get3A_2085 : vector<16xf32>
        %get3A_2088 = arith.index_cast %add3A_1950 : i32 to index
        %get3A_2089 = arith.constant 80 : index
        %get3A_2090 = tpu.vector_load %arg12[%get3A_2088, %get3A_2089] {strides = array<i32>} : memref<128x128xf32, #tpu.memory_space<vmem>>, vector<1x16xf32>,
        %get3A_2091 = vector.shape_cast %get3A_2090 : vector<1x16xf32> to vector<16xf32>
        %mul3A_2092 = vector.broadcast %squeeze3A_1954 : f32 to vector<16xf32>
        %mul3A_2093 = arith.mulf %mul3A_2092, %get3A_2091 : vector<16xf32>
        %add3A_2094 = arith.addf %mul3A_2087, %mul3A_2093 : vector<16xf32>
        %get3A_2095 = arith.index_cast %add3A_1950 : i32 to index
        %get3A_2096 = arith.constant 80 : index
        %get3A_2097 = tpu.vector_load %arg13[%get3A_2095, %get3A_2096] {strides = array<i32>} : memref<128x128xf32, #tpu.memory_space<vmem>>, vector<1x16xf32>,
        %get3A_2098 = vector.shape_cast %get3A_2097 : vector<1x16xf32> to vector<16xf32>
        %mul3A_2099 = vector.broadcast %squeeze3A_1956 : f32 to vector<16xf32>
        %mul3A_2100 = arith.mulf %mul3A_2099, %get3A_2098 : vector<16xf32>
        %add3A_2101 = arith.addf %add3A_2094, %mul3A_2100 : vector<16xf32>
        %swap3A_2102 = arith.index_cast %add3A_1950 : i32 to index
        %swap3A_2103 = arith.constant 80 : index
        %swap3A_2104 = tpu.vector_load %arg15[%swap3A_2102, %swap3A_2103] {strides = array<i32>} : memref<128x128xf32, #tpu.memory_space<vmem>>, vector<1x16xf32>,
        %swap3A_2105 = vector.shape_cast %swap3A_2104 : vector<1x16xf32> to vector<16xf32>
        %swap3A_2106 = vector.shape_cast %add3A_2101 : vector<16xf32> to vector<1x16xf32>
        tpu.vector_store %arg15[%swap3A_2102, %swap3A_2103], %swap3A_2106 {strides = array<i32>} : memref<128x128xf32, #tpu.memory_space<vmem>>, vector<1x16xf32>,
        %get3A_2107 = arith.index_cast %add3A_1950 : i32 to index
        %get3A_2108 = arith.constant 96 : index
        %get3A_2109 = tpu.vector_load %arg11[%get3A_2107, %get3A_2108] {strides = array<i32>} : memref<128x128xf32, #tpu.memory_space<vmem>>, vector<1x16xf32>,
        %get3A_2110 = vector.shape_cast %get3A_2109 : vector<1x16xf32> to vector<16xf32>
        %mul3A_2111 = vector.broadcast %squeeze3A_1952 : f32 to vector<16xf32>
        %mul3A_2112 = arith.mulf %mul3A_2111, %get3A_2110 : vector<16xf32>
        %get3A_2113 = arith.index_cast %add3A_1950 : i32 to index
        %get3A_2114 = arith.constant 96 : index
        %get3A_2115 = tpu.vector_load %arg12[%get3A_2113, %get3A_2114] {strides = array<i32>} : memref<128x128xf32, #tpu.memory_space<vmem>>, vector<1x16xf32>,
        %get3A_2116 = vector.shape_cast %get3A_2115 : vector<1x16xf32> to vector<16xf32>
        %mul3A_2117 = vector.broadcast %squeeze3A_1954 : f32 to vector<16xf32>
        %mul3A_2118 = arith.mulf %mul3A_2117, %get3A_2116 : vector<16xf32>
        %add3A_2119 = arith.addf %mul3A_2112, %mul3A_2118 : vector<16xf32>
        %get3A_2120 = arith.index_cast %add3A_1950 : i32 to index
        %get3A_2121 = arith.constant 96 : index
        %get3A_2122 = tpu.vector_load %arg13[%get3A_2120, %get3A_2121] {strides = array<i32>} : memref<128x128xf32, #tpu.memory_space<vmem>>, vector<1x16xf32>,
        %get3A_2123 = vector.shape_cast %get3A_2122 : vector<1x16xf32> to vector<16xf32>
        %mul3A_2124 = vector.broadcast %squeeze3A_1956 : f32 to vector<16xf32>
        %mul3A_2125 = arith.mulf %mul3A_2124, %get3A_2123 : vector<16xf32>
        %add3A_2126 = arith.addf %add3A_2119, %mul3A_2125 : vector<16xf32>
        %swap3A_2127 = arith.index_cast %add3A_1950 : i32 to index
        %swap3A_2128 = arith.constant 96 : index
        %swap3A_2129 = tpu.vector_load %arg15[%swap3A_2127, %swap3A_2128] {strides = array<i32>} : memref<128x128xf32, #tpu.memory_space<vmem>>, vector<1x16xf32>,
        %swap3A_2130 = vector.shape_cast %swap3A_2129 : vector<1x16xf32> to vector<16xf32>
        %swap3A_2131 = vector.shape_cast %add3A_2126 : vector<16xf32> to vector<1x16xf32>
        tpu.vector_store %arg15[%swap3A_2127, %swap3A_2128], %swap3A_2131 {strides = array<i32>} : memref<128x128xf32, #tpu.memory_space<vmem>>, vector<1x16xf32>,
        %get3A_2132 = arith.index_cast %add3A_1950 : i32 to index
        %get3A_2133 = arith.constant 112 : index
        %get3A_2134 = tpu.vector_load %arg11[%get3A_2132, %get3A_2133] {strides = array<i32>} : memref<128x128xf32, #tpu.memory_space<vmem>>, vector<1x16xf32>,
        %get3A_2135 = vector.shape_cast %get3A_2134 : vector<1x16xf32> to vector<16xf32>
        %mul3A_2136 = vector.broadcast %squeeze3A_1952 : f32 to vector<16xf32>
        %mul3A_2137 = arith.mulf %mul3A_2136, %get3A_2135 : vector<16xf32>
        %get3A_2138 = arith.index_cast %add3A_1950 : i32 to index
        %get3A_2139 = arith.constant 112 : index
        %get3A_2140 = tpu.vector_load %arg12[%get3A_2138, %get3A_2139] {strides = array<i32>} : memref<128x128xf32, #tpu.memory_space<vmem>>, vector<1x16xf32>,
        %get3A_2141 = vector.shape_cast %get3A_2140 : vector<1x16xf32> to vector<16xf32>
        %mul3A_2142 = vector.broadcast %squeeze3A_1954 : f32 to vector<16xf32>
        %mul3A_2143 = arith.mulf %mul3A_2142, %get3A_2141 : vector<16xf32>
        %add3A_2144 = arith.addf %mul3A_2137, %mul3A_2143 : vector<16xf32>
        %get3A_2145 = arith.index_cast %add3A_1950 : i32 to index
        %get3A_2146 = arith.constant 112 : index
        %get3A_2147 = tpu.vector_load %arg13[%get3A_2145, %get3A_2146] {strides = array<i32>} : memref<128x128xf32, #tpu.memory_space<vmem>>, vector<1x16xf32>,
        %get3A_2148 = vector.shape_cast %get3A_2147 : vector<1x16xf32> to vector<16xf32>
        %mul3A_2149 = vector.broadcast %squeeze3A_1956 : f32 to vector<16xf32>
        %mul3A_2150 = arith.mulf %mul3A_2149, %get3A_2148 : vector<16xf32>
        %add3A_2151 = arith.addf %add3A_2144, %mul3A_2150 : vector<16xf32>
        %swap3A_2152 = arith.index_cast %add3A_1950 : i32 to index
        %swap3A_2153 = arith.constant 112 : index
        %swap3A_2154 = tpu.vector_load %arg15[%swap3A_2152, %swap3A_2153] {strides = array<i32>} : memref<128x128xf32, #tpu.memory_space<vmem>>, vector<1x16xf32>,
        %swap3A_2155 = vector.shape_cast %swap3A_2154 : vector<1x16xf32> to vector<16xf32>
        %swap3A_2156 = vector.shape_cast %add3A_2151 : vector<16xf32> to vector<1x16xf32>
        tpu.vector_store %arg15[%swap3A_2152, %swap3A_2153], %swap3A_2156 {strides = array<i32>} : memref<128x128xf32, #tpu.memory_space<vmem>>, vector<1x16xf32>,
        %mul3A_2157 = arith.constant 16 : i32
        %mul3A_2158 = arith.muli %scan3A_38, %mul3A_2157 : i32
        %add3A_2159 = arith.constant 10 : i32
        %add3A_2160 = arith.addi %mul3A_2158, %add3A_2159 : i32
        %slice3A_2161 = vector.extract_strided_slice %get3A_45 {offsets = [10], sizes = [1], strides = [1]} : vector<16xf32> to vector<1xf32>
        %squeeze3A_2162 = vector.extract %slice3A_2161[0] : f32 from vector<1xf32>
        %slice3A_2163 = vector.extract_strided_slice %get3A_52 {offsets = [10], sizes = [1], strides = [1]} : vector<16xf32> to vector<1xf32>
        %squeeze3A_2164 = vector.extract %slice3A_2163[0] : f32 from vector<1xf32>
        %slice3A_2165 = vector.extract_strided_slice %get3A_59 {offsets = [10], sizes = [1], strides = [1]} : vector<16xf32> to vector<1xf32>
        %squeeze3A_2166 = vector.extract %slice3A_2165[0] : f32 from vector<1xf32>
        %get3A_2167 = arith.index_cast %add3A_2160 : i32 to index
        %get3A_2168 = arith.constant 0 : index
        %get3A_2169 = tpu.vector_load %arg11[%get3A_2167, %get3A_2168] {strides = array<i32>} : memref<128x128xf32, #tpu.memory_space<vmem>>, vector<1x16xf32>,
        %get3A_2170 = vector.shape_cast %get3A_2169 : vector<1x16xf32> to vector<16xf32>
        %mul3A_2171 = vector.broadcast %squeeze3A_2162 : f32 to vector<16xf32>
        %mul3A_2172 = arith.mulf %mul3A_2171, %get3A_2170 : vector<16xf32>
        %get3A_2173 = arith.index_cast %add3A_2160 : i32 to index
        %get3A_2174 = arith.constant 0 : index
        %get3A_2175 = tpu.vector_load %arg12[%get3A_2173, %get3A_2174] {strides = array<i32>} : memref<128x128xf32, #tpu.memory_space<vmem>>, vector<1x16xf32>,
        %get3A_2176 = vector.shape_cast %get3A_2175 : vector<1x16xf32> to vector<16xf32>
        %mul3A_2177 = vector.broadcast %squeeze3A_2164 : f32 to vector<16xf32>
        %mul3A_2178 = arith.mulf %mul3A_2177, %get3A_2176 : vector<16xf32>
        %add3A_2179 = arith.addf %mul3A_2172, %mul3A_2178 : vector<16xf32>
        %get3A_2180 = arith.index_cast %add3A_2160 : i32 to index
        %get3A_2181 = arith.constant 0 : index
        %get3A_2182 = tpu.vector_load %arg13[%get3A_2180, %get3A_2181] {strides = array<i32>} : memref<128x128xf32, #tpu.memory_space<vmem>>, vector<1x16xf32>,
        %get3A_2183 = vector.shape_cast %get3A_2182 : vector<1x16xf32> to vector<16xf32>
        %mul3A_2184 = vector.broadcast %squeeze3A_2166 : f32 to vector<16xf32>
        %mul3A_2185 = arith.mulf %mul3A_2184, %get3A_2183 : vector<16xf32>
        %add3A_2186 = arith.addf %add3A_2179, %mul3A_2185 : vector<16xf32>
        %swap3A_2187 = arith.index_cast %add3A_2160 : i32 to index
        %swap3A_2188 = arith.constant 0 : index
        %swap3A_2189 = tpu.vector_load %arg15[%swap3A_2187, %swap3A_2188] {strides = array<i32>} : memref<128x128xf32, #tpu.memory_space<vmem>>, vector<1x16xf32>,
        %swap3A_2190 = vector.shape_cast %swap3A_2189 : vector<1x16xf32> to vector<16xf32>
        %swap3A_2191 = vector.shape_cast %add3A_2186 : vector<16xf32> to vector<1x16xf32>
        tpu.vector_store %arg15[%swap3A_2187, %swap3A_2188], %swap3A_2191 {strides = array<i32>} : memref<128x128xf32, #tpu.memory_space<vmem>>, vector<1x16xf32>,
        %get3A_2192 = arith.index_cast %add3A_2160 : i32 to index
        %get3A_2193 = arith.constant 16 : index
        %get3A_2194 = tpu.vector_load %arg11[%get3A_2192, %get3A_2193] {strides = array<i32>} : memref<128x128xf32, #tpu.memory_space<vmem>>, vector<1x16xf32>,
        %get3A_2195 = vector.shape_cast %get3A_2194 : vector<1x16xf32> to vector<16xf32>
        %mul3A_2196 = vector.broadcast %squeeze3A_2162 : f32 to vector<16xf32>
        %mul3A_2197 = arith.mulf %mul3A_2196, %get3A_2195 : vector<16xf32>
        %get3A_2198 = arith.index_cast %add3A_2160 : i32 to index
        %get3A_2199 = arith.constant 16 : index
        %get3A_2200 = tpu.vector_load %arg12[%get3A_2198, %get3A_2199] {strides = array<i32>} : memref<128x128xf32, #tpu.memory_space<vmem>>, vector<1x16xf32>,
        %get3A_2201 = vector.shape_cast %get3A_2200 : vector<1x16xf32> to vector<16xf32>
        %mul3A_2202 = vector.broadcast %squeeze3A_2164 : f32 to vector<16xf32>
        %mul3A_2203 = arith.mulf %mul3A_2202, %get3A_2201 : vector<16xf32>
        %add3A_2204 = arith.addf %mul3A_2197, %mul3A_2203 : vector<16xf32>
        %get3A_2205 = arith.index_cast %add3A_2160 : i32 to index
        %get3A_2206 = arith.constant 16 : index
        %get3A_2207 = tpu.vector_load %arg13[%get3A_2205, %get3A_2206] {strides = array<i32>} : memref<128x128xf32, #tpu.memory_space<vmem>>, vector<1x16xf32>,
        %get3A_2208 = vector.shape_cast %get3A_2207 : vector<1x16xf32> to vector<16xf32>
        %mul3A_2209 = vector.broadcast %squeeze3A_2166 : f32 to vector<16xf32>
        %mul3A_2210 = arith.mulf %mul3A_2209, %get3A_2208 : vector<16xf32>
        %add3A_2211 = arith.addf %add3A_2204, %mul3A_2210 : vector<16xf32>
        %swap3A_2212 = arith.index_cast %add3A_2160 : i32 to index
        %swap3A_2213 = arith.constant 16 : index
        %swap3A_2214 = tpu.vector_load %arg15[%swap3A_2212, %swap3A_2213] {strides = array<i32>} : memref<128x128xf32, #tpu.memory_space<vmem>>, vector<1x16xf32>,
        %swap3A_2215 = vector.shape_cast %swap3A_2214 : vector<1x16xf32> to vector<16xf32>
        %swap3A_2216 = vector.shape_cast %add3A_2211 : vector<16xf32> to vector<1x16xf32>
        tpu.vector_store %arg15[%swap3A_2212, %swap3A_2213], %swap3A_2216 {strides = array<i32>} : memref<128x128xf32, #tpu.memory_space<vmem>>, vector<1x16xf32>,
        %get3A_2217 = arith.index_cast %add3A_2160 : i32 to index
        %get3A_2218 = arith.constant 32 : index
        %get3A_2219 = tpu.vector_load %arg11[%get3A_2217, %get3A_2218] {strides = array<i32>} : memref<128x128xf32, #tpu.memory_space<vmem>>, vector<1x16xf32>,
        %get3A_2220 = vector.shape_cast %get3A_2219 : vector<1x16xf32> to vector<16xf32>
        %mul3A_2221 = vector.broadcast %squeeze3A_2162 : f32 to vector<16xf32>
        %mul3A_2222 = arith.mulf %mul3A_2221, %get3A_2220 : vector<16xf32>
        %get3A_2223 = arith.index_cast %add3A_2160 : i32 to index
        %get3A_2224 = arith.constant 32 : index
        %get3A_2225 = tpu.vector_load %arg12[%get3A_2223, %get3A_2224] {strides = array<i32>} : memref<128x128xf32, #tpu.memory_space<vmem>>, vector<1x16xf32>,
        %get3A_2226 = vector.shape_cast %get3A_2225 : vector<1x16xf32> to vector<16xf32>
        %mul3A_2227 = vector.broadcast %squeeze3A_2164 : f32 to vector<16xf32>
        %mul3A_2228 = arith.mulf %mul3A_2227, %get3A_2226 : vector<16xf32>
        %add3A_2229 = arith.addf %mul3A_2222, %mul3A_2228 : vector<16xf32>
        %get3A_2230 = arith.index_cast %add3A_2160 : i32 to index
        %get3A_2231 = arith.constant 32 : index
        %get3A_2232 = tpu.vector_load %arg13[%get3A_2230, %get3A_2231] {strides = array<i32>} : memref<128x128xf32, #tpu.memory_space<vmem>>, vector<1x16xf32>,
        %get3A_2233 = vector.shape_cast %get3A_2232 : vector<1x16xf32> to vector<16xf32>
        %mul3A_2234 = vector.broadcast %squeeze3A_2166 : f32 to vector<16xf32>
        %mul3A_2235 = arith.mulf %mul3A_2234, %get3A_2233 : vector<16xf32>
        %add3A_2236 = arith.addf %add3A_2229, %mul3A_2235 : vector<16xf32>
        %swap3A_2237 = arith.index_cast %add3A_2160 : i32 to index
        %swap3A_2238 = arith.constant 32 : index
        %swap3A_2239 = tpu.vector_load %arg15[%swap3A_2237, %swap3A_2238] {strides = array<i32>} : memref<128x128xf32, #tpu.memory_space<vmem>>, vector<1x16xf32>,
        %swap3A_2240 = vector.shape_cast %swap3A_2239 : vector<1x16xf32> to vector<16xf32>
        %swap3A_2241 = vector.shape_cast %add3A_2236 : vector<16xf32> to vector<1x16xf32>
        tpu.vector_store %arg15[%swap3A_2237, %swap3A_2238], %swap3A_2241 {strides = array<i32>} : memref<128x128xf32, #tpu.memory_space<vmem>>, vector<1x16xf32>,
        %get3A_2242 = arith.index_cast %add3A_2160 : i32 to index
        %get3A_2243 = arith.constant 48 : index
        %get3A_2244 = tpu.vector_load %arg11[%get3A_2242, %get3A_2243] {strides = array<i32>} : memref<128x128xf32, #tpu.memory_space<vmem>>, vector<1x16xf32>,
        %get3A_2245 = vector.shape_cast %get3A_2244 : vector<1x16xf32> to vector<16xf32>
        %mul3A_2246 = vector.broadcast %squeeze3A_2162 : f32 to vector<16xf32>
        %mul3A_2247 = arith.mulf %mul3A_2246, %get3A_2245 : vector<16xf32>
        %get3A_2248 = arith.index_cast %add3A_2160 : i32 to index
        %get3A_2249 = arith.constant 48 : index
        %get3A_2250 = tpu.vector_load %arg12[%get3A_2248, %get3A_2249] {strides = array<i32>} : memref<128x128xf32, #tpu.memory_space<vmem>>, vector<1x16xf32>,
        %get3A_2251 = vector.shape_cast %get3A_2250 : vector<1x16xf32> to vector<16xf32>
        %mul3A_2252 = vector.broadcast %squeeze3A_2164 : f32 to vector<16xf32>
        %mul3A_2253 = arith.mulf %mul3A_2252, %get3A_2251 : vector<16xf32>
        %add3A_2254 = arith.addf %mul3A_2247, %mul3A_2253 : vector<16xf32>
        %get3A_2255 = arith.index_cast %add3A_2160 : i32 to index
        %get3A_2256 = arith.constant 48 : index
        %get3A_2257 = tpu.vector_load %arg13[%get3A_2255, %get3A_2256] {strides = array<i32>} : memref<128x128xf32, #tpu.memory_space<vmem>>, vector<1x16xf32>,
        %get3A_2258 = vector.shape_cast %get3A_2257 : vector<1x16xf32> to vector<16xf32>
        %mul3A_2259 = vector.broadcast %squeeze3A_2166 : f32 to vector<16xf32>
        %mul3A_2260 = arith.mulf %mul3A_2259, %get3A_2258 : vector<16xf32>
        %add3A_2261 = arith.addf %add3A_2254, %mul3A_2260 : vector<16xf32>
        %swap3A_2262 = arith.index_cast %add3A_2160 : i32 to index
        %swap3A_2263 = arith.constant 48 : index
        %swap3A_2264 = tpu.vector_load %arg15[%swap3A_2262, %swap3A_2263] {strides = array<i32>} : memref<128x128xf32, #tpu.memory_space<vmem>>, vector<1x16xf32>,
        %swap3A_2265 = vector.shape_cast %swap3A_2264 : vector<1x16xf32> to vector<16xf32>
        %swap3A_2266 = vector.shape_cast %add3A_2261 : vector<16xf32> to vector<1x16xf32>
        tpu.vector_store %arg15[%swap3A_2262, %swap3A_2263], %swap3A_2266 {strides = array<i32>} : memref<128x128xf32, #tpu.memory_space<vmem>>, vector<1x16xf32>,
        %get3A_2267 = arith.index_cast %add3A_2160 : i32 to index
        %get3A_2268 = arith.constant 64 : index
        %get3A_2269 = tpu.vector_load %arg11[%get3A_2267, %get3A_2268] {strides = array<i32>} : memref<128x128xf32, #tpu.memory_space<vmem>>, vector<1x16xf32>,
        %get3A_2270 = vector.shape_cast %get3A_2269 : vector<1x16xf32> to vector<16xf32>
        %mul3A_2271 = vector.broadcast %squeeze3A_2162 : f32 to vector<16xf32>
        %mul3A_2272 = arith.mulf %mul3A_2271, %get3A_2270 : vector<16xf32>
        %get3A_2273 = arith.index_cast %add3A_2160 : i32 to index
        %get3A_2274 = arith.constant 64 : index
        %get3A_2275 = tpu.vector_load %arg12[%get3A_2273, %get3A_2274] {strides = array<i32>} : memref<128x128xf32, #tpu.memory_space<vmem>>, vector<1x16xf32>,
        %get3A_2276 = vector.shape_cast %get3A_2275 : vector<1x16xf32> to vector<16xf32>
        %mul3A_2277 = vector.broadcast %squeeze3A_2164 : f32 to vector<16xf32>
        %mul3A_2278 = arith.mulf %mul3A_2277, %get3A_2276 : vector<16xf32>
        %add3A_2279 = arith.addf %mul3A_2272, %mul3A_2278 : vector<16xf32>
        %get3A_2280 = arith.index_cast %add3A_2160 : i32 to index
        %get3A_2281 = arith.constant 64 : index
        %get3A_2282 = tpu.vector_load %arg13[%get3A_2280, %get3A_2281] {strides = array<i32>} : memref<128x128xf32, #tpu.memory_space<vmem>>, vector<1x16xf32>,
        %get3A_2283 = vector.shape_cast %get3A_2282 : vector<1x16xf32> to vector<16xf32>
        %mul3A_2284 = vector.broadcast %squeeze3A_2166 : f32 to vector<16xf32>
        %mul3A_2285 = arith.mulf %mul3A_2284, %get3A_2283 : vector<16xf32>
        %add3A_2286 = arith.addf %add3A_2279, %mul3A_2285 : vector<16xf32>
        %swap3A_2287 = arith.index_cast %add3A_2160 : i32 to index
        %swap3A_2288 = arith.constant 64 : index
        %swap3A_2289 = tpu.vector_load %arg15[%swap3A_2287, %swap3A_2288] {strides = array<i32>} : memref<128x128xf32, #tpu.memory_space<vmem>>, vector<1x16xf32>,
        %swap3A_2290 = vector.shape_cast %swap3A_2289 : vector<1x16xf32> to vector<16xf32>
        %swap3A_2291 = vector.shape_cast %add3A_2286 : vector<16xf32> to vector<1x16xf32>
        tpu.vector_store %arg15[%swap3A_2287, %swap3A_2288], %swap3A_2291 {strides = array<i32>} : memref<128x128xf32, #tpu.memory_space<vmem>>, vector<1x16xf32>,
        %get3A_2292 = arith.index_cast %add3A_2160 : i32 to index
        %get3A_2293 = arith.constant 80 : index
        %get3A_2294 = tpu.vector_load %arg11[%get3A_2292, %get3A_2293] {strides = array<i32>} : memref<128x128xf32, #tpu.memory_space<vmem>>, vector<1x16xf32>,
        %get3A_2295 = vector.shape_cast %get3A_2294 : vector<1x16xf32> to vector<16xf32>
        %mul3A_2296 = vector.broadcast %squeeze3A_2162 : f32 to vector<16xf32>
        %mul3A_2297 = arith.mulf %mul3A_2296, %get3A_2295 : vector<16xf32>
        %get3A_2298 = arith.index_cast %add3A_2160 : i32 to index
        %get3A_2299 = arith.constant 80 : index
        %get3A_2300 = tpu.vector_load %arg12[%get3A_2298, %get3A_2299] {strides = array<i32>} : memref<128x128xf32, #tpu.memory_space<vmem>>, vector<1x16xf32>,
        %get3A_2301 = vector.shape_cast %get3A_2300 : vector<1x16xf32> to vector<16xf32>
        %mul3A_2302 = vector.broadcast %squeeze3A_2164 : f32 to vector<16xf32>
        %mul3A_2303 = arith.mulf %mul3A_2302, %get3A_2301 : vector<16xf32>
        %add3A_2304 = arith.addf %mul3A_2297, %mul3A_2303 : vector<16xf32>
        %get3A_2305 = arith.index_cast %add3A_2160 : i32 to index
        %get3A_2306 = arith.constant 80 : index
        %get3A_2307 = tpu.vector_load %arg13[%get3A_2305, %get3A_2306] {strides = array<i32>} : memref<128x128xf32, #tpu.memory_space<vmem>>, vector<1x16xf32>,
        %get3A_2308 = vector.shape_cast %get3A_2307 : vector<1x16xf32> to vector<16xf32>
        %mul3A_2309 = vector.broadcast %squeeze3A_2166 : f32 to vector<16xf32>
        %mul3A_2310 = arith.mulf %mul3A_2309, %get3A_2308 : vector<16xf32>
        %add3A_2311 = arith.addf %add3A_2304, %mul3A_2310 : vector<16xf32>
        %swap3A_2312 = arith.index_cast %add3A_2160 : i32 to index
        %swap3A_2313 = arith.constant 80 : index
        %swap3A_2314 = tpu.vector_load %arg15[%swap3A_2312, %swap3A_2313] {strides = array<i32>} : memref<128x128xf32, #tpu.memory_space<vmem>>, vector<1x16xf32>,
        %swap3A_2315 = vector.shape_cast %swap3A_2314 : vector<1x16xf32> to vector<16xf32>
        %swap3A_2316 = vector.shape_cast %add3A_2311 : vector<16xf32> to vector<1x16xf32>
        tpu.vector_store %arg15[%swap3A_2312, %swap3A_2313], %swap3A_2316 {strides = array<i32>} : memref<128x128xf32, #tpu.memory_space<vmem>>, vector<1x16xf32>,
        %get3A_2317 = arith.index_cast %add3A_2160 : i32 to index
        %get3A_2318 = arith.constant 96 : index
        %get3A_2319 = tpu.vector_load %arg11[%get3A_2317, %get3A_2318] {strides = array<i32>} : memref<128x128xf32, #tpu.memory_space<vmem>>, vector<1x16xf32>,
        %get3A_2320 = vector.shape_cast %get3A_2319 : vector<1x16xf32> to vector<16xf32>
        %mul3A_2321 = vector.broadcast %squeeze3A_2162 : f32 to vector<16xf32>
        %mul3A_2322 = arith.mulf %mul3A_2321, %get3A_2320 : vector<16xf32>
        %get3A_2323 = arith.index_cast %add3A_2160 : i32 to index
        %get3A_2324 = arith.constant 96 : index
        %get3A_2325 = tpu.vector_load %arg12[%get3A_2323, %get3A_2324] {strides = array<i32>} : memref<128x128xf32, #tpu.memory_space<vmem>>, vector<1x16xf32>,
        %get3A_2326 = vector.shape_cast %get3A_2325 : vector<1x16xf32> to vector<16xf32>
        %mul3A_2327 = vector.broadcast %squeeze3A_2164 : f32 to vector<16xf32>
        %mul3A_2328 = arith.mulf %mul3A_2327, %get3A_2326 : vector<16xf32>
        %add3A_2329 = arith.addf %mul3A_2322, %mul3A_2328 : vector<16xf32>
        %get3A_2330 = arith.index_cast %add3A_2160 : i32 to index
        %get3A_2331 = arith.constant 96 : index
        %get3A_2332 = tpu.vector_load %arg13[%get3A_2330, %get3A_2331] {strides = array<i32>} : memref<128x128xf32, #tpu.memory_space<vmem>>, vector<1x16xf32>,
        %get3A_2333 = vector.shape_cast %get3A_2332 : vector<1x16xf32> to vector<16xf32>
        %mul3A_2334 = vector.broadcast %squeeze3A_2166 : f32 to vector<16xf32>
        %mul3A_2335 = arith.mulf %mul3A_2334, %get3A_2333 : vector<16xf32>
        %add3A_2336 = arith.addf %add3A_2329, %mul3A_2335 : vector<16xf32>
        %swap3A_2337 = arith.index_cast %add3A_2160 : i32 to index
        %swap3A_2338 = arith.constant 96 : index
        %swap3A_2339 = tpu.vector_load %arg15[%swap3A_2337, %swap3A_2338] {strides = array<i32>} : memref<128x128xf32, #tpu.memory_space<vmem>>, vector<1x16xf32>,
        %swap3A_2340 = vector.shape_cast %swap3A_2339 : vector<1x16xf32> to vector<16xf32>
        %swap3A_2341 = vector.shape_cast %add3A_2336 : vector<16xf32> to vector<1x16xf32>
        tpu.vector_store %arg15[%swap3A_2337, %swap3A_2338], %swap3A_2341 {strides = array<i32>} : memref<128x128xf32, #tpu.memory_space<vmem>>, vector<1x16xf32>,
        %get3A_2342 = arith.index_cast %add3A_2160 : i32 to index
        %get3A_2343 = arith.constant 112 : index
        %get3A_2344 = tpu.vector_load %arg11[%get3A_2342, %get3A_2343] {strides = array<i32>} : memref<128x128xf32, #tpu.memory_space<vmem>>, vector<1x16xf32>,
        %get3A_2345 = vector.shape_cast %get3A_2344 : vector<1x16xf32> to vector<16xf32>
        %mul3A_2346 = vector.broadcast %squeeze3A_2162 : f32 to vector<16xf32>
        %mul3A_2347 = arith.mulf %mul3A_2346, %get3A_2345 : vector<16xf32>
        %get3A_2348 = arith.index_cast %add3A_2160 : i32 to index
        %get3A_2349 = arith.constant 112 : index
        %get3A_2350 = tpu.vector_load %arg12[%get3A_2348, %get3A_2349] {strides = array<i32>} : memref<128x128xf32, #tpu.memory_space<vmem>>, vector<1x16xf32>,
        %get3A_2351 = vector.shape_cast %get3A_2350 : vector<1x16xf32> to vector<16xf32>
        %mul3A_2352 = vector.broadcast %squeeze3A_2164 : f32 to vector<16xf32>
        %mul3A_2353 = arith.mulf %mul3A_2352, %get3A_2351 : vector<16xf32>
        %add3A_2354 = arith.addf %mul3A_2347, %mul3A_2353 : vector<16xf32>
        %get3A_2355 = arith.index_cast %add3A_2160 : i32 to index
        %get3A_2356 = arith.constant 112 : index
        %get3A_2357 = tpu.vector_load %arg13[%get3A_2355, %get3A_2356] {strides = array<i32>} : memref<128x128xf32, #tpu.memory_space<vmem>>, vector<1x16xf32>,
        %get3A_2358 = vector.shape_cast %get3A_2357 : vector<1x16xf32> to vector<16xf32>
        %mul3A_2359 = vector.broadcast %squeeze3A_2166 : f32 to vector<16xf32>
        %mul3A_2360 = arith.mulf %mul3A_2359, %get3A_2358 : vector<16xf32>
        %add3A_2361 = arith.addf %add3A_2354, %mul3A_2360 : vector<16xf32>
        %swap3A_2362 = arith.index_cast %add3A_2160 : i32 to index
        %swap3A_2363 = arith.constant 112 : index
        %swap3A_2364 = tpu.vector_load %arg15[%swap3A_2362, %swap3A_2363] {strides = array<i32>} : memref<128x128xf32, #tpu.memory_space<vmem>>, vector<1x16xf32>,
        %swap3A_2365 = vector.shape_cast %swap3A_2364 : vector<1x16xf32> to vector<16xf32>
        %swap3A_2366 = vector.shape_cast %add3A_2361 : vector<16xf32> to vector<1x16xf32>
        tpu.vector_store %arg15[%swap3A_2362, %swap3A_2363], %swap3A_2366 {strides = array<i32>} : memref<128x128xf32, #tpu.memory_space<vmem>>, vector<1x16xf32>,
        %mul3A_2367 = arith.constant 16 : i32
        %mul3A_2368 = arith.muli %scan3A_38, %mul3A_2367 : i32
        %add3A_2369 = arith.constant 11 : i32
        %add3A_2370 = arith.addi %mul3A_2368, %add3A_2369 : i32
        %slice3A_2371 = vector.extract_strided_slice %get3A_45 {offsets = [11], sizes = [1], strides = [1]} : vector<16xf32> to vector<1xf32>
        %squeeze3A_2372 = vector.extract %slice3A_2371[0] : f32 from vector<1xf32>
        %slice3A_2373 = vector.extract_strided_slice %get3A_52 {offsets = [11], sizes = [1], strides = [1]} : vector<16xf32> to vector<1xf32>
        %squeeze3A_2374 = vector.extract %slice3A_2373[0] : f32 from vector<1xf32>
        %slice3A_2375 = vector.extract_strided_slice %get3A_59 {offsets = [11], sizes = [1], strides = [1]} : vector<16xf32> to vector<1xf32>
        %squeeze3A_2376 = vector.extract %slice3A_2375[0] : f32 from vector<1xf32>
        %get3A_2377 = arith.index_cast %add3A_2370 : i32 to index
        %get3A_2378 = arith.constant 0 : index
        %get3A_2379 = tpu.vector_load %arg11[%get3A_2377, %get3A_2378] {strides = array<i32>} : memref<128x128xf32, #tpu.memory_space<vmem>>, vector<1x16xf32>,
        %get3A_2380 = vector.shape_cast %get3A_2379 : vector<1x16xf32> to vector<16xf32>
        %mul3A_2381 = vector.broadcast %squeeze3A_2372 : f32 to vector<16xf32>
        %mul3A_2382 = arith.mulf %mul3A_2381, %get3A_2380 : vector<16xf32>
        %get3A_2383 = arith.index_cast %add3A_2370 : i32 to index
        %get3A_2384 = arith.constant 0 : index
        %get3A_2385 = tpu.vector_load %arg12[%get3A_2383, %get3A_2384] {strides = array<i32>} : memref<128x128xf32, #tpu.memory_space<vmem>>, vector<1x16xf32>,
        %get3A_2386 = vector.shape_cast %get3A_2385 : vector<1x16xf32> to vector<16xf32>
        %mul3A_2387 = vector.broadcast %squeeze3A_2374 : f32 to vector<16xf32>
        %mul3A_2388 = arith.mulf %mul3A_2387, %get3A_2386 : vector<16xf32>
        %add3A_2389 = arith.addf %mul3A_2382, %mul3A_2388 : vector<16xf32>
        %get3A_2390 = arith.index_cast %add3A_2370 : i32 to index
        %get3A_2391 = arith.constant 0 : index
        %get3A_2392 = tpu.vector_load %arg13[%get3A_2390, %get3A_2391] {strides = array<i32>} : memref<128x128xf32, #tpu.memory_space<vmem>>, vector<1x16xf32>,
        %get3A_2393 = vector.shape_cast %get3A_2392 : vector<1x16xf32> to vector<16xf32>
        %mul3A_2394 = vector.broadcast %squeeze3A_2376 : f32 to vector<16xf32>
        %mul3A_2395 = arith.mulf %mul3A_2394, %get3A_2393 : vector<16xf32>
        %add3A_2396 = arith.addf %add3A_2389, %mul3A_2395 : vector<16xf32>
        %swap3A_2397 = arith.index_cast %add3A_2370 : i32 to index
        %swap3A_2398 = arith.constant 0 : index
        %swap3A_2399 = tpu.vector_load %arg15[%swap3A_2397, %swap3A_2398] {strides = array<i32>} : memref<128x128xf32, #tpu.memory_space<vmem>>, vector<1x16xf32>,
        %swap3A_2400 = vector.shape_cast %swap3A_2399 : vector<1x16xf32> to vector<16xf32>
        %swap3A_2401 = vector.shape_cast %add3A_2396 : vector<16xf32> to vector<1x16xf32>
        tpu.vector_store %arg15[%swap3A_2397, %swap3A_2398], %swap3A_2401 {strides = array<i32>} : memref<128x128xf32, #tpu.memory_space<vmem>>, vector<1x16xf32>,
        %get3A_2402 = arith.index_cast %add3A_2370 : i32 to index
        %get3A_2403 = arith.constant 16 : index
        %get3A_2404 = tpu.vector_load %arg11[%get3A_2402, %get3A_2403] {strides = array<i32>} : memref<128x128xf32, #tpu.memory_space<vmem>>, vector<1x16xf32>,
        %get3A_2405 = vector.shape_cast %get3A_2404 : vector<1x16xf32> to vector<16xf32>
        %mul3A_2406 = vector.broadcast %squeeze3A_2372 : f32 to vector<16xf32>
        %mul3A_2407 = arith.mulf %mul3A_2406, %get3A_2405 : vector<16xf32>
        %get3A_2408 = arith.index_cast %add3A_2370 : i32 to index
        %get3A_2409 = arith.constant 16 : index
        %get3A_2410 = tpu.vector_load %arg12[%get3A_2408, %get3A_2409] {strides = array<i32>} : memref<128x128xf32, #tpu.memory_space<vmem>>, vector<1x16xf32>,
        %get3A_2411 = vector.shape_cast %get3A_2410 : vector<1x16xf32> to vector<16xf32>
        %mul3A_2412 = vector.broadcast %squeeze3A_2374 : f32 to vector<16xf32>
        %mul3A_2413 = arith.mulf %mul3A_2412, %get3A_2411 : vector<16xf32>
        %add3A_2414 = arith.addf %mul3A_2407, %mul3A_2413 : vector<16xf32>
        %get3A_2415 = arith.index_cast %add3A_2370 : i32 to index
        %get3A_2416 = arith.constant 16 : index
        %get3A_2417 = tpu.vector_load %arg13[%get3A_2415, %get3A_2416] {strides = array<i32>} : memref<128x128xf32, #tpu.memory_space<vmem>>, vector<1x16xf32>,
        %get3A_2418 = vector.shape_cast %get3A_2417 : vector<1x16xf32> to vector<16xf32>
        %mul3A_2419 = vector.broadcast %squeeze3A_2376 : f32 to vector<16xf32>
        %mul3A_2420 = arith.mulf %mul3A_2419, %get3A_2418 : vector<16xf32>
        %add3A_2421 = arith.addf %add3A_2414, %mul3A_2420 : vector<16xf32>
        %swap3A_2422 = arith.index_cast %add3A_2370 : i32 to index
        %swap3A_2423 = arith.constant 16 : index
        %swap3A_2424 = tpu.vector_load %arg15[%swap3A_2422, %swap3A_2423] {strides = array<i32>} : memref<128x128xf32, #tpu.memory_space<vmem>>, vector<1x16xf32>,
        %swap3A_2425 = vector.shape_cast %swap3A_2424 : vector<1x16xf32> to vector<16xf32>
        %swap3A_2426 = vector.shape_cast %add3A_2421 : vector<16xf32> to vector<1x16xf32>
        tpu.vector_store %arg15[%swap3A_2422, %swap3A_2423], %swap3A_2426 {strides = array<i32>} : memref<128x128xf32, #tpu.memory_space<vmem>>, vector<1x16xf32>,
        %get3A_2427 = arith.index_cast %add3A_2370 : i32 to index
        %get3A_2428 = arith.constant 32 : index
        %get3A_2429 = tpu.vector_load %arg11[%get3A_2427, %get3A_2428] {strides = array<i32>} : memref<128x128xf32, #tpu.memory_space<vmem>>, vector<1x16xf32>,
        %get3A_2430 = vector.shape_cast %get3A_2429 : vector<1x16xf32> to vector<16xf32>
        %mul3A_2431 = vector.broadcast %squeeze3A_2372 : f32 to vector<16xf32>
        %mul3A_2432 = arith.mulf %mul3A_2431, %get3A_2430 : vector<16xf32>
        %get3A_2433 = arith.index_cast %add3A_2370 : i32 to index
        %get3A_2434 = arith.constant 32 : index
        %get3A_2435 = tpu.vector_load %arg12[%get3A_2433, %get3A_2434] {strides = array<i32>} : memref<128x128xf32, #tpu.memory_space<vmem>>, vector<1x16xf32>,
        %get3A_2436 = vector.shape_cast %get3A_2435 : vector<1x16xf32> to vector<16xf32>
        %mul3A_2437 = vector.broadcast %squeeze3A_2374 : f32 to vector<16xf32>
        %mul3A_2438 = arith.mulf %mul3A_2437, %get3A_2436 : vector<16xf32>
        %add3A_2439 = arith.addf %mul3A_2432, %mul3A_2438 : vector<16xf32>
        %get3A_2440 = arith.index_cast %add3A_2370 : i32 to index
        %get3A_2441 = arith.constant 32 : index
        %get3A_2442 = tpu.vector_load %arg13[%get3A_2440, %get3A_2441] {strides = array<i32>} : memref<128x128xf32, #tpu.memory_space<vmem>>, vector<1x16xf32>,
        %get3A_2443 = vector.shape_cast %get3A_2442 : vector<1x16xf32> to vector<16xf32>
        %mul3A_2444 = vector.broadcast %squeeze3A_2376 : f32 to vector<16xf32>
        %mul3A_2445 = arith.mulf %mul3A_2444, %get3A_2443 : vector<16xf32>
        %add3A_2446 = arith.addf %add3A_2439, %mul3A_2445 : vector<16xf32>
        %swap3A_2447 = arith.index_cast %add3A_2370 : i32 to index
        %swap3A_2448 = arith.constant 32 : index
        %swap3A_2449 = tpu.vector_load %arg15[%swap3A_2447, %swap3A_2448] {strides = array<i32>} : memref<128x128xf32, #tpu.memory_space<vmem>>, vector<1x16xf32>,
        %swap3A_2450 = vector.shape_cast %swap3A_2449 : vector<1x16xf32> to vector<16xf32>
        %swap3A_2451 = vector.shape_cast %add3A_2446 : vector<16xf32> to vector<1x16xf32>
        tpu.vector_store %arg15[%swap3A_2447, %swap3A_2448], %swap3A_2451 {strides = array<i32>} : memref<128x128xf32, #tpu.memory_space<vmem>>, vector<1x16xf32>,
        %get3A_2452 = arith.index_cast %add3A_2370 : i32 to index
        %get3A_2453 = arith.constant 48 : index
        %get3A_2454 = tpu.vector_load %arg11[%get3A_2452, %get3A_2453] {strides = array<i32>} : memref<128x128xf32, #tpu.memory_space<vmem>>, vector<1x16xf32>,
        %get3A_2455 = vector.shape_cast %get3A_2454 : vector<1x16xf32> to vector<16xf32>
        %mul3A_2456 = vector.broadcast %squeeze3A_2372 : f32 to vector<16xf32>
        %mul3A_2457 = arith.mulf %mul3A_2456, %get3A_2455 : vector<16xf32>
        %get3A_2458 = arith.index_cast %add3A_2370 : i32 to index
        %get3A_2459 = arith.constant 48 : index
        %get3A_2460 = tpu.vector_load %arg12[%get3A_2458, %get3A_2459] {strides = array<i32>} : memref<128x128xf32, #tpu.memory_space<vmem>>, vector<1x16xf32>,
        %get3A_2461 = vector.shape_cast %get3A_2460 : vector<1x16xf32> to vector<16xf32>
        %mul3A_2462 = vector.broadcast %squeeze3A_2374 : f32 to vector<16xf32>
        %mul3A_2463 = arith.mulf %mul3A_2462, %get3A_2461 : vector<16xf32>
        %add3A_2464 = arith.addf %mul3A_2457, %mul3A_2463 : vector<16xf32>
        %get3A_2465 = arith.index_cast %add3A_2370 : i32 to index
        %get3A_2466 = arith.constant 48 : index
        %get3A_2467 = tpu.vector_load %arg13[%get3A_2465, %get3A_2466] {strides = array<i32>} : memref<128x128xf32, #tpu.memory_space<vmem>>, vector<1x16xf32>,
        %get3A_2468 = vector.shape_cast %get3A_2467 : vector<1x16xf32> to vector<16xf32>
        %mul3A_2469 = vector.broadcast %squeeze3A_2376 : f32 to vector<16xf32>
        %mul3A_2470 = arith.mulf %mul3A_2469, %get3A_2468 : vector<16xf32>
        %add3A_2471 = arith.addf %add3A_2464, %mul3A_2470 : vector<16xf32>
        %swap3A_2472 = arith.index_cast %add3A_2370 : i32 to index
        %swap3A_2473 = arith.constant 48 : index
        %swap3A_2474 = tpu.vector_load %arg15[%swap3A_2472, %swap3A_2473] {strides = array<i32>} : memref<128x128xf32, #tpu.memory_space<vmem>>, vector<1x16xf32>,
        %swap3A_2475 = vector.shape_cast %swap3A_2474 : vector<1x16xf32> to vector<16xf32>
        %swap3A_2476 = vector.shape_cast %add3A_2471 : vector<16xf32> to vector<1x16xf32>
        tpu.vector_store %arg15[%swap3A_2472, %swap3A_2473], %swap3A_2476 {strides = array<i32>} : memref<128x128xf32, #tpu.memory_space<vmem>>, vector<1x16xf32>,
        %get3A_2477 = arith.index_cast %add3A_2370 : i32 to index
        %get3A_2478 = arith.constant 64 : index
        %get3A_2479 = tpu.vector_load %arg11[%get3A_2477, %get3A_2478] {strides = array<i32>} : memref<128x128xf32, #tpu.memory_space<vmem>>, vector<1x16xf32>,
        %get3A_2480 = vector.shape_cast %get3A_2479 : vector<1x16xf32> to vector<16xf32>
        %mul3A_2481 = vector.broadcast %squeeze3A_2372 : f32 to vector<16xf32>
        %mul3A_2482 = arith.mulf %mul3A_2481, %get3A_2480 : vector<16xf32>
        %get3A_2483 = arith.index_cast %add3A_2370 : i32 to index
        %get3A_2484 = arith.constant 64 : index
        %get3A_2485 = tpu.vector_load %arg12[%get3A_2483, %get3A_2484] {strides = array<i32>} : memref<128x128xf32, #tpu.memory_space<vmem>>, vector<1x16xf32>,
        %get3A_2486 = vector.shape_cast %get3A_2485 : vector<1x16xf32> to vector<16xf32>
        %mul3A_2487 = vector.broadcast %squeeze3A_2374 : f32 to vector<16xf32>
        %mul3A_2488 = arith.mulf %mul3A_2487, %get3A_2486 : vector<16xf32>
        %add3A_2489 = arith.addf %mul3A_2482, %mul3A_2488 : vector<16xf32>
        %get3A_2490 = arith.index_cast %add3A_2370 : i32 to index
        %get3A_2491 = arith.constant 64 : index
        %get3A_2492 = tpu.vector_load %arg13[%get3A_2490, %get3A_2491] {strides = array<i32>} : memref<128x128xf32, #tpu.memory_space<vmem>>, vector<1x16xf32>,
        %get3A_2493 = vector.shape_cast %get3A_2492 : vector<1x16xf32> to vector<16xf32>
        %mul3A_2494 = vector.broadcast %squeeze3A_2376 : f32 to vector<16xf32>
        %mul3A_2495 = arith.mulf %mul3A_2494, %get3A_2493 : vector<16xf32>
        %add3A_2496 = arith.addf %add3A_2489, %mul3A_2495 : vector<16xf32>
        %swap3A_2497 = arith.index_cast %add3A_2370 : i32 to index
        %swap3A_2498 = arith.constant 64 : index
        %swap3A_2499 = tpu.vector_load %arg15[%swap3A_2497, %swap3A_2498] {strides = array<i32>} : memref<128x128xf32, #tpu.memory_space<vmem>>, vector<1x16xf32>,
        %swap3A_2500 = vector.shape_cast %swap3A_2499 : vector<1x16xf32> to vector<16xf32>
        %swap3A_2501 = vector.shape_cast %add3A_2496 : vector<16xf32> to vector<1x16xf32>
        tpu.vector_store %arg15[%swap3A_2497, %swap3A_2498], %swap3A_2501 {strides = array<i32>} : memref<128x128xf32, #tpu.memory_space<vmem>>, vector<1x16xf32>,
        %get3A_2502 = arith.index_cast %add3A_2370 : i32 to index
        %get3A_2503 = arith.constant 80 : index
        %get3A_2504 = tpu.vector_load %arg11[%get3A_2502, %get3A_2503] {strides = array<i32>} : memref<128x128xf32, #tpu.memory_space<vmem>>, vector<1x16xf32>,
        %get3A_2505 = vector.shape_cast %get3A_2504 : vector<1x16xf32> to vector<16xf32>
        %mul3A_2506 = vector.broadcast %squeeze3A_2372 : f32 to vector<16xf32>
        %mul3A_2507 = arith.mulf %mul3A_2506, %get3A_2505 : vector<16xf32>
        %get3A_2508 = arith.index_cast %add3A_2370 : i32 to index
        %get3A_2509 = arith.constant 80 : index
        %get3A_2510 = tpu.vector_load %arg12[%get3A_2508, %get3A_2509] {strides = array<i32>} : memref<128x128xf32, #tpu.memory_space<vmem>>, vector<1x16xf32>,
        %get3A_2511 = vector.shape_cast %get3A_2510 : vector<1x16xf32> to vector<16xf32>
        %mul3A_2512 = vector.broadcast %squeeze3A_2374 : f32 to vector<16xf32>
        %mul3A_2513 = arith.mulf %mul3A_2512, %get3A_2511 : vector<16xf32>
        %add3A_2514 = arith.addf %mul3A_2507, %mul3A_2513 : vector<16xf32>
        %get3A_2515 = arith.index_cast %add3A_2370 : i32 to index
        %get3A_2516 = arith.constant 80 : index
        %get3A_2517 = tpu.vector_load %arg13[%get3A_2515, %get3A_2516] {strides = array<i32>} : memref<128x128xf32, #tpu.memory_space<vmem>>, vector<1x16xf32>,
        %get3A_2518 = vector.shape_cast %get3A_2517 : vector<1x16xf32> to vector<16xf32>
        %mul3A_2519 = vector.broadcast %squeeze3A_2376 : f32 to vector<16xf32>
        %mul3A_2520 = arith.mulf %mul3A_2519, %get3A_2518 : vector<16xf32>
        %add3A_2521 = arith.addf %add3A_2514, %mul3A_2520 : vector<16xf32>
        %swap3A_2522 = arith.index_cast %add3A_2370 : i32 to index
        %swap3A_2523 = arith.constant 80 : index
        %swap3A_2524 = tpu.vector_load %arg15[%swap3A_2522, %swap3A_2523] {strides = array<i32>} : memref<128x128xf32, #tpu.memory_space<vmem>>, vector<1x16xf32>,
        %swap3A_2525 = vector.shape_cast %swap3A_2524 : vector<1x16xf32> to vector<16xf32>
        %swap3A_2526 = vector.shape_cast %add3A_2521 : vector<16xf32> to vector<1x16xf32>
        tpu.vector_store %arg15[%swap3A_2522, %swap3A_2523], %swap3A_2526 {strides = array<i32>} : memref<128x128xf32, #tpu.memory_space<vmem>>, vector<1x16xf32>,
        %get3A_2527 = arith.index_cast %add3A_2370 : i32 to index
        %get3A_2528 = arith.constant 96 : index
        %get3A_2529 = tpu.vector_load %arg11[%get3A_2527, %get3A_2528] {strides = array<i32>} : memref<128x128xf32, #tpu.memory_space<vmem>>, vector<1x16xf32>,
        %get3A_2530 = vector.shape_cast %get3A_2529 : vector<1x16xf32> to vector<16xf32>
        %mul3A_2531 = vector.broadcast %squeeze3A_2372 : f32 to vector<16xf32>
        %mul3A_2532 = arith.mulf %mul3A_2531, %get3A_2530 : vector<16xf32>
        %get3A_2533 = arith.index_cast %add3A_2370 : i32 to index
        %get3A_2534 = arith.constant 96 : index
        %get3A_2535 = tpu.vector_load %arg12[%get3A_2533, %get3A_2534] {strides = array<i32>} : memref<128x128xf32, #tpu.memory_space<vmem>>, vector<1x16xf32>,
        %get3A_2536 = vector.shape_cast %get3A_2535 : vector<1x16xf32> to vector<16xf32>
        %mul3A_2537 = vector.broadcast %squeeze3A_2374 : f32 to vector<16xf32>
        %mul3A_2538 = arith.mulf %mul3A_2537, %get3A_2536 : vector<16xf32>
        %add3A_2539 = arith.addf %mul3A_2532, %mul3A_2538 : vector<16xf32>
        %get3A_2540 = arith.index_cast %add3A_2370 : i32 to index
        %get3A_2541 = arith.constant 96 : index
        %get3A_2542 = tpu.vector_load %arg13[%get3A_2540, %get3A_2541] {strides = array<i32>} : memref<128x128xf32, #tpu.memory_space<vmem>>, vector<1x16xf32>,
        %get3A_2543 = vector.shape_cast %get3A_2542 : vector<1x16xf32> to vector<16xf32>
        %mul3A_2544 = vector.broadcast %squeeze3A_2376 : f32 to vector<16xf32>
        %mul3A_2545 = arith.mulf %mul3A_2544, %get3A_2543 : vector<16xf32>
        %add3A_2546 = arith.addf %add3A_2539, %mul3A_2545 : vector<16xf32>
        %swap3A_2547 = arith.index_cast %add3A_2370 : i32 to index
        %swap3A_2548 = arith.constant 96 : index
        %swap3A_2549 = tpu.vector_load %arg15[%swap3A_2547, %swap3A_2548] {strides = array<i32>} : memref<128x128xf32, #tpu.memory_space<vmem>>, vector<1x16xf32>,
        %swap3A_2550 = vector.shape_cast %swap3A_2549 : vector<1x16xf32> to vector<16xf32>
        %swap3A_2551 = vector.shape_cast %add3A_2546 : vector<16xf32> to vector<1x16xf32>
        tpu.vector_store %arg15[%swap3A_2547, %swap3A_2548], %swap3A_2551 {strides = array<i32>} : memref<128x128xf32, #tpu.memory_space<vmem>>, vector<1x16xf32>,
        %get3A_2552 = arith.index_cast %add3A_2370 : i32 to index
        %get3A_2553 = arith.constant 112 : index
        %get3A_2554 = tpu.vector_load %arg11[%get3A_2552, %get3A_2553] {strides = array<i32>} : memref<128x128xf32, #tpu.memory_space<vmem>>, vector<1x16xf32>,
        %get3A_2555 = vector.shape_cast %get3A_2554 : vector<1x16xf32> to vector<16xf32>
        %mul3A_2556 = vector.broadcast %squeeze3A_2372 : f32 to vector<16xf32>
        %mul3A_2557 = arith.mulf %mul3A_2556, %get3A_2555 : vector<16xf32>
        %get3A_2558 = arith.index_cast %add3A_2370 : i32 to index
        %get3A_2559 = arith.constant 112 : index
        %get3A_2560 = tpu.vector_load %arg12[%get3A_2558, %get3A_2559] {strides = array<i32>} : memref<128x128xf32, #tpu.memory_space<vmem>>, vector<1x16xf32>,
        %get3A_2561 = vector.shape_cast %get3A_2560 : vector<1x16xf32> to vector<16xf32>
        %mul3A_2562 = vector.broadcast %squeeze3A_2374 : f32 to vector<16xf32>
        %mul3A_2563 = arith.mulf %mul3A_2562, %get3A_2561 : vector<16xf32>
        %add3A_2564 = arith.addf %mul3A_2557, %mul3A_2563 : vector<16xf32>
        %get3A_2565 = arith.index_cast %add3A_2370 : i32 to index
        %get3A_2566 = arith.constant 112 : index
        %get3A_2567 = tpu.vector_load %arg13[%get3A_2565, %get3A_2566] {strides = array<i32>} : memref<128x128xf32, #tpu.memory_space<vmem>>, vector<1x16xf32>,
        %get3A_2568 = vector.shape_cast %get3A_2567 : vector<1x16xf32> to vector<16xf32>
        %mul3A_2569 = vector.broadcast %squeeze3A_2376 : f32 to vector<16xf32>
        %mul3A_2570 = arith.mulf %mul3A_2569, %get3A_2568 : vector<16xf32>
        %add3A_2571 = arith.addf %add3A_2564, %mul3A_2570 : vector<16xf32>
        %swap3A_2572 = arith.index_cast %add3A_2370 : i32 to index
        %swap3A_2573 = arith.constant 112 : index
        %swap3A_2574 = tpu.vector_load %arg15[%swap3A_2572, %swap3A_2573] {strides = array<i32>} : memref<128x128xf32, #tpu.memory_space<vmem>>, vector<1x16xf32>,
        %swap3A_2575 = vector.shape_cast %swap3A_2574 : vector<1x16xf32> to vector<16xf32>
        %swap3A_2576 = vector.shape_cast %add3A_2571 : vector<16xf32> to vector<1x16xf32>
        tpu.vector_store %arg15[%swap3A_2572, %swap3A_2573], %swap3A_2576 {strides = array<i32>} : memref<128x128xf32, #tpu.memory_space<vmem>>, vector<1x16xf32>,
        %mul3A_2577 = arith.constant 16 : i32
        %mul3A_2578 = arith.muli %scan3A_38, %mul3A_2577 : i32
        %add3A_2579 = arith.constant 12 : i32
        %add3A_2580 = arith.addi %mul3A_2578, %add3A_2579 : i32
        %slice3A_2581 = vector.extract_strided_slice %get3A_45 {offsets = [12], sizes = [1], strides = [1]} : vector<16xf32> to vector<1xf32>
        %squeeze3A_2582 = vector.extract %slice3A_2581[0] : f32 from vector<1xf32>
        %slice3A_2583 = vector.extract_strided_slice %get3A_52 {offsets = [12], sizes = [1], strides = [1]} : vector<16xf32> to vector<1xf32>
        %squeeze3A_2584 = vector.extract %slice3A_2583[0] : f32 from vector<1xf32>
        %slice3A_2585 = vector.extract_strided_slice %get3A_59 {offsets = [12], sizes = [1], strides = [1]} : vector<16xf32> to vector<1xf32>
        %squeeze3A_2586 = vector.extract %slice3A_2585[0] : f32 from vector<1xf32>
        %get3A_2587 = arith.index_cast %add3A_2580 : i32 to index
        %get3A_2588 = arith.constant 0 : index
        %get3A_2589 = tpu.vector_load %arg11[%get3A_2587, %get3A_2588] {strides = array<i32>} : memref<128x128xf32, #tpu.memory_space<vmem>>, vector<1x16xf32>,
        %get3A_2590 = vector.shape_cast %get3A_2589 : vector<1x16xf32> to vector<16xf32>
        %mul3A_2591 = vector.broadcast %squeeze3A_2582 : f32 to vector<16xf32>
        %mul3A_2592 = arith.mulf %mul3A_2591, %get3A_2590 : vector<16xf32>
        %get3A_2593 = arith.index_cast %add3A_2580 : i32 to index
        %get3A_2594 = arith.constant 0 : index
        %get3A_2595 = tpu.vector_load %arg12[%get3A_2593, %get3A_2594] {strides = array<i32>} : memref<128x128xf32, #tpu.memory_space<vmem>>, vector<1x16xf32>,
        %get3A_2596 = vector.shape_cast %get3A_2595 : vector<1x16xf32> to vector<16xf32>
        %mul3A_2597 = vector.broadcast %squeeze3A_2584 : f32 to vector<16xf32>
        %mul3A_2598 = arith.mulf %mul3A_2597, %get3A_2596 : vector<16xf32>
        %add3A_2599 = arith.addf %mul3A_2592, %mul3A_2598 : vector<16xf32>
        %get3A_2600 = arith.index_cast %add3A_2580 : i32 to index
        %get3A_2601 = arith.constant 0 : index
        %get3A_2602 = tpu.vector_load %arg13[%get3A_2600, %get3A_2601] {strides = array<i32>} : memref<128x128xf32, #tpu.memory_space<vmem>>, vector<1x16xf32>,
        %get3A_2603 = vector.shape_cast %get3A_2602 : vector<1x16xf32> to vector<16xf32>
        %mul3A_2604 = vector.broadcast %squeeze3A_2586 : f32 to vector<16xf32>
        %mul3A_2605 = arith.mulf %mul3A_2604, %get3A_2603 : vector<16xf32>
        %add3A_2606 = arith.addf %add3A_2599, %mul3A_2605 : vector<16xf32>
        %swap3A_2607 = arith.index_cast %add3A_2580 : i32 to index
        %swap3A_2608 = arith.constant 0 : index
        %swap3A_2609 = tpu.vector_load %arg15[%swap3A_2607, %swap3A_2608] {strides = array<i32>} : memref<128x128xf32, #tpu.memory_space<vmem>>, vector<1x16xf32>,
        %swap3A_2610 = vector.shape_cast %swap3A_2609 : vector<1x16xf32> to vector<16xf32>
        %swap3A_2611 = vector.shape_cast %add3A_2606 : vector<16xf32> to vector<1x16xf32>
        tpu.vector_store %arg15[%swap3A_2607, %swap3A_2608], %swap3A_2611 {strides = array<i32>} : memref<128x128xf32, #tpu.memory_space<vmem>>, vector<1x16xf32>,
        %get3A_2612 = arith.index_cast %add3A_2580 : i32 to index
        %get3A_2613 = arith.constant 16 : index
        %get3A_2614 = tpu.vector_load %arg11[%get3A_2612, %get3A_2613] {strides = array<i32>} : memref<128x128xf32, #tpu.memory_space<vmem>>, vector<1x16xf32>,
        %get3A_2615 = vector.shape_cast %get3A_2614 : vector<1x16xf32> to vector<16xf32>
        %mul3A_2616 = vector.broadcast %squeeze3A_2582 : f32 to vector<16xf32>
        %mul3A_2617 = arith.mulf %mul3A_2616, %get3A_2615 : vector<16xf32>
        %get3A_2618 = arith.index_cast %add3A_2580 : i32 to index
        %get3A_2619 = arith.constant 16 : index
        %get3A_2620 = tpu.vector_load %arg12[%get3A_2618, %get3A_2619] {strides = array<i32>} : memref<128x128xf32, #tpu.memory_space<vmem>>, vector<1x16xf32>,
        %get3A_2621 = vector.shape_cast %get3A_2620 : vector<1x16xf32> to vector<16xf32>
        %mul3A_2622 = vector.broadcast %squeeze3A_2584 : f32 to vector<16xf32>
        %mul3A_2623 = arith.mulf %mul3A_2622, %get3A_2621 : vector<16xf32>
        %add3A_2624 = arith.addf %mul3A_2617, %mul3A_2623 : vector<16xf32>
        %get3A_2625 = arith.index_cast %add3A_2580 : i32 to index
        %get3A_2626 = arith.constant 16 : index
        %get3A_2627 = tpu.vector_load %arg13[%get3A_2625, %get3A_2626] {strides = array<i32>} : memref<128x128xf32, #tpu.memory_space<vmem>>, vector<1x16xf32>,
        %get3A_2628 = vector.shape_cast %get3A_2627 : vector<1x16xf32> to vector<16xf32>
        %mul3A_2629 = vector.broadcast %squeeze3A_2586 : f32 to vector<16xf32>
        %mul3A_2630 = arith.mulf %mul3A_2629, %get3A_2628 : vector<16xf32>
        %add3A_2631 = arith.addf %add3A_2624, %mul3A_2630 : vector<16xf32>
        %swap3A_2632 = arith.index_cast %add3A_2580 : i32 to index
        %swap3A_2633 = arith.constant 16 : index
        %swap3A_2634 = tpu.vector_load %arg15[%swap3A_2632, %swap3A_2633] {strides = array<i32>} : memref<128x128xf32, #tpu.memory_space<vmem>>, vector<1x16xf32>,
        %swap3A_2635 = vector.shape_cast %swap3A_2634 : vector<1x16xf32> to vector<16xf32>
        %swap3A_2636 = vector.shape_cast %add3A_2631 : vector<16xf32> to vector<1x16xf32>
        tpu.vector_store %arg15[%swap3A_2632, %swap3A_2633], %swap3A_2636 {strides = array<i32>} : memref<128x128xf32, #tpu.memory_space<vmem>>, vector<1x16xf32>,
        %get3A_2637 = arith.index_cast %add3A_2580 : i32 to index
        %get3A_2638 = arith.constant 32 : index
        %get3A_2639 = tpu.vector_load %arg11[%get3A_2637, %get3A_2638] {strides = array<i32>} : memref<128x128xf32, #tpu.memory_space<vmem>>, vector<1x16xf32>,
        %get3A_2640 = vector.shape_cast %get3A_2639 : vector<1x16xf32> to vector<16xf32>
        %mul3A_2641 = vector.broadcast %squeeze3A_2582 : f32 to vector<16xf32>
        %mul3A_2642 = arith.mulf %mul3A_2641, %get3A_2640 : vector<16xf32>
        %get3A_2643 = arith.index_cast %add3A_2580 : i32 to index
        %get3A_2644 = arith.constant 32 : index
        %get3A_2645 = tpu.vector_load %arg12[%get3A_2643, %get3A_2644] {strides = array<i32>} : memref<128x128xf32, #tpu.memory_space<vmem>>, vector<1x16xf32>,
        %get3A_2646 = vector.shape_cast %get3A_2645 : vector<1x16xf32> to vector<16xf32>
        %mul3A_2647 = vector.broadcast %squeeze3A_2584 : f32 to vector<16xf32>
        %mul3A_2648 = arith.mulf %mul3A_2647, %get3A_2646 : vector<16xf32>
        %add3A_2649 = arith.addf %mul3A_2642, %mul3A_2648 : vector<16xf32>
        %get3A_2650 = arith.index_cast %add3A_2580 : i32 to index
        %get3A_2651 = arith.constant 32 : index
        %get3A_2652 = tpu.vector_load %arg13[%get3A_2650, %get3A_2651] {strides = array<i32>} : memref<128x128xf32, #tpu.memory_space<vmem>>, vector<1x16xf32>,
        %get3A_2653 = vector.shape_cast %get3A_2652 : vector<1x16xf32> to vector<16xf32>
        %mul3A_2654 = vector.broadcast %squeeze3A_2586 : f32 to vector<16xf32>
        %mul3A_2655 = arith.mulf %mul3A_2654, %get3A_2653 : vector<16xf32>
        %add3A_2656 = arith.addf %add3A_2649, %mul3A_2655 : vector<16xf32>
        %swap3A_2657 = arith.index_cast %add3A_2580 : i32 to index
        %swap3A_2658 = arith.constant 32 : index
        %swap3A_2659 = tpu.vector_load %arg15[%swap3A_2657, %swap3A_2658] {strides = array<i32>} : memref<128x128xf32, #tpu.memory_space<vmem>>, vector<1x16xf32>,
        %swap3A_2660 = vector.shape_cast %swap3A_2659 : vector<1x16xf32> to vector<16xf32>
        %swap3A_2661 = vector.shape_cast %add3A_2656 : vector<16xf32> to vector<1x16xf32>
        tpu.vector_store %arg15[%swap3A_2657, %swap3A_2658], %swap3A_2661 {strides = array<i32>} : memref<128x128xf32, #tpu.memory_space<vmem>>, vector<1x16xf32>,
        %get3A_2662 = arith.index_cast %add3A_2580 : i32 to index
        %get3A_2663 = arith.constant 48 : index
        %get3A_2664 = tpu.vector_load %arg11[%get3A_2662, %get3A_2663] {strides = array<i32>} : memref<128x128xf32, #tpu.memory_space<vmem>>, vector<1x16xf32>,
        %get3A_2665 = vector.shape_cast %get3A_2664 : vector<1x16xf32> to vector<16xf32>
        %mul3A_2666 = vector.broadcast %squeeze3A_2582 : f32 to vector<16xf32>
        %mul3A_2667 = arith.mulf %mul3A_2666, %get3A_2665 : vector<16xf32>
        %get3A_2668 = arith.index_cast %add3A_2580 : i32 to index
        %get3A_2669 = arith.constant 48 : index
        %get3A_2670 = tpu.vector_load %arg12[%get3A_2668, %get3A_2669] {strides = array<i32>} : memref<128x128xf32, #tpu.memory_space<vmem>>, vector<1x16xf32>,
        %get3A_2671 = vector.shape_cast %get3A_2670 : vector<1x16xf32> to vector<16xf32>
        %mul3A_2672 = vector.broadcast %squeeze3A_2584 : f32 to vector<16xf32>
        %mul3A_2673 = arith.mulf %mul3A_2672, %get3A_2671 : vector<16xf32>
        %add3A_2674 = arith.addf %mul3A_2667, %mul3A_2673 : vector<16xf32>
        %get3A_2675 = arith.index_cast %add3A_2580 : i32 to index
        %get3A_2676 = arith.constant 48 : index
        %get3A_2677 = tpu.vector_load %arg13[%get3A_2675, %get3A_2676] {strides = array<i32>} : memref<128x128xf32, #tpu.memory_space<vmem>>, vector<1x16xf32>,
        %get3A_2678 = vector.shape_cast %get3A_2677 : vector<1x16xf32> to vector<16xf32>
        %mul3A_2679 = vector.broadcast %squeeze3A_2586 : f32 to vector<16xf32>
        %mul3A_2680 = arith.mulf %mul3A_2679, %get3A_2678 : vector<16xf32>
        %add3A_2681 = arith.addf %add3A_2674, %mul3A_2680 : vector<16xf32>
        %swap3A_2682 = arith.index_cast %add3A_2580 : i32 to index
        %swap3A_2683 = arith.constant 48 : index
        %swap3A_2684 = tpu.vector_load %arg15[%swap3A_2682, %swap3A_2683] {strides = array<i32>} : memref<128x128xf32, #tpu.memory_space<vmem>>, vector<1x16xf32>,
        %swap3A_2685 = vector.shape_cast %swap3A_2684 : vector<1x16xf32> to vector<16xf32>
        %swap3A_2686 = vector.shape_cast %add3A_2681 : vector<16xf32> to vector<1x16xf32>
        tpu.vector_store %arg15[%swap3A_2682, %swap3A_2683], %swap3A_2686 {strides = array<i32>} : memref<128x128xf32, #tpu.memory_space<vmem>>, vector<1x16xf32>,
        %get3A_2687 = arith.index_cast %add3A_2580 : i32 to index
        %get3A_2688 = arith.constant 64 : index
        %get3A_2689 = tpu.vector_load %arg11[%get3A_2687, %get3A_2688] {strides = array<i32>} : memref<128x128xf32, #tpu.memory_space<vmem>>, vector<1x16xf32>,
        %get3A_2690 = vector.shape_cast %get3A_2689 : vector<1x16xf32> to vector<16xf32>
        %mul3A_2691 = vector.broadcast %squeeze3A_2582 : f32 to vector<16xf32>
        %mul3A_2692 = arith.mulf %mul3A_2691, %get3A_2690 : vector<16xf32>
        %get3A_2693 = arith.index_cast %add3A_2580 : i32 to index
        %get3A_2694 = arith.constant 64 : index
        %get3A_2695 = tpu.vector_load %arg12[%get3A_2693, %get3A_2694] {strides = array<i32>} : memref<128x128xf32, #tpu.memory_space<vmem>>, vector<1x16xf32>,
        %get3A_2696 = vector.shape_cast %get3A_2695 : vector<1x16xf32> to vector<16xf32>
        %mul3A_2697 = vector.broadcast %squeeze3A_2584 : f32 to vector<16xf32>
        %mul3A_2698 = arith.mulf %mul3A_2697, %get3A_2696 : vector<16xf32>
        %add3A_2699 = arith.addf %mul3A_2692, %mul3A_2698 : vector<16xf32>
        %get3A_2700 = arith.index_cast %add3A_2580 : i32 to index
        %get3A_2701 = arith.constant 64 : index
        %get3A_2702 = tpu.vector_load %arg13[%get3A_2700, %get3A_2701] {strides = array<i32>} : memref<128x128xf32, #tpu.memory_space<vmem>>, vector<1x16xf32>,
        %get3A_2703 = vector.shape_cast %get3A_2702 : vector<1x16xf32> to vector<16xf32>
        %mul3A_2704 = vector.broadcast %squeeze3A_2586 : f32 to vector<16xf32>
        %mul3A_2705 = arith.mulf %mul3A_2704, %get3A_2703 : vector<16xf32>
        %add3A_2706 = arith.addf %add3A_2699, %mul3A_2705 : vector<16xf32>
        %swap3A_2707 = arith.index_cast %add3A_2580 : i32 to index
        %swap3A_2708 = arith.constant 64 : index
        %swap3A_2709 = tpu.vector_load %arg15[%swap3A_2707, %swap3A_2708] {strides = array<i32>} : memref<128x128xf32, #tpu.memory_space<vmem>>, vector<1x16xf32>,
        %swap3A_2710 = vector.shape_cast %swap3A_2709 : vector<1x16xf32> to vector<16xf32>
        %swap3A_2711 = vector.shape_cast %add3A_2706 : vector<16xf32> to vector<1x16xf32>
        tpu.vector_store %arg15[%swap3A_2707, %swap3A_2708], %swap3A_2711 {strides = array<i32>} : memref<128x128xf32, #tpu.memory_space<vmem>>, vector<1x16xf32>,
        %get3A_2712 = arith.index_cast %add3A_2580 : i32 to index
        %get3A_2713 = arith.constant 80 : index
        %get3A_2714 = tpu.vector_load %arg11[%get3A_2712, %get3A_2713] {strides = array<i32>} : memref<128x128xf32, #tpu.memory_space<vmem>>, vector<1x16xf32>,
        %get3A_2715 = vector.shape_cast %get3A_2714 : vector<1x16xf32> to vector<16xf32>
        %mul3A_2716 = vector.broadcast %squeeze3A_2582 : f32 to vector<16xf32>
        %mul3A_2717 = arith.mulf %mul3A_2716, %get3A_2715 : vector<16xf32>
        %get3A_2718 = arith.index_cast %add3A_2580 : i32 to index
        %get3A_2719 = arith.constant 80 : index
        %get3A_2720 = tpu.vector_load %arg12[%get3A_2718, %get3A_2719] {strides = array<i32>} : memref<128x128xf32, #tpu.memory_space<vmem>>, vector<1x16xf32>,
        %get3A_2721 = vector.shape_cast %get3A_2720 : vector<1x16xf32> to vector<16xf32>
        %mul3A_2722 = vector.broadcast %squeeze3A_2584 : f32 to vector<16xf32>
        %mul3A_2723 = arith.mulf %mul3A_2722, %get3A_2721 : vector<16xf32>
        %add3A_2724 = arith.addf %mul3A_2717, %mul3A_2723 : vector<16xf32>
        %get3A_2725 = arith.index_cast %add3A_2580 : i32 to index
        %get3A_2726 = arith.constant 80 : index
        %get3A_2727 = tpu.vector_load %arg13[%get3A_2725, %get3A_2726] {strides = array<i32>} : memref<128x128xf32, #tpu.memory_space<vmem>>, vector<1x16xf32>,
        %get3A_2728 = vector.shape_cast %get3A_2727 : vector<1x16xf32> to vector<16xf32>
        %mul3A_2729 = vector.broadcast %squeeze3A_2586 : f32 to vector<16xf32>
        %mul3A_2730 = arith.mulf %mul3A_2729, %get3A_2728 : vector<16xf32>
        %add3A_2731 = arith.addf %add3A_2724, %mul3A_2730 : vector<16xf32>
        %swap3A_2732 = arith.index_cast %add3A_2580 : i32 to index
        %swap3A_2733 = arith.constant 80 : index
        %swap3A_2734 = tpu.vector_load %arg15[%swap3A_2732, %swap3A_2733] {strides = array<i32>} : memref<128x128xf32, #tpu.memory_space<vmem>>, vector<1x16xf32>,
        %swap3A_2735 = vector.shape_cast %swap3A_2734 : vector<1x16xf32> to vector<16xf32>
        %swap3A_2736 = vector.shape_cast %add3A_2731 : vector<16xf32> to vector<1x16xf32>
        tpu.vector_store %arg15[%swap3A_2732, %swap3A_2733], %swap3A_2736 {strides = array<i32>} : memref<128x128xf32, #tpu.memory_space<vmem>>, vector<1x16xf32>,
        %get3A_2737 = arith.index_cast %add3A_2580 : i32 to index
        %get3A_2738 = arith.constant 96 : index
        %get3A_2739 = tpu.vector_load %arg11[%get3A_2737, %get3A_2738] {strides = array<i32>} : memref<128x128xf32, #tpu.memory_space<vmem>>, vector<1x16xf32>,
        %get3A_2740 = vector.shape_cast %get3A_2739 : vector<1x16xf32> to vector<16xf32>
        %mul3A_2741 = vector.broadcast %squeeze3A_2582 : f32 to vector<16xf32>
        %mul3A_2742 = arith.mulf %mul3A_2741, %get3A_2740 : vector<16xf32>
        %get3A_2743 = arith.index_cast %add3A_2580 : i32 to index
        %get3A_2744 = arith.constant 96 : index
        %get3A_2745 = tpu.vector_load %arg12[%get3A_2743, %get3A_2744] {strides = array<i32>} : memref<128x128xf32, #tpu.memory_space<vmem>>, vector<1x16xf32>,
        %get3A_2746 = vector.shape_cast %get3A_2745 : vector<1x16xf32> to vector<16xf32>
        %mul3A_2747 = vector.broadcast %squeeze3A_2584 : f32 to vector<16xf32>
        %mul3A_2748 = arith.mulf %mul3A_2747, %get3A_2746 : vector<16xf32>
        %add3A_2749 = arith.addf %mul3A_2742, %mul3A_2748 : vector<16xf32>
        %get3A_2750 = arith.index_cast %add3A_2580 : i32 to index
        %get3A_2751 = arith.constant 96 : index
        %get3A_2752 = tpu.vector_load %arg13[%get3A_2750, %get3A_2751] {strides = array<i32>} : memref<128x128xf32, #tpu.memory_space<vmem>>, vector<1x16xf32>,
        %get3A_2753 = vector.shape_cast %get3A_2752 : vector<1x16xf32> to vector<16xf32>
        %mul3A_2754 = vector.broadcast %squeeze3A_2586 : f32 to vector<16xf32>
        %mul3A_2755 = arith.mulf %mul3A_2754, %get3A_2753 : vector<16xf32>
        %add3A_2756 = arith.addf %add3A_2749, %mul3A_2755 : vector<16xf32>
        %swap3A_2757 = arith.index_cast %add3A_2580 : i32 to index
        %swap3A_2758 = arith.constant 96 : index
        %swap3A_2759 = tpu.vector_load %arg15[%swap3A_2757, %swap3A_2758] {strides = array<i32>} : memref<128x128xf32, #tpu.memory_space<vmem>>, vector<1x16xf32>,
        %swap3A_2760 = vector.shape_cast %swap3A_2759 : vector<1x16xf32> to vector<16xf32>
        %swap3A_2761 = vector.shape_cast %add3A_2756 : vector<16xf32> to vector<1x16xf32>
        tpu.vector_store %arg15[%swap3A_2757, %swap3A_2758], %swap3A_2761 {strides = array<i32>} : memref<128x128xf32, #tpu.memory_space<vmem>>, vector<1x16xf32>,
        %get3A_2762 = arith.index_cast %add3A_2580 : i32 to index
        %get3A_2763 = arith.constant 112 : index
        %get3A_2764 = tpu.vector_load %arg11[%get3A_2762, %get3A_2763] {strides = array<i32>} : memref<128x128xf32, #tpu.memory_space<vmem>>, vector<1x16xf32>,
        %get3A_2765 = vector.shape_cast %get3A_2764 : vector<1x16xf32> to vector<16xf32>
        %mul3A_2766 = vector.broadcast %squeeze3A_2582 : f32 to vector<16xf32>
        %mul3A_2767 = arith.mulf %mul3A_2766, %get3A_2765 : vector<16xf32>
        %get3A_2768 = arith.index_cast %add3A_2580 : i32 to index
        %get3A_2769 = arith.constant 112 : index
        %get3A_2770 = tpu.vector_load %arg12[%get3A_2768, %get3A_2769] {strides = array<i32>} : memref<128x128xf32, #tpu.memory_space<vmem>>, vector<1x16xf32>,
        %get3A_2771 = vector.shape_cast %get3A_2770 : vector<1x16xf32> to vector<16xf32>
        %mul3A_2772 = vector.broadcast %squeeze3A_2584 : f32 to vector<16xf32>
        %mul3A_2773 = arith.mulf %mul3A_2772, %get3A_2771 : vector<16xf32>
        %add3A_2774 = arith.addf %mul3A_2767, %mul3A_2773 : vector<16xf32>
        %get3A_2775 = arith.index_cast %add3A_2580 : i32 to index
        %get3A_2776 = arith.constant 112 : index
        %get3A_2777 = tpu.vector_load %arg13[%get3A_2775, %get3A_2776] {strides = array<i32>} : memref<128x128xf32, #tpu.memory_space<vmem>>, vector<1x16xf32>,
        %get3A_2778 = vector.shape_cast %get3A_2777 : vector<1x16xf32> to vector<16xf32>
        %mul3A_2779 = vector.broadcast %squeeze3A_2586 : f32 to vector<16xf32>
        %mul3A_2780 = arith.mulf %mul3A_2779, %get3A_2778 : vector<16xf32>
        %add3A_2781 = arith.addf %add3A_2774, %mul3A_2780 : vector<16xf32>
        %swap3A_2782 = arith.index_cast %add3A_2580 : i32 to index
        %swap3A_2783 = arith.constant 112 : index
        %swap3A_2784 = tpu.vector_load %arg15[%swap3A_2782, %swap3A_2783] {strides = array<i32>} : memref<128x128xf32, #tpu.memory_space<vmem>>, vector<1x16xf32>,
        %swap3A_2785 = vector.shape_cast %swap3A_2784 : vector<1x16xf32> to vector<16xf32>
        %swap3A_2786 = vector.shape_cast %add3A_2781 : vector<16xf32> to vector<1x16xf32>
        tpu.vector_store %arg15[%swap3A_2782, %swap3A_2783], %swap3A_2786 {strides = array<i32>} : memref<128x128xf32, #tpu.memory_space<vmem>>, vector<1x16xf32>,
        %mul3A_2787 = arith.constant 16 : i32
        %mul3A_2788 = arith.muli %scan3A_38, %mul3A_2787 : i32
        %add3A_2789 = arith.constant 13 : i32
        %add3A_2790 = arith.addi %mul3A_2788, %add3A_2789 : i32
        %slice3A_2791 = vector.extract_strided_slice %get3A_45 {offsets = [13], sizes = [1], strides = [1]} : vector<16xf32> to vector<1xf32>
        %squeeze3A_2792 = vector.extract %slice3A_2791[0] : f32 from vector<1xf32>
        %slice3A_2793 = vector.extract_strided_slice %get3A_52 {offsets = [13], sizes = [1], strides = [1]} : vector<16xf32> to vector<1xf32>
        %squeeze3A_2794 = vector.extract %slice3A_2793[0] : f32 from vector<1xf32>
        %slice3A_2795 = vector.extract_strided_slice %get3A_59 {offsets = [13], sizes = [1], strides = [1]} : vector<16xf32> to vector<1xf32>
        %squeeze3A_2796 = vector.extract %slice3A_2795[0] : f32 from vector<1xf32>
        %get3A_2797 = arith.index_cast %add3A_2790 : i32 to index
        %get3A_2798 = arith.constant 0 : index
        %get3A_2799 = tpu.vector_load %arg11[%get3A_2797, %get3A_2798] {strides = array<i32>} : memref<128x128xf32, #tpu.memory_space<vmem>>, vector<1x16xf32>,
        %get3A_2800 = vector.shape_cast %get3A_2799 : vector<1x16xf32> to vector<16xf32>
        %mul3A_2801 = vector.broadcast %squeeze3A_2792 : f32 to vector<16xf32>
        %mul3A_2802 = arith.mulf %mul3A_2801, %get3A_2800 : vector<16xf32>
        %get3A_2803 = arith.index_cast %add3A_2790 : i32 to index
        %get3A_2804 = arith.constant 0 : index
        %get3A_2805 = tpu.vector_load %arg12[%get3A_2803, %get3A_2804] {strides = array<i32>} : memref<128x128xf32, #tpu.memory_space<vmem>>, vector<1x16xf32>,
        %get3A_2806 = vector.shape_cast %get3A_2805 : vector<1x16xf32> to vector<16xf32>
        %mul3A_2807 = vector.broadcast %squeeze3A_2794 : f32 to vector<16xf32>
        %mul3A_2808 = arith.mulf %mul3A_2807, %get3A_2806 : vector<16xf32>
        %add3A_2809 = arith.addf %mul3A_2802, %mul3A_2808 : vector<16xf32>
        %get3A_2810 = arith.index_cast %add3A_2790 : i32 to index
        %get3A_2811 = arith.constant 0 : index
        %get3A_2812 = tpu.vector_load %arg13[%get3A_2810, %get3A_2811] {strides = array<i32>} : memref<128x128xf32, #tpu.memory_space<vmem>>, vector<1x16xf32>,
        %get3A_2813 = vector.shape_cast %get3A_2812 : vector<1x16xf32> to vector<16xf32>
        %mul3A_2814 = vector.broadcast %squeeze3A_2796 : f32 to vector<16xf32>
        %mul3A_2815 = arith.mulf %mul3A_2814, %get3A_2813 : vector<16xf32>
        %add3A_2816 = arith.addf %add3A_2809, %mul3A_2815 : vector<16xf32>
        %swap3A_2817 = arith.index_cast %add3A_2790 : i32 to index
        %swap3A_2818 = arith.constant 0 : index
        %swap3A_2819 = tpu.vector_load %arg15[%swap3A_2817, %swap3A_2818] {strides = array<i32>} : memref<128x128xf32, #tpu.memory_space<vmem>>, vector<1x16xf32>,
        %swap3A_2820 = vector.shape_cast %swap3A_2819 : vector<1x16xf32> to vector<16xf32>
        %swap3A_2821 = vector.shape_cast %add3A_2816 : vector<16xf32> to vector<1x16xf32>
        tpu.vector_store %arg15[%swap3A_2817, %swap3A_2818], %swap3A_2821 {strides = array<i32>} : memref<128x128xf32, #tpu.memory_space<vmem>>, vector<1x16xf32>,
        %get3A_2822 = arith.index_cast %add3A_2790 : i32 to index
        %get3A_2823 = arith.constant 16 : index
        %get3A_2824 = tpu.vector_load %arg11[%get3A_2822, %get3A_2823] {strides = array<i32>} : memref<128x128xf32, #tpu.memory_space<vmem>>, vector<1x16xf32>,
        %get3A_2825 = vector.shape_cast %get3A_2824 : vector<1x16xf32> to vector<16xf32>
        %mul3A_2826 = vector.broadcast %squeeze3A_2792 : f32 to vector<16xf32>
        %mul3A_2827 = arith.mulf %mul3A_2826, %get3A_2825 : vector<16xf32>
        %get3A_2828 = arith.index_cast %add3A_2790 : i32 to index
        %get3A_2829 = arith.constant 16 : index
        %get3A_2830 = tpu.vector_load %arg12[%get3A_2828, %get3A_2829] {strides = array<i32>} : memref<128x128xf32, #tpu.memory_space<vmem>>, vector<1x16xf32>,
        %get3A_2831 = vector.shape_cast %get3A_2830 : vector<1x16xf32> to vector<16xf32>
        %mul3A_2832 = vector.broadcast %squeeze3A_2794 : f32 to vector<16xf32>
        %mul3A_2833 = arith.mulf %mul3A_2832, %get3A_2831 : vector<16xf32>
        %add3A_2834 = arith.addf %mul3A_2827, %mul3A_2833 : vector<16xf32>
        %get3A_2835 = arith.index_cast %add3A_2790 : i32 to index
        %get3A_2836 = arith.constant 16 : index
        %get3A_2837 = tpu.vector_load %arg13[%get3A_2835, %get3A_2836] {strides = array<i32>} : memref<128x128xf32, #tpu.memory_space<vmem>>, vector<1x16xf32>,
        %get3A_2838 = vector.shape_cast %get3A_2837 : vector<1x16xf32> to vector<16xf32>
        %mul3A_2839 = vector.broadcast %squeeze3A_2796 : f32 to vector<16xf32>
        %mul3A_2840 = arith.mulf %mul3A_2839, %get3A_2838 : vector<16xf32>
        %add3A_2841 = arith.addf %add3A_2834, %mul3A_2840 : vector<16xf32>
        %swap3A_2842 = arith.index_cast %add3A_2790 : i32 to index
        %swap3A_2843 = arith.constant 16 : index
        %swap3A_2844 = tpu.vector_load %arg15[%swap3A_2842, %swap3A_2843] {strides = array<i32>} : memref<128x128xf32, #tpu.memory_space<vmem>>, vector<1x16xf32>,
        %swap3A_2845 = vector.shape_cast %swap3A_2844 : vector<1x16xf32> to vector<16xf32>
        %swap3A_2846 = vector.shape_cast %add3A_2841 : vector<16xf32> to vector<1x16xf32>
        tpu.vector_store %arg15[%swap3A_2842, %swap3A_2843], %swap3A_2846 {strides = array<i32>} : memref<128x128xf32, #tpu.memory_space<vmem>>, vector<1x16xf32>,
        %get3A_2847 = arith.index_cast %add3A_2790 : i32 to index
        %get3A_2848 = arith.constant 32 : index
        %get3A_2849 = tpu.vector_load %arg11[%get3A_2847, %get3A_2848] {strides = array<i32>} : memref<128x128xf32, #tpu.memory_space<vmem>>, vector<1x16xf32>,
        %get3A_2850 = vector.shape_cast %get3A_2849 : vector<1x16xf32> to vector<16xf32>
        %mul3A_2851 = vector.broadcast %squeeze3A_2792 : f32 to vector<16xf32>
        %mul3A_2852 = arith.mulf %mul3A_2851, %get3A_2850 : vector<16xf32>
        %get3A_2853 = arith.index_cast %add3A_2790 : i32 to index
        %get3A_2854 = arith.constant 32 : index
        %get3A_2855 = tpu.vector_load %arg12[%get3A_2853, %get3A_2854] {strides = array<i32>} : memref<128x128xf32, #tpu.memory_space<vmem>>, vector<1x16xf32>,
        %get3A_2856 = vector.shape_cast %get3A_2855 : vector<1x16xf32> to vector<16xf32>
        %mul3A_2857 = vector.broadcast %squeeze3A_2794 : f32 to vector<16xf32>
        %mul3A_2858 = arith.mulf %mul3A_2857, %get3A_2856 : vector<16xf32>
        %add3A_2859 = arith.addf %mul3A_2852, %mul3A_2858 : vector<16xf32>
        %get3A_2860 = arith.index_cast %add3A_2790 : i32 to index
        %get3A_2861 = arith.constant 32 : index
        %get3A_2862 = tpu.vector_load %arg13[%get3A_2860, %get3A_2861] {strides = array<i32>} : memref<128x128xf32, #tpu.memory_space<vmem>>, vector<1x16xf32>,
        %get3A_2863 = vector.shape_cast %get3A_2862 : vector<1x16xf32> to vector<16xf32>
        %mul3A_2864 = vector.broadcast %squeeze3A_2796 : f32 to vector<16xf32>
        %mul3A_2865 = arith.mulf %mul3A_2864, %get3A_2863 : vector<16xf32>
        %add3A_2866 = arith.addf %add3A_2859, %mul3A_2865 : vector<16xf32>
        %swap3A_2867 = arith.index_cast %add3A_2790 : i32 to index
        %swap3A_2868 = arith.constant 32 : index
        %swap3A_2869 = tpu.vector_load %arg15[%swap3A_2867, %swap3A_2868] {strides = array<i32>} : memref<128x128xf32, #tpu.memory_space<vmem>>, vector<1x16xf32>,
        %swap3A_2870 = vector.shape_cast %swap3A_2869 : vector<1x16xf32> to vector<16xf32>
        %swap3A_2871 = vector.shape_cast %add3A_2866 : vector<16xf32> to vector<1x16xf32>
        tpu.vector_store %arg15[%swap3A_2867, %swap3A_2868], %swap3A_2871 {strides = array<i32>} : memref<128x128xf32, #tpu.memory_space<vmem>>, vector<1x16xf32>,
        %get3A_2872 = arith.index_cast %add3A_2790 : i32 to index
        %get3A_2873 = arith.constant 48 : index
        %get3A_2874 = tpu.vector_load %arg11[%get3A_2872, %get3A_2873] {strides = array<i32>} : memref<128x128xf32, #tpu.memory_space<vmem>>, vector<1x16xf32>,
        %get3A_2875 = vector.shape_cast %get3A_2874 : vector<1x16xf32> to vector<16xf32>
        %mul3A_2876 = vector.broadcast %squeeze3A_2792 : f32 to vector<16xf32>
        %mul3A_2877 = arith.mulf %mul3A_2876, %get3A_2875 : vector<16xf32>
        %get3A_2878 = arith.index_cast %add3A_2790 : i32 to index
        %get3A_2879 = arith.constant 48 : index
        %get3A_2880 = tpu.vector_load %arg12[%get3A_2878, %get3A_2879] {strides = array<i32>} : memref<128x128xf32, #tpu.memory_space<vmem>>, vector<1x16xf32>,
        %get3A_2881 = vector.shape_cast %get3A_2880 : vector<1x16xf32> to vector<16xf32>
        %mul3A_2882 = vector.broadcast %squeeze3A_2794 : f32 to vector<16xf32>
        %mul3A_2883 = arith.mulf %mul3A_2882, %get3A_2881 : vector<16xf32>
        %add3A_2884 = arith.addf %mul3A_2877, %mul3A_2883 : vector<16xf32>
        %get3A_2885 = arith.index_cast %add3A_2790 : i32 to index
        %get3A_2886 = arith.constant 48 : index
        %get3A_2887 = tpu.vector_load %arg13[%get3A_2885, %get3A_2886] {strides = array<i32>} : memref<128x128xf32, #tpu.memory_space<vmem>>, vector<1x16xf32>,
        %get3A_2888 = vector.shape_cast %get3A_2887 : vector<1x16xf32> to vector<16xf32>
        %mul3A_2889 = vector.broadcast %squeeze3A_2796 : f32 to vector<16xf32>
        %mul3A_2890 = arith.mulf %mul3A_2889, %get3A_2888 : vector<16xf32>
        %add3A_2891 = arith.addf %add3A_2884, %mul3A_2890 : vector<16xf32>
        %swap3A_2892 = arith.index_cast %add3A_2790 : i32 to index
        %swap3A_2893 = arith.constant 48 : index
        %swap3A_2894 = tpu.vector_load %arg15[%swap3A_2892, %swap3A_2893] {strides = array<i32>} : memref<128x128xf32, #tpu.memory_space<vmem>>, vector<1x16xf32>,
        %swap3A_2895 = vector.shape_cast %swap3A_2894 : vector<1x16xf32> to vector<16xf32>
        %swap3A_2896 = vector.shape_cast %add3A_2891 : vector<16xf32> to vector<1x16xf32>
        tpu.vector_store %arg15[%swap3A_2892, %swap3A_2893], %swap3A_2896 {strides = array<i32>} : memref<128x128xf32, #tpu.memory_space<vmem>>, vector<1x16xf32>,
        %get3A_2897 = arith.index_cast %add3A_2790 : i32 to index
        %get3A_2898 = arith.constant 64 : index
        %get3A_2899 = tpu.vector_load %arg11[%get3A_2897, %get3A_2898] {strides = array<i32>} : memref<128x128xf32, #tpu.memory_space<vmem>>, vector<1x16xf32>,
        %get3A_2900 = vector.shape_cast %get3A_2899 : vector<1x16xf32> to vector<16xf32>
        %mul3A_2901 = vector.broadcast %squeeze3A_2792 : f32 to vector<16xf32>
        %mul3A_2902 = arith.mulf %mul3A_2901, %get3A_2900 : vector<16xf32>
        %get3A_2903 = arith.index_cast %add3A_2790 : i32 to index
        %get3A_2904 = arith.constant 64 : index
        %get3A_2905 = tpu.vector_load %arg12[%get3A_2903, %get3A_2904] {strides = array<i32>} : memref<128x128xf32, #tpu.memory_space<vmem>>, vector<1x16xf32>,
        %get3A_2906 = vector.shape_cast %get3A_2905 : vector<1x16xf32> to vector<16xf32>
        %mul3A_2907 = vector.broadcast %squeeze3A_2794 : f32 to vector<16xf32>
        %mul3A_2908 = arith.mulf %mul3A_2907, %get3A_2906 : vector<16xf32>
        %add3A_2909 = arith.addf %mul3A_2902, %mul3A_2908 : vector<16xf32>
        %get3A_2910 = arith.index_cast %add3A_2790 : i32 to index
        %get3A_2911 = arith.constant 64 : index
        %get3A_2912 = tpu.vector_load %arg13[%get3A_2910, %get3A_2911] {strides = array<i32>} : memref<128x128xf32, #tpu.memory_space<vmem>>, vector<1x16xf32>,
        %get3A_2913 = vector.shape_cast %get3A_2912 : vector<1x16xf32> to vector<16xf32>
        %mul3A_2914 = vector.broadcast %squeeze3A_2796 : f32 to vector<16xf32>
        %mul3A_2915 = arith.mulf %mul3A_2914, %get3A_2913 : vector<16xf32>
        %add3A_2916 = arith.addf %add3A_2909, %mul3A_2915 : vector<16xf32>
        %swap3A_2917 = arith.index_cast %add3A_2790 : i32 to index
        %swap3A_2918 = arith.constant 64 : index
        %swap3A_2919 = tpu.vector_load %arg15[%swap3A_2917, %swap3A_2918] {strides = array<i32>} : memref<128x128xf32, #tpu.memory_space<vmem>>, vector<1x16xf32>,
        %swap3A_2920 = vector.shape_cast %swap3A_2919 : vector<1x16xf32> to vector<16xf32>
        %swap3A_2921 = vector.shape_cast %add3A_2916 : vector<16xf32> to vector<1x16xf32>
        tpu.vector_store %arg15[%swap3A_2917, %swap3A_2918], %swap3A_2921 {strides = array<i32>} : memref<128x128xf32, #tpu.memory_space<vmem>>, vector<1x16xf32>,
        %get3A_2922 = arith.index_cast %add3A_2790 : i32 to index
        %get3A_2923 = arith.constant 80 : index
        %get3A_2924 = tpu.vector_load %arg11[%get3A_2922, %get3A_2923] {strides = array<i32>} : memref<128x128xf32, #tpu.memory_space<vmem>>, vector<1x16xf32>,
        %get3A_2925 = vector.shape_cast %get3A_2924 : vector<1x16xf32> to vector<16xf32>
        %mul3A_2926 = vector.broadcast %squeeze3A_2792 : f32 to vector<16xf32>
        %mul3A_2927 = arith.mulf %mul3A_2926, %get3A_2925 : vector<16xf32>
        %get3A_2928 = arith.index_cast %add3A_2790 : i32 to index
        %get3A_2929 = arith.constant 80 : index
        %get3A_2930 = tpu.vector_load %arg12[%get3A_2928, %get3A_2929] {strides = array<i32>} : memref<128x128xf32, #tpu.memory_space<vmem>>, vector<1x16xf32>,
        %get3A_2931 = vector.shape_cast %get3A_2930 : vector<1x16xf32> to vector<16xf32>
        %mul3A_2932 = vector.broadcast %squeeze3A_2794 : f32 to vector<16xf32>
        %mul3A_2933 = arith.mulf %mul3A_2932, %get3A_2931 : vector<16xf32>
        %add3A_2934 = arith.addf %mul3A_2927, %mul3A_2933 : vector<16xf32>
        %get3A_2935 = arith.index_cast %add3A_2790 : i32 to index
        %get3A_2936 = arith.constant 80 : index
        %get3A_2937 = tpu.vector_load %arg13[%get3A_2935, %get3A_2936] {strides = array<i32>} : memref<128x128xf32, #tpu.memory_space<vmem>>, vector<1x16xf32>,
        %get3A_2938 = vector.shape_cast %get3A_2937 : vector<1x16xf32> to vector<16xf32>
        %mul3A_2939 = vector.broadcast %squeeze3A_2796 : f32 to vector<16xf32>
        %mul3A_2940 = arith.mulf %mul3A_2939, %get3A_2938 : vector<16xf32>
        %add3A_2941 = arith.addf %add3A_2934, %mul3A_2940 : vector<16xf32>
        %swap3A_2942 = arith.index_cast %add3A_2790 : i32 to index
        %swap3A_2943 = arith.constant 80 : index
        %swap3A_2944 = tpu.vector_load %arg15[%swap3A_2942, %swap3A_2943] {strides = array<i32>} : memref<128x128xf32, #tpu.memory_space<vmem>>, vector<1x16xf32>,
        %swap3A_2945 = vector.shape_cast %swap3A_2944 : vector<1x16xf32> to vector<16xf32>
        %swap3A_2946 = vector.shape_cast %add3A_2941 : vector<16xf32> to vector<1x16xf32>
        tpu.vector_store %arg15[%swap3A_2942, %swap3A_2943], %swap3A_2946 {strides = array<i32>} : memref<128x128xf32, #tpu.memory_space<vmem>>, vector<1x16xf32>,
        %get3A_2947 = arith.index_cast %add3A_2790 : i32 to index
        %get3A_2948 = arith.constant 96 : index
        %get3A_2949 = tpu.vector_load %arg11[%get3A_2947, %get3A_2948] {strides = array<i32>} : memref<128x128xf32, #tpu.memory_space<vmem>>, vector<1x16xf32>,
        %get3A_2950 = vector.shape_cast %get3A_2949 : vector<1x16xf32> to vector<16xf32>
        %mul3A_2951 = vector.broadcast %squeeze3A_2792 : f32 to vector<16xf32>
        %mul3A_2952 = arith.mulf %mul3A_2951, %get3A_2950 : vector<16xf32>
        %get3A_2953 = arith.index_cast %add3A_2790 : i32 to index
        %get3A_2954 = arith.constant 96 : index
        %get3A_2955 = tpu.vector_load %arg12[%get3A_2953, %get3A_2954] {strides = array<i32>} : memref<128x128xf32, #tpu.memory_space<vmem>>, vector<1x16xf32>,
        %get3A_2956 = vector.shape_cast %get3A_2955 : vector<1x16xf32> to vector<16xf32>
        %mul3A_2957 = vector.broadcast %squeeze3A_2794 : f32 to vector<16xf32>
        %mul3A_2958 = arith.mulf %mul3A_2957, %get3A_2956 : vector<16xf32>
        %add3A_2959 = arith.addf %mul3A_2952, %mul3A_2958 : vector<16xf32>
        %get3A_2960 = arith.index_cast %add3A_2790 : i32 to index
        %get3A_2961 = arith.constant 96 : index
        %get3A_2962 = tpu.vector_load %arg13[%get3A_2960, %get3A_2961] {strides = array<i32>} : memref<128x128xf32, #tpu.memory_space<vmem>>, vector<1x16xf32>,
        %get3A_2963 = vector.shape_cast %get3A_2962 : vector<1x16xf32> to vector<16xf32>
        %mul3A_2964 = vector.broadcast %squeeze3A_2796 : f32 to vector<16xf32>
        %mul3A_2965 = arith.mulf %mul3A_2964, %get3A_2963 : vector<16xf32>
        %add3A_2966 = arith.addf %add3A_2959, %mul3A_2965 : vector<16xf32>
        %swap3A_2967 = arith.index_cast %add3A_2790 : i32 to index
        %swap3A_2968 = arith.constant 96 : index
        %swap3A_2969 = tpu.vector_load %arg15[%swap3A_2967, %swap3A_2968] {strides = array<i32>} : memref<128x128xf32, #tpu.memory_space<vmem>>, vector<1x16xf32>,
        %swap3A_2970 = vector.shape_cast %swap3A_2969 : vector<1x16xf32> to vector<16xf32>
        %swap3A_2971 = vector.shape_cast %add3A_2966 : vector<16xf32> to vector<1x16xf32>
        tpu.vector_store %arg15[%swap3A_2967, %swap3A_2968], %swap3A_2971 {strides = array<i32>} : memref<128x128xf32, #tpu.memory_space<vmem>>, vector<1x16xf32>,
        %get3A_2972 = arith.index_cast %add3A_2790 : i32 to index
        %get3A_2973 = arith.constant 112 : index
        %get3A_2974 = tpu.vector_load %arg11[%get3A_2972, %get3A_2973] {strides = array<i32>} : memref<128x128xf32, #tpu.memory_space<vmem>>, vector<1x16xf32>,
        %get3A_2975 = vector.shape_cast %get3A_2974 : vector<1x16xf32> to vector<16xf32>
        %mul3A_2976 = vector.broadcast %squeeze3A_2792 : f32 to vector<16xf32>
        %mul3A_2977 = arith.mulf %mul3A_2976, %get3A_2975 : vector<16xf32>
        %get3A_2978 = arith.index_cast %add3A_2790 : i32 to index
        %get3A_2979 = arith.constant 112 : index
        %get3A_2980 = tpu.vector_load %arg12[%get3A_2978, %get3A_2979] {strides = array<i32>} : memref<128x128xf32, #tpu.memory_space<vmem>>, vector<1x16xf32>,
        %get3A_2981 = vector.shape_cast %get3A_2980 : vector<1x16xf32> to vector<16xf32>
        %mul3A_2982 = vector.broadcast %squeeze3A_2794 : f32 to vector<16xf32>
        %mul3A_2983 = arith.mulf %mul3A_2982, %get3A_2981 : vector<16xf32>
        %add3A_2984 = arith.addf %mul3A_2977, %mul3A_2983 : vector<16xf32>
        %get3A_2985 = arith.index_cast %add3A_2790 : i32 to index
        %get3A_2986 = arith.constant 112 : index
        %get3A_2987 = tpu.vector_load %arg13[%get3A_2985, %get3A_2986] {strides = array<i32>} : memref<128x128xf32, #tpu.memory_space<vmem>>, vector<1x16xf32>,
        %get3A_2988 = vector.shape_cast %get3A_2987 : vector<1x16xf32> to vector<16xf32>
        %mul3A_2989 = vector.broadcast %squeeze3A_2796 : f32 to vector<16xf32>
        %mul3A_2990 = arith.mulf %mul3A_2989, %get3A_2988 : vector<16xf32>
        %add3A_2991 = arith.addf %add3A_2984, %mul3A_2990 : vector<16xf32>
        %swap3A_2992 = arith.index_cast %add3A_2790 : i32 to index
        %swap3A_2993 = arith.constant 112 : index
        %swap3A_2994 = tpu.vector_load %arg15[%swap3A_2992, %swap3A_2993] {strides = array<i32>} : memref<128x128xf32, #tpu.memory_space<vmem>>, vector<1x16xf32>,
        %swap3A_2995 = vector.shape_cast %swap3A_2994 : vector<1x16xf32> to vector<16xf32>
        %swap3A_2996 = vector.shape_cast %add3A_2991 : vector<16xf32> to vector<1x16xf32>
        tpu.vector_store %arg15[%swap3A_2992, %swap3A_2993], %swap3A_2996 {strides = array<i32>} : memref<128x128xf32, #tpu.memory_space<vmem>>, vector<1x16xf32>,
        %mul3A_2997 = arith.constant 16 : i32
        %mul3A_2998 = arith.muli %scan3A_38, %mul3A_2997 : i32
        %add3A_2999 = arith.constant 14 : i32
        %add3A_3000 = arith.addi %mul3A_2998, %add3A_2999 : i32
        %slice3A_3001 = vector.extract_strided_slice %get3A_45 {offsets = [14], sizes = [1], strides = [1]} : vector<16xf32> to vector<1xf32>
        %squeeze3A_3002 = vector.extract %slice3A_3001[0] : f32 from vector<1xf32>
        %slice3A_3003 = vector.extract_strided_slice %get3A_52 {offsets = [14], sizes = [1], strides = [1]} : vector<16xf32> to vector<1xf32>
        %squeeze3A_3004 = vector.extract %slice3A_3003[0] : f32 from vector<1xf32>
        %slice3A_3005 = vector.extract_strided_slice %get3A_59 {offsets = [14], sizes = [1], strides = [1]} : vector<16xf32> to vector<1xf32>
        %squeeze3A_3006 = vector.extract %slice3A_3005[0] : f32 from vector<1xf32>
        %get3A_3007 = arith.index_cast %add3A_3000 : i32 to index
        %get3A_3008 = arith.constant 0 : index
        %get3A_3009 = tpu.vector_load %arg11[%get3A_3007, %get3A_3008] {strides = array<i32>} : memref<128x128xf32, #tpu.memory_space<vmem>>, vector<1x16xf32>,
        %get3A_3010 = vector.shape_cast %get3A_3009 : vector<1x16xf32> to vector<16xf32>
        %mul3A_3011 = vector.broadcast %squeeze3A_3002 : f32 to vector<16xf32>
        %mul3A_3012 = arith.mulf %mul3A_3011, %get3A_3010 : vector<16xf32>
        %get3A_3013 = arith.index_cast %add3A_3000 : i32 to index
        %get3A_3014 = arith.constant 0 : index
        %get3A_3015 = tpu.vector_load %arg12[%get3A_3013, %get3A_3014] {strides = array<i32>} : memref<128x128xf32, #tpu.memory_space<vmem>>, vector<1x16xf32>,
        %get3A_3016 = vector.shape_cast %get3A_3015 : vector<1x16xf32> to vector<16xf32>
        %mul3A_3017 = vector.broadcast %squeeze3A_3004 : f32 to vector<16xf32>
        %mul3A_3018 = arith.mulf %mul3A_3017, %get3A_3016 : vector<16xf32>
        %add3A_3019 = arith.addf %mul3A_3012, %mul3A_3018 : vector<16xf32>
        %get3A_3020 = arith.index_cast %add3A_3000 : i32 to index
        %get3A_3021 = arith.constant 0 : index
        %get3A_3022 = tpu.vector_load %arg13[%get3A_3020, %get3A_3021] {strides = array<i32>} : memref<128x128xf32, #tpu.memory_space<vmem>>, vector<1x16xf32>,
        %get3A_3023 = vector.shape_cast %get3A_3022 : vector<1x16xf32> to vector<16xf32>
        %mul3A_3024 = vector.broadcast %squeeze3A_3006 : f32 to vector<16xf32>
        %mul3A_3025 = arith.mulf %mul3A_3024, %get3A_3023 : vector<16xf32>
        %add3A_3026 = arith.addf %add3A_3019, %mul3A_3025 : vector<16xf32>
        %swap3A_3027 = arith.index_cast %add3A_3000 : i32 to index
        %swap3A_3028 = arith.constant 0 : index
        %swap3A_3029 = tpu.vector_load %arg15[%swap3A_3027, %swap3A_3028] {strides = array<i32>} : memref<128x128xf32, #tpu.memory_space<vmem>>, vector<1x16xf32>,
        %swap3A_3030 = vector.shape_cast %swap3A_3029 : vector<1x16xf32> to vector<16xf32>
        %swap3A_3031 = vector.shape_cast %add3A_3026 : vector<16xf32> to vector<1x16xf32>
        tpu.vector_store %arg15[%swap3A_3027, %swap3A_3028], %swap3A_3031 {strides = array<i32>} : memref<128x128xf32, #tpu.memory_space<vmem>>, vector<1x16xf32>,
        %get3A_3032 = arith.index_cast %add3A_3000 : i32 to index
        %get3A_3033 = arith.constant 16 : index
        %get3A_3034 = tpu.vector_load %arg11[%get3A_3032, %get3A_3033] {strides = array<i32>} : memref<128x128xf32, #tpu.memory_space<vmem>>, vector<1x16xf32>,
        %get3A_3035 = vector.shape_cast %get3A_3034 : vector<1x16xf32> to vector<16xf32>
        %mul3A_3036 = vector.broadcast %squeeze3A_3002 : f32 to vector<16xf32>
        %mul3A_3037 = arith.mulf %mul3A_3036, %get3A_3035 : vector<16xf32>
        %get3A_3038 = arith.index_cast %add3A_3000 : i32 to index
        %get3A_3039 = arith.constant 16 : index
        %get3A_3040 = tpu.vector_load %arg12[%get3A_3038, %get3A_3039] {strides = array<i32>} : memref<128x128xf32, #tpu.memory_space<vmem>>, vector<1x16xf32>,
        %get3A_3041 = vector.shape_cast %get3A_3040 : vector<1x16xf32> to vector<16xf32>
        %mul3A_3042 = vector.broadcast %squeeze3A_3004 : f32 to vector<16xf32>
        %mul3A_3043 = arith.mulf %mul3A_3042, %get3A_3041 : vector<16xf32>
        %add3A_3044 = arith.addf %mul3A_3037, %mul3A_3043 : vector<16xf32>
        %get3A_3045 = arith.index_cast %add3A_3000 : i32 to index
        %get3A_3046 = arith.constant 16 : index
        %get3A_3047 = tpu.vector_load %arg13[%get3A_3045, %get3A_3046] {strides = array<i32>} : memref<128x128xf32, #tpu.memory_space<vmem>>, vector<1x16xf32>,
        %get3A_3048 = vector.shape_cast %get3A_3047 : vector<1x16xf32> to vector<16xf32>
        %mul3A_3049 = vector.broadcast %squeeze3A_3006 : f32 to vector<16xf32>
        %mul3A_3050 = arith.mulf %mul3A_3049, %get3A_3048 : vector<16xf32>
        %add3A_3051 = arith.addf %add3A_3044, %mul3A_3050 : vector<16xf32>
        %swap3A_3052 = arith.index_cast %add3A_3000 : i32 to index
        %swap3A_3053 = arith.constant 16 : index
        %swap3A_3054 = tpu.vector_load %arg15[%swap3A_3052, %swap3A_3053] {strides = array<i32>} : memref<128x128xf32, #tpu.memory_space<vmem>>, vector<1x16xf32>,
        %swap3A_3055 = vector.shape_cast %swap3A_3054 : vector<1x16xf32> to vector<16xf32>
        %swap3A_3056 = vector.shape_cast %add3A_3051 : vector<16xf32> to vector<1x16xf32>
        tpu.vector_store %arg15[%swap3A_3052, %swap3A_3053], %swap3A_3056 {strides = array<i32>} : memref<128x128xf32, #tpu.memory_space<vmem>>, vector<1x16xf32>,
        %get3A_3057 = arith.index_cast %add3A_3000 : i32 to index
        %get3A_3058 = arith.constant 32 : index
        %get3A_3059 = tpu.vector_load %arg11[%get3A_3057, %get3A_3058] {strides = array<i32>} : memref<128x128xf32, #tpu.memory_space<vmem>>, vector<1x16xf32>,
        %get3A_3060 = vector.shape_cast %get3A_3059 : vector<1x16xf32> to vector<16xf32>
        %mul3A_3061 = vector.broadcast %squeeze3A_3002 : f32 to vector<16xf32>
        %mul3A_3062 = arith.mulf %mul3A_3061, %get3A_3060 : vector<16xf32>
        %get3A_3063 = arith.index_cast %add3A_3000 : i32 to index
        %get3A_3064 = arith.constant 32 : index
        %get3A_3065 = tpu.vector_load %arg12[%get3A_3063, %get3A_3064] {strides = array<i32>} : memref<128x128xf32, #tpu.memory_space<vmem>>, vector<1x16xf32>,
        %get3A_3066 = vector.shape_cast %get3A_3065 : vector<1x16xf32> to vector<16xf32>
        %mul3A_3067 = vector.broadcast %squeeze3A_3004 : f32 to vector<16xf32>
        %mul3A_3068 = arith.mulf %mul3A_3067, %get3A_3066 : vector<16xf32>
        %add3A_3069 = arith.addf %mul3A_3062, %mul3A_3068 : vector<16xf32>
        %get3A_3070 = arith.index_cast %add3A_3000 : i32 to index
        %get3A_3071 = arith.constant 32 : index
        %get3A_3072 = tpu.vector_load %arg13[%get3A_3070, %get3A_3071] {strides = array<i32>} : memref<128x128xf32, #tpu.memory_space<vmem>>, vector<1x16xf32>,
        %get3A_3073 = vector.shape_cast %get3A_3072 : vector<1x16xf32> to vector<16xf32>
        %mul3A_3074 = vector.broadcast %squeeze3A_3006 : f32 to vector<16xf32>
        %mul3A_3075 = arith.mulf %mul3A_3074, %get3A_3073 : vector<16xf32>
        %add3A_3076 = arith.addf %add3A_3069, %mul3A_3075 : vector<16xf32>
        %swap3A_3077 = arith.index_cast %add3A_3000 : i32 to index
        %swap3A_3078 = arith.constant 32 : index
        %swap3A_3079 = tpu.vector_load %arg15[%swap3A_3077, %swap3A_3078] {strides = array<i32>} : memref<128x128xf32, #tpu.memory_space<vmem>>, vector<1x16xf32>,
        %swap3A_3080 = vector.shape_cast %swap3A_3079 : vector<1x16xf32> to vector<16xf32>
        %swap3A_3081 = vector.shape_cast %add3A_3076 : vector<16xf32> to vector<1x16xf32>
        tpu.vector_store %arg15[%swap3A_3077, %swap3A_3078], %swap3A_3081 {strides = array<i32>} : memref<128x128xf32, #tpu.memory_space<vmem>>, vector<1x16xf32>,
        %get3A_3082 = arith.index_cast %add3A_3000 : i32 to index
        %get3A_3083 = arith.constant 48 : index
        %get3A_3084 = tpu.vector_load %arg11[%get3A_3082, %get3A_3083] {strides = array<i32>} : memref<128x128xf32, #tpu.memory_space<vmem>>, vector<1x16xf32>,
        %get3A_3085 = vector.shape_cast %get3A_3084 : vector<1x16xf32> to vector<16xf32>
        %mul3A_3086 = vector.broadcast %squeeze3A_3002 : f32 to vector<16xf32>
        %mul3A_3087 = arith.mulf %mul3A_3086, %get3A_3085 : vector<16xf32>
        %get3A_3088 = arith.index_cast %add3A_3000 : i32 to index
        %get3A_3089 = arith.constant 48 : index
        %get3A_3090 = tpu.vector_load %arg12[%get3A_3088, %get3A_3089] {strides = array<i32>} : memref<128x128xf32, #tpu.memory_space<vmem>>, vector<1x16xf32>,
        %get3A_3091 = vector.shape_cast %get3A_3090 : vector<1x16xf32> to vector<16xf32>
        %mul3A_3092 = vector.broadcast %squeeze3A_3004 : f32 to vector<16xf32>
        %mul3A_3093 = arith.mulf %mul3A_3092, %get3A_3091 : vector<16xf32>
        %add3A_3094 = arith.addf %mul3A_3087, %mul3A_3093 : vector<16xf32>
        %get3A_3095 = arith.index_cast %add3A_3000 : i32 to index
        %get3A_3096 = arith.constant 48 : index
        %get3A_3097 = tpu.vector_load %arg13[%get3A_3095, %get3A_3096] {strides = array<i32>} : memref<128x128xf32, #tpu.memory_space<vmem>>, vector<1x16xf32>,
        %get3A_3098 = vector.shape_cast %get3A_3097 : vector<1x16xf32> to vector<16xf32>
        %mul3A_3099 = vector.broadcast %squeeze3A_3006 : f32 to vector<16xf32>
        %mul3A_3100 = arith.mulf %mul3A_3099, %get3A_3098 : vector<16xf32>
        %add3A_3101 = arith.addf %add3A_3094, %mul3A_3100 : vector<16xf32>
        %swap3A_3102 = arith.index_cast %add3A_3000 : i32 to index
        %swap3A_3103 = arith.constant 48 : index
        %swap3A_3104 = tpu.vector_load %arg15[%swap3A_3102, %swap3A_3103] {strides = array<i32>} : memref<128x128xf32, #tpu.memory_space<vmem>>, vector<1x16xf32>,
        %swap3A_3105 = vector.shape_cast %swap3A_3104 : vector<1x16xf32> to vector<16xf32>
        %swap3A_3106 = vector.shape_cast %add3A_3101 : vector<16xf32> to vector<1x16xf32>
        tpu.vector_store %arg15[%swap3A_3102, %swap3A_3103], %swap3A_3106 {strides = array<i32>} : memref<128x128xf32, #tpu.memory_space<vmem>>, vector<1x16xf32>,
        %get3A_3107 = arith.index_cast %add3A_3000 : i32 to index
        %get3A_3108 = arith.constant 64 : index
        %get3A_3109 = tpu.vector_load %arg11[%get3A_3107, %get3A_3108] {strides = array<i32>} : memref<128x128xf32, #tpu.memory_space<vmem>>, vector<1x16xf32>,
        %get3A_3110 = vector.shape_cast %get3A_3109 : vector<1x16xf32> to vector<16xf32>
        %mul3A_3111 = vector.broadcast %squeeze3A_3002 : f32 to vector<16xf32>
        %mul3A_3112 = arith.mulf %mul3A_3111, %get3A_3110 : vector<16xf32>
        %get3A_3113 = arith.index_cast %add3A_3000 : i32 to index
        %get3A_3114 = arith.constant 64 : index
        %get3A_3115 = tpu.vector_load %arg12[%get3A_3113, %get3A_3114] {strides = array<i32>} : memref<128x128xf32, #tpu.memory_space<vmem>>, vector<1x16xf32>,
        %get3A_3116 = vector.shape_cast %get3A_3115 : vector<1x16xf32> to vector<16xf32>
        %mul3A_3117 = vector.broadcast %squeeze3A_3004 : f32 to vector<16xf32>
        %mul3A_3118 = arith.mulf %mul3A_3117, %get3A_3116 : vector<16xf32>
        %add3A_3119 = arith.addf %mul3A_3112, %mul3A_3118 : vector<16xf32>
        %get3A_3120 = arith.index_cast %add3A_3000 : i32 to index
        %get3A_3121 = arith.constant 64 : index
        %get3A_3122 = tpu.vector_load %arg13[%get3A_3120, %get3A_3121] {strides = array<i32>} : memref<128x128xf32, #tpu.memory_space<vmem>>, vector<1x16xf32>,
        %get3A_3123 = vector.shape_cast %get3A_3122 : vector<1x16xf32> to vector<16xf32>
        %mul3A_3124 = vector.broadcast %squeeze3A_3006 : f32 to vector<16xf32>
        %mul3A_3125 = arith.mulf %mul3A_3124, %get3A_3123 : vector<16xf32>
        %add3A_3126 = arith.addf %add3A_3119, %mul3A_3125 : vector<16xf32>
        %swap3A_3127 = arith.index_cast %add3A_3000 : i32 to index
        %swap3A_3128 = arith.constant 64 : index
        %swap3A_3129 = tpu.vector_load %arg15[%swap3A_3127, %swap3A_3128] {strides = array<i32>} : memref<128x128xf32, #tpu.memory_space<vmem>>, vector<1x16xf32>,
        %swap3A_3130 = vector.shape_cast %swap3A_3129 : vector<1x16xf32> to vector<16xf32>
        %swap3A_3131 = vector.shape_cast %add3A_3126 : vector<16xf32> to vector<1x16xf32>
        tpu.vector_store %arg15[%swap3A_3127, %swap3A_3128], %swap3A_3131 {strides = array<i32>} : memref<128x128xf32, #tpu.memory_space<vmem>>, vector<1x16xf32>,
        %get3A_3132 = arith.index_cast %add3A_3000 : i32 to index
        %get3A_3133 = arith.constant 80 : index
        %get3A_3134 = tpu.vector_load %arg11[%get3A_3132, %get3A_3133] {strides = array<i32>} : memref<128x128xf32, #tpu.memory_space<vmem>>, vector<1x16xf32>,
        %get3A_3135 = vector.shape_cast %get3A_3134 : vector<1x16xf32> to vector<16xf32>
        %mul3A_3136 = vector.broadcast %squeeze3A_3002 : f32 to vector<16xf32>
        %mul3A_3137 = arith.mulf %mul3A_3136, %get3A_3135 : vector<16xf32>
        %get3A_3138 = arith.index_cast %add3A_3000 : i32 to index
        %get3A_3139 = arith.constant 80 : index
        %get3A_3140 = tpu.vector_load %arg12[%get3A_3138, %get3A_3139] {strides = array<i32>} : memref<128x128xf32, #tpu.memory_space<vmem>>, vector<1x16xf32>,
        %get3A_3141 = vector.shape_cast %get3A_3140 : vector<1x16xf32> to vector<16xf32>
        %mul3A_3142 = vector.broadcast %squeeze3A_3004 : f32 to vector<16xf32>
        %mul3A_3143 = arith.mulf %mul3A_3142, %get3A_3141 : vector<16xf32>
        %add3A_3144 = arith.addf %mul3A_3137, %mul3A_3143 : vector<16xf32>
        %get3A_3145 = arith.index_cast %add3A_3000 : i32 to index
        %get3A_3146 = arith.constant 80 : index
        %get3A_3147 = tpu.vector_load %arg13[%get3A_3145, %get3A_3146] {strides = array<i32>} : memref<128x128xf32, #tpu.memory_space<vmem>>, vector<1x16xf32>,
        %get3A_3148 = vector.shape_cast %get3A_3147 : vector<1x16xf32> to vector<16xf32>
        %mul3A_3149 = vector.broadcast %squeeze3A_3006 : f32 to vector<16xf32>
        %mul3A_3150 = arith.mulf %mul3A_3149, %get3A_3148 : vector<16xf32>
        %add3A_3151 = arith.addf %add3A_3144, %mul3A_3150 : vector<16xf32>
        %swap3A_3152 = arith.index_cast %add3A_3000 : i32 to index
        %swap3A_3153 = arith.constant 80 : index
        %swap3A_3154 = tpu.vector_load %arg15[%swap3A_3152, %swap3A_3153] {strides = array<i32>} : memref<128x128xf32, #tpu.memory_space<vmem>>, vector<1x16xf32>,
        %swap3A_3155 = vector.shape_cast %swap3A_3154 : vector<1x16xf32> to vector<16xf32>
        %swap3A_3156 = vector.shape_cast %add3A_3151 : vector<16xf32> to vector<1x16xf32>
        tpu.vector_store %arg15[%swap3A_3152, %swap3A_3153], %swap3A_3156 {strides = array<i32>} : memref<128x128xf32, #tpu.memory_space<vmem>>, vector<1x16xf32>,
        %get3A_3157 = arith.index_cast %add3A_3000 : i32 to index
        %get3A_3158 = arith.constant 96 : index
        %get3A_3159 = tpu.vector_load %arg11[%get3A_3157, %get3A_3158] {strides = array<i32>} : memref<128x128xf32, #tpu.memory_space<vmem>>, vector<1x16xf32>,
        %get3A_3160 = vector.shape_cast %get3A_3159 : vector<1x16xf32> to vector<16xf32>
        %mul3A_3161 = vector.broadcast %squeeze3A_3002 : f32 to vector<16xf32>
        %mul3A_3162 = arith.mulf %mul3A_3161, %get3A_3160 : vector<16xf32>
        %get3A_3163 = arith.index_cast %add3A_3000 : i32 to index
        %get3A_3164 = arith.constant 96 : index
        %get3A_3165 = tpu.vector_load %arg12[%get3A_3163, %get3A_3164] {strides = array<i32>} : memref<128x128xf32, #tpu.memory_space<vmem>>, vector<1x16xf32>,
        %get3A_3166 = vector.shape_cast %get3A_3165 : vector<1x16xf32> to vector<16xf32>
        %mul3A_3167 = vector.broadcast %squeeze3A_3004 : f32 to vector<16xf32>
        %mul3A_3168 = arith.mulf %mul3A_3167, %get3A_3166 : vector<16xf32>
        %add3A_3169 = arith.addf %mul3A_3162, %mul3A_3168 : vector<16xf32>
        %get3A_3170 = arith.index_cast %add3A_3000 : i32 to index
        %get3A_3171 = arith.constant 96 : index
        %get3A_3172 = tpu.vector_load %arg13[%get3A_3170, %get3A_3171] {strides = array<i32>} : memref<128x128xf32, #tpu.memory_space<vmem>>, vector<1x16xf32>,
        %get3A_3173 = vector.shape_cast %get3A_3172 : vector<1x16xf32> to vector<16xf32>
        %mul3A_3174 = vector.broadcast %squeeze3A_3006 : f32 to vector<16xf32>
        %mul3A_3175 = arith.mulf %mul3A_3174, %get3A_3173 : vector<16xf32>
        %add3A_3176 = arith.addf %add3A_3169, %mul3A_3175 : vector<16xf32>
        %swap3A_3177 = arith.index_cast %add3A_3000 : i32 to index
        %swap3A_3178 = arith.constant 96 : index
        %swap3A_3179 = tpu.vector_load %arg15[%swap3A_3177, %swap3A_3178] {strides = array<i32>} : memref<128x128xf32, #tpu.memory_space<vmem>>, vector<1x16xf32>,
        %swap3A_3180 = vector.shape_cast %swap3A_3179 : vector<1x16xf32> to vector<16xf32>
        %swap3A_3181 = vector.shape_cast %add3A_3176 : vector<16xf32> to vector<1x16xf32>
        tpu.vector_store %arg15[%swap3A_3177, %swap3A_3178], %swap3A_3181 {strides = array<i32>} : memref<128x128xf32, #tpu.memory_space<vmem>>, vector<1x16xf32>,
        %get3A_3182 = arith.index_cast %add3A_3000 : i32 to index
        %get3A_3183 = arith.constant 112 : index
        %get3A_3184 = tpu.vector_load %arg11[%get3A_3182, %get3A_3183] {strides = array<i32>} : memref<128x128xf32, #tpu.memory_space<vmem>>, vector<1x16xf32>,
        %get3A_3185 = vector.shape_cast %get3A_3184 : vector<1x16xf32> to vector<16xf32>
        %mul3A_3186 = vector.broadcast %squeeze3A_3002 : f32 to vector<16xf32>
        %mul3A_3187 = arith.mulf %mul3A_3186, %get3A_3185 : vector<16xf32>
        %get3A_3188 = arith.index_cast %add3A_3000 : i32 to index
        %get3A_3189 = arith.constant 112 : index
        %get3A_3190 = tpu.vector_load %arg12[%get3A_3188, %get3A_3189] {strides = array<i32>} : memref<128x128xf32, #tpu.memory_space<vmem>>, vector<1x16xf32>,
        %get3A_3191 = vector.shape_cast %get3A_3190 : vector<1x16xf32> to vector<16xf32>
        %mul3A_3192 = vector.broadcast %squeeze3A_3004 : f32 to vector<16xf32>
        %mul3A_3193 = arith.mulf %mul3A_3192, %get3A_3191 : vector<16xf32>
        %add3A_3194 = arith.addf %mul3A_3187, %mul3A_3193 : vector<16xf32>
        %get3A_3195 = arith.index_cast %add3A_3000 : i32 to index
        %get3A_3196 = arith.constant 112 : index
        %get3A_3197 = tpu.vector_load %arg13[%get3A_3195, %get3A_3196] {strides = array<i32>} : memref<128x128xf32, #tpu.memory_space<vmem>>, vector<1x16xf32>,
        %get3A_3198 = vector.shape_cast %get3A_3197 : vector<1x16xf32> to vector<16xf32>
        %mul3A_3199 = vector.broadcast %squeeze3A_3006 : f32 to vector<16xf32>
        %mul3A_3200 = arith.mulf %mul3A_3199, %get3A_3198 : vector<16xf32>
        %add3A_3201 = arith.addf %add3A_3194, %mul3A_3200 : vector<16xf32>
        %swap3A_3202 = arith.index_cast %add3A_3000 : i32 to index
        %swap3A_3203 = arith.constant 112 : index
        %swap3A_3204 = tpu.vector_load %arg15[%swap3A_3202, %swap3A_3203] {strides = array<i32>} : memref<128x128xf32, #tpu.memory_space<vmem>>, vector<1x16xf32>,
        %swap3A_3205 = vector.shape_cast %swap3A_3204 : vector<1x16xf32> to vector<16xf32>
        %swap3A_3206 = vector.shape_cast %add3A_3201 : vector<16xf32> to vector<1x16xf32>
        tpu.vector_store %arg15[%swap3A_3202, %swap3A_3203], %swap3A_3206 {strides = array<i32>} : memref<128x128xf32, #tpu.memory_space<vmem>>, vector<1x16xf32>,
        %mul3A_3207 = arith.constant 16 : i32
        %mul3A_3208 = arith.muli %scan3A_38, %mul3A_3207 : i32
        %add3A_3209 = arith.constant 15 : i32
        %add3A_3210 = arith.addi %mul3A_3208, %add3A_3209 : i32
        %slice3A_3211 = vector.extract_strided_slice %get3A_45 {offsets = [15], sizes = [1], strides = [1]} : vector<16xf32> to vector<1xf32>
        %squeeze3A_3212 = vector.extract %slice3A_3211[0] : f32 from vector<1xf32>
        %slice3A_3213 = vector.extract_strided_slice %get3A_52 {offsets = [15], sizes = [1], strides = [1]} : vector<16xf32> to vector<1xf32>
        %squeeze3A_3214 = vector.extract %slice3A_3213[0] : f32 from vector<1xf32>
        %slice3A_3215 = vector.extract_strided_slice %get3A_59 {offsets = [15], sizes = [1], strides = [1]} : vector<16xf32> to vector<1xf32>
        %squeeze3A_3216 = vector.extract %slice3A_3215[0] : f32 from vector<1xf32>
        %get3A_3217 = arith.index_cast %add3A_3210 : i32 to index
        %get3A_3218 = arith.constant 0 : index
        %get3A_3219 = tpu.vector_load %arg11[%get3A_3217, %get3A_3218] {strides = array<i32>} : memref<128x128xf32, #tpu.memory_space<vmem>>, vector<1x16xf32>,
        %get3A_3220 = vector.shape_cast %get3A_3219 : vector<1x16xf32> to vector<16xf32>
        %mul3A_3221 = vector.broadcast %squeeze3A_3212 : f32 to vector<16xf32>
        %mul3A_3222 = arith.mulf %mul3A_3221, %get3A_3220 : vector<16xf32>
        %get3A_3223 = arith.index_cast %add3A_3210 : i32 to index
        %get3A_3224 = arith.constant 0 : index
        %get3A_3225 = tpu.vector_load %arg12[%get3A_3223, %get3A_3224] {strides = array<i32>} : memref<128x128xf32, #tpu.memory_space<vmem>>, vector<1x16xf32>,
        %get3A_3226 = vector.shape_cast %get3A_3225 : vector<1x16xf32> to vector<16xf32>
        %mul3A_3227 = vector.broadcast %squeeze3A_3214 : f32 to vector<16xf32>
        %mul3A_3228 = arith.mulf %mul3A_3227, %get3A_3226 : vector<16xf32>
        %add3A_3229 = arith.addf %mul3A_3222, %mul3A_3228 : vector<16xf32>
        %get3A_3230 = arith.index_cast %add3A_3210 : i32 to index
        %get3A_3231 = arith.constant 0 : index
        %get3A_3232 = tpu.vector_load %arg13[%get3A_3230, %get3A_3231] {strides = array<i32>} : memref<128x128xf32, #tpu.memory_space<vmem>>, vector<1x16xf32>,
        %get3A_3233 = vector.shape_cast %get3A_3232 : vector<1x16xf32> to vector<16xf32>
        %mul3A_3234 = vector.broadcast %squeeze3A_3216 : f32 to vector<16xf32>
        %mul3A_3235 = arith.mulf %mul3A_3234, %get3A_3233 : vector<16xf32>
        %add3A_3236 = arith.addf %add3A_3229, %mul3A_3235 : vector<16xf32>
        %swap3A_3237 = arith.index_cast %add3A_3210 : i32 to index
        %swap3A_3238 = arith.constant 0 : index
        %swap3A_3239 = tpu.vector_load %arg15[%swap3A_3237, %swap3A_3238] {strides = array<i32>} : memref<128x128xf32, #tpu.memory_space<vmem>>, vector<1x16xf32>,
        %swap3A_3240 = vector.shape_cast %swap3A_3239 : vector<1x16xf32> to vector<16xf32>
        %swap3A_3241 = vector.shape_cast %add3A_3236 : vector<16xf32> to vector<1x16xf32>
        tpu.vector_store %arg15[%swap3A_3237, %swap3A_3238], %swap3A_3241 {strides = array<i32>} : memref<128x128xf32, #tpu.memory_space<vmem>>, vector<1x16xf32>,
        %get3A_3242 = arith.index_cast %add3A_3210 : i32 to index
        %get3A_3243 = arith.constant 16 : index
        %get3A_3244 = tpu.vector_load %arg11[%get3A_3242, %get3A_3243] {strides = array<i32>} : memref<128x128xf32, #tpu.memory_space<vmem>>, vector<1x16xf32>,
        %get3A_3245 = vector.shape_cast %get3A_3244 : vector<1x16xf32> to vector<16xf32>
        %mul3A_3246 = vector.broadcast %squeeze3A_3212 : f32 to vector<16xf32>
        %mul3A_3247 = arith.mulf %mul3A_3246, %get3A_3245 : vector<16xf32>
        %get3A_3248 = arith.index_cast %add3A_3210 : i32 to index
        %get3A_3249 = arith.constant 16 : index
        %get3A_3250 = tpu.vector_load %arg12[%get3A_3248, %get3A_3249] {strides = array<i32>} : memref<128x128xf32, #tpu.memory_space<vmem>>, vector<1x16xf32>,
        %get3A_3251 = vector.shape_cast %get3A_3250 : vector<1x16xf32> to vector<16xf32>
        %mul3A_3252 = vector.broadcast %squeeze3A_3214 : f32 to vector<16xf32>
        %mul3A_3253 = arith.mulf %mul3A_3252, %get3A_3251 : vector<16xf32>
        %add3A_3254 = arith.addf %mul3A_3247, %mul3A_3253 : vector<16xf32>
        %get3A_3255 = arith.index_cast %add3A_3210 : i32 to index
        %get3A_3256 = arith.constant 16 : index
        %get3A_3257 = tpu.vector_load %arg13[%get3A_3255, %get3A_3256] {strides = array<i32>} : memref<128x128xf32, #tpu.memory_space<vmem>>, vector<1x16xf32>,
        %get3A_3258 = vector.shape_cast %get3A_3257 : vector<1x16xf32> to vector<16xf32>
        %mul3A_3259 = vector.broadcast %squeeze3A_3216 : f32 to vector<16xf32>
        %mul3A_3260 = arith.mulf %mul3A_3259, %get3A_3258 : vector<16xf32>
        %add3A_3261 = arith.addf %add3A_3254, %mul3A_3260 : vector<16xf32>
        %swap3A_3262 = arith.index_cast %add3A_3210 : i32 to index
        %swap3A_3263 = arith.constant 16 : index
        %swap3A_3264 = tpu.vector_load %arg15[%swap3A_3262, %swap3A_3263] {strides = array<i32>} : memref<128x128xf32, #tpu.memory_space<vmem>>, vector<1x16xf32>,
        %swap3A_3265 = vector.shape_cast %swap3A_3264 : vector<1x16xf32> to vector<16xf32>
        %swap3A_3266 = vector.shape_cast %add3A_3261 : vector<16xf32> to vector<1x16xf32>
        tpu.vector_store %arg15[%swap3A_3262, %swap3A_3263], %swap3A_3266 {strides = array<i32>} : memref<128x128xf32, #tpu.memory_space<vmem>>, vector<1x16xf32>,
        %get3A_3267 = arith.index_cast %add3A_3210 : i32 to index
        %get3A_3268 = arith.constant 32 : index
        %get3A_3269 = tpu.vector_load %arg11[%get3A_3267, %get3A_3268] {strides = array<i32>} : memref<128x128xf32, #tpu.memory_space<vmem>>, vector<1x16xf32>,
        %get3A_3270 = vector.shape_cast %get3A_3269 : vector<1x16xf32> to vector<16xf32>
        %mul3A_3271 = vector.broadcast %squeeze3A_3212 : f32 to vector<16xf32>
        %mul3A_3272 = arith.mulf %mul3A_3271, %get3A_3270 : vector<16xf32>
        %get3A_3273 = arith.index_cast %add3A_3210 : i32 to index
        %get3A_3274 = arith.constant 32 : index
        %get3A_3275 = tpu.vector_load %arg12[%get3A_3273, %get3A_3274] {strides = array<i32>} : memref<128x128xf32, #tpu.memory_space<vmem>>, vector<1x16xf32>,
        %get3A_3276 = vector.shape_cast %get3A_3275 : vector<1x16xf32> to vector<16xf32>
        %mul3A_3277 = vector.broadcast %squeeze3A_3214 : f32 to vector<16xf32>
        %mul3A_3278 = arith.mulf %mul3A_3277, %get3A_3276 : vector<16xf32>
        %add3A_3279 = arith.addf %mul3A_3272, %mul3A_3278 : vector<16xf32>
        %get3A_3280 = arith.index_cast %add3A_3210 : i32 to index
        %get3A_3281 = arith.constant 32 : index
        %get3A_3282 = tpu.vector_load %arg13[%get3A_3280, %get3A_3281] {strides = array<i32>} : memref<128x128xf32, #tpu.memory_space<vmem>>, vector<1x16xf32>,
        %get3A_3283 = vector.shape_cast %get3A_3282 : vector<1x16xf32> to vector<16xf32>
        %mul3A_3284 = vector.broadcast %squeeze3A_3216 : f32 to vector<16xf32>
        %mul3A_3285 = arith.mulf %mul3A_3284, %get3A_3283 : vector<16xf32>
        %add3A_3286 = arith.addf %add3A_3279, %mul3A_3285 : vector<16xf32>
        %swap3A_3287 = arith.index_cast %add3A_3210 : i32 to index
        %swap3A_3288 = arith.constant 32 : index
        %swap3A_3289 = tpu.vector_load %arg15[%swap3A_3287, %swap3A_3288] {strides = array<i32>} : memref<128x128xf32, #tpu.memory_space<vmem>>, vector<1x16xf32>,
        %swap3A_3290 = vector.shape_cast %swap3A_3289 : vector<1x16xf32> to vector<16xf32>
        %swap3A_3291 = vector.shape_cast %add3A_3286 : vector<16xf32> to vector<1x16xf32>
        tpu.vector_store %arg15[%swap3A_3287, %swap3A_3288], %swap3A_3291 {strides = array<i32>} : memref<128x128xf32, #tpu.memory_space<vmem>>, vector<1x16xf32>,
        %get3A_3292 = arith.index_cast %add3A_3210 : i32 to index
        %get3A_3293 = arith.constant 48 : index
        %get3A_3294 = tpu.vector_load %arg11[%get3A_3292, %get3A_3293] {strides = array<i32>} : memref<128x128xf32, #tpu.memory_space<vmem>>, vector<1x16xf32>,
        %get3A_3295 = vector.shape_cast %get3A_3294 : vector<1x16xf32> to vector<16xf32>
        %mul3A_3296 = vector.broadcast %squeeze3A_3212 : f32 to vector<16xf32>
        %mul3A_3297 = arith.mulf %mul3A_3296, %get3A_3295 : vector<16xf32>
        %get3A_3298 = arith.index_cast %add3A_3210 : i32 to index
        %get3A_3299 = arith.constant 48 : index
        %get3A_3300 = tpu.vector_load %arg12[%get3A_3298, %get3A_3299] {strides = array<i32>} : memref<128x128xf32, #tpu.memory_space<vmem>>, vector<1x16xf32>,
        %get3A_3301 = vector.shape_cast %get3A_3300 : vector<1x16xf32> to vector<16xf32>
        %mul3A_3302 = vector.broadcast %squeeze3A_3214 : f32 to vector<16xf32>
        %mul3A_3303 = arith.mulf %mul3A_3302, %get3A_3301 : vector<16xf32>
        %add3A_3304 = arith.addf %mul3A_3297, %mul3A_3303 : vector<16xf32>
        %get3A_3305 = arith.index_cast %add3A_3210 : i32 to index
        %get3A_3306 = arith.constant 48 : index
        %get3A_3307 = tpu.vector_load %arg13[%get3A_3305, %get3A_3306] {strides = array<i32>} : memref<128x128xf32, #tpu.memory_space<vmem>>, vector<1x16xf32>,
        %get3A_3308 = vector.shape_cast %get3A_3307 : vector<1x16xf32> to vector<16xf32>
        %mul3A_3309 = vector.broadcast %squeeze3A_3216 : f32 to vector<16xf32>
        %mul3A_3310 = arith.mulf %mul3A_3309, %get3A_3308 : vector<16xf32>
        %add3A_3311 = arith.addf %add3A_3304, %mul3A_3310 : vector<16xf32>
        %swap3A_3312 = arith.index_cast %add3A_3210 : i32 to index
        %swap3A_3313 = arith.constant 48 : index
        %swap3A_3314 = tpu.vector_load %arg15[%swap3A_3312, %swap3A_3313] {strides = array<i32>} : memref<128x128xf32, #tpu.memory_space<vmem>>, vector<1x16xf32>,
        %swap3A_3315 = vector.shape_cast %swap3A_3314 : vector<1x16xf32> to vector<16xf32>
        %swap3A_3316 = vector.shape_cast %add3A_3311 : vector<16xf32> to vector<1x16xf32>
        tpu.vector_store %arg15[%swap3A_3312, %swap3A_3313], %swap3A_3316 {strides = array<i32>} : memref<128x128xf32, #tpu.memory_space<vmem>>, vector<1x16xf32>,
        %get3A_3317 = arith.index_cast %add3A_3210 : i32 to index
        %get3A_3318 = arith.constant 64 : index
        %get3A_3319 = tpu.vector_load %arg11[%get3A_3317, %get3A_3318] {strides = array<i32>} : memref<128x128xf32, #tpu.memory_space<vmem>>, vector<1x16xf32>,
        %get3A_3320 = vector.shape_cast %get3A_3319 : vector<1x16xf32> to vector<16xf32>
        %mul3A_3321 = vector.broadcast %squeeze3A_3212 : f32 to vector<16xf32>
        %mul3A_3322 = arith.mulf %mul3A_3321, %get3A_3320 : vector<16xf32>
        %get3A_3323 = arith.index_cast %add3A_3210 : i32 to index
        %get3A_3324 = arith.constant 64 : index
        %get3A_3325 = tpu.vector_load %arg12[%get3A_3323, %get3A_3324] {strides = array<i32>} : memref<128x128xf32, #tpu.memory_space<vmem>>, vector<1x16xf32>,
        %get3A_3326 = vector.shape_cast %get3A_3325 : vector<1x16xf32> to vector<16xf32>
        %mul3A_3327 = vector.broadcast %squeeze3A_3214 : f32 to vector<16xf32>
        %mul3A_3328 = arith.mulf %mul3A_3327, %get3A_3326 : vector<16xf32>
        %add3A_3329 = arith.addf %mul3A_3322, %mul3A_3328 : vector<16xf32>
        %get3A_3330 = arith.index_cast %add3A_3210 : i32 to index
        %get3A_3331 = arith.constant 64 : index
        %get3A_3332 = tpu.vector_load %arg13[%get3A_3330, %get3A_3331] {strides = array<i32>} : memref<128x128xf32, #tpu.memory_space<vmem>>, vector<1x16xf32>,
        %get3A_3333 = vector.shape_cast %get3A_3332 : vector<1x16xf32> to vector<16xf32>
        %mul3A_3334 = vector.broadcast %squeeze3A_3216 : f32 to vector<16xf32>
        %mul3A_3335 = arith.mulf %mul3A_3334, %get3A_3333 : vector<16xf32>
        %add3A_3336 = arith.addf %add3A_3329, %mul3A_3335 : vector<16xf32>
        %swap3A_3337 = arith.index_cast %add3A_3210 : i32 to index
        %swap3A_3338 = arith.constant 64 : index
        %swap3A_3339 = tpu.vector_load %arg15[%swap3A_3337, %swap3A_3338] {strides = array<i32>} : memref<128x128xf32, #tpu.memory_space<vmem>>, vector<1x16xf32>,
        %swap3A_3340 = vector.shape_cast %swap3A_3339 : vector<1x16xf32> to vector<16xf32>
        %swap3A_3341 = vector.shape_cast %add3A_3336 : vector<16xf32> to vector<1x16xf32>
        tpu.vector_store %arg15[%swap3A_3337, %swap3A_3338], %swap3A_3341 {strides = array<i32>} : memref<128x128xf32, #tpu.memory_space<vmem>>, vector<1x16xf32>,
        %get3A_3342 = arith.index_cast %add3A_3210 : i32 to index
        %get3A_3343 = arith.constant 80 : index
        %get3A_3344 = tpu.vector_load %arg11[%get3A_3342, %get3A_3343] {strides = array<i32>} : memref<128x128xf32, #tpu.memory_space<vmem>>, vector<1x16xf32>,
        %get3A_3345 = vector.shape_cast %get3A_3344 : vector<1x16xf32> to vector<16xf32>
        %mul3A_3346 = vector.broadcast %squeeze3A_3212 : f32 to vector<16xf32>
        %mul3A_3347 = arith.mulf %mul3A_3346, %get3A_3345 : vector<16xf32>
        %get3A_3348 = arith.index_cast %add3A_3210 : i32 to index
        %get3A_3349 = arith.constant 80 : index
        %get3A_3350 = tpu.vector_load %arg12[%get3A_3348, %get3A_3349] {strides = array<i32>} : memref<128x128xf32, #tpu.memory_space<vmem>>, vector<1x16xf32>,
        %get3A_3351 = vector.shape_cast %get3A_3350 : vector<1x16xf32> to vector<16xf32>
        %mul3A_3352 = vector.broadcast %squeeze3A_3214 : f32 to vector<16xf32>
        %mul3A_3353 = arith.mulf %mul3A_3352, %get3A_3351 : vector<16xf32>
        %add3A_3354 = arith.addf %mul3A_3347, %mul3A_3353 : vector<16xf32>
        %get3A_3355 = arith.index_cast %add3A_3210 : i32 to index
        %get3A_3356 = arith.constant 80 : index
        %get3A_3357 = tpu.vector_load %arg13[%get3A_3355, %get3A_3356] {strides = array<i32>} : memref<128x128xf32, #tpu.memory_space<vmem>>, vector<1x16xf32>,
        %get3A_3358 = vector.shape_cast %get3A_3357 : vector<1x16xf32> to vector<16xf32>
        %mul3A_3359 = vector.broadcast %squeeze3A_3216 : f32 to vector<16xf32>
        %mul3A_3360 = arith.mulf %mul3A_3359, %get3A_3358 : vector<16xf32>
        %add3A_3361 = arith.addf %add3A_3354, %mul3A_3360 : vector<16xf32>
        %swap3A_3362 = arith.index_cast %add3A_3210 : i32 to index
        %swap3A_3363 = arith.constant 80 : index
        %swap3A_3364 = tpu.vector_load %arg15[%swap3A_3362, %swap3A_3363] {strides = array<i32>} : memref<128x128xf32, #tpu.memory_space<vmem>>, vector<1x16xf32>,
        %swap3A_3365 = vector.shape_cast %swap3A_3364 : vector<1x16xf32> to vector<16xf32>
        %swap3A_3366 = vector.shape_cast %add3A_3361 : vector<16xf32> to vector<1x16xf32>
        tpu.vector_store %arg15[%swap3A_3362, %swap3A_3363], %swap3A_3366 {strides = array<i32>} : memref<128x128xf32, #tpu.memory_space<vmem>>, vector<1x16xf32>,
        %get3A_3367 = arith.index_cast %add3A_3210 : i32 to index
        %get3A_3368 = arith.constant 96 : index
        %get3A_3369 = tpu.vector_load %arg11[%get3A_3367, %get3A_3368] {strides = array<i32>} : memref<128x128xf32, #tpu.memory_space<vmem>>, vector<1x16xf32>,
        %get3A_3370 = vector.shape_cast %get3A_3369 : vector<1x16xf32> to vector<16xf32>
        %mul3A_3371 = vector.broadcast %squeeze3A_3212 : f32 to vector<16xf32>
        %mul3A_3372 = arith.mulf %mul3A_3371, %get3A_3370 : vector<16xf32>
        %get3A_3373 = arith.index_cast %add3A_3210 : i32 to index
        %get3A_3374 = arith.constant 96 : index
        %get3A_3375 = tpu.vector_load %arg12[%get3A_3373, %get3A_3374] {strides = array<i32>} : memref<128x128xf32, #tpu.memory_space<vmem>>, vector<1x16xf32>,
        %get3A_3376 = vector.shape_cast %get3A_3375 : vector<1x16xf32> to vector<16xf32>
        %mul3A_3377 = vector.broadcast %squeeze3A_3214 : f32 to vector<16xf32>
        %mul3A_3378 = arith.mulf %mul3A_3377, %get3A_3376 : vector<16xf32>
        %add3A_3379 = arith.addf %mul3A_3372, %mul3A_3378 : vector<16xf32>
        %get3A_3380 = arith.index_cast %add3A_3210 : i32 to index
        %get3A_3381 = arith.constant 96 : index
        %get3A_3382 = tpu.vector_load %arg13[%get3A_3380, %get3A_3381] {strides = array<i32>} : memref<128x128xf32, #tpu.memory_space<vmem>>, vector<1x16xf32>,
        %get3A_3383 = vector.shape_cast %get3A_3382 : vector<1x16xf32> to vector<16xf32>
        %mul3A_3384 = vector.broadcast %squeeze3A_3216 : f32 to vector<16xf32>
        %mul3A_3385 = arith.mulf %mul3A_3384, %get3A_3383 : vector<16xf32>
        %add3A_3386 = arith.addf %add3A_3379, %mul3A_3385 : vector<16xf32>
        %swap3A_3387 = arith.index_cast %add3A_3210 : i32 to index
        %swap3A_3388 = arith.constant 96 : index
        %swap3A_3389 = tpu.vector_load %arg15[%swap3A_3387, %swap3A_3388] {strides = array<i32>} : memref<128x128xf32, #tpu.memory_space<vmem>>, vector<1x16xf32>,
        %swap3A_3390 = vector.shape_cast %swap3A_3389 : vector<1x16xf32> to vector<16xf32>
        %swap3A_3391 = vector.shape_cast %add3A_3386 : vector<16xf32> to vector<1x16xf32>
        tpu.vector_store %arg15[%swap3A_3387, %swap3A_3388], %swap3A_3391 {strides = array<i32>} : memref<128x128xf32, #tpu.memory_space<vmem>>, vector<1x16xf32>,
        %get3A_3392 = arith.index_cast %add3A_3210 : i32 to index
        %get3A_3393 = arith.constant 112 : index
        %get3A_3394 = tpu.vector_load %arg11[%get3A_3392, %get3A_3393] {strides = array<i32>} : memref<128x128xf32, #tpu.memory_space<vmem>>, vector<1x16xf32>,
        %get3A_3395 = vector.shape_cast %get3A_3394 : vector<1x16xf32> to vector<16xf32>
        %mul3A_3396 = vector.broadcast %squeeze3A_3212 : f32 to vector<16xf32>
        %mul3A_3397 = arith.mulf %mul3A_3396, %get3A_3395 : vector<16xf32>
        %get3A_3398 = arith.index_cast %add3A_3210 : i32 to index
        %get3A_3399 = arith.constant 112 : index
        %get3A_3400 = tpu.vector_load %arg12[%get3A_3398, %get3A_3399] {strides = array<i32>} : memref<128x128xf32, #tpu.memory_space<vmem>>, vector<1x16xf32>,
        %get3A_3401 = vector.shape_cast %get3A_3400 : vector<1x16xf32> to vector<16xf32>
        %mul3A_3402 = vector.broadcast %squeeze3A_3214 : f32 to vector<16xf32>
        %mul3A_3403 = arith.mulf %mul3A_3402, %get3A_3401 : vector<16xf32>
        %add3A_3404 = arith.addf %mul3A_3397, %mul3A_3403 : vector<16xf32>
        %get3A_3405 = arith.index_cast %add3A_3210 : i32 to index
        %get3A_3406 = arith.constant 112 : index
        %get3A_3407 = tpu.vector_load %arg13[%get3A_3405, %get3A_3406] {strides = array<i32>} : memref<128x128xf32, #tpu.memory_space<vmem>>, vector<1x16xf32>,
        %get3A_3408 = vector.shape_cast %get3A_3407 : vector<1x16xf32> to vector<16xf32>
        %mul3A_3409 = vector.broadcast %squeeze3A_3216 : f32 to vector<16xf32>
        %mul3A_3410 = arith.mulf %mul3A_3409, %get3A_3408 : vector<16xf32>
        %add3A_3411 = arith.addf %add3A_3404, %mul3A_3410 : vector<16xf32>
        %swap3A_3412 = arith.index_cast %add3A_3210 : i32 to index
        %swap3A_3413 = arith.constant 112 : index
        %swap3A_3414 = tpu.vector_load %arg15[%swap3A_3412, %swap3A_3413] {strides = array<i32>} : memref<128x128xf32, #tpu.memory_space<vmem>>, vector<1x16xf32>,
        %swap3A_3415 = vector.shape_cast %swap3A_3414 : vector<1x16xf32> to vector<16xf32>
        %swap3A_3416 = vector.shape_cast %add3A_3411 : vector<16xf32> to vector<1x16xf32>
        tpu.vector_store %arg15[%swap3A_3412, %swap3A_3413], %swap3A_3416 {strides = array<i32>} : memref<128x128xf32, #tpu.memory_space<vmem>>, vector<1x16xf32>,
        %scan3A_3417 = arith.constant 0 : i32
        scf.yield %scan3A_3417 : i32
      }
      %scan3A_36 = arith.constant 8 : i32
      "tpu.region"() ({
        %run_scoped3A = tpu.sem_alloc : memref<!tpu.dma_semaphore, #tpu.memory_space<semaphore_mem>>
        %dma_start3A_38 = arith.constant 0 : i32
        %dma_start3A_39 = tpu.memref_slice %arg7[%add3A_13, %dma_start3A_38] : memref<16384x128xf32, #tpu.memory_space<hbm>> -> memref<128x128xf32, #tpu.memory_space<hbm>>
        %dma_start3A_40 = arith.constant 0 : i32
        %dma_start3A_41 = tpu.memref_slice %arg7[%add3A_13, %dma_start3A_40] : memref<16384x128xf32, #tpu.memory_space<hbm>> -> memref<128x128xf32, #tpu.memory_space<hbm>>
        tpu.enqueue_dma source(%arg15 : memref<128x128xf32, #tpu.memory_space<vmem>>) target(%dma_start3A_41 : memref<128x128xf32, #tpu.memory_space<hbm>>) target_semaphore(%run_scoped3A : memref<!tpu.dma_semaphore, #tpu.memory_space<semaphore_mem>>)
        %dma_wait3A_42 = arith.constant 0 : i32
        %dma_wait3A_43 = tpu.memref_slice %arg7[%add3A_13, %dma_wait3A_42] : memref<16384x128xf32, #tpu.memory_space<hbm>> -> memref<128x128xf32, #tpu.memory_space<hbm>>
        %dma_wait3A_44 = arith.constant 0 : i32
        %dma_wait3A_45 = tpu.memref_slice %arg7[%add3A_13, %dma_wait3A_44] : memref<16384x128xf32, #tpu.memory_space<hbm>> -> memref<128x128xf32, #tpu.memory_space<hbm>>
        tpu.wait_dma2 semaphore(%run_scoped3A : memref<!tpu.dma_semaphore, #tpu.memory_space<semaphore_mem>>) src(%arg15 : memref<128x128xf32, #tpu.memory_space<vmem>>) dst(%dma_wait3A_45 : memref<128x128xf32, #tpu.memory_space<hbm>>)
        tpu.yield
      }) : () -> ()
      %scan3A_37 = arith.constant 0 : i32
      scf.yield %scan3A_37 : i32
    }
    %scan3A_6 = arith.constant 4 : i32
    return
  }
}

module attributes {stable_mosaic.version = 14 : i64} {
  func.func @_nn3_kernel(%arg0: i32, %arg1: i32, %arg2: memref<1x256x3xf32, #tpu.memory_space<vmem>>, %arg3: memref<1x3x8192xf32, #tpu.memory_space<vmem>>, %arg4: memref<256x3xf32, #tpu.memory_space<vmem>>, %arg5: memref<256x3xi32, #tpu.memory_space<vmem>>) attributes {dimension_semantics = [#tpu.dimension_semantics<arbitrary>, #tpu.dimension_semantics<arbitrary>], iteration_bounds = array<i64: 4, 16>, scalar_prefetch = 0 : i64, scratch_operands = 0 : i64, tpu.core_type = #tpu.core_type<tc>, window_params = [{transform_indices = @transform_0, window_bounds = array<i64: 1, 256, 3>}, {transform_indices = @transform_1, window_bounds = array<i64: 1, 3, 8192>}, {transform_indices = @transform_2, window_bounds = array<i64: 256, 3>}, {transform_indices = @transform_3, window_bounds = array<i64: 256, 3>}]} {
    %get3A = arith.constant 0 : index
    %get3A_0 = arith.constant 0 : index
    %get3A_1 = arith.constant 0 : index
    %get3A_2 = vector.load %arg2[%get3A, %get3A_0, %get3A_1] : memref<1x256x3xf32, #tpu.memory_space<vmem>>, vector<1x256x1xf32>
    %get3A_3 = vector.shape_cast %get3A_2 : vector<1x256x1xf32> to vector<256x1xf32>
    %broadcast_in_dim3A = vector.shape_cast %get3A_3 : vector<256x1xf32> to vector<256x1xf32>
    %broadcast_in_dim3A_4 = vector.broadcast %broadcast_in_dim3A : vector<256x1xf32> to vector<256x128xf32>
    %get3A_5 = arith.constant 0 : index
    %get3A_6 = arith.constant 0 : index
    %get3A_7 = arith.constant 1 : index
    %get3A_8 = vector.load %arg2[%get3A_5, %get3A_6, %get3A_7] : memref<1x256x3xf32, #tpu.memory_space<vmem>>, vector<1x256x1xf32>
    %get3A_9 = vector.shape_cast %get3A_8 : vector<1x256x1xf32> to vector<256x1xf32>
    %broadcast_in_dim3A_10 = vector.shape_cast %get3A_9 : vector<256x1xf32> to vector<256x1xf32>
    %broadcast_in_dim3A_11 = vector.broadcast %broadcast_in_dim3A_10 : vector<256x1xf32> to vector<256x128xf32>
    %get3A_12 = arith.constant 0 : index
    %get3A_13 = arith.constant 0 : index
    %get3A_14 = arith.constant 2 : index
    %get3A_15 = vector.load %arg2[%get3A_12, %get3A_13, %get3A_14] : memref<1x256x3xf32, #tpu.memory_space<vmem>>, vector<1x256x1xf32>
    %get3A_16 = vector.shape_cast %get3A_15 : vector<1x256x1xf32> to vector<256x1xf32>
    %broadcast_in_dim3A_17 = vector.shape_cast %get3A_16 : vector<256x1xf32> to vector<256x1xf32>
    %broadcast_in_dim3A_18 = vector.broadcast %broadcast_in_dim3A_17 : vector<256x1xf32> to vector<256x128xf32>
    %iota3A = tpu.iota {dimensions = array<i32: 1>} : vector<1x128xi32>
    %broadcast_in_dim3A_19 = arith.constant 3.000000e+38 : f32
    %broadcast_in_dim3A_20 = vector.broadcast %broadcast_in_dim3A_19 : f32 to vector<256x128xf32>
    %scan3A = arith.constant 0 : i32
    %scan3A_21 = arith.constant 2 : i32
    %scan3A_22 = arith.addi %scan3A, %scan3A_21 : i32
    %scan3A_23 = arith.constant 1 : i32
    %scan3A_24:3 = scf.for %scan3A_172 = %scan3A to %scan3A_22 step %scan3A_23 iter_args(%scan3A_173 = %broadcast_in_dim3A_20, %scan3A_174 = %broadcast_in_dim3A_20, %scan3A_175 = %broadcast_in_dim3A_20) -> (vector<256x128xf32>, vector<256x128xf32>, vector<256x128xf32>)  : i32 {
      %mul3A_176 = arith.constant 32 : i32
      %mul3A_177 = arith.muli %scan3A_172, %mul3A_176 : i32
      %add3A_178 = arith.constant 0 : i32
      %add3A_179 = arith.addi %mul3A_177, %add3A_178 : i32
      %mul3A_180 = arith.constant 128 : i32
      %mul3A_181 = arith.muli %add3A_179, %mul3A_180 : i32
      %get3A_182 = arith.constant 0 : index
      %get3A_183 = arith.constant 0 : index
      %get3A_184 = arith.index_cast %mul3A_181 : i32 to index
      %get3A_185 = vector.load %arg3[%get3A_182, %get3A_183, %get3A_184] : memref<1x3x8192xf32, #tpu.memory_space<vmem>>, vector<1x1x128xf32>
      %get3A_186 = vector.shape_cast %get3A_185 : vector<1x1x128xf32> to vector<1x128xf32>
      %get3A_187 = arith.constant 0 : index
      %get3A_188 = arith.constant 1 : index
      %get3A_189 = arith.index_cast %mul3A_181 : i32 to index
      %get3A_190 = vector.load %arg3[%get3A_187, %get3A_188, %get3A_189] : memref<1x3x8192xf32, #tpu.memory_space<vmem>>, vector<1x1x128xf32>
      %get3A_191 = vector.shape_cast %get3A_190 : vector<1x1x128xf32> to vector<1x128xf32>
      %get3A_192 = arith.constant 0 : index
      %get3A_193 = arith.constant 2 : index
      %get3A_194 = arith.index_cast %mul3A_181 : i32 to index
      %get3A_195 = vector.load %arg3[%get3A_192, %get3A_193, %get3A_194] : memref<1x3x8192xf32, #tpu.memory_space<vmem>>, vector<1x1x128xf32>
      %get3A_196 = vector.shape_cast %get3A_195 : vector<1x1x128xf32> to vector<1x128xf32>
      %sub3A = vector.broadcast %get3A_186 : vector<1x128xf32> to vector<256x128xf32>
      %sub3A_197 = arith.subf %broadcast_in_dim3A_4, %sub3A : vector<256x128xf32>
      %sub3A_198 = vector.broadcast %get3A_191 : vector<1x128xf32> to vector<256x128xf32>
      %sub3A_199 = arith.subf %broadcast_in_dim3A_11, %sub3A_198 : vector<256x128xf32>
      %sub3A_200 = vector.broadcast %get3A_196 : vector<1x128xf32> to vector<256x128xf32>
      %sub3A_201 = arith.subf %broadcast_in_dim3A_18, %sub3A_200 : vector<256x128xf32>
      %mul3A_202 = arith.mulf %sub3A_197, %sub3A_197 : vector<256x128xf32>
      %mul3A_203 = arith.mulf %sub3A_199, %sub3A_199 : vector<256x128xf32>
      %add3A_204 = arith.addf %mul3A_202, %mul3A_203 : vector<256x128xf32>
      %mul3A_205 = arith.mulf %sub3A_201, %sub3A_201 : vector<256x128xf32>
      %add3A_206 = arith.addf %add3A_204, %mul3A_205 : vector<256x128xf32>
      %bitcast_convert_type3A_207 = tpu.bitcast %add3A_206 : vector<256x128xf32> -> vector<256x128xi32>
      %and3A_208 = arith.constant -64 : i32
      %and3A_209 = vector.broadcast %and3A_208 : i32 to vector<256x128xi32>
      %and3A_210 = arith.andi %bitcast_convert_type3A_207, %and3A_209 : vector<256x128xi32>
      %or3A = vector.broadcast %add3A_179 : i32 to vector<256x128xi32>
      %or3A_211 = arith.ori %and3A_210, %or3A : vector<256x128xi32>
      %bitcast_convert_type3A_212 = tpu.bitcast %or3A_211 : vector<256x128xi32> -> vector<256x128xf32>
      %add3A_213 = arith.constant 0 : i32
      %add3A_214 = arith.addi %mul3A_177, %add3A_213 : i32
      %add3A_215 = arith.constant 1 : i32
      %add3A_216 = arith.addi %add3A_214, %add3A_215 : i32
      %mul3A_217 = arith.constant 128 : i32
      %mul3A_218 = arith.muli %add3A_216, %mul3A_217 : i32
      %get3A_219 = arith.constant 0 : index
      %get3A_220 = arith.constant 0 : index
      %get3A_221 = arith.index_cast %mul3A_218 : i32 to index
      %get3A_222 = vector.load %arg3[%get3A_219, %get3A_220, %get3A_221] : memref<1x3x8192xf32, #tpu.memory_space<vmem>>, vector<1x1x128xf32>
      %get3A_223 = vector.shape_cast %get3A_222 : vector<1x1x128xf32> to vector<1x128xf32>
      %get3A_224 = arith.constant 0 : index
      %get3A_225 = arith.constant 1 : index
      %get3A_226 = arith.index_cast %mul3A_218 : i32 to index
      %get3A_227 = vector.load %arg3[%get3A_224, %get3A_225, %get3A_226] : memref<1x3x8192xf32, #tpu.memory_space<vmem>>, vector<1x1x128xf32>
      %get3A_228 = vector.shape_cast %get3A_227 : vector<1x1x128xf32> to vector<1x128xf32>
      %get3A_229 = arith.constant 0 : index
      %get3A_230 = arith.constant 2 : index
      %get3A_231 = arith.index_cast %mul3A_218 : i32 to index
      %get3A_232 = vector.load %arg3[%get3A_229, %get3A_230, %get3A_231] : memref<1x3x8192xf32, #tpu.memory_space<vmem>>, vector<1x1x128xf32>
      %get3A_233 = vector.shape_cast %get3A_232 : vector<1x1x128xf32> to vector<1x128xf32>
      %sub3A_234 = vector.broadcast %get3A_223 : vector<1x128xf32> to vector<256x128xf32>
      %sub3A_235 = arith.subf %broadcast_in_dim3A_4, %sub3A_234 : vector<256x128xf32>
      %sub3A_236 = vector.broadcast %get3A_228 : vector<1x128xf32> to vector<256x128xf32>
      %sub3A_237 = arith.subf %broadcast_in_dim3A_11, %sub3A_236 : vector<256x128xf32>
      %sub3A_238 = vector.broadcast %get3A_233 : vector<1x128xf32> to vector<256x128xf32>
      %sub3A_239 = arith.subf %broadcast_in_dim3A_18, %sub3A_238 : vector<256x128xf32>
      %mul3A_240 = arith.mulf %sub3A_235, %sub3A_235 : vector<256x128xf32>
      %mul3A_241 = arith.mulf %sub3A_237, %sub3A_237 : vector<256x128xf32>
      %add3A_242 = arith.addf %mul3A_240, %mul3A_241 : vector<256x128xf32>
      %mul3A_243 = arith.mulf %sub3A_239, %sub3A_239 : vector<256x128xf32>
      %add3A_244 = arith.addf %add3A_242, %mul3A_243 : vector<256x128xf32>
      %bitcast_convert_type3A_245 = tpu.bitcast %add3A_244 : vector<256x128xf32> -> vector<256x128xi32>
      %and3A_246 = arith.constant -64 : i32
      %and3A_247 = vector.broadcast %and3A_246 : i32 to vector<256x128xi32>
      %and3A_248 = arith.andi %bitcast_convert_type3A_245, %and3A_247 : vector<256x128xi32>
      %or3A_249 = vector.broadcast %add3A_216 : i32 to vector<256x128xi32>
      %or3A_250 = arith.ori %and3A_248, %or3A_249 : vector<256x128xi32>
      %bitcast_convert_type3A_251 = tpu.bitcast %or3A_250 : vector<256x128xi32> -> vector<256x128xf32>
      %min3A = arith.minimumf %bitcast_convert_type3A_212, %bitcast_convert_type3A_251 : vector<256x128xf32>
      %max3A_252 = arith.maximumf %bitcast_convert_type3A_212, %bitcast_convert_type3A_251 : vector<256x128xf32>
      %add3A_253 = arith.constant 2 : i32
      %add3A_254 = arith.addi %mul3A_177, %add3A_253 : i32
      %mul3A_255 = arith.constant 128 : i32
      %mul3A_256 = arith.muli %add3A_254, %mul3A_255 : i32
      %get3A_257 = arith.constant 0 : index
      %get3A_258 = arith.constant 0 : index
      %get3A_259 = arith.index_cast %mul3A_256 : i32 to index
      %get3A_260 = vector.load %arg3[%get3A_257, %get3A_258, %get3A_259] : memref<1x3x8192xf32, #tpu.memory_space<vmem>>, vector<1x1x128xf32>
      %get3A_261 = vector.shape_cast %get3A_260 : vector<1x1x128xf32> to vector<1x128xf32>
      %get3A_262 = arith.constant 0 : index
      %get3A_263 = arith.constant 1 : index
      %get3A_264 = arith.index_cast %mul3A_256 : i32 to index
      %get3A_265 = vector.load %arg3[%get3A_262, %get3A_263, %get3A_264] : memref<1x3x8192xf32, #tpu.memory_space<vmem>>, vector<1x1x128xf32>
      %get3A_266 = vector.shape_cast %get3A_265 : vector<1x1x128xf32> to vector<1x128xf32>
      %get3A_267 = arith.constant 0 : index
      %get3A_268 = arith.constant 2 : index
      %get3A_269 = arith.index_cast %mul3A_256 : i32 to index
      %get3A_270 = vector.load %arg3[%get3A_267, %get3A_268, %get3A_269] : memref<1x3x8192xf32, #tpu.memory_space<vmem>>, vector<1x1x128xf32>
      %get3A_271 = vector.shape_cast %get3A_270 : vector<1x1x128xf32> to vector<1x128xf32>
      %sub3A_272 = vector.broadcast %get3A_261 : vector<1x128xf32> to vector<256x128xf32>
      %sub3A_273 = arith.subf %broadcast_in_dim3A_4, %sub3A_272 : vector<256x128xf32>
      %sub3A_274 = vector.broadcast %get3A_266 : vector<1x128xf32> to vector<256x128xf32>
      %sub3A_275 = arith.subf %broadcast_in_dim3A_11, %sub3A_274 : vector<256x128xf32>
      %sub3A_276 = vector.broadcast %get3A_271 : vector<1x128xf32> to vector<256x128xf32>
      %sub3A_277 = arith.subf %broadcast_in_dim3A_18, %sub3A_276 : vector<256x128xf32>
      %mul3A_278 = arith.mulf %sub3A_273, %sub3A_273 : vector<256x128xf32>
      %mul3A_279 = arith.mulf %sub3A_275, %sub3A_275 : vector<256x128xf32>
      %add3A_280 = arith.addf %mul3A_278, %mul3A_279 : vector<256x128xf32>
      %mul3A_281 = arith.mulf %sub3A_277, %sub3A_277 : vector<256x128xf32>
      %add3A_282 = arith.addf %add3A_280, %mul3A_281 : vector<256x128xf32>
      %bitcast_convert_type3A_283 = tpu.bitcast %add3A_282 : vector<256x128xf32> -> vector<256x128xi32>
      %and3A_284 = arith.constant -64 : i32
      %and3A_285 = vector.broadcast %and3A_284 : i32 to vector<256x128xi32>
      %and3A_286 = arith.andi %bitcast_convert_type3A_283, %and3A_285 : vector<256x128xi32>
      %or3A_287 = vector.broadcast %add3A_254 : i32 to vector<256x128xi32>
      %or3A_288 = arith.ori %and3A_286, %or3A_287 : vector<256x128xi32>
      %bitcast_convert_type3A_289 = tpu.bitcast %or3A_288 : vector<256x128xi32> -> vector<256x128xf32>
      %add3A_290 = arith.constant 2 : i32
      %add3A_291 = arith.addi %mul3A_177, %add3A_290 : i32
      %add3A_292 = arith.constant 1 : i32
      %add3A_293 = arith.addi %add3A_291, %add3A_292 : i32
      %mul3A_294 = arith.constant 128 : i32
      %mul3A_295 = arith.muli %add3A_293, %mul3A_294 : i32
      %get3A_296 = arith.constant 0 : index
      %get3A_297 = arith.constant 0 : index
      %get3A_298 = arith.index_cast %mul3A_295 : i32 to index
      %get3A_299 = vector.load %arg3[%get3A_296, %get3A_297, %get3A_298] : memref<1x3x8192xf32, #tpu.memory_space<vmem>>, vector<1x1x128xf32>
      %get3A_300 = vector.shape_cast %get3A_299 : vector<1x1x128xf32> to vector<1x128xf32>
      %get3A_301 = arith.constant 0 : index
      %get3A_302 = arith.constant 1 : index
      %get3A_303 = arith.index_cast %mul3A_295 : i32 to index
      %get3A_304 = vector.load %arg3[%get3A_301, %get3A_302, %get3A_303] : memref<1x3x8192xf32, #tpu.memory_space<vmem>>, vector<1x1x128xf32>
      %get3A_305 = vector.shape_cast %get3A_304 : vector<1x1x128xf32> to vector<1x128xf32>
      %get3A_306 = arith.constant 0 : index
      %get3A_307 = arith.constant 2 : index
      %get3A_308 = arith.index_cast %mul3A_295 : i32 to index
      %get3A_309 = vector.load %arg3[%get3A_306, %get3A_307, %get3A_308] : memref<1x3x8192xf32, #tpu.memory_space<vmem>>, vector<1x1x128xf32>
      %get3A_310 = vector.shape_cast %get3A_309 : vector<1x1x128xf32> to vector<1x128xf32>
      %sub3A_311 = vector.broadcast %get3A_300 : vector<1x128xf32> to vector<256x128xf32>
      %sub3A_312 = arith.subf %broadcast_in_dim3A_4, %sub3A_311 : vector<256x128xf32>
      %sub3A_313 = vector.broadcast %get3A_305 : vector<1x128xf32> to vector<256x128xf32>
      %sub3A_314 = arith.subf %broadcast_in_dim3A_11, %sub3A_313 : vector<256x128xf32>
      %sub3A_315 = vector.broadcast %get3A_310 : vector<1x128xf32> to vector<256x128xf32>
      %sub3A_316 = arith.subf %broadcast_in_dim3A_18, %sub3A_315 : vector<256x128xf32>
      %mul3A_317 = arith.mulf %sub3A_312, %sub3A_312 : vector<256x128xf32>
      %mul3A_318 = arith.mulf %sub3A_314, %sub3A_314 : vector<256x128xf32>
      %add3A_319 = arith.addf %mul3A_317, %mul3A_318 : vector<256x128xf32>
      %mul3A_320 = arith.mulf %sub3A_316, %sub3A_316 : vector<256x128xf32>
      %add3A_321 = arith.addf %add3A_319, %mul3A_320 : vector<256x128xf32>
      %bitcast_convert_type3A_322 = tpu.bitcast %add3A_321 : vector<256x128xf32> -> vector<256x128xi32>
      %and3A_323 = arith.constant -64 : i32
      %and3A_324 = vector.broadcast %and3A_323 : i32 to vector<256x128xi32>
      %and3A_325 = arith.andi %bitcast_convert_type3A_322, %and3A_324 : vector<256x128xi32>
      %or3A_326 = vector.broadcast %add3A_293 : i32 to vector<256x128xi32>
      %or3A_327 = arith.ori %and3A_325, %or3A_326 : vector<256x128xi32>
      %bitcast_convert_type3A_328 = tpu.bitcast %or3A_327 : vector<256x128xi32> -> vector<256x128xf32>
      %min3A_329 = arith.minimumf %bitcast_convert_type3A_289, %bitcast_convert_type3A_328 : vector<256x128xf32>
      %max3A_330 = arith.maximumf %bitcast_convert_type3A_289, %bitcast_convert_type3A_328 : vector<256x128xf32>
      %max3A_331 = arith.maximumf %min3A, %min3A_329 : vector<256x128xf32>
      %min3A_332 = arith.minimumf %max3A_252, %max3A_330 : vector<256x128xf32>
      %min3A_333 = arith.minimumf %min3A, %min3A_329 : vector<256x128xf32>
      %min3A_334 = arith.minimumf %max3A_331, %min3A_332 : vector<256x128xf32>
      %max3A_335 = arith.maximumf %max3A_331, %min3A_332 : vector<256x128xf32>
      %add3A_336 = arith.constant 4 : i32
      %add3A_337 = arith.addi %mul3A_177, %add3A_336 : i32
      %mul3A_338 = arith.constant 128 : i32
      %mul3A_339 = arith.muli %add3A_337, %mul3A_338 : i32
      %get3A_340 = arith.constant 0 : index
      %get3A_341 = arith.constant 0 : index
      %get3A_342 = arith.index_cast %mul3A_339 : i32 to index
      %get3A_343 = vector.load %arg3[%get3A_340, %get3A_341, %get3A_342] : memref<1x3x8192xf32, #tpu.memory_space<vmem>>, vector<1x1x128xf32>
      %get3A_344 = vector.shape_cast %get3A_343 : vector<1x1x128xf32> to vector<1x128xf32>
      %get3A_345 = arith.constant 0 : index
      %get3A_346 = arith.constant 1 : index
      %get3A_347 = arith.index_cast %mul3A_339 : i32 to index
      %get3A_348 = vector.load %arg3[%get3A_345, %get3A_346, %get3A_347] : memref<1x3x8192xf32, #tpu.memory_space<vmem>>, vector<1x1x128xf32>
      %get3A_349 = vector.shape_cast %get3A_348 : vector<1x1x128xf32> to vector<1x128xf32>
      %get3A_350 = arith.constant 0 : index
      %get3A_351 = arith.constant 2 : index
      %get3A_352 = arith.index_cast %mul3A_339 : i32 to index
      %get3A_353 = vector.load %arg3[%get3A_350, %get3A_351, %get3A_352] : memref<1x3x8192xf32, #tpu.memory_space<vmem>>, vector<1x1x128xf32>
      %get3A_354 = vector.shape_cast %get3A_353 : vector<1x1x128xf32> to vector<1x128xf32>
      %sub3A_355 = vector.broadcast %get3A_344 : vector<1x128xf32> to vector<256x128xf32>
      %sub3A_356 = arith.subf %broadcast_in_dim3A_4, %sub3A_355 : vector<256x128xf32>
      %sub3A_357 = vector.broadcast %get3A_349 : vector<1x128xf32> to vector<256x128xf32>
      %sub3A_358 = arith.subf %broadcast_in_dim3A_11, %sub3A_357 : vector<256x128xf32>
      %sub3A_359 = vector.broadcast %get3A_354 : vector<1x128xf32> to vector<256x128xf32>
      %sub3A_360 = arith.subf %broadcast_in_dim3A_18, %sub3A_359 : vector<256x128xf32>
      %mul3A_361 = arith.mulf %sub3A_356, %sub3A_356 : vector<256x128xf32>
      %mul3A_362 = arith.mulf %sub3A_358, %sub3A_358 : vector<256x128xf32>
      %add3A_363 = arith.addf %mul3A_361, %mul3A_362 : vector<256x128xf32>
      %mul3A_364 = arith.mulf %sub3A_360, %sub3A_360 : vector<256x128xf32>
      %add3A_365 = arith.addf %add3A_363, %mul3A_364 : vector<256x128xf32>
      %bitcast_convert_type3A_366 = tpu.bitcast %add3A_365 : vector<256x128xf32> -> vector<256x128xi32>
      %and3A_367 = arith.constant -64 : i32
      %and3A_368 = vector.broadcast %and3A_367 : i32 to vector<256x128xi32>
      %and3A_369 = arith.andi %bitcast_convert_type3A_366, %and3A_368 : vector<256x128xi32>
      %or3A_370 = vector.broadcast %add3A_337 : i32 to vector<256x128xi32>
      %or3A_371 = arith.ori %and3A_369, %or3A_370 : vector<256x128xi32>
      %bitcast_convert_type3A_372 = tpu.bitcast %or3A_371 : vector<256x128xi32> -> vector<256x128xf32>
      %add3A_373 = arith.constant 4 : i32
      %add3A_374 = arith.addi %mul3A_177, %add3A_373 : i32
      %add3A_375 = arith.constant 1 : i32
      %add3A_376 = arith.addi %add3A_374, %add3A_375 : i32
      %mul3A_377 = arith.constant 128 : i32
      %mul3A_378 = arith.muli %add3A_376, %mul3A_377 : i32
      %get3A_379 = arith.constant 0 : index
      %get3A_380 = arith.constant 0 : index
      %get3A_381 = arith.index_cast %mul3A_378 : i32 to index
      %get3A_382 = vector.load %arg3[%get3A_379, %get3A_380, %get3A_381] : memref<1x3x8192xf32, #tpu.memory_space<vmem>>, vector<1x1x128xf32>
      %get3A_383 = vector.shape_cast %get3A_382 : vector<1x1x128xf32> to vector<1x128xf32>
      %get3A_384 = arith.constant 0 : index
      %get3A_385 = arith.constant 1 : index
      %get3A_386 = arith.index_cast %mul3A_378 : i32 to index
      %get3A_387 = vector.load %arg3[%get3A_384, %get3A_385, %get3A_386] : memref<1x3x8192xf32, #tpu.memory_space<vmem>>, vector<1x1x128xf32>
      %get3A_388 = vector.shape_cast %get3A_387 : vector<1x1x128xf32> to vector<1x128xf32>
      %get3A_389 = arith.constant 0 : index
      %get3A_390 = arith.constant 2 : index
      %get3A_391 = arith.index_cast %mul3A_378 : i32 to index
      %get3A_392 = vector.load %arg3[%get3A_389, %get3A_390, %get3A_391] : memref<1x3x8192xf32, #tpu.memory_space<vmem>>, vector<1x1x128xf32>
      %get3A_393 = vector.shape_cast %get3A_392 : vector<1x1x128xf32> to vector<1x128xf32>
      %sub3A_394 = vector.broadcast %get3A_383 : vector<1x128xf32> to vector<256x128xf32>
      %sub3A_395 = arith.subf %broadcast_in_dim3A_4, %sub3A_394 : vector<256x128xf32>
      %sub3A_396 = vector.broadcast %get3A_388 : vector<1x128xf32> to vector<256x128xf32>
      %sub3A_397 = arith.subf %broadcast_in_dim3A_11, %sub3A_396 : vector<256x128xf32>
      %sub3A_398 = vector.broadcast %get3A_393 : vector<1x128xf32> to vector<256x128xf32>
      %sub3A_399 = arith.subf %broadcast_in_dim3A_18, %sub3A_398 : vector<256x128xf32>
      %mul3A_400 = arith.mulf %sub3A_395, %sub3A_395 : vector<256x128xf32>
      %mul3A_401 = arith.mulf %sub3A_397, %sub3A_397 : vector<256x128xf32>
      %add3A_402 = arith.addf %mul3A_400, %mul3A_401 : vector<256x128xf32>
      %mul3A_403 = arith.mulf %sub3A_399, %sub3A_399 : vector<256x128xf32>
      %add3A_404 = arith.addf %add3A_402, %mul3A_403 : vector<256x128xf32>
      %bitcast_convert_type3A_405 = tpu.bitcast %add3A_404 : vector<256x128xf32> -> vector<256x128xi32>
      %and3A_406 = arith.constant -64 : i32
      %and3A_407 = vector.broadcast %and3A_406 : i32 to vector<256x128xi32>
      %and3A_408 = arith.andi %bitcast_convert_type3A_405, %and3A_407 : vector<256x128xi32>
      %or3A_409 = vector.broadcast %add3A_376 : i32 to vector<256x128xi32>
      %or3A_410 = arith.ori %and3A_408, %or3A_409 : vector<256x128xi32>
      %bitcast_convert_type3A_411 = tpu.bitcast %or3A_410 : vector<256x128xi32> -> vector<256x128xf32>
      %min3A_412 = arith.minimumf %bitcast_convert_type3A_372, %bitcast_convert_type3A_411 : vector<256x128xf32>
      %max3A_413 = arith.maximumf %bitcast_convert_type3A_372, %bitcast_convert_type3A_411 : vector<256x128xf32>
      %add3A_414 = arith.constant 6 : i32
      %add3A_415 = arith.addi %mul3A_177, %add3A_414 : i32
      %mul3A_416 = arith.constant 128 : i32
      %mul3A_417 = arith.muli %add3A_415, %mul3A_416 : i32
      %get3A_418 = arith.constant 0 : index
      %get3A_419 = arith.constant 0 : index
      %get3A_420 = arith.index_cast %mul3A_417 : i32 to index
      %get3A_421 = vector.load %arg3[%get3A_418, %get3A_419, %get3A_420] : memref<1x3x8192xf32, #tpu.memory_space<vmem>>, vector<1x1x128xf32>
      %get3A_422 = vector.shape_cast %get3A_421 : vector<1x1x128xf32> to vector<1x128xf32>
      %get3A_423 = arith.constant 0 : index
      %get3A_424 = arith.constant 1 : index
      %get3A_425 = arith.index_cast %mul3A_417 : i32 to index
      %get3A_426 = vector.load %arg3[%get3A_423, %get3A_424, %get3A_425] : memref<1x3x8192xf32, #tpu.memory_space<vmem>>, vector<1x1x128xf32>
      %get3A_427 = vector.shape_cast %get3A_426 : vector<1x1x128xf32> to vector<1x128xf32>
      %get3A_428 = arith.constant 0 : index
      %get3A_429 = arith.constant 2 : index
      %get3A_430 = arith.index_cast %mul3A_417 : i32 to index
      %get3A_431 = vector.load %arg3[%get3A_428, %get3A_429, %get3A_430] : memref<1x3x8192xf32, #tpu.memory_space<vmem>>, vector<1x1x128xf32>
      %get3A_432 = vector.shape_cast %get3A_431 : vector<1x1x128xf32> to vector<1x128xf32>
      %sub3A_433 = vector.broadcast %get3A_422 : vector<1x128xf32> to vector<256x128xf32>
      %sub3A_434 = arith.subf %broadcast_in_dim3A_4, %sub3A_433 : vector<256x128xf32>
      %sub3A_435 = vector.broadcast %get3A_427 : vector<1x128xf32> to vector<256x128xf32>
      %sub3A_436 = arith.subf %broadcast_in_dim3A_11, %sub3A_435 : vector<256x128xf32>
      %sub3A_437 = vector.broadcast %get3A_432 : vector<1x128xf32> to vector<256x128xf32>
      %sub3A_438 = arith.subf %broadcast_in_dim3A_18, %sub3A_437 : vector<256x128xf32>
      %mul3A_439 = arith.mulf %sub3A_434, %sub3A_434 : vector<256x128xf32>
      %mul3A_440 = arith.mulf %sub3A_436, %sub3A_436 : vector<256x128xf32>
      %add3A_441 = arith.addf %mul3A_439, %mul3A_440 : vector<256x128xf32>
      %mul3A_442 = arith.mulf %sub3A_438, %sub3A_438 : vector<256x128xf32>
      %add3A_443 = arith.addf %add3A_441, %mul3A_442 : vector<256x128xf32>
      %bitcast_convert_type3A_444 = tpu.bitcast %add3A_443 : vector<256x128xf32> -> vector<256x128xi32>
      %and3A_445 = arith.constant -64 : i32
      %and3A_446 = vector.broadcast %and3A_445 : i32 to vector<256x128xi32>
      %and3A_447 = arith.andi %bitcast_convert_type3A_444, %and3A_446 : vector<256x128xi32>
      %or3A_448 = vector.broadcast %add3A_415 : i32 to vector<256x128xi32>
      %or3A_449 = arith.ori %and3A_447, %or3A_448 : vector<256x128xi32>
      %bitcast_convert_type3A_450 = tpu.bitcast %or3A_449 : vector<256x128xi32> -> vector<256x128xf32>
      %add3A_451 = arith.constant 6 : i32
      %add3A_452 = arith.addi %mul3A_177, %add3A_451 : i32
      %add3A_453 = arith.constant 1 : i32
      %add3A_454 = arith.addi %add3A_452, %add3A_453 : i32
      %mul3A_455 = arith.constant 128 : i32
      %mul3A_456 = arith.muli %add3A_454, %mul3A_455 : i32
      %get3A_457 = arith.constant 0 : index
      %get3A_458 = arith.constant 0 : index
      %get3A_459 = arith.index_cast %mul3A_456 : i32 to index
      %get3A_460 = vector.load %arg3[%get3A_457, %get3A_458, %get3A_459] : memref<1x3x8192xf32, #tpu.memory_space<vmem>>, vector<1x1x128xf32>
      %get3A_461 = vector.shape_cast %get3A_460 : vector<1x1x128xf32> to vector<1x128xf32>
      %get3A_462 = arith.constant 0 : index
      %get3A_463 = arith.constant 1 : index
      %get3A_464 = arith.index_cast %mul3A_456 : i32 to index
      %get3A_465 = vector.load %arg3[%get3A_462, %get3A_463, %get3A_464] : memref<1x3x8192xf32, #tpu.memory_space<vmem>>, vector<1x1x128xf32>
      %get3A_466 = vector.shape_cast %get3A_465 : vector<1x1x128xf32> to vector<1x128xf32>
      %get3A_467 = arith.constant 0 : index
      %get3A_468 = arith.constant 2 : index
      %get3A_469 = arith.index_cast %mul3A_456 : i32 to index
      %get3A_470 = vector.load %arg3[%get3A_467, %get3A_468, %get3A_469] : memref<1x3x8192xf32, #tpu.memory_space<vmem>>, vector<1x1x128xf32>
      %get3A_471 = vector.shape_cast %get3A_470 : vector<1x1x128xf32> to vector<1x128xf32>
      %sub3A_472 = vector.broadcast %get3A_461 : vector<1x128xf32> to vector<256x128xf32>
      %sub3A_473 = arith.subf %broadcast_in_dim3A_4, %sub3A_472 : vector<256x128xf32>
      %sub3A_474 = vector.broadcast %get3A_466 : vector<1x128xf32> to vector<256x128xf32>
      %sub3A_475 = arith.subf %broadcast_in_dim3A_11, %sub3A_474 : vector<256x128xf32>
      %sub3A_476 = vector.broadcast %get3A_471 : vector<1x128xf32> to vector<256x128xf32>
      %sub3A_477 = arith.subf %broadcast_in_dim3A_18, %sub3A_476 : vector<256x128xf32>
      %mul3A_478 = arith.mulf %sub3A_473, %sub3A_473 : vector<256x128xf32>
      %mul3A_479 = arith.mulf %sub3A_475, %sub3A_475 : vector<256x128xf32>
      %add3A_480 = arith.addf %mul3A_478, %mul3A_479 : vector<256x128xf32>
      %mul3A_481 = arith.mulf %sub3A_477, %sub3A_477 : vector<256x128xf32>
      %add3A_482 = arith.addf %add3A_480, %mul3A_481 : vector<256x128xf32>
      %bitcast_convert_type3A_483 = tpu.bitcast %add3A_482 : vector<256x128xf32> -> vector<256x128xi32>
      %and3A_484 = arith.constant -64 : i32
      %and3A_485 = vector.broadcast %and3A_484 : i32 to vector<256x128xi32>
      %and3A_486 = arith.andi %bitcast_convert_type3A_483, %and3A_485 : vector<256x128xi32>
      %or3A_487 = vector.broadcast %add3A_454 : i32 to vector<256x128xi32>
      %or3A_488 = arith.ori %and3A_486, %or3A_487 : vector<256x128xi32>
      %bitcast_convert_type3A_489 = tpu.bitcast %or3A_488 : vector<256x128xi32> -> vector<256x128xf32>
      %min3A_490 = arith.minimumf %bitcast_convert_type3A_450, %bitcast_convert_type3A_489 : vector<256x128xf32>
      %max3A_491 = arith.maximumf %bitcast_convert_type3A_450, %bitcast_convert_type3A_489 : vector<256x128xf32>
      %max3A_492 = arith.maximumf %min3A_412, %min3A_490 : vector<256x128xf32>
      %min3A_493 = arith.minimumf %max3A_413, %max3A_491 : vector<256x128xf32>
      %min3A_494 = arith.minimumf %min3A_412, %min3A_490 : vector<256x128xf32>
      %min3A_495 = arith.minimumf %max3A_492, %min3A_493 : vector<256x128xf32>
      %max3A_496 = arith.maximumf %max3A_492, %min3A_493 : vector<256x128xf32>
      %add3A_497 = arith.constant 8 : i32
      %add3A_498 = arith.addi %mul3A_177, %add3A_497 : i32
      %mul3A_499 = arith.constant 128 : i32
      %mul3A_500 = arith.muli %add3A_498, %mul3A_499 : i32
      %get3A_501 = arith.constant 0 : index
      %get3A_502 = arith.constant 0 : index
      %get3A_503 = arith.index_cast %mul3A_500 : i32 to index
      %get3A_504 = vector.load %arg3[%get3A_501, %get3A_502, %get3A_503] : memref<1x3x8192xf32, #tpu.memory_space<vmem>>, vector<1x1x128xf32>
      %get3A_505 = vector.shape_cast %get3A_504 : vector<1x1x128xf32> to vector<1x128xf32>
      %get3A_506 = arith.constant 0 : index
      %get3A_507 = arith.constant 1 : index
      %get3A_508 = arith.index_cast %mul3A_500 : i32 to index
      %get3A_509 = vector.load %arg3[%get3A_506, %get3A_507, %get3A_508] : memref<1x3x8192xf32, #tpu.memory_space<vmem>>, vector<1x1x128xf32>
      %get3A_510 = vector.shape_cast %get3A_509 : vector<1x1x128xf32> to vector<1x128xf32>
      %get3A_511 = arith.constant 0 : index
      %get3A_512 = arith.constant 2 : index
      %get3A_513 = arith.index_cast %mul3A_500 : i32 to index
      %get3A_514 = vector.load %arg3[%get3A_511, %get3A_512, %get3A_513] : memref<1x3x8192xf32, #tpu.memory_space<vmem>>, vector<1x1x128xf32>
      %get3A_515 = vector.shape_cast %get3A_514 : vector<1x1x128xf32> to vector<1x128xf32>
      %sub3A_516 = vector.broadcast %get3A_505 : vector<1x128xf32> to vector<256x128xf32>
      %sub3A_517 = arith.subf %broadcast_in_dim3A_4, %sub3A_516 : vector<256x128xf32>
      %sub3A_518 = vector.broadcast %get3A_510 : vector<1x128xf32> to vector<256x128xf32>
      %sub3A_519 = arith.subf %broadcast_in_dim3A_11, %sub3A_518 : vector<256x128xf32>
      %sub3A_520 = vector.broadcast %get3A_515 : vector<1x128xf32> to vector<256x128xf32>
      %sub3A_521 = arith.subf %broadcast_in_dim3A_18, %sub3A_520 : vector<256x128xf32>
      %mul3A_522 = arith.mulf %sub3A_517, %sub3A_517 : vector<256x128xf32>
      %mul3A_523 = arith.mulf %sub3A_519, %sub3A_519 : vector<256x128xf32>
      %add3A_524 = arith.addf %mul3A_522, %mul3A_523 : vector<256x128xf32>
      %mul3A_525 = arith.mulf %sub3A_521, %sub3A_521 : vector<256x128xf32>
      %add3A_526 = arith.addf %add3A_524, %mul3A_525 : vector<256x128xf32>
      %bitcast_convert_type3A_527 = tpu.bitcast %add3A_526 : vector<256x128xf32> -> vector<256x128xi32>
      %and3A_528 = arith.constant -64 : i32
      %and3A_529 = vector.broadcast %and3A_528 : i32 to vector<256x128xi32>
      %and3A_530 = arith.andi %bitcast_convert_type3A_527, %and3A_529 : vector<256x128xi32>
      %or3A_531 = vector.broadcast %add3A_498 : i32 to vector<256x128xi32>
      %or3A_532 = arith.ori %and3A_530, %or3A_531 : vector<256x128xi32>
      %bitcast_convert_type3A_533 = tpu.bitcast %or3A_532 : vector<256x128xi32> -> vector<256x128xf32>
      %add3A_534 = arith.constant 8 : i32
      %add3A_535 = arith.addi %mul3A_177, %add3A_534 : i32
      %add3A_536 = arith.constant 1 : i32
      %add3A_537 = arith.addi %add3A_535, %add3A_536 : i32
      %mul3A_538 = arith.constant 128 : i32
      %mul3A_539 = arith.muli %add3A_537, %mul3A_538 : i32
      %get3A_540 = arith.constant 0 : index
      %get3A_541 = arith.constant 0 : index
      %get3A_542 = arith.index_cast %mul3A_539 : i32 to index
      %get3A_543 = vector.load %arg3[%get3A_540, %get3A_541, %get3A_542] : memref<1x3x8192xf32, #tpu.memory_space<vmem>>, vector<1x1x128xf32>
      %get3A_544 = vector.shape_cast %get3A_543 : vector<1x1x128xf32> to vector<1x128xf32>
      %get3A_545 = arith.constant 0 : index
      %get3A_546 = arith.constant 1 : index
      %get3A_547 = arith.index_cast %mul3A_539 : i32 to index
      %get3A_548 = vector.load %arg3[%get3A_545, %get3A_546, %get3A_547] : memref<1x3x8192xf32, #tpu.memory_space<vmem>>, vector<1x1x128xf32>
      %get3A_549 = vector.shape_cast %get3A_548 : vector<1x1x128xf32> to vector<1x128xf32>
      %get3A_550 = arith.constant 0 : index
      %get3A_551 = arith.constant 2 : index
      %get3A_552 = arith.index_cast %mul3A_539 : i32 to index
      %get3A_553 = vector.load %arg3[%get3A_550, %get3A_551, %get3A_552] : memref<1x3x8192xf32, #tpu.memory_space<vmem>>, vector<1x1x128xf32>
      %get3A_554 = vector.shape_cast %get3A_553 : vector<1x1x128xf32> to vector<1x128xf32>
      %sub3A_555 = vector.broadcast %get3A_544 : vector<1x128xf32> to vector<256x128xf32>
      %sub3A_556 = arith.subf %broadcast_in_dim3A_4, %sub3A_555 : vector<256x128xf32>
      %sub3A_557 = vector.broadcast %get3A_549 : vector<1x128xf32> to vector<256x128xf32>
      %sub3A_558 = arith.subf %broadcast_in_dim3A_11, %sub3A_557 : vector<256x128xf32>
      %sub3A_559 = vector.broadcast %get3A_554 : vector<1x128xf32> to vector<256x128xf32>
      %sub3A_560 = arith.subf %broadcast_in_dim3A_18, %sub3A_559 : vector<256x128xf32>
      %mul3A_561 = arith.mulf %sub3A_556, %sub3A_556 : vector<256x128xf32>
      %mul3A_562 = arith.mulf %sub3A_558, %sub3A_558 : vector<256x128xf32>
      %add3A_563 = arith.addf %mul3A_561, %mul3A_562 : vector<256x128xf32>
      %mul3A_564 = arith.mulf %sub3A_560, %sub3A_560 : vector<256x128xf32>
      %add3A_565 = arith.addf %add3A_563, %mul3A_564 : vector<256x128xf32>
      %bitcast_convert_type3A_566 = tpu.bitcast %add3A_565 : vector<256x128xf32> -> vector<256x128xi32>
      %and3A_567 = arith.constant -64 : i32
      %and3A_568 = vector.broadcast %and3A_567 : i32 to vector<256x128xi32>
      %and3A_569 = arith.andi %bitcast_convert_type3A_566, %and3A_568 : vector<256x128xi32>
      %or3A_570 = vector.broadcast %add3A_537 : i32 to vector<256x128xi32>
      %or3A_571 = arith.ori %and3A_569, %or3A_570 : vector<256x128xi32>
      %bitcast_convert_type3A_572 = tpu.bitcast %or3A_571 : vector<256x128xi32> -> vector<256x128xf32>
      %min3A_573 = arith.minimumf %bitcast_convert_type3A_533, %bitcast_convert_type3A_572 : vector<256x128xf32>
      %max3A_574 = arith.maximumf %bitcast_convert_type3A_533, %bitcast_convert_type3A_572 : vector<256x128xf32>
      %add3A_575 = arith.constant 10 : i32
      %add3A_576 = arith.addi %mul3A_177, %add3A_575 : i32
      %mul3A_577 = arith.constant 128 : i32
      %mul3A_578 = arith.muli %add3A_576, %mul3A_577 : i32
      %get3A_579 = arith.constant 0 : index
      %get3A_580 = arith.constant 0 : index
      %get3A_581 = arith.index_cast %mul3A_578 : i32 to index
      %get3A_582 = vector.load %arg3[%get3A_579, %get3A_580, %get3A_581] : memref<1x3x8192xf32, #tpu.memory_space<vmem>>, vector<1x1x128xf32>
      %get3A_583 = vector.shape_cast %get3A_582 : vector<1x1x128xf32> to vector<1x128xf32>
      %get3A_584 = arith.constant 0 : index
      %get3A_585 = arith.constant 1 : index
      %get3A_586 = arith.index_cast %mul3A_578 : i32 to index
      %get3A_587 = vector.load %arg3[%get3A_584, %get3A_585, %get3A_586] : memref<1x3x8192xf32, #tpu.memory_space<vmem>>, vector<1x1x128xf32>
      %get3A_588 = vector.shape_cast %get3A_587 : vector<1x1x128xf32> to vector<1x128xf32>
      %get3A_589 = arith.constant 0 : index
      %get3A_590 = arith.constant 2 : index
      %get3A_591 = arith.index_cast %mul3A_578 : i32 to index
      %get3A_592 = vector.load %arg3[%get3A_589, %get3A_590, %get3A_591] : memref<1x3x8192xf32, #tpu.memory_space<vmem>>, vector<1x1x128xf32>
      %get3A_593 = vector.shape_cast %get3A_592 : vector<1x1x128xf32> to vector<1x128xf32>
      %sub3A_594 = vector.broadcast %get3A_583 : vector<1x128xf32> to vector<256x128xf32>
      %sub3A_595 = arith.subf %broadcast_in_dim3A_4, %sub3A_594 : vector<256x128xf32>
      %sub3A_596 = vector.broadcast %get3A_588 : vector<1x128xf32> to vector<256x128xf32>
      %sub3A_597 = arith.subf %broadcast_in_dim3A_11, %sub3A_596 : vector<256x128xf32>
      %sub3A_598 = vector.broadcast %get3A_593 : vector<1x128xf32> to vector<256x128xf32>
      %sub3A_599 = arith.subf %broadcast_in_dim3A_18, %sub3A_598 : vector<256x128xf32>
      %mul3A_600 = arith.mulf %sub3A_595, %sub3A_595 : vector<256x128xf32>
      %mul3A_601 = arith.mulf %sub3A_597, %sub3A_597 : vector<256x128xf32>
      %add3A_602 = arith.addf %mul3A_600, %mul3A_601 : vector<256x128xf32>
      %mul3A_603 = arith.mulf %sub3A_599, %sub3A_599 : vector<256x128xf32>
      %add3A_604 = arith.addf %add3A_602, %mul3A_603 : vector<256x128xf32>
      %bitcast_convert_type3A_605 = tpu.bitcast %add3A_604 : vector<256x128xf32> -> vector<256x128xi32>
      %and3A_606 = arith.constant -64 : i32
      %and3A_607 = vector.broadcast %and3A_606 : i32 to vector<256x128xi32>
      %and3A_608 = arith.andi %bitcast_convert_type3A_605, %and3A_607 : vector<256x128xi32>
      %or3A_609 = vector.broadcast %add3A_576 : i32 to vector<256x128xi32>
      %or3A_610 = arith.ori %and3A_608, %or3A_609 : vector<256x128xi32>
      %bitcast_convert_type3A_611 = tpu.bitcast %or3A_610 : vector<256x128xi32> -> vector<256x128xf32>
      %add3A_612 = arith.constant 10 : i32
      %add3A_613 = arith.addi %mul3A_177, %add3A_612 : i32
      %add3A_614 = arith.constant 1 : i32
      %add3A_615 = arith.addi %add3A_613, %add3A_614 : i32
      %mul3A_616 = arith.constant 128 : i32
      %mul3A_617 = arith.muli %add3A_615, %mul3A_616 : i32
      %get3A_618 = arith.constant 0 : index
      %get3A_619 = arith.constant 0 : index
      %get3A_620 = arith.index_cast %mul3A_617 : i32 to index
      %get3A_621 = vector.load %arg3[%get3A_618, %get3A_619, %get3A_620] : memref<1x3x8192xf32, #tpu.memory_space<vmem>>, vector<1x1x128xf32>
      %get3A_622 = vector.shape_cast %get3A_621 : vector<1x1x128xf32> to vector<1x128xf32>
      %get3A_623 = arith.constant 0 : index
      %get3A_624 = arith.constant 1 : index
      %get3A_625 = arith.index_cast %mul3A_617 : i32 to index
      %get3A_626 = vector.load %arg3[%get3A_623, %get3A_624, %get3A_625] : memref<1x3x8192xf32, #tpu.memory_space<vmem>>, vector<1x1x128xf32>
      %get3A_627 = vector.shape_cast %get3A_626 : vector<1x1x128xf32> to vector<1x128xf32>
      %get3A_628 = arith.constant 0 : index
      %get3A_629 = arith.constant 2 : index
      %get3A_630 = arith.index_cast %mul3A_617 : i32 to index
      %get3A_631 = vector.load %arg3[%get3A_628, %get3A_629, %get3A_630] : memref<1x3x8192xf32, #tpu.memory_space<vmem>>, vector<1x1x128xf32>
      %get3A_632 = vector.shape_cast %get3A_631 : vector<1x1x128xf32> to vector<1x128xf32>
      %sub3A_633 = vector.broadcast %get3A_622 : vector<1x128xf32> to vector<256x128xf32>
      %sub3A_634 = arith.subf %broadcast_in_dim3A_4, %sub3A_633 : vector<256x128xf32>
      %sub3A_635 = vector.broadcast %get3A_627 : vector<1x128xf32> to vector<256x128xf32>
      %sub3A_636 = arith.subf %broadcast_in_dim3A_11, %sub3A_635 : vector<256x128xf32>
      %sub3A_637 = vector.broadcast %get3A_632 : vector<1x128xf32> to vector<256x128xf32>
      %sub3A_638 = arith.subf %broadcast_in_dim3A_18, %sub3A_637 : vector<256x128xf32>
      %mul3A_639 = arith.mulf %sub3A_634, %sub3A_634 : vector<256x128xf32>
      %mul3A_640 = arith.mulf %sub3A_636, %sub3A_636 : vector<256x128xf32>
      %add3A_641 = arith.addf %mul3A_639, %mul3A_640 : vector<256x128xf32>
      %mul3A_642 = arith.mulf %sub3A_638, %sub3A_638 : vector<256x128xf32>
      %add3A_643 = arith.addf %add3A_641, %mul3A_642 : vector<256x128xf32>
      %bitcast_convert_type3A_644 = tpu.bitcast %add3A_643 : vector<256x128xf32> -> vector<256x128xi32>
      %and3A_645 = arith.constant -64 : i32
      %and3A_646 = vector.broadcast %and3A_645 : i32 to vector<256x128xi32>
      %and3A_647 = arith.andi %bitcast_convert_type3A_644, %and3A_646 : vector<256x128xi32>
      %or3A_648 = vector.broadcast %add3A_615 : i32 to vector<256x128xi32>
      %or3A_649 = arith.ori %and3A_647, %or3A_648 : vector<256x128xi32>
      %bitcast_convert_type3A_650 = tpu.bitcast %or3A_649 : vector<256x128xi32> -> vector<256x128xf32>
      %min3A_651 = arith.minimumf %bitcast_convert_type3A_611, %bitcast_convert_type3A_650 : vector<256x128xf32>
      %max3A_652 = arith.maximumf %bitcast_convert_type3A_611, %bitcast_convert_type3A_650 : vector<256x128xf32>
      %max3A_653 = arith.maximumf %min3A_573, %min3A_651 : vector<256x128xf32>
      %min3A_654 = arith.minimumf %max3A_574, %max3A_652 : vector<256x128xf32>
      %min3A_655 = arith.minimumf %min3A_573, %min3A_651 : vector<256x128xf32>
      %min3A_656 = arith.minimumf %max3A_653, %min3A_654 : vector<256x128xf32>
      %max3A_657 = arith.maximumf %max3A_653, %min3A_654 : vector<256x128xf32>
      %add3A_658 = arith.constant 12 : i32
      %add3A_659 = arith.addi %mul3A_177, %add3A_658 : i32
      %mul3A_660 = arith.constant 128 : i32
      %mul3A_661 = arith.muli %add3A_659, %mul3A_660 : i32
      %get3A_662 = arith.constant 0 : index
      %get3A_663 = arith.constant 0 : index
      %get3A_664 = arith.index_cast %mul3A_661 : i32 to index
      %get3A_665 = vector.load %arg3[%get3A_662, %get3A_663, %get3A_664] : memref<1x3x8192xf32, #tpu.memory_space<vmem>>, vector<1x1x128xf32>
      %get3A_666 = vector.shape_cast %get3A_665 : vector<1x1x128xf32> to vector<1x128xf32>
      %get3A_667 = arith.constant 0 : index
      %get3A_668 = arith.constant 1 : index
      %get3A_669 = arith.index_cast %mul3A_661 : i32 to index
      %get3A_670 = vector.load %arg3[%get3A_667, %get3A_668, %get3A_669] : memref<1x3x8192xf32, #tpu.memory_space<vmem>>, vector<1x1x128xf32>
      %get3A_671 = vector.shape_cast %get3A_670 : vector<1x1x128xf32> to vector<1x128xf32>
      %get3A_672 = arith.constant 0 : index
      %get3A_673 = arith.constant 2 : index
      %get3A_674 = arith.index_cast %mul3A_661 : i32 to index
      %get3A_675 = vector.load %arg3[%get3A_672, %get3A_673, %get3A_674] : memref<1x3x8192xf32, #tpu.memory_space<vmem>>, vector<1x1x128xf32>
      %get3A_676 = vector.shape_cast %get3A_675 : vector<1x1x128xf32> to vector<1x128xf32>
      %sub3A_677 = vector.broadcast %get3A_666 : vector<1x128xf32> to vector<256x128xf32>
      %sub3A_678 = arith.subf %broadcast_in_dim3A_4, %sub3A_677 : vector<256x128xf32>
      %sub3A_679 = vector.broadcast %get3A_671 : vector<1x128xf32> to vector<256x128xf32>
      %sub3A_680 = arith.subf %broadcast_in_dim3A_11, %sub3A_679 : vector<256x128xf32>
      %sub3A_681 = vector.broadcast %get3A_676 : vector<1x128xf32> to vector<256x128xf32>
      %sub3A_682 = arith.subf %broadcast_in_dim3A_18, %sub3A_681 : vector<256x128xf32>
      %mul3A_683 = arith.mulf %sub3A_678, %sub3A_678 : vector<256x128xf32>
      %mul3A_684 = arith.mulf %sub3A_680, %sub3A_680 : vector<256x128xf32>
      %add3A_685 = arith.addf %mul3A_683, %mul3A_684 : vector<256x128xf32>
      %mul3A_686 = arith.mulf %sub3A_682, %sub3A_682 : vector<256x128xf32>
      %add3A_687 = arith.addf %add3A_685, %mul3A_686 : vector<256x128xf32>
      %bitcast_convert_type3A_688 = tpu.bitcast %add3A_687 : vector<256x128xf32> -> vector<256x128xi32>
      %and3A_689 = arith.constant -64 : i32
      %and3A_690 = vector.broadcast %and3A_689 : i32 to vector<256x128xi32>
      %and3A_691 = arith.andi %bitcast_convert_type3A_688, %and3A_690 : vector<256x128xi32>
      %or3A_692 = vector.broadcast %add3A_659 : i32 to vector<256x128xi32>
      %or3A_693 = arith.ori %and3A_691, %or3A_692 : vector<256x128xi32>
      %bitcast_convert_type3A_694 = tpu.bitcast %or3A_693 : vector<256x128xi32> -> vector<256x128xf32>
      %add3A_695 = arith.constant 12 : i32
      %add3A_696 = arith.addi %mul3A_177, %add3A_695 : i32
      %add3A_697 = arith.constant 1 : i32
      %add3A_698 = arith.addi %add3A_696, %add3A_697 : i32
      %mul3A_699 = arith.constant 128 : i32
      %mul3A_700 = arith.muli %add3A_698, %mul3A_699 : i32
      %get3A_701 = arith.constant 0 : index
      %get3A_702 = arith.constant 0 : index
      %get3A_703 = arith.index_cast %mul3A_700 : i32 to index
      %get3A_704 = vector.load %arg3[%get3A_701, %get3A_702, %get3A_703] : memref<1x3x8192xf32, #tpu.memory_space<vmem>>, vector<1x1x128xf32>
      %get3A_705 = vector.shape_cast %get3A_704 : vector<1x1x128xf32> to vector<1x128xf32>
      %get3A_706 = arith.constant 0 : index
      %get3A_707 = arith.constant 1 : index
      %get3A_708 = arith.index_cast %mul3A_700 : i32 to index
      %get3A_709 = vector.load %arg3[%get3A_706, %get3A_707, %get3A_708] : memref<1x3x8192xf32, #tpu.memory_space<vmem>>, vector<1x1x128xf32>
      %get3A_710 = vector.shape_cast %get3A_709 : vector<1x1x128xf32> to vector<1x128xf32>
      %get3A_711 = arith.constant 0 : index
      %get3A_712 = arith.constant 2 : index
      %get3A_713 = arith.index_cast %mul3A_700 : i32 to index
      %get3A_714 = vector.load %arg3[%get3A_711, %get3A_712, %get3A_713] : memref<1x3x8192xf32, #tpu.memory_space<vmem>>, vector<1x1x128xf32>
      %get3A_715 = vector.shape_cast %get3A_714 : vector<1x1x128xf32> to vector<1x128xf32>
      %sub3A_716 = vector.broadcast %get3A_705 : vector<1x128xf32> to vector<256x128xf32>
      %sub3A_717 = arith.subf %broadcast_in_dim3A_4, %sub3A_716 : vector<256x128xf32>
      %sub3A_718 = vector.broadcast %get3A_710 : vector<1x128xf32> to vector<256x128xf32>
      %sub3A_719 = arith.subf %broadcast_in_dim3A_11, %sub3A_718 : vector<256x128xf32>
      %sub3A_720 = vector.broadcast %get3A_715 : vector<1x128xf32> to vector<256x128xf32>
      %sub3A_721 = arith.subf %broadcast_in_dim3A_18, %sub3A_720 : vector<256x128xf32>
      %mul3A_722 = arith.mulf %sub3A_717, %sub3A_717 : vector<256x128xf32>
      %mul3A_723 = arith.mulf %sub3A_719, %sub3A_719 : vector<256x128xf32>
      %add3A_724 = arith.addf %mul3A_722, %mul3A_723 : vector<256x128xf32>
      %mul3A_725 = arith.mulf %sub3A_721, %sub3A_721 : vector<256x128xf32>
      %add3A_726 = arith.addf %add3A_724, %mul3A_725 : vector<256x128xf32>
      %bitcast_convert_type3A_727 = tpu.bitcast %add3A_726 : vector<256x128xf32> -> vector<256x128xi32>
      %and3A_728 = arith.constant -64 : i32
      %and3A_729 = vector.broadcast %and3A_728 : i32 to vector<256x128xi32>
      %and3A_730 = arith.andi %bitcast_convert_type3A_727, %and3A_729 : vector<256x128xi32>
      %or3A_731 = vector.broadcast %add3A_698 : i32 to vector<256x128xi32>
      %or3A_732 = arith.ori %and3A_730, %or3A_731 : vector<256x128xi32>
      %bitcast_convert_type3A_733 = tpu.bitcast %or3A_732 : vector<256x128xi32> -> vector<256x128xf32>
      %min3A_734 = arith.minimumf %bitcast_convert_type3A_694, %bitcast_convert_type3A_733 : vector<256x128xf32>
      %max3A_735 = arith.maximumf %bitcast_convert_type3A_694, %bitcast_convert_type3A_733 : vector<256x128xf32>
      %add3A_736 = arith.constant 14 : i32
      %add3A_737 = arith.addi %mul3A_177, %add3A_736 : i32
      %mul3A_738 = arith.constant 128 : i32
      %mul3A_739 = arith.muli %add3A_737, %mul3A_738 : i32
      %get3A_740 = arith.constant 0 : index
      %get3A_741 = arith.constant 0 : index
      %get3A_742 = arith.index_cast %mul3A_739 : i32 to index
      %get3A_743 = vector.load %arg3[%get3A_740, %get3A_741, %get3A_742] : memref<1x3x8192xf32, #tpu.memory_space<vmem>>, vector<1x1x128xf32>
      %get3A_744 = vector.shape_cast %get3A_743 : vector<1x1x128xf32> to vector<1x128xf32>
      %get3A_745 = arith.constant 0 : index
      %get3A_746 = arith.constant 1 : index
      %get3A_747 = arith.index_cast %mul3A_739 : i32 to index
      %get3A_748 = vector.load %arg3[%get3A_745, %get3A_746, %get3A_747] : memref<1x3x8192xf32, #tpu.memory_space<vmem>>, vector<1x1x128xf32>
      %get3A_749 = vector.shape_cast %get3A_748 : vector<1x1x128xf32> to vector<1x128xf32>
      %get3A_750 = arith.constant 0 : index
      %get3A_751 = arith.constant 2 : index
      %get3A_752 = arith.index_cast %mul3A_739 : i32 to index
      %get3A_753 = vector.load %arg3[%get3A_750, %get3A_751, %get3A_752] : memref<1x3x8192xf32, #tpu.memory_space<vmem>>, vector<1x1x128xf32>
      %get3A_754 = vector.shape_cast %get3A_753 : vector<1x1x128xf32> to vector<1x128xf32>
      %sub3A_755 = vector.broadcast %get3A_744 : vector<1x128xf32> to vector<256x128xf32>
      %sub3A_756 = arith.subf %broadcast_in_dim3A_4, %sub3A_755 : vector<256x128xf32>
      %sub3A_757 = vector.broadcast %get3A_749 : vector<1x128xf32> to vector<256x128xf32>
      %sub3A_758 = arith.subf %broadcast_in_dim3A_11, %sub3A_757 : vector<256x128xf32>
      %sub3A_759 = vector.broadcast %get3A_754 : vector<1x128xf32> to vector<256x128xf32>
      %sub3A_760 = arith.subf %broadcast_in_dim3A_18, %sub3A_759 : vector<256x128xf32>
      %mul3A_761 = arith.mulf %sub3A_756, %sub3A_756 : vector<256x128xf32>
      %mul3A_762 = arith.mulf %sub3A_758, %sub3A_758 : vector<256x128xf32>
      %add3A_763 = arith.addf %mul3A_761, %mul3A_762 : vector<256x128xf32>
      %mul3A_764 = arith.mulf %sub3A_760, %sub3A_760 : vector<256x128xf32>
      %add3A_765 = arith.addf %add3A_763, %mul3A_764 : vector<256x128xf32>
      %bitcast_convert_type3A_766 = tpu.bitcast %add3A_765 : vector<256x128xf32> -> vector<256x128xi32>
      %and3A_767 = arith.constant -64 : i32
      %and3A_768 = vector.broadcast %and3A_767 : i32 to vector<256x128xi32>
      %and3A_769 = arith.andi %bitcast_convert_type3A_766, %and3A_768 : vector<256x128xi32>
      %or3A_770 = vector.broadcast %add3A_737 : i32 to vector<256x128xi32>
      %or3A_771 = arith.ori %and3A_769, %or3A_770 : vector<256x128xi32>
      %bitcast_convert_type3A_772 = tpu.bitcast %or3A_771 : vector<256x128xi32> -> vector<256x128xf32>
      %add3A_773 = arith.constant 14 : i32
      %add3A_774 = arith.addi %mul3A_177, %add3A_773 : i32
      %add3A_775 = arith.constant 1 : i32
      %add3A_776 = arith.addi %add3A_774, %add3A_775 : i32
      %mul3A_777 = arith.constant 128 : i32
      %mul3A_778 = arith.muli %add3A_776, %mul3A_777 : i32
      %get3A_779 = arith.constant 0 : index
      %get3A_780 = arith.constant 0 : index
      %get3A_781 = arith.index_cast %mul3A_778 : i32 to index
      %get3A_782 = vector.load %arg3[%get3A_779, %get3A_780, %get3A_781] : memref<1x3x8192xf32, #tpu.memory_space<vmem>>, vector<1x1x128xf32>
      %get3A_783 = vector.shape_cast %get3A_782 : vector<1x1x128xf32> to vector<1x128xf32>
      %get3A_784 = arith.constant 0 : index
      %get3A_785 = arith.constant 1 : index
      %get3A_786 = arith.index_cast %mul3A_778 : i32 to index
      %get3A_787 = vector.load %arg3[%get3A_784, %get3A_785, %get3A_786] : memref<1x3x8192xf32, #tpu.memory_space<vmem>>, vector<1x1x128xf32>
      %get3A_788 = vector.shape_cast %get3A_787 : vector<1x1x128xf32> to vector<1x128xf32>
      %get3A_789 = arith.constant 0 : index
      %get3A_790 = arith.constant 2 : index
      %get3A_791 = arith.index_cast %mul3A_778 : i32 to index
      %get3A_792 = vector.load %arg3[%get3A_789, %get3A_790, %get3A_791] : memref<1x3x8192xf32, #tpu.memory_space<vmem>>, vector<1x1x128xf32>
      %get3A_793 = vector.shape_cast %get3A_792 : vector<1x1x128xf32> to vector<1x128xf32>
      %sub3A_794 = vector.broadcast %get3A_783 : vector<1x128xf32> to vector<256x128xf32>
      %sub3A_795 = arith.subf %broadcast_in_dim3A_4, %sub3A_794 : vector<256x128xf32>
      %sub3A_796 = vector.broadcast %get3A_788 : vector<1x128xf32> to vector<256x128xf32>
      %sub3A_797 = arith.subf %broadcast_in_dim3A_11, %sub3A_796 : vector<256x128xf32>
      %sub3A_798 = vector.broadcast %get3A_793 : vector<1x128xf32> to vector<256x128xf32>
      %sub3A_799 = arith.subf %broadcast_in_dim3A_18, %sub3A_798 : vector<256x128xf32>
      %mul3A_800 = arith.mulf %sub3A_795, %sub3A_795 : vector<256x128xf32>
      %mul3A_801 = arith.mulf %sub3A_797, %sub3A_797 : vector<256x128xf32>
      %add3A_802 = arith.addf %mul3A_800, %mul3A_801 : vector<256x128xf32>
      %mul3A_803 = arith.mulf %sub3A_799, %sub3A_799 : vector<256x128xf32>
      %add3A_804 = arith.addf %add3A_802, %mul3A_803 : vector<256x128xf32>
      %bitcast_convert_type3A_805 = tpu.bitcast %add3A_804 : vector<256x128xf32> -> vector<256x128xi32>
      %and3A_806 = arith.constant -64 : i32
      %and3A_807 = vector.broadcast %and3A_806 : i32 to vector<256x128xi32>
      %and3A_808 = arith.andi %bitcast_convert_type3A_805, %and3A_807 : vector<256x128xi32>
      %or3A_809 = vector.broadcast %add3A_776 : i32 to vector<256x128xi32>
      %or3A_810 = arith.ori %and3A_808, %or3A_809 : vector<256x128xi32>
      %bitcast_convert_type3A_811 = tpu.bitcast %or3A_810 : vector<256x128xi32> -> vector<256x128xf32>
      %min3A_812 = arith.minimumf %bitcast_convert_type3A_772, %bitcast_convert_type3A_811 : vector<256x128xf32>
      %max3A_813 = arith.maximumf %bitcast_convert_type3A_772, %bitcast_convert_type3A_811 : vector<256x128xf32>
      %max3A_814 = arith.maximumf %min3A_734, %min3A_812 : vector<256x128xf32>
      %min3A_815 = arith.minimumf %max3A_735, %max3A_813 : vector<256x128xf32>
      %min3A_816 = arith.minimumf %min3A_734, %min3A_812 : vector<256x128xf32>
      %min3A_817 = arith.minimumf %max3A_814, %min3A_815 : vector<256x128xf32>
      %max3A_818 = arith.maximumf %max3A_814, %min3A_815 : vector<256x128xf32>
      %add3A_819 = arith.constant 16 : i32
      %add3A_820 = arith.addi %mul3A_177, %add3A_819 : i32
      %mul3A_821 = arith.constant 128 : i32
      %mul3A_822 = arith.muli %add3A_820, %mul3A_821 : i32
      %get3A_823 = arith.constant 0 : index
      %get3A_824 = arith.constant 0 : index
      %get3A_825 = arith.index_cast %mul3A_822 : i32 to index
      %get3A_826 = vector.load %arg3[%get3A_823, %get3A_824, %get3A_825] : memref<1x3x8192xf32, #tpu.memory_space<vmem>>, vector<1x1x128xf32>
      %get3A_827 = vector.shape_cast %get3A_826 : vector<1x1x128xf32> to vector<1x128xf32>
      %get3A_828 = arith.constant 0 : index
      %get3A_829 = arith.constant 1 : index
      %get3A_830 = arith.index_cast %mul3A_822 : i32 to index
      %get3A_831 = vector.load %arg3[%get3A_828, %get3A_829, %get3A_830] : memref<1x3x8192xf32, #tpu.memory_space<vmem>>, vector<1x1x128xf32>
      %get3A_832 = vector.shape_cast %get3A_831 : vector<1x1x128xf32> to vector<1x128xf32>
      %get3A_833 = arith.constant 0 : index
      %get3A_834 = arith.constant 2 : index
      %get3A_835 = arith.index_cast %mul3A_822 : i32 to index
      %get3A_836 = vector.load %arg3[%get3A_833, %get3A_834, %get3A_835] : memref<1x3x8192xf32, #tpu.memory_space<vmem>>, vector<1x1x128xf32>
      %get3A_837 = vector.shape_cast %get3A_836 : vector<1x1x128xf32> to vector<1x128xf32>
      %sub3A_838 = vector.broadcast %get3A_827 : vector<1x128xf32> to vector<256x128xf32>
      %sub3A_839 = arith.subf %broadcast_in_dim3A_4, %sub3A_838 : vector<256x128xf32>
      %sub3A_840 = vector.broadcast %get3A_832 : vector<1x128xf32> to vector<256x128xf32>
      %sub3A_841 = arith.subf %broadcast_in_dim3A_11, %sub3A_840 : vector<256x128xf32>
      %sub3A_842 = vector.broadcast %get3A_837 : vector<1x128xf32> to vector<256x128xf32>
      %sub3A_843 = arith.subf %broadcast_in_dim3A_18, %sub3A_842 : vector<256x128xf32>
      %mul3A_844 = arith.mulf %sub3A_839, %sub3A_839 : vector<256x128xf32>
      %mul3A_845 = arith.mulf %sub3A_841, %sub3A_841 : vector<256x128xf32>
      %add3A_846 = arith.addf %mul3A_844, %mul3A_845 : vector<256x128xf32>
      %mul3A_847 = arith.mulf %sub3A_843, %sub3A_843 : vector<256x128xf32>
      %add3A_848 = arith.addf %add3A_846, %mul3A_847 : vector<256x128xf32>
      %bitcast_convert_type3A_849 = tpu.bitcast %add3A_848 : vector<256x128xf32> -> vector<256x128xi32>
      %and3A_850 = arith.constant -64 : i32
      %and3A_851 = vector.broadcast %and3A_850 : i32 to vector<256x128xi32>
      %and3A_852 = arith.andi %bitcast_convert_type3A_849, %and3A_851 : vector<256x128xi32>
      %or3A_853 = vector.broadcast %add3A_820 : i32 to vector<256x128xi32>
      %or3A_854 = arith.ori %and3A_852, %or3A_853 : vector<256x128xi32>
      %bitcast_convert_type3A_855 = tpu.bitcast %or3A_854 : vector<256x128xi32> -> vector<256x128xf32>
      %add3A_856 = arith.constant 16 : i32
      %add3A_857 = arith.addi %mul3A_177, %add3A_856 : i32
      %add3A_858 = arith.constant 1 : i32
      %add3A_859 = arith.addi %add3A_857, %add3A_858 : i32
      %mul3A_860 = arith.constant 128 : i32
      %mul3A_861 = arith.muli %add3A_859, %mul3A_860 : i32
      %get3A_862 = arith.constant 0 : index
      %get3A_863 = arith.constant 0 : index
      %get3A_864 = arith.index_cast %mul3A_861 : i32 to index
      %get3A_865 = vector.load %arg3[%get3A_862, %get3A_863, %get3A_864] : memref<1x3x8192xf32, #tpu.memory_space<vmem>>, vector<1x1x128xf32>
      %get3A_866 = vector.shape_cast %get3A_865 : vector<1x1x128xf32> to vector<1x128xf32>
      %get3A_867 = arith.constant 0 : index
      %get3A_868 = arith.constant 1 : index
      %get3A_869 = arith.index_cast %mul3A_861 : i32 to index
      %get3A_870 = vector.load %arg3[%get3A_867, %get3A_868, %get3A_869] : memref<1x3x8192xf32, #tpu.memory_space<vmem>>, vector<1x1x128xf32>
      %get3A_871 = vector.shape_cast %get3A_870 : vector<1x1x128xf32> to vector<1x128xf32>
      %get3A_872 = arith.constant 0 : index
      %get3A_873 = arith.constant 2 : index
      %get3A_874 = arith.index_cast %mul3A_861 : i32 to index
      %get3A_875 = vector.load %arg3[%get3A_872, %get3A_873, %get3A_874] : memref<1x3x8192xf32, #tpu.memory_space<vmem>>, vector<1x1x128xf32>
      %get3A_876 = vector.shape_cast %get3A_875 : vector<1x1x128xf32> to vector<1x128xf32>
      %sub3A_877 = vector.broadcast %get3A_866 : vector<1x128xf32> to vector<256x128xf32>
      %sub3A_878 = arith.subf %broadcast_in_dim3A_4, %sub3A_877 : vector<256x128xf32>
      %sub3A_879 = vector.broadcast %get3A_871 : vector<1x128xf32> to vector<256x128xf32>
      %sub3A_880 = arith.subf %broadcast_in_dim3A_11, %sub3A_879 : vector<256x128xf32>
      %sub3A_881 = vector.broadcast %get3A_876 : vector<1x128xf32> to vector<256x128xf32>
      %sub3A_882 = arith.subf %broadcast_in_dim3A_18, %sub3A_881 : vector<256x128xf32>
      %mul3A_883 = arith.mulf %sub3A_878, %sub3A_878 : vector<256x128xf32>
      %mul3A_884 = arith.mulf %sub3A_880, %sub3A_880 : vector<256x128xf32>
      %add3A_885 = arith.addf %mul3A_883, %mul3A_884 : vector<256x128xf32>
      %mul3A_886 = arith.mulf %sub3A_882, %sub3A_882 : vector<256x128xf32>
      %add3A_887 = arith.addf %add3A_885, %mul3A_886 : vector<256x128xf32>
      %bitcast_convert_type3A_888 = tpu.bitcast %add3A_887 : vector<256x128xf32> -> vector<256x128xi32>
      %and3A_889 = arith.constant -64 : i32
      %and3A_890 = vector.broadcast %and3A_889 : i32 to vector<256x128xi32>
      %and3A_891 = arith.andi %bitcast_convert_type3A_888, %and3A_890 : vector<256x128xi32>
      %or3A_892 = vector.broadcast %add3A_859 : i32 to vector<256x128xi32>
      %or3A_893 = arith.ori %and3A_891, %or3A_892 : vector<256x128xi32>
      %bitcast_convert_type3A_894 = tpu.bitcast %or3A_893 : vector<256x128xi32> -> vector<256x128xf32>
      %min3A_895 = arith.minimumf %bitcast_convert_type3A_855, %bitcast_convert_type3A_894 : vector<256x128xf32>
      %max3A_896 = arith.maximumf %bitcast_convert_type3A_855, %bitcast_convert_type3A_894 : vector<256x128xf32>
      %add3A_897 = arith.constant 18 : i32
      %add3A_898 = arith.addi %mul3A_177, %add3A_897 : i32
      %mul3A_899 = arith.constant 128 : i32
      %mul3A_900 = arith.muli %add3A_898, %mul3A_899 : i32
      %get3A_901 = arith.constant 0 : index
      %get3A_902 = arith.constant 0 : index
      %get3A_903 = arith.index_cast %mul3A_900 : i32 to index
      %get3A_904 = vector.load %arg3[%get3A_901, %get3A_902, %get3A_903] : memref<1x3x8192xf32, #tpu.memory_space<vmem>>, vector<1x1x128xf32>
      %get3A_905 = vector.shape_cast %get3A_904 : vector<1x1x128xf32> to vector<1x128xf32>
      %get3A_906 = arith.constant 0 : index
      %get3A_907 = arith.constant 1 : index
      %get3A_908 = arith.index_cast %mul3A_900 : i32 to index
      %get3A_909 = vector.load %arg3[%get3A_906, %get3A_907, %get3A_908] : memref<1x3x8192xf32, #tpu.memory_space<vmem>>, vector<1x1x128xf32>
      %get3A_910 = vector.shape_cast %get3A_909 : vector<1x1x128xf32> to vector<1x128xf32>
      %get3A_911 = arith.constant 0 : index
      %get3A_912 = arith.constant 2 : index
      %get3A_913 = arith.index_cast %mul3A_900 : i32 to index
      %get3A_914 = vector.load %arg3[%get3A_911, %get3A_912, %get3A_913] : memref<1x3x8192xf32, #tpu.memory_space<vmem>>, vector<1x1x128xf32>
      %get3A_915 = vector.shape_cast %get3A_914 : vector<1x1x128xf32> to vector<1x128xf32>
      %sub3A_916 = vector.broadcast %get3A_905 : vector<1x128xf32> to vector<256x128xf32>
      %sub3A_917 = arith.subf %broadcast_in_dim3A_4, %sub3A_916 : vector<256x128xf32>
      %sub3A_918 = vector.broadcast %get3A_910 : vector<1x128xf32> to vector<256x128xf32>
      %sub3A_919 = arith.subf %broadcast_in_dim3A_11, %sub3A_918 : vector<256x128xf32>
      %sub3A_920 = vector.broadcast %get3A_915 : vector<1x128xf32> to vector<256x128xf32>
      %sub3A_921 = arith.subf %broadcast_in_dim3A_18, %sub3A_920 : vector<256x128xf32>
      %mul3A_922 = arith.mulf %sub3A_917, %sub3A_917 : vector<256x128xf32>
      %mul3A_923 = arith.mulf %sub3A_919, %sub3A_919 : vector<256x128xf32>
      %add3A_924 = arith.addf %mul3A_922, %mul3A_923 : vector<256x128xf32>
      %mul3A_925 = arith.mulf %sub3A_921, %sub3A_921 : vector<256x128xf32>
      %add3A_926 = arith.addf %add3A_924, %mul3A_925 : vector<256x128xf32>
      %bitcast_convert_type3A_927 = tpu.bitcast %add3A_926 : vector<256x128xf32> -> vector<256x128xi32>
      %and3A_928 = arith.constant -64 : i32
      %and3A_929 = vector.broadcast %and3A_928 : i32 to vector<256x128xi32>
      %and3A_930 = arith.andi %bitcast_convert_type3A_927, %and3A_929 : vector<256x128xi32>
      %or3A_931 = vector.broadcast %add3A_898 : i32 to vector<256x128xi32>
      %or3A_932 = arith.ori %and3A_930, %or3A_931 : vector<256x128xi32>
      %bitcast_convert_type3A_933 = tpu.bitcast %or3A_932 : vector<256x128xi32> -> vector<256x128xf32>
      %add3A_934 = arith.constant 18 : i32
      %add3A_935 = arith.addi %mul3A_177, %add3A_934 : i32
      %add3A_936 = arith.constant 1 : i32
      %add3A_937 = arith.addi %add3A_935, %add3A_936 : i32
      %mul3A_938 = arith.constant 128 : i32
      %mul3A_939 = arith.muli %add3A_937, %mul3A_938 : i32
      %get3A_940 = arith.constant 0 : index
      %get3A_941 = arith.constant 0 : index
      %get3A_942 = arith.index_cast %mul3A_939 : i32 to index
      %get3A_943 = vector.load %arg3[%get3A_940, %get3A_941, %get3A_942] : memref<1x3x8192xf32, #tpu.memory_space<vmem>>, vector<1x1x128xf32>
      %get3A_944 = vector.shape_cast %get3A_943 : vector<1x1x128xf32> to vector<1x128xf32>
      %get3A_945 = arith.constant 0 : index
      %get3A_946 = arith.constant 1 : index
      %get3A_947 = arith.index_cast %mul3A_939 : i32 to index
      %get3A_948 = vector.load %arg3[%get3A_945, %get3A_946, %get3A_947] : memref<1x3x8192xf32, #tpu.memory_space<vmem>>, vector<1x1x128xf32>
      %get3A_949 = vector.shape_cast %get3A_948 : vector<1x1x128xf32> to vector<1x128xf32>
      %get3A_950 = arith.constant 0 : index
      %get3A_951 = arith.constant 2 : index
      %get3A_952 = arith.index_cast %mul3A_939 : i32 to index
      %get3A_953 = vector.load %arg3[%get3A_950, %get3A_951, %get3A_952] : memref<1x3x8192xf32, #tpu.memory_space<vmem>>, vector<1x1x128xf32>
      %get3A_954 = vector.shape_cast %get3A_953 : vector<1x1x128xf32> to vector<1x128xf32>
      %sub3A_955 = vector.broadcast %get3A_944 : vector<1x128xf32> to vector<256x128xf32>
      %sub3A_956 = arith.subf %broadcast_in_dim3A_4, %sub3A_955 : vector<256x128xf32>
      %sub3A_957 = vector.broadcast %get3A_949 : vector<1x128xf32> to vector<256x128xf32>
      %sub3A_958 = arith.subf %broadcast_in_dim3A_11, %sub3A_957 : vector<256x128xf32>
      %sub3A_959 = vector.broadcast %get3A_954 : vector<1x128xf32> to vector<256x128xf32>
      %sub3A_960 = arith.subf %broadcast_in_dim3A_18, %sub3A_959 : vector<256x128xf32>
      %mul3A_961 = arith.mulf %sub3A_956, %sub3A_956 : vector<256x128xf32>
      %mul3A_962 = arith.mulf %sub3A_958, %sub3A_958 : vector<256x128xf32>
      %add3A_963 = arith.addf %mul3A_961, %mul3A_962 : vector<256x128xf32>
      %mul3A_964 = arith.mulf %sub3A_960, %sub3A_960 : vector<256x128xf32>
      %add3A_965 = arith.addf %add3A_963, %mul3A_964 : vector<256x128xf32>
      %bitcast_convert_type3A_966 = tpu.bitcast %add3A_965 : vector<256x128xf32> -> vector<256x128xi32>
      %and3A_967 = arith.constant -64 : i32
      %and3A_968 = vector.broadcast %and3A_967 : i32 to vector<256x128xi32>
      %and3A_969 = arith.andi %bitcast_convert_type3A_966, %and3A_968 : vector<256x128xi32>
      %or3A_970 = vector.broadcast %add3A_937 : i32 to vector<256x128xi32>
      %or3A_971 = arith.ori %and3A_969, %or3A_970 : vector<256x128xi32>
      %bitcast_convert_type3A_972 = tpu.bitcast %or3A_971 : vector<256x128xi32> -> vector<256x128xf32>
      %min3A_973 = arith.minimumf %bitcast_convert_type3A_933, %bitcast_convert_type3A_972 : vector<256x128xf32>
      %max3A_974 = arith.maximumf %bitcast_convert_type3A_933, %bitcast_convert_type3A_972 : vector<256x128xf32>
      %max3A_975 = arith.maximumf %min3A_895, %min3A_973 : vector<256x128xf32>
      %min3A_976 = arith.minimumf %max3A_896, %max3A_974 : vector<256x128xf32>
      %min3A_977 = arith.minimumf %min3A_895, %min3A_973 : vector<256x128xf32>
      %min3A_978 = arith.minimumf %max3A_975, %min3A_976 : vector<256x128xf32>
      %max3A_979 = arith.maximumf %max3A_975, %min3A_976 : vector<256x128xf32>
      %add3A_980 = arith.constant 20 : i32
      %add3A_981 = arith.addi %mul3A_177, %add3A_980 : i32
      %mul3A_982 = arith.constant 128 : i32
      %mul3A_983 = arith.muli %add3A_981, %mul3A_982 : i32
      %get3A_984 = arith.constant 0 : index
      %get3A_985 = arith.constant 0 : index
      %get3A_986 = arith.index_cast %mul3A_983 : i32 to index
      %get3A_987 = vector.load %arg3[%get3A_984, %get3A_985, %get3A_986] : memref<1x3x8192xf32, #tpu.memory_space<vmem>>, vector<1x1x128xf32>
      %get3A_988 = vector.shape_cast %get3A_987 : vector<1x1x128xf32> to vector<1x128xf32>
      %get3A_989 = arith.constant 0 : index
      %get3A_990 = arith.constant 1 : index
      %get3A_991 = arith.index_cast %mul3A_983 : i32 to index
      %get3A_992 = vector.load %arg3[%get3A_989, %get3A_990, %get3A_991] : memref<1x3x8192xf32, #tpu.memory_space<vmem>>, vector<1x1x128xf32>
      %get3A_993 = vector.shape_cast %get3A_992 : vector<1x1x128xf32> to vector<1x128xf32>
      %get3A_994 = arith.constant 0 : index
      %get3A_995 = arith.constant 2 : index
      %get3A_996 = arith.index_cast %mul3A_983 : i32 to index
      %get3A_997 = vector.load %arg3[%get3A_994, %get3A_995, %get3A_996] : memref<1x3x8192xf32, #tpu.memory_space<vmem>>, vector<1x1x128xf32>
      %get3A_998 = vector.shape_cast %get3A_997 : vector<1x1x128xf32> to vector<1x128xf32>
      %sub3A_999 = vector.broadcast %get3A_988 : vector<1x128xf32> to vector<256x128xf32>
      %sub3A_1000 = arith.subf %broadcast_in_dim3A_4, %sub3A_999 : vector<256x128xf32>
      %sub3A_1001 = vector.broadcast %get3A_993 : vector<1x128xf32> to vector<256x128xf32>
      %sub3A_1002 = arith.subf %broadcast_in_dim3A_11, %sub3A_1001 : vector<256x128xf32>
      %sub3A_1003 = vector.broadcast %get3A_998 : vector<1x128xf32> to vector<256x128xf32>
      %sub3A_1004 = arith.subf %broadcast_in_dim3A_18, %sub3A_1003 : vector<256x128xf32>
      %mul3A_1005 = arith.mulf %sub3A_1000, %sub3A_1000 : vector<256x128xf32>
      %mul3A_1006 = arith.mulf %sub3A_1002, %sub3A_1002 : vector<256x128xf32>
      %add3A_1007 = arith.addf %mul3A_1005, %mul3A_1006 : vector<256x128xf32>
      %mul3A_1008 = arith.mulf %sub3A_1004, %sub3A_1004 : vector<256x128xf32>
      %add3A_1009 = arith.addf %add3A_1007, %mul3A_1008 : vector<256x128xf32>
      %bitcast_convert_type3A_1010 = tpu.bitcast %add3A_1009 : vector<256x128xf32> -> vector<256x128xi32>
      %and3A_1011 = arith.constant -64 : i32
      %and3A_1012 = vector.broadcast %and3A_1011 : i32 to vector<256x128xi32>
      %and3A_1013 = arith.andi %bitcast_convert_type3A_1010, %and3A_1012 : vector<256x128xi32>
      %or3A_1014 = vector.broadcast %add3A_981 : i32 to vector<256x128xi32>
      %or3A_1015 = arith.ori %and3A_1013, %or3A_1014 : vector<256x128xi32>
      %bitcast_convert_type3A_1016 = tpu.bitcast %or3A_1015 : vector<256x128xi32> -> vector<256x128xf32>
      %add3A_1017 = arith.constant 20 : i32
      %add3A_1018 = arith.addi %mul3A_177, %add3A_1017 : i32
      %add3A_1019 = arith.constant 1 : i32
      %add3A_1020 = arith.addi %add3A_1018, %add3A_1019 : i32
      %mul3A_1021 = arith.constant 128 : i32
      %mul3A_1022 = arith.muli %add3A_1020, %mul3A_1021 : i32
      %get3A_1023 = arith.constant 0 : index
      %get3A_1024 = arith.constant 0 : index
      %get3A_1025 = arith.index_cast %mul3A_1022 : i32 to index
      %get3A_1026 = vector.load %arg3[%get3A_1023, %get3A_1024, %get3A_1025] : memref<1x3x8192xf32, #tpu.memory_space<vmem>>, vector<1x1x128xf32>
      %get3A_1027 = vector.shape_cast %get3A_1026 : vector<1x1x128xf32> to vector<1x128xf32>
      %get3A_1028 = arith.constant 0 : index
      %get3A_1029 = arith.constant 1 : index
      %get3A_1030 = arith.index_cast %mul3A_1022 : i32 to index
      %get3A_1031 = vector.load %arg3[%get3A_1028, %get3A_1029, %get3A_1030] : memref<1x3x8192xf32, #tpu.memory_space<vmem>>, vector<1x1x128xf32>
      %get3A_1032 = vector.shape_cast %get3A_1031 : vector<1x1x128xf32> to vector<1x128xf32>
      %get3A_1033 = arith.constant 0 : index
      %get3A_1034 = arith.constant 2 : index
      %get3A_1035 = arith.index_cast %mul3A_1022 : i32 to index
      %get3A_1036 = vector.load %arg3[%get3A_1033, %get3A_1034, %get3A_1035] : memref<1x3x8192xf32, #tpu.memory_space<vmem>>, vector<1x1x128xf32>
      %get3A_1037 = vector.shape_cast %get3A_1036 : vector<1x1x128xf32> to vector<1x128xf32>
      %sub3A_1038 = vector.broadcast %get3A_1027 : vector<1x128xf32> to vector<256x128xf32>
      %sub3A_1039 = arith.subf %broadcast_in_dim3A_4, %sub3A_1038 : vector<256x128xf32>
      %sub3A_1040 = vector.broadcast %get3A_1032 : vector<1x128xf32> to vector<256x128xf32>
      %sub3A_1041 = arith.subf %broadcast_in_dim3A_11, %sub3A_1040 : vector<256x128xf32>
      %sub3A_1042 = vector.broadcast %get3A_1037 : vector<1x128xf32> to vector<256x128xf32>
      %sub3A_1043 = arith.subf %broadcast_in_dim3A_18, %sub3A_1042 : vector<256x128xf32>
      %mul3A_1044 = arith.mulf %sub3A_1039, %sub3A_1039 : vector<256x128xf32>
      %mul3A_1045 = arith.mulf %sub3A_1041, %sub3A_1041 : vector<256x128xf32>
      %add3A_1046 = arith.addf %mul3A_1044, %mul3A_1045 : vector<256x128xf32>
      %mul3A_1047 = arith.mulf %sub3A_1043, %sub3A_1043 : vector<256x128xf32>
      %add3A_1048 = arith.addf %add3A_1046, %mul3A_1047 : vector<256x128xf32>
      %bitcast_convert_type3A_1049 = tpu.bitcast %add3A_1048 : vector<256x128xf32> -> vector<256x128xi32>
      %and3A_1050 = arith.constant -64 : i32
      %and3A_1051 = vector.broadcast %and3A_1050 : i32 to vector<256x128xi32>
      %and3A_1052 = arith.andi %bitcast_convert_type3A_1049, %and3A_1051 : vector<256x128xi32>
      %or3A_1053 = vector.broadcast %add3A_1020 : i32 to vector<256x128xi32>
      %or3A_1054 = arith.ori %and3A_1052, %or3A_1053 : vector<256x128xi32>
      %bitcast_convert_type3A_1055 = tpu.bitcast %or3A_1054 : vector<256x128xi32> -> vector<256x128xf32>
      %min3A_1056 = arith.minimumf %bitcast_convert_type3A_1016, %bitcast_convert_type3A_1055 : vector<256x128xf32>
      %max3A_1057 = arith.maximumf %bitcast_convert_type3A_1016, %bitcast_convert_type3A_1055 : vector<256x128xf32>
      %add3A_1058 = arith.constant 22 : i32
      %add3A_1059 = arith.addi %mul3A_177, %add3A_1058 : i32
      %mul3A_1060 = arith.constant 128 : i32
      %mul3A_1061 = arith.muli %add3A_1059, %mul3A_1060 : i32
      %get3A_1062 = arith.constant 0 : index
      %get3A_1063 = arith.constant 0 : index
      %get3A_1064 = arith.index_cast %mul3A_1061 : i32 to index
      %get3A_1065 = vector.load %arg3[%get3A_1062, %get3A_1063, %get3A_1064] : memref<1x3x8192xf32, #tpu.memory_space<vmem>>, vector<1x1x128xf32>
      %get3A_1066 = vector.shape_cast %get3A_1065 : vector<1x1x128xf32> to vector<1x128xf32>
      %get3A_1067 = arith.constant 0 : index
      %get3A_1068 = arith.constant 1 : index
      %get3A_1069 = arith.index_cast %mul3A_1061 : i32 to index
      %get3A_1070 = vector.load %arg3[%get3A_1067, %get3A_1068, %get3A_1069] : memref<1x3x8192xf32, #tpu.memory_space<vmem>>, vector<1x1x128xf32>
      %get3A_1071 = vector.shape_cast %get3A_1070 : vector<1x1x128xf32> to vector<1x128xf32>
      %get3A_1072 = arith.constant 0 : index
      %get3A_1073 = arith.constant 2 : index
      %get3A_1074 = arith.index_cast %mul3A_1061 : i32 to index
      %get3A_1075 = vector.load %arg3[%get3A_1072, %get3A_1073, %get3A_1074] : memref<1x3x8192xf32, #tpu.memory_space<vmem>>, vector<1x1x128xf32>
      %get3A_1076 = vector.shape_cast %get3A_1075 : vector<1x1x128xf32> to vector<1x128xf32>
      %sub3A_1077 = vector.broadcast %get3A_1066 : vector<1x128xf32> to vector<256x128xf32>
      %sub3A_1078 = arith.subf %broadcast_in_dim3A_4, %sub3A_1077 : vector<256x128xf32>
      %sub3A_1079 = vector.broadcast %get3A_1071 : vector<1x128xf32> to vector<256x128xf32>
      %sub3A_1080 = arith.subf %broadcast_in_dim3A_11, %sub3A_1079 : vector<256x128xf32>
      %sub3A_1081 = vector.broadcast %get3A_1076 : vector<1x128xf32> to vector<256x128xf32>
      %sub3A_1082 = arith.subf %broadcast_in_dim3A_18, %sub3A_1081 : vector<256x128xf32>
      %mul3A_1083 = arith.mulf %sub3A_1078, %sub3A_1078 : vector<256x128xf32>
      %mul3A_1084 = arith.mulf %sub3A_1080, %sub3A_1080 : vector<256x128xf32>
      %add3A_1085 = arith.addf %mul3A_1083, %mul3A_1084 : vector<256x128xf32>
      %mul3A_1086 = arith.mulf %sub3A_1082, %sub3A_1082 : vector<256x128xf32>
      %add3A_1087 = arith.addf %add3A_1085, %mul3A_1086 : vector<256x128xf32>
      %bitcast_convert_type3A_1088 = tpu.bitcast %add3A_1087 : vector<256x128xf32> -> vector<256x128xi32>
      %and3A_1089 = arith.constant -64 : i32
      %and3A_1090 = vector.broadcast %and3A_1089 : i32 to vector<256x128xi32>
      %and3A_1091 = arith.andi %bitcast_convert_type3A_1088, %and3A_1090 : vector<256x128xi32>
      %or3A_1092 = vector.broadcast %add3A_1059 : i32 to vector<256x128xi32>
      %or3A_1093 = arith.ori %and3A_1091, %or3A_1092 : vector<256x128xi32>
      %bitcast_convert_type3A_1094 = tpu.bitcast %or3A_1093 : vector<256x128xi32> -> vector<256x128xf32>
      %add3A_1095 = arith.constant 22 : i32
      %add3A_1096 = arith.addi %mul3A_177, %add3A_1095 : i32
      %add3A_1097 = arith.constant 1 : i32
      %add3A_1098 = arith.addi %add3A_1096, %add3A_1097 : i32
      %mul3A_1099 = arith.constant 128 : i32
      %mul3A_1100 = arith.muli %add3A_1098, %mul3A_1099 : i32
      %get3A_1101 = arith.constant 0 : index
      %get3A_1102 = arith.constant 0 : index
      %get3A_1103 = arith.index_cast %mul3A_1100 : i32 to index
      %get3A_1104 = vector.load %arg3[%get3A_1101, %get3A_1102, %get3A_1103] : memref<1x3x8192xf32, #tpu.memory_space<vmem>>, vector<1x1x128xf32>
      %get3A_1105 = vector.shape_cast %get3A_1104 : vector<1x1x128xf32> to vector<1x128xf32>
      %get3A_1106 = arith.constant 0 : index
      %get3A_1107 = arith.constant 1 : index
      %get3A_1108 = arith.index_cast %mul3A_1100 : i32 to index
      %get3A_1109 = vector.load %arg3[%get3A_1106, %get3A_1107, %get3A_1108] : memref<1x3x8192xf32, #tpu.memory_space<vmem>>, vector<1x1x128xf32>
      %get3A_1110 = vector.shape_cast %get3A_1109 : vector<1x1x128xf32> to vector<1x128xf32>
      %get3A_1111 = arith.constant 0 : index
      %get3A_1112 = arith.constant 2 : index
      %get3A_1113 = arith.index_cast %mul3A_1100 : i32 to index
      %get3A_1114 = vector.load %arg3[%get3A_1111, %get3A_1112, %get3A_1113] : memref<1x3x8192xf32, #tpu.memory_space<vmem>>, vector<1x1x128xf32>
      %get3A_1115 = vector.shape_cast %get3A_1114 : vector<1x1x128xf32> to vector<1x128xf32>
      %sub3A_1116 = vector.broadcast %get3A_1105 : vector<1x128xf32> to vector<256x128xf32>
      %sub3A_1117 = arith.subf %broadcast_in_dim3A_4, %sub3A_1116 : vector<256x128xf32>
      %sub3A_1118 = vector.broadcast %get3A_1110 : vector<1x128xf32> to vector<256x128xf32>
      %sub3A_1119 = arith.subf %broadcast_in_dim3A_11, %sub3A_1118 : vector<256x128xf32>
      %sub3A_1120 = vector.broadcast %get3A_1115 : vector<1x128xf32> to vector<256x128xf32>
      %sub3A_1121 = arith.subf %broadcast_in_dim3A_18, %sub3A_1120 : vector<256x128xf32>
      %mul3A_1122 = arith.mulf %sub3A_1117, %sub3A_1117 : vector<256x128xf32>
      %mul3A_1123 = arith.mulf %sub3A_1119, %sub3A_1119 : vector<256x128xf32>
      %add3A_1124 = arith.addf %mul3A_1122, %mul3A_1123 : vector<256x128xf32>
      %mul3A_1125 = arith.mulf %sub3A_1121, %sub3A_1121 : vector<256x128xf32>
      %add3A_1126 = arith.addf %add3A_1124, %mul3A_1125 : vector<256x128xf32>
      %bitcast_convert_type3A_1127 = tpu.bitcast %add3A_1126 : vector<256x128xf32> -> vector<256x128xi32>
      %and3A_1128 = arith.constant -64 : i32
      %and3A_1129 = vector.broadcast %and3A_1128 : i32 to vector<256x128xi32>
      %and3A_1130 = arith.andi %bitcast_convert_type3A_1127, %and3A_1129 : vector<256x128xi32>
      %or3A_1131 = vector.broadcast %add3A_1098 : i32 to vector<256x128xi32>
      %or3A_1132 = arith.ori %and3A_1130, %or3A_1131 : vector<256x128xi32>
      %bitcast_convert_type3A_1133 = tpu.bitcast %or3A_1132 : vector<256x128xi32> -> vector<256x128xf32>
      %min3A_1134 = arith.minimumf %bitcast_convert_type3A_1094, %bitcast_convert_type3A_1133 : vector<256x128xf32>
      %max3A_1135 = arith.maximumf %bitcast_convert_type3A_1094, %bitcast_convert_type3A_1133 : vector<256x128xf32>
      %max3A_1136 = arith.maximumf %min3A_1056, %min3A_1134 : vector<256x128xf32>
      %min3A_1137 = arith.minimumf %max3A_1057, %max3A_1135 : vector<256x128xf32>
      %min3A_1138 = arith.minimumf %min3A_1056, %min3A_1134 : vector<256x128xf32>
      %min3A_1139 = arith.minimumf %max3A_1136, %min3A_1137 : vector<256x128xf32>
      %max3A_1140 = arith.maximumf %max3A_1136, %min3A_1137 : vector<256x128xf32>
      %add3A_1141 = arith.constant 24 : i32
      %add3A_1142 = arith.addi %mul3A_177, %add3A_1141 : i32
      %mul3A_1143 = arith.constant 128 : i32
      %mul3A_1144 = arith.muli %add3A_1142, %mul3A_1143 : i32
      %get3A_1145 = arith.constant 0 : index
      %get3A_1146 = arith.constant 0 : index
      %get3A_1147 = arith.index_cast %mul3A_1144 : i32 to index
      %get3A_1148 = vector.load %arg3[%get3A_1145, %get3A_1146, %get3A_1147] : memref<1x3x8192xf32, #tpu.memory_space<vmem>>, vector<1x1x128xf32>
      %get3A_1149 = vector.shape_cast %get3A_1148 : vector<1x1x128xf32> to vector<1x128xf32>
      %get3A_1150 = arith.constant 0 : index
      %get3A_1151 = arith.constant 1 : index
      %get3A_1152 = arith.index_cast %mul3A_1144 : i32 to index
      %get3A_1153 = vector.load %arg3[%get3A_1150, %get3A_1151, %get3A_1152] : memref<1x3x8192xf32, #tpu.memory_space<vmem>>, vector<1x1x128xf32>
      %get3A_1154 = vector.shape_cast %get3A_1153 : vector<1x1x128xf32> to vector<1x128xf32>
      %get3A_1155 = arith.constant 0 : index
      %get3A_1156 = arith.constant 2 : index
      %get3A_1157 = arith.index_cast %mul3A_1144 : i32 to index
      %get3A_1158 = vector.load %arg3[%get3A_1155, %get3A_1156, %get3A_1157] : memref<1x3x8192xf32, #tpu.memory_space<vmem>>, vector<1x1x128xf32>
      %get3A_1159 = vector.shape_cast %get3A_1158 : vector<1x1x128xf32> to vector<1x128xf32>
      %sub3A_1160 = vector.broadcast %get3A_1149 : vector<1x128xf32> to vector<256x128xf32>
      %sub3A_1161 = arith.subf %broadcast_in_dim3A_4, %sub3A_1160 : vector<256x128xf32>
      %sub3A_1162 = vector.broadcast %get3A_1154 : vector<1x128xf32> to vector<256x128xf32>
      %sub3A_1163 = arith.subf %broadcast_in_dim3A_11, %sub3A_1162 : vector<256x128xf32>
      %sub3A_1164 = vector.broadcast %get3A_1159 : vector<1x128xf32> to vector<256x128xf32>
      %sub3A_1165 = arith.subf %broadcast_in_dim3A_18, %sub3A_1164 : vector<256x128xf32>
      %mul3A_1166 = arith.mulf %sub3A_1161, %sub3A_1161 : vector<256x128xf32>
      %mul3A_1167 = arith.mulf %sub3A_1163, %sub3A_1163 : vector<256x128xf32>
      %add3A_1168 = arith.addf %mul3A_1166, %mul3A_1167 : vector<256x128xf32>
      %mul3A_1169 = arith.mulf %sub3A_1165, %sub3A_1165 : vector<256x128xf32>
      %add3A_1170 = arith.addf %add3A_1168, %mul3A_1169 : vector<256x128xf32>
      %bitcast_convert_type3A_1171 = tpu.bitcast %add3A_1170 : vector<256x128xf32> -> vector<256x128xi32>
      %and3A_1172 = arith.constant -64 : i32
      %and3A_1173 = vector.broadcast %and3A_1172 : i32 to vector<256x128xi32>
      %and3A_1174 = arith.andi %bitcast_convert_type3A_1171, %and3A_1173 : vector<256x128xi32>
      %or3A_1175 = vector.broadcast %add3A_1142 : i32 to vector<256x128xi32>
      %or3A_1176 = arith.ori %and3A_1174, %or3A_1175 : vector<256x128xi32>
      %bitcast_convert_type3A_1177 = tpu.bitcast %or3A_1176 : vector<256x128xi32> -> vector<256x128xf32>
      %add3A_1178 = arith.constant 24 : i32
      %add3A_1179 = arith.addi %mul3A_177, %add3A_1178 : i32
      %add3A_1180 = arith.constant 1 : i32
      %add3A_1181 = arith.addi %add3A_1179, %add3A_1180 : i32
      %mul3A_1182 = arith.constant 128 : i32
      %mul3A_1183 = arith.muli %add3A_1181, %mul3A_1182 : i32
      %get3A_1184 = arith.constant 0 : index
      %get3A_1185 = arith.constant 0 : index
      %get3A_1186 = arith.index_cast %mul3A_1183 : i32 to index
      %get3A_1187 = vector.load %arg3[%get3A_1184, %get3A_1185, %get3A_1186] : memref<1x3x8192xf32, #tpu.memory_space<vmem>>, vector<1x1x128xf32>
      %get3A_1188 = vector.shape_cast %get3A_1187 : vector<1x1x128xf32> to vector<1x128xf32>
      %get3A_1189 = arith.constant 0 : index
      %get3A_1190 = arith.constant 1 : index
      %get3A_1191 = arith.index_cast %mul3A_1183 : i32 to index
      %get3A_1192 = vector.load %arg3[%get3A_1189, %get3A_1190, %get3A_1191] : memref<1x3x8192xf32, #tpu.memory_space<vmem>>, vector<1x1x128xf32>
      %get3A_1193 = vector.shape_cast %get3A_1192 : vector<1x1x128xf32> to vector<1x128xf32>
      %get3A_1194 = arith.constant 0 : index
      %get3A_1195 = arith.constant 2 : index
      %get3A_1196 = arith.index_cast %mul3A_1183 : i32 to index
      %get3A_1197 = vector.load %arg3[%get3A_1194, %get3A_1195, %get3A_1196] : memref<1x3x8192xf32, #tpu.memory_space<vmem>>, vector<1x1x128xf32>
      %get3A_1198 = vector.shape_cast %get3A_1197 : vector<1x1x128xf32> to vector<1x128xf32>
      %sub3A_1199 = vector.broadcast %get3A_1188 : vector<1x128xf32> to vector<256x128xf32>
      %sub3A_1200 = arith.subf %broadcast_in_dim3A_4, %sub3A_1199 : vector<256x128xf32>
      %sub3A_1201 = vector.broadcast %get3A_1193 : vector<1x128xf32> to vector<256x128xf32>
      %sub3A_1202 = arith.subf %broadcast_in_dim3A_11, %sub3A_1201 : vector<256x128xf32>
      %sub3A_1203 = vector.broadcast %get3A_1198 : vector<1x128xf32> to vector<256x128xf32>
      %sub3A_1204 = arith.subf %broadcast_in_dim3A_18, %sub3A_1203 : vector<256x128xf32>
      %mul3A_1205 = arith.mulf %sub3A_1200, %sub3A_1200 : vector<256x128xf32>
      %mul3A_1206 = arith.mulf %sub3A_1202, %sub3A_1202 : vector<256x128xf32>
      %add3A_1207 = arith.addf %mul3A_1205, %mul3A_1206 : vector<256x128xf32>
      %mul3A_1208 = arith.mulf %sub3A_1204, %sub3A_1204 : vector<256x128xf32>
      %add3A_1209 = arith.addf %add3A_1207, %mul3A_1208 : vector<256x128xf32>
      %bitcast_convert_type3A_1210 = tpu.bitcast %add3A_1209 : vector<256x128xf32> -> vector<256x128xi32>
      %and3A_1211 = arith.constant -64 : i32
      %and3A_1212 = vector.broadcast %and3A_1211 : i32 to vector<256x128xi32>
      %and3A_1213 = arith.andi %bitcast_convert_type3A_1210, %and3A_1212 : vector<256x128xi32>
      %or3A_1214 = vector.broadcast %add3A_1181 : i32 to vector<256x128xi32>
      %or3A_1215 = arith.ori %and3A_1213, %or3A_1214 : vector<256x128xi32>
      %bitcast_convert_type3A_1216 = tpu.bitcast %or3A_1215 : vector<256x128xi32> -> vector<256x128xf32>
      %min3A_1217 = arith.minimumf %bitcast_convert_type3A_1177, %bitcast_convert_type3A_1216 : vector<256x128xf32>
      %max3A_1218 = arith.maximumf %bitcast_convert_type3A_1177, %bitcast_convert_type3A_1216 : vector<256x128xf32>
      %add3A_1219 = arith.constant 26 : i32
      %add3A_1220 = arith.addi %mul3A_177, %add3A_1219 : i32
      %mul3A_1221 = arith.constant 128 : i32
      %mul3A_1222 = arith.muli %add3A_1220, %mul3A_1221 : i32
      %get3A_1223 = arith.constant 0 : index
      %get3A_1224 = arith.constant 0 : index
      %get3A_1225 = arith.index_cast %mul3A_1222 : i32 to index
      %get3A_1226 = vector.load %arg3[%get3A_1223, %get3A_1224, %get3A_1225] : memref<1x3x8192xf32, #tpu.memory_space<vmem>>, vector<1x1x128xf32>
      %get3A_1227 = vector.shape_cast %get3A_1226 : vector<1x1x128xf32> to vector<1x128xf32>
      %get3A_1228 = arith.constant 0 : index
      %get3A_1229 = arith.constant 1 : index
      %get3A_1230 = arith.index_cast %mul3A_1222 : i32 to index
      %get3A_1231 = vector.load %arg3[%get3A_1228, %get3A_1229, %get3A_1230] : memref<1x3x8192xf32, #tpu.memory_space<vmem>>, vector<1x1x128xf32>
      %get3A_1232 = vector.shape_cast %get3A_1231 : vector<1x1x128xf32> to vector<1x128xf32>
      %get3A_1233 = arith.constant 0 : index
      %get3A_1234 = arith.constant 2 : index
      %get3A_1235 = arith.index_cast %mul3A_1222 : i32 to index
      %get3A_1236 = vector.load %arg3[%get3A_1233, %get3A_1234, %get3A_1235] : memref<1x3x8192xf32, #tpu.memory_space<vmem>>, vector<1x1x128xf32>
      %get3A_1237 = vector.shape_cast %get3A_1236 : vector<1x1x128xf32> to vector<1x128xf32>
      %sub3A_1238 = vector.broadcast %get3A_1227 : vector<1x128xf32> to vector<256x128xf32>
      %sub3A_1239 = arith.subf %broadcast_in_dim3A_4, %sub3A_1238 : vector<256x128xf32>
      %sub3A_1240 = vector.broadcast %get3A_1232 : vector<1x128xf32> to vector<256x128xf32>
      %sub3A_1241 = arith.subf %broadcast_in_dim3A_11, %sub3A_1240 : vector<256x128xf32>
      %sub3A_1242 = vector.broadcast %get3A_1237 : vector<1x128xf32> to vector<256x128xf32>
      %sub3A_1243 = arith.subf %broadcast_in_dim3A_18, %sub3A_1242 : vector<256x128xf32>
      %mul3A_1244 = arith.mulf %sub3A_1239, %sub3A_1239 : vector<256x128xf32>
      %mul3A_1245 = arith.mulf %sub3A_1241, %sub3A_1241 : vector<256x128xf32>
      %add3A_1246 = arith.addf %mul3A_1244, %mul3A_1245 : vector<256x128xf32>
      %mul3A_1247 = arith.mulf %sub3A_1243, %sub3A_1243 : vector<256x128xf32>
      %add3A_1248 = arith.addf %add3A_1246, %mul3A_1247 : vector<256x128xf32>
      %bitcast_convert_type3A_1249 = tpu.bitcast %add3A_1248 : vector<256x128xf32> -> vector<256x128xi32>
      %and3A_1250 = arith.constant -64 : i32
      %and3A_1251 = vector.broadcast %and3A_1250 : i32 to vector<256x128xi32>
      %and3A_1252 = arith.andi %bitcast_convert_type3A_1249, %and3A_1251 : vector<256x128xi32>
      %or3A_1253 = vector.broadcast %add3A_1220 : i32 to vector<256x128xi32>
      %or3A_1254 = arith.ori %and3A_1252, %or3A_1253 : vector<256x128xi32>
      %bitcast_convert_type3A_1255 = tpu.bitcast %or3A_1254 : vector<256x128xi32> -> vector<256x128xf32>
      %add3A_1256 = arith.constant 26 : i32
      %add3A_1257 = arith.addi %mul3A_177, %add3A_1256 : i32
      %add3A_1258 = arith.constant 1 : i32
      %add3A_1259 = arith.addi %add3A_1257, %add3A_1258 : i32
      %mul3A_1260 = arith.constant 128 : i32
      %mul3A_1261 = arith.muli %add3A_1259, %mul3A_1260 : i32
      %get3A_1262 = arith.constant 0 : index
      %get3A_1263 = arith.constant 0 : index
      %get3A_1264 = arith.index_cast %mul3A_1261 : i32 to index
      %get3A_1265 = vector.load %arg3[%get3A_1262, %get3A_1263, %get3A_1264] : memref<1x3x8192xf32, #tpu.memory_space<vmem>>, vector<1x1x128xf32>
      %get3A_1266 = vector.shape_cast %get3A_1265 : vector<1x1x128xf32> to vector<1x128xf32>
      %get3A_1267 = arith.constant 0 : index
      %get3A_1268 = arith.constant 1 : index
      %get3A_1269 = arith.index_cast %mul3A_1261 : i32 to index
      %get3A_1270 = vector.load %arg3[%get3A_1267, %get3A_1268, %get3A_1269] : memref<1x3x8192xf32, #tpu.memory_space<vmem>>, vector<1x1x128xf32>
      %get3A_1271 = vector.shape_cast %get3A_1270 : vector<1x1x128xf32> to vector<1x128xf32>
      %get3A_1272 = arith.constant 0 : index
      %get3A_1273 = arith.constant 2 : index
      %get3A_1274 = arith.index_cast %mul3A_1261 : i32 to index
      %get3A_1275 = vector.load %arg3[%get3A_1272, %get3A_1273, %get3A_1274] : memref<1x3x8192xf32, #tpu.memory_space<vmem>>, vector<1x1x128xf32>
      %get3A_1276 = vector.shape_cast %get3A_1275 : vector<1x1x128xf32> to vector<1x128xf32>
      %sub3A_1277 = vector.broadcast %get3A_1266 : vector<1x128xf32> to vector<256x128xf32>
      %sub3A_1278 = arith.subf %broadcast_in_dim3A_4, %sub3A_1277 : vector<256x128xf32>
      %sub3A_1279 = vector.broadcast %get3A_1271 : vector<1x128xf32> to vector<256x128xf32>
      %sub3A_1280 = arith.subf %broadcast_in_dim3A_11, %sub3A_1279 : vector<256x128xf32>
      %sub3A_1281 = vector.broadcast %get3A_1276 : vector<1x128xf32> to vector<256x128xf32>
      %sub3A_1282 = arith.subf %broadcast_in_dim3A_18, %sub3A_1281 : vector<256x128xf32>
      %mul3A_1283 = arith.mulf %sub3A_1278, %sub3A_1278 : vector<256x128xf32>
      %mul3A_1284 = arith.mulf %sub3A_1280, %sub3A_1280 : vector<256x128xf32>
      %add3A_1285 = arith.addf %mul3A_1283, %mul3A_1284 : vector<256x128xf32>
      %mul3A_1286 = arith.mulf %sub3A_1282, %sub3A_1282 : vector<256x128xf32>
      %add3A_1287 = arith.addf %add3A_1285, %mul3A_1286 : vector<256x128xf32>
      %bitcast_convert_type3A_1288 = tpu.bitcast %add3A_1287 : vector<256x128xf32> -> vector<256x128xi32>
      %and3A_1289 = arith.constant -64 : i32
      %and3A_1290 = vector.broadcast %and3A_1289 : i32 to vector<256x128xi32>
      %and3A_1291 = arith.andi %bitcast_convert_type3A_1288, %and3A_1290 : vector<256x128xi32>
      %or3A_1292 = vector.broadcast %add3A_1259 : i32 to vector<256x128xi32>
      %or3A_1293 = arith.ori %and3A_1291, %or3A_1292 : vector<256x128xi32>
      %bitcast_convert_type3A_1294 = tpu.bitcast %or3A_1293 : vector<256x128xi32> -> vector<256x128xf32>
      %min3A_1295 = arith.minimumf %bitcast_convert_type3A_1255, %bitcast_convert_type3A_1294 : vector<256x128xf32>
      %max3A_1296 = arith.maximumf %bitcast_convert_type3A_1255, %bitcast_convert_type3A_1294 : vector<256x128xf32>
      %max3A_1297 = arith.maximumf %min3A_1217, %min3A_1295 : vector<256x128xf32>
      %min3A_1298 = arith.minimumf %max3A_1218, %max3A_1296 : vector<256x128xf32>
      %min3A_1299 = arith.minimumf %min3A_1217, %min3A_1295 : vector<256x128xf32>
      %min3A_1300 = arith.minimumf %max3A_1297, %min3A_1298 : vector<256x128xf32>
      %max3A_1301 = arith.maximumf %max3A_1297, %min3A_1298 : vector<256x128xf32>
      %add3A_1302 = arith.constant 28 : i32
      %add3A_1303 = arith.addi %mul3A_177, %add3A_1302 : i32
      %mul3A_1304 = arith.constant 128 : i32
      %mul3A_1305 = arith.muli %add3A_1303, %mul3A_1304 : i32
      %get3A_1306 = arith.constant 0 : index
      %get3A_1307 = arith.constant 0 : index
      %get3A_1308 = arith.index_cast %mul3A_1305 : i32 to index
      %get3A_1309 = vector.load %arg3[%get3A_1306, %get3A_1307, %get3A_1308] : memref<1x3x8192xf32, #tpu.memory_space<vmem>>, vector<1x1x128xf32>
      %get3A_1310 = vector.shape_cast %get3A_1309 : vector<1x1x128xf32> to vector<1x128xf32>
      %get3A_1311 = arith.constant 0 : index
      %get3A_1312 = arith.constant 1 : index
      %get3A_1313 = arith.index_cast %mul3A_1305 : i32 to index
      %get3A_1314 = vector.load %arg3[%get3A_1311, %get3A_1312, %get3A_1313] : memref<1x3x8192xf32, #tpu.memory_space<vmem>>, vector<1x1x128xf32>
      %get3A_1315 = vector.shape_cast %get3A_1314 : vector<1x1x128xf32> to vector<1x128xf32>
      %get3A_1316 = arith.constant 0 : index
      %get3A_1317 = arith.constant 2 : index
      %get3A_1318 = arith.index_cast %mul3A_1305 : i32 to index
      %get3A_1319 = vector.load %arg3[%get3A_1316, %get3A_1317, %get3A_1318] : memref<1x3x8192xf32, #tpu.memory_space<vmem>>, vector<1x1x128xf32>
      %get3A_1320 = vector.shape_cast %get3A_1319 : vector<1x1x128xf32> to vector<1x128xf32>
      %sub3A_1321 = vector.broadcast %get3A_1310 : vector<1x128xf32> to vector<256x128xf32>
      %sub3A_1322 = arith.subf %broadcast_in_dim3A_4, %sub3A_1321 : vector<256x128xf32>
      %sub3A_1323 = vector.broadcast %get3A_1315 : vector<1x128xf32> to vector<256x128xf32>
      %sub3A_1324 = arith.subf %broadcast_in_dim3A_11, %sub3A_1323 : vector<256x128xf32>
      %sub3A_1325 = vector.broadcast %get3A_1320 : vector<1x128xf32> to vector<256x128xf32>
      %sub3A_1326 = arith.subf %broadcast_in_dim3A_18, %sub3A_1325 : vector<256x128xf32>
      %mul3A_1327 = arith.mulf %sub3A_1322, %sub3A_1322 : vector<256x128xf32>
      %mul3A_1328 = arith.mulf %sub3A_1324, %sub3A_1324 : vector<256x128xf32>
      %add3A_1329 = arith.addf %mul3A_1327, %mul3A_1328 : vector<256x128xf32>
      %mul3A_1330 = arith.mulf %sub3A_1326, %sub3A_1326 : vector<256x128xf32>
      %add3A_1331 = arith.addf %add3A_1329, %mul3A_1330 : vector<256x128xf32>
      %bitcast_convert_type3A_1332 = tpu.bitcast %add3A_1331 : vector<256x128xf32> -> vector<256x128xi32>
      %and3A_1333 = arith.constant -64 : i32
      %and3A_1334 = vector.broadcast %and3A_1333 : i32 to vector<256x128xi32>
      %and3A_1335 = arith.andi %bitcast_convert_type3A_1332, %and3A_1334 : vector<256x128xi32>
      %or3A_1336 = vector.broadcast %add3A_1303 : i32 to vector<256x128xi32>
      %or3A_1337 = arith.ori %and3A_1335, %or3A_1336 : vector<256x128xi32>
      %bitcast_convert_type3A_1338 = tpu.bitcast %or3A_1337 : vector<256x128xi32> -> vector<256x128xf32>
      %add3A_1339 = arith.constant 28 : i32
      %add3A_1340 = arith.addi %mul3A_177, %add3A_1339 : i32
      %add3A_1341 = arith.constant 1 : i32
      %add3A_1342 = arith.addi %add3A_1340, %add3A_1341 : i32
      %mul3A_1343 = arith.constant 128 : i32
      %mul3A_1344 = arith.muli %add3A_1342, %mul3A_1343 : i32
      %get3A_1345 = arith.constant 0 : index
      %get3A_1346 = arith.constant 0 : index
      %get3A_1347 = arith.index_cast %mul3A_1344 : i32 to index
      %get3A_1348 = vector.load %arg3[%get3A_1345, %get3A_1346, %get3A_1347] : memref<1x3x8192xf32, #tpu.memory_space<vmem>>, vector<1x1x128xf32>
      %get3A_1349 = vector.shape_cast %get3A_1348 : vector<1x1x128xf32> to vector<1x128xf32>
      %get3A_1350 = arith.constant 0 : index
      %get3A_1351 = arith.constant 1 : index
      %get3A_1352 = arith.index_cast %mul3A_1344 : i32 to index
      %get3A_1353 = vector.load %arg3[%get3A_1350, %get3A_1351, %get3A_1352] : memref<1x3x8192xf32, #tpu.memory_space<vmem>>, vector<1x1x128xf32>
      %get3A_1354 = vector.shape_cast %get3A_1353 : vector<1x1x128xf32> to vector<1x128xf32>
      %get3A_1355 = arith.constant 0 : index
      %get3A_1356 = arith.constant 2 : index
      %get3A_1357 = arith.index_cast %mul3A_1344 : i32 to index
      %get3A_1358 = vector.load %arg3[%get3A_1355, %get3A_1356, %get3A_1357] : memref<1x3x8192xf32, #tpu.memory_space<vmem>>, vector<1x1x128xf32>
      %get3A_1359 = vector.shape_cast %get3A_1358 : vector<1x1x128xf32> to vector<1x128xf32>
      %sub3A_1360 = vector.broadcast %get3A_1349 : vector<1x128xf32> to vector<256x128xf32>
      %sub3A_1361 = arith.subf %broadcast_in_dim3A_4, %sub3A_1360 : vector<256x128xf32>
      %sub3A_1362 = vector.broadcast %get3A_1354 : vector<1x128xf32> to vector<256x128xf32>
      %sub3A_1363 = arith.subf %broadcast_in_dim3A_11, %sub3A_1362 : vector<256x128xf32>
      %sub3A_1364 = vector.broadcast %get3A_1359 : vector<1x128xf32> to vector<256x128xf32>
      %sub3A_1365 = arith.subf %broadcast_in_dim3A_18, %sub3A_1364 : vector<256x128xf32>
      %mul3A_1366 = arith.mulf %sub3A_1361, %sub3A_1361 : vector<256x128xf32>
      %mul3A_1367 = arith.mulf %sub3A_1363, %sub3A_1363 : vector<256x128xf32>
      %add3A_1368 = arith.addf %mul3A_1366, %mul3A_1367 : vector<256x128xf32>
      %mul3A_1369 = arith.mulf %sub3A_1365, %sub3A_1365 : vector<256x128xf32>
      %add3A_1370 = arith.addf %add3A_1368, %mul3A_1369 : vector<256x128xf32>
      %bitcast_convert_type3A_1371 = tpu.bitcast %add3A_1370 : vector<256x128xf32> -> vector<256x128xi32>
      %and3A_1372 = arith.constant -64 : i32
      %and3A_1373 = vector.broadcast %and3A_1372 : i32 to vector<256x128xi32>
      %and3A_1374 = arith.andi %bitcast_convert_type3A_1371, %and3A_1373 : vector<256x128xi32>
      %or3A_1375 = vector.broadcast %add3A_1342 : i32 to vector<256x128xi32>
      %or3A_1376 = arith.ori %and3A_1374, %or3A_1375 : vector<256x128xi32>
      %bitcast_convert_type3A_1377 = tpu.bitcast %or3A_1376 : vector<256x128xi32> -> vector<256x128xf32>
      %min3A_1378 = arith.minimumf %bitcast_convert_type3A_1338, %bitcast_convert_type3A_1377 : vector<256x128xf32>
      %max3A_1379 = arith.maximumf %bitcast_convert_type3A_1338, %bitcast_convert_type3A_1377 : vector<256x128xf32>
      %add3A_1380 = arith.constant 30 : i32
      %add3A_1381 = arith.addi %mul3A_177, %add3A_1380 : i32
      %mul3A_1382 = arith.constant 128 : i32
      %mul3A_1383 = arith.muli %add3A_1381, %mul3A_1382 : i32
      %get3A_1384 = arith.constant 0 : index
      %get3A_1385 = arith.constant 0 : index
      %get3A_1386 = arith.index_cast %mul3A_1383 : i32 to index
      %get3A_1387 = vector.load %arg3[%get3A_1384, %get3A_1385, %get3A_1386] : memref<1x3x8192xf32, #tpu.memory_space<vmem>>, vector<1x1x128xf32>
      %get3A_1388 = vector.shape_cast %get3A_1387 : vector<1x1x128xf32> to vector<1x128xf32>
      %get3A_1389 = arith.constant 0 : index
      %get3A_1390 = arith.constant 1 : index
      %get3A_1391 = arith.index_cast %mul3A_1383 : i32 to index
      %get3A_1392 = vector.load %arg3[%get3A_1389, %get3A_1390, %get3A_1391] : memref<1x3x8192xf32, #tpu.memory_space<vmem>>, vector<1x1x128xf32>
      %get3A_1393 = vector.shape_cast %get3A_1392 : vector<1x1x128xf32> to vector<1x128xf32>
      %get3A_1394 = arith.constant 0 : index
      %get3A_1395 = arith.constant 2 : index
      %get3A_1396 = arith.index_cast %mul3A_1383 : i32 to index
      %get3A_1397 = vector.load %arg3[%get3A_1394, %get3A_1395, %get3A_1396] : memref<1x3x8192xf32, #tpu.memory_space<vmem>>, vector<1x1x128xf32>
      %get3A_1398 = vector.shape_cast %get3A_1397 : vector<1x1x128xf32> to vector<1x128xf32>
      %sub3A_1399 = vector.broadcast %get3A_1388 : vector<1x128xf32> to vector<256x128xf32>
      %sub3A_1400 = arith.subf %broadcast_in_dim3A_4, %sub3A_1399 : vector<256x128xf32>
      %sub3A_1401 = vector.broadcast %get3A_1393 : vector<1x128xf32> to vector<256x128xf32>
      %sub3A_1402 = arith.subf %broadcast_in_dim3A_11, %sub3A_1401 : vector<256x128xf32>
      %sub3A_1403 = vector.broadcast %get3A_1398 : vector<1x128xf32> to vector<256x128xf32>
      %sub3A_1404 = arith.subf %broadcast_in_dim3A_18, %sub3A_1403 : vector<256x128xf32>
      %mul3A_1405 = arith.mulf %sub3A_1400, %sub3A_1400 : vector<256x128xf32>
      %mul3A_1406 = arith.mulf %sub3A_1402, %sub3A_1402 : vector<256x128xf32>
      %add3A_1407 = arith.addf %mul3A_1405, %mul3A_1406 : vector<256x128xf32>
      %mul3A_1408 = arith.mulf %sub3A_1404, %sub3A_1404 : vector<256x128xf32>
      %add3A_1409 = arith.addf %add3A_1407, %mul3A_1408 : vector<256x128xf32>
      %bitcast_convert_type3A_1410 = tpu.bitcast %add3A_1409 : vector<256x128xf32> -> vector<256x128xi32>
      %and3A_1411 = arith.constant -64 : i32
      %and3A_1412 = vector.broadcast %and3A_1411 : i32 to vector<256x128xi32>
      %and3A_1413 = arith.andi %bitcast_convert_type3A_1410, %and3A_1412 : vector<256x128xi32>
      %or3A_1414 = vector.broadcast %add3A_1381 : i32 to vector<256x128xi32>
      %or3A_1415 = arith.ori %and3A_1413, %or3A_1414 : vector<256x128xi32>
      %bitcast_convert_type3A_1416 = tpu.bitcast %or3A_1415 : vector<256x128xi32> -> vector<256x128xf32>
      %add3A_1417 = arith.constant 30 : i32
      %add3A_1418 = arith.addi %mul3A_177, %add3A_1417 : i32
      %add3A_1419 = arith.constant 1 : i32
      %add3A_1420 = arith.addi %add3A_1418, %add3A_1419 : i32
      %mul3A_1421 = arith.constant 128 : i32
      %mul3A_1422 = arith.muli %add3A_1420, %mul3A_1421 : i32
      %get3A_1423 = arith.constant 0 : index
      %get3A_1424 = arith.constant 0 : index
      %get3A_1425 = arith.index_cast %mul3A_1422 : i32 to index
      %get3A_1426 = vector.load %arg3[%get3A_1423, %get3A_1424, %get3A_1425] : memref<1x3x8192xf32, #tpu.memory_space<vmem>>, vector<1x1x128xf32>
      %get3A_1427 = vector.shape_cast %get3A_1426 : vector<1x1x128xf32> to vector<1x128xf32>
      %get3A_1428 = arith.constant 0 : index
      %get3A_1429 = arith.constant 1 : index
      %get3A_1430 = arith.index_cast %mul3A_1422 : i32 to index
      %get3A_1431 = vector.load %arg3[%get3A_1428, %get3A_1429, %get3A_1430] : memref<1x3x8192xf32, #tpu.memory_space<vmem>>, vector<1x1x128xf32>
      %get3A_1432 = vector.shape_cast %get3A_1431 : vector<1x1x128xf32> to vector<1x128xf32>
      %get3A_1433 = arith.constant 0 : index
      %get3A_1434 = arith.constant 2 : index
      %get3A_1435 = arith.index_cast %mul3A_1422 : i32 to index
      %get3A_1436 = vector.load %arg3[%get3A_1433, %get3A_1434, %get3A_1435] : memref<1x3x8192xf32, #tpu.memory_space<vmem>>, vector<1x1x128xf32>
      %get3A_1437 = vector.shape_cast %get3A_1436 : vector<1x1x128xf32> to vector<1x128xf32>
      %sub3A_1438 = vector.broadcast %get3A_1427 : vector<1x128xf32> to vector<256x128xf32>
      %sub3A_1439 = arith.subf %broadcast_in_dim3A_4, %sub3A_1438 : vector<256x128xf32>
      %sub3A_1440 = vector.broadcast %get3A_1432 : vector<1x128xf32> to vector<256x128xf32>
      %sub3A_1441 = arith.subf %broadcast_in_dim3A_11, %sub3A_1440 : vector<256x128xf32>
      %sub3A_1442 = vector.broadcast %get3A_1437 : vector<1x128xf32> to vector<256x128xf32>
      %sub3A_1443 = arith.subf %broadcast_in_dim3A_18, %sub3A_1442 : vector<256x128xf32>
      %mul3A_1444 = arith.mulf %sub3A_1439, %sub3A_1439 : vector<256x128xf32>
      %mul3A_1445 = arith.mulf %sub3A_1441, %sub3A_1441 : vector<256x128xf32>
      %add3A_1446 = arith.addf %mul3A_1444, %mul3A_1445 : vector<256x128xf32>
      %mul3A_1447 = arith.mulf %sub3A_1443, %sub3A_1443 : vector<256x128xf32>
      %add3A_1448 = arith.addf %add3A_1446, %mul3A_1447 : vector<256x128xf32>
      %bitcast_convert_type3A_1449 = tpu.bitcast %add3A_1448 : vector<256x128xf32> -> vector<256x128xi32>
      %and3A_1450 = arith.constant -64 : i32
      %and3A_1451 = vector.broadcast %and3A_1450 : i32 to vector<256x128xi32>
      %and3A_1452 = arith.andi %bitcast_convert_type3A_1449, %and3A_1451 : vector<256x128xi32>
      %or3A_1453 = vector.broadcast %add3A_1420 : i32 to vector<256x128xi32>
      %or3A_1454 = arith.ori %and3A_1452, %or3A_1453 : vector<256x128xi32>
      %bitcast_convert_type3A_1455 = tpu.bitcast %or3A_1454 : vector<256x128xi32> -> vector<256x128xf32>
      %min3A_1456 = arith.minimumf %bitcast_convert_type3A_1416, %bitcast_convert_type3A_1455 : vector<256x128xf32>
      %max3A_1457 = arith.maximumf %bitcast_convert_type3A_1416, %bitcast_convert_type3A_1455 : vector<256x128xf32>
      %max3A_1458 = arith.maximumf %min3A_1378, %min3A_1456 : vector<256x128xf32>
      %min3A_1459 = arith.minimumf %max3A_1379, %max3A_1457 : vector<256x128xf32>
      %min3A_1460 = arith.minimumf %min3A_1378, %min3A_1456 : vector<256x128xf32>
      %min3A_1461 = arith.minimumf %max3A_1458, %min3A_1459 : vector<256x128xf32>
      %max3A_1462 = arith.maximumf %max3A_1458, %min3A_1459 : vector<256x128xf32>
      %max3A_1463 = arith.maximumf %min3A_333, %min3A_494 : vector<256x128xf32>
      %min3A_1464 = arith.minimumf %min3A_334, %min3A_495 : vector<256x128xf32>
      %max3A_1465 = arith.maximumf %max3A_1463, %min3A_1464 : vector<256x128xf32>
      %min3A_1466 = arith.minimumf %max3A_335, %max3A_496 : vector<256x128xf32>
      %min3A_1467 = arith.minimumf %min3A_333, %min3A_494 : vector<256x128xf32>
      %min3A_1468 = arith.minimumf %max3A_1463, %min3A_1464 : vector<256x128xf32>
      %min3A_1469 = arith.minimumf %max3A_1465, %min3A_1466 : vector<256x128xf32>
      %max3A_1470 = arith.maximumf %min3A_655, %min3A_816 : vector<256x128xf32>
      %min3A_1471 = arith.minimumf %min3A_656, %min3A_817 : vector<256x128xf32>
      %max3A_1472 = arith.maximumf %max3A_1470, %min3A_1471 : vector<256x128xf32>
      %min3A_1473 = arith.minimumf %max3A_657, %max3A_818 : vector<256x128xf32>
      %min3A_1474 = arith.minimumf %min3A_655, %min3A_816 : vector<256x128xf32>
      %min3A_1475 = arith.minimumf %max3A_1470, %min3A_1471 : vector<256x128xf32>
      %min3A_1476 = arith.minimumf %max3A_1472, %min3A_1473 : vector<256x128xf32>
      %max3A_1477 = arith.maximumf %min3A_977, %min3A_1138 : vector<256x128xf32>
      %min3A_1478 = arith.minimumf %min3A_978, %min3A_1139 : vector<256x128xf32>
      %max3A_1479 = arith.maximumf %max3A_1477, %min3A_1478 : vector<256x128xf32>
      %min3A_1480 = arith.minimumf %max3A_979, %max3A_1140 : vector<256x128xf32>
      %min3A_1481 = arith.minimumf %min3A_977, %min3A_1138 : vector<256x128xf32>
      %min3A_1482 = arith.minimumf %max3A_1477, %min3A_1478 : vector<256x128xf32>
      %min3A_1483 = arith.minimumf %max3A_1479, %min3A_1480 : vector<256x128xf32>
      %max3A_1484 = arith.maximumf %min3A_1299, %min3A_1460 : vector<256x128xf32>
      %min3A_1485 = arith.minimumf %min3A_1300, %min3A_1461 : vector<256x128xf32>
      %max3A_1486 = arith.maximumf %max3A_1484, %min3A_1485 : vector<256x128xf32>
      %min3A_1487 = arith.minimumf %max3A_1301, %max3A_1462 : vector<256x128xf32>
      %min3A_1488 = arith.minimumf %min3A_1299, %min3A_1460 : vector<256x128xf32>
      %min3A_1489 = arith.minimumf %max3A_1484, %min3A_1485 : vector<256x128xf32>
      %min3A_1490 = arith.minimumf %max3A_1486, %min3A_1487 : vector<256x128xf32>
      %max3A_1491 = arith.maximumf %min3A_1467, %min3A_1474 : vector<256x128xf32>
      %min3A_1492 = arith.minimumf %min3A_1468, %min3A_1475 : vector<256x128xf32>
      %max3A_1493 = arith.maximumf %max3A_1491, %min3A_1492 : vector<256x128xf32>
      %min3A_1494 = arith.minimumf %min3A_1469, %min3A_1476 : vector<256x128xf32>
      %min3A_1495 = arith.minimumf %min3A_1467, %min3A_1474 : vector<256x128xf32>
      %min3A_1496 = arith.minimumf %max3A_1491, %min3A_1492 : vector<256x128xf32>
      %min3A_1497 = arith.minimumf %max3A_1493, %min3A_1494 : vector<256x128xf32>
      %max3A_1498 = arith.maximumf %min3A_1481, %min3A_1488 : vector<256x128xf32>
      %min3A_1499 = arith.minimumf %min3A_1482, %min3A_1489 : vector<256x128xf32>
      %max3A_1500 = arith.maximumf %max3A_1498, %min3A_1499 : vector<256x128xf32>
      %min3A_1501 = arith.minimumf %min3A_1483, %min3A_1490 : vector<256x128xf32>
      %min3A_1502 = arith.minimumf %min3A_1481, %min3A_1488 : vector<256x128xf32>
      %min3A_1503 = arith.minimumf %max3A_1498, %min3A_1499 : vector<256x128xf32>
      %min3A_1504 = arith.minimumf %max3A_1500, %min3A_1501 : vector<256x128xf32>
      %max3A_1505 = arith.maximumf %min3A_1495, %min3A_1502 : vector<256x128xf32>
      %min3A_1506 = arith.minimumf %min3A_1496, %min3A_1503 : vector<256x128xf32>
      %max3A_1507 = arith.maximumf %max3A_1505, %min3A_1506 : vector<256x128xf32>
      %min3A_1508 = arith.minimumf %min3A_1497, %min3A_1504 : vector<256x128xf32>
      %min3A_1509 = arith.minimumf %min3A_1495, %min3A_1502 : vector<256x128xf32>
      %min3A_1510 = arith.minimumf %max3A_1505, %min3A_1506 : vector<256x128xf32>
      %min3A_1511 = arith.minimumf %max3A_1507, %min3A_1508 : vector<256x128xf32>
      %max3A_1512 = arith.maximumf %scan3A_173, %min3A_1509 : vector<256x128xf32>
      %min3A_1513 = arith.minimumf %scan3A_174, %min3A_1510 : vector<256x128xf32>
      %max3A_1514 = arith.maximumf %max3A_1512, %min3A_1513 : vector<256x128xf32>
      %min3A_1515 = arith.minimumf %scan3A_175, %min3A_1511 : vector<256x128xf32>
      %min3A_1516 = arith.minimumf %scan3A_173, %min3A_1509 : vector<256x128xf32>
      %min3A_1517 = arith.minimumf %max3A_1512, %min3A_1513 : vector<256x128xf32>
      %min3A_1518 = arith.minimumf %max3A_1514, %min3A_1515 : vector<256x128xf32>
      scf.yield %min3A_1516, %min3A_1517, %min3A_1518 : vector<256x128xf32>, vector<256x128xf32>, vector<256x128xf32>
    }
    %scan3A_25 = arith.constant 2 : i32
    %convert_element_type3A = arith.sitofp %iota3A : vector<1x128xi32> to vector<1x128xf32>
    %mul3A = arith.constant 8192 : i32
    %mul3A_26 = arith.muli %arg0, %mul3A : i32
    %reduce_min3A = arith.constant dense<0x7F800000> : vector<256xf32>
    %reduce_min3A_27 = vector.multi_reduction <minimumf>, %scan3A_24#0, %reduce_min3A [1] : vector<256x128xf32> to vector<256xf32>
    %broadcast_in_dim3A_28 = vector.shape_cast %reduce_min3A_27 : vector<256xf32> to vector<256x1xf32>
    %le3A = vector.broadcast %broadcast_in_dim3A_28 : vector<256x1xf32> to vector<256x128xf32>
    %le3A_29 = arith.cmpf ole, %scan3A_24#0, %le3A : vector<256x128xf32>
    %jit3A = arith.constant 3.000000e+38 : f32
    %broadcast_in_dim3A_30 = vector.shape_cast %convert_element_type3A : vector<1x128xf32> to vector<1x128xf32>
    %broadcast_in_dim3A_31 = vector.broadcast %broadcast_in_dim3A_30 : vector<1x128xf32> to vector<256x128xf32>
    %broadcast_in_dim3A_32 = vector.broadcast %jit3A : f32 to vector<256x128xf32>
    %select_n3A = arith.select %le3A_29, %broadcast_in_dim3A_31, %broadcast_in_dim3A_32 : vector<256x128xi1>, vector<256x128xf32>
    %reduce_min3A_33 = arith.constant dense<0x7F800000> : vector<256xf32>
    %reduce_min3A_34 = vector.multi_reduction <minimumf>, %select_n3A, %reduce_min3A_33 [1] : vector<256x128xf32> to vector<256xf32>
    %broadcast_in_dim3A_35 = vector.shape_cast %reduce_min3A_34 : vector<256xf32> to vector<256x1xf32>
    %bitcast_convert_type3A = tpu.bitcast %broadcast_in_dim3A_28 : vector<256x1xf32> -> vector<256x1xi32>
    %and3A = arith.constant 63 : i32
    %and3A_36 = vector.broadcast %and3A : i32 to vector<256x1xi32>
    %and3A_37 = arith.andi %bitcast_convert_type3A, %and3A_36 : vector<256x1xi32>
    %mul3A_38 = arith.constant 128 : i32
    %mul3A_39 = vector.broadcast %mul3A_38 : i32 to vector<256x1xi32>
    %mul3A_40 = arith.muli %and3A_37, %mul3A_39 : vector<256x1xi32>
    %convert_element_type3A_41 = arith.fptosi %broadcast_in_dim3A_35 : vector<256x1xf32> to vector<256x1xi32>
    %add3A = arith.addi %mul3A_40, %convert_element_type3A_41 : vector<256x1xi32>
    %and3A_42 = arith.constant -64 : i32
    %and3A_43 = vector.broadcast %and3A_42 : i32 to vector<256x1xi32>
    %and3A_44 = arith.andi %bitcast_convert_type3A, %and3A_43 : vector<256x1xi32>
    %bitcast_convert_type3A_45 = tpu.bitcast %and3A_44 : vector<256x1xi32> -> vector<256x1xf32>
    %max3A = arith.constant 0.000000e+00 : f32
    %max3A_46 = vector.broadcast %max3A : f32 to vector<256x1xf32>
    %max3A_47 = arith.maximumf %bitcast_convert_type3A_45, %max3A_46 : vector<256x1xf32>
    %sqrt3A = math.sqrt %max3A_47 : vector<256x1xf32>
    %add3A_48 = arith.constant 9.99999993E-9 : f32
    %add3A_49 = vector.broadcast %add3A_48 : f32 to vector<256x1xf32>
    %add3A_50 = arith.addf %sqrt3A, %add3A_49 : vector<256x1xf32>
    %div3A = arith.constant 1.000000e+00 : f32
    %div3A_51 = vector.broadcast %div3A : f32 to vector<256x1xf32>
    %div3A_52 = arith.divf %div3A_51, %add3A_50 : vector<256x1xf32>
    %swap3A = arith.constant 0 : index
    %swap3A_53 = arith.constant 0 : index
    %swap3A_54 = vector.load %arg4[%swap3A, %swap3A_53] : memref<256x3xf32, #tpu.memory_space<vmem>>, vector<256x1xf32>
    tpu.vector_store %arg4[%swap3A, %swap3A_53], %div3A_52 {strides = array<i32>} : memref<256x3xf32, #tpu.memory_space<vmem>>, vector<256x1xf32>,
    %add3A_55 = vector.broadcast %mul3A_26 : i32 to vector<256x1xi32>
    %add3A_56 = arith.addi %add3A, %add3A_55 : vector<256x1xi32>
    %swap3A_57 = arith.constant 0 : index
    %swap3A_58 = arith.constant 0 : index
    %swap3A_59 = vector.load %arg5[%swap3A_57, %swap3A_58] : memref<256x3xi32, #tpu.memory_space<vmem>>, vector<256x1xi32>
    tpu.vector_store %arg5[%swap3A_57, %swap3A_58], %add3A_56 {strides = array<i32>} : memref<256x3xi32, #tpu.memory_space<vmem>>, vector<256x1xi32>,
    %le3A_60 = vector.broadcast %broadcast_in_dim3A_28 : vector<256x1xf32> to vector<256x128xf32>
    %le3A_61 = arith.cmpf ole, %scan3A_24#0, %le3A_60 : vector<256x128xf32>
    %eq3A = vector.broadcast %convert_element_type3A : vector<1x128xf32> to vector<256x128xf32>
    %eq3A_62 = vector.broadcast %broadcast_in_dim3A_35 : vector<256x1xf32> to vector<256x128xf32>
    %eq3A_63 = arith.cmpf oeq, %eq3A, %eq3A_62 : vector<256x128xf32>
    %and3A_64 = arith.andi %le3A_61, %eq3A_63 : vector<256x128xi1>
    %select_n3A_65 = arith.select %and3A_64, %scan3A_24#1, %scan3A_24#0 : vector<256x128xi1>, vector<256x128xf32>
    %select_n3A_66 = arith.select %and3A_64, %scan3A_24#2, %scan3A_24#1 : vector<256x128xi1>, vector<256x128xf32>
    %reduce_min3A_67 = arith.constant dense<0x7F800000> : vector<256xf32>
    %reduce_min3A_68 = vector.multi_reduction <minimumf>, %select_n3A_65, %reduce_min3A_67 [1] : vector<256x128xf32> to vector<256xf32>
    %broadcast_in_dim3A_69 = vector.shape_cast %reduce_min3A_68 : vector<256xf32> to vector<256x1xf32>
    %le3A_70 = vector.broadcast %broadcast_in_dim3A_69 : vector<256x1xf32> to vector<256x128xf32>
    %le3A_71 = arith.cmpf ole, %select_n3A_65, %le3A_70 : vector<256x128xf32>
    %jit3A_72 = arith.constant 3.000000e+38 : f32
    %broadcast_in_dim3A_73 = vector.shape_cast %convert_element_type3A : vector<1x128xf32> to vector<1x128xf32>
    %broadcast_in_dim3A_74 = vector.broadcast %broadcast_in_dim3A_73 : vector<1x128xf32> to vector<256x128xf32>
    %broadcast_in_dim3A_75 = vector.broadcast %jit3A_72 : f32 to vector<256x128xf32>
    %select_n3A_76 = arith.select %le3A_71, %broadcast_in_dim3A_74, %broadcast_in_dim3A_75 : vector<256x128xi1>, vector<256x128xf32>
    %reduce_min3A_77 = arith.constant dense<0x7F800000> : vector<256xf32>
    %reduce_min3A_78 = vector.multi_reduction <minimumf>, %select_n3A_76, %reduce_min3A_77 [1] : vector<256x128xf32> to vector<256xf32>
    %broadcast_in_dim3A_79 = vector.shape_cast %reduce_min3A_78 : vector<256xf32> to vector<256x1xf32>
    %bitcast_convert_type3A_80 = tpu.bitcast %broadcast_in_dim3A_69 : vector<256x1xf32> -> vector<256x1xi32>
    %and3A_81 = arith.constant 63 : i32
    %and3A_82 = vector.broadcast %and3A_81 : i32 to vector<256x1xi32>
    %and3A_83 = arith.andi %bitcast_convert_type3A_80, %and3A_82 : vector<256x1xi32>
    %mul3A_84 = arith.constant 128 : i32
    %mul3A_85 = vector.broadcast %mul3A_84 : i32 to vector<256x1xi32>
    %mul3A_86 = arith.muli %and3A_83, %mul3A_85 : vector<256x1xi32>
    %convert_element_type3A_87 = arith.fptosi %broadcast_in_dim3A_79 : vector<256x1xf32> to vector<256x1xi32>
    %add3A_88 = arith.addi %mul3A_86, %convert_element_type3A_87 : vector<256x1xi32>
    %and3A_89 = arith.constant -64 : i32
    %and3A_90 = vector.broadcast %and3A_89 : i32 to vector<256x1xi32>
    %and3A_91 = arith.andi %bitcast_convert_type3A_80, %and3A_90 : vector<256x1xi32>
    %bitcast_convert_type3A_92 = tpu.bitcast %and3A_91 : vector<256x1xi32> -> vector<256x1xf32>
    %max3A_93 = arith.constant 0.000000e+00 : f32
    %max3A_94 = vector.broadcast %max3A_93 : f32 to vector<256x1xf32>
    %max3A_95 = arith.maximumf %bitcast_convert_type3A_92, %max3A_94 : vector<256x1xf32>
    %sqrt3A_96 = math.sqrt %max3A_95 : vector<256x1xf32>
    %add3A_97 = arith.constant 9.99999993E-9 : f32
    %add3A_98 = vector.broadcast %add3A_97 : f32 to vector<256x1xf32>
    %add3A_99 = arith.addf %sqrt3A_96, %add3A_98 : vector<256x1xf32>
    %div3A_100 = arith.constant 1.000000e+00 : f32
    %div3A_101 = vector.broadcast %div3A_100 : f32 to vector<256x1xf32>
    %div3A_102 = arith.divf %div3A_101, %add3A_99 : vector<256x1xf32>
    %swap3A_103 = arith.constant 0 : index
    %swap3A_104 = arith.constant 1 : index
    %swap3A_105 = vector.load %arg4[%swap3A_103, %swap3A_104] : memref<256x3xf32, #tpu.memory_space<vmem>>, vector<256x1xf32>
    tpu.vector_store %arg4[%swap3A_103, %swap3A_104], %div3A_102 {strides = array<i32>} : memref<256x3xf32, #tpu.memory_space<vmem>>, vector<256x1xf32>,
    %add3A_106 = vector.broadcast %mul3A_26 : i32 to vector<256x1xi32>
    %add3A_107 = arith.addi %add3A_88, %add3A_106 : vector<256x1xi32>
    %swap3A_108 = arith.constant 0 : index
    %swap3A_109 = arith.constant 1 : index
    %swap3A_110 = vector.load %arg5[%swap3A_108, %swap3A_109] : memref<256x3xi32, #tpu.memory_space<vmem>>, vector<256x1xi32>
    tpu.vector_store %arg5[%swap3A_108, %swap3A_109], %add3A_107 {strides = array<i32>} : memref<256x3xi32, #tpu.memory_space<vmem>>, vector<256x1xi32>,
    %le3A_111 = vector.broadcast %broadcast_in_dim3A_69 : vector<256x1xf32> to vector<256x128xf32>
    %le3A_112 = arith.cmpf ole, %select_n3A_65, %le3A_111 : vector<256x128xf32>
    %eq3A_113 = vector.broadcast %convert_element_type3A : vector<1x128xf32> to vector<256x128xf32>
    %eq3A_114 = vector.broadcast %broadcast_in_dim3A_79 : vector<256x1xf32> to vector<256x128xf32>
    %eq3A_115 = arith.cmpf oeq, %eq3A_113, %eq3A_114 : vector<256x128xf32>
    %and3A_116 = arith.andi %le3A_112, %eq3A_115 : vector<256x128xi1>
    %select_n3A_117 = arith.select %and3A_116, %select_n3A_66, %select_n3A_65 : vector<256x128xi1>, vector<256x128xf32>
    %reduce_min3A_118 = arith.constant dense<0x7F800000> : vector<256xf32>
    %reduce_min3A_119 = vector.multi_reduction <minimumf>, %select_n3A_117, %reduce_min3A_118 [1] : vector<256x128xf32> to vector<256xf32>
    %broadcast_in_dim3A_120 = vector.shape_cast %reduce_min3A_119 : vector<256xf32> to vector<256x1xf32>
    %le3A_121 = vector.broadcast %broadcast_in_dim3A_120 : vector<256x1xf32> to vector<256x128xf32>
    %le3A_122 = arith.cmpf ole, %select_n3A_117, %le3A_121 : vector<256x128xf32>
    %jit3A_123 = arith.constant 3.000000e+38 : f32
    %broadcast_in_dim3A_124 = vector.shape_cast %convert_element_type3A : vector<1x128xf32> to vector<1x128xf32>
    %broadcast_in_dim3A_125 = vector.broadcast %broadcast_in_dim3A_124 : vector<1x128xf32> to vector<256x128xf32>
    %broadcast_in_dim3A_126 = vector.broadcast %jit3A_123 : f32 to vector<256x128xf32>
    %select_n3A_127 = arith.select %le3A_122, %broadcast_in_dim3A_125, %broadcast_in_dim3A_126 : vector<256x128xi1>, vector<256x128xf32>
    %reduce_min3A_128 = arith.constant dense<0x7F800000> : vector<256xf32>
    %reduce_min3A_129 = vector.multi_reduction <minimumf>, %select_n3A_127, %reduce_min3A_128 [1] : vector<256x128xf32> to vector<256xf32>
    %broadcast_in_dim3A_130 = vector.shape_cast %reduce_min3A_129 : vector<256xf32> to vector<256x1xf32>
    %bitcast_convert_type3A_131 = tpu.bitcast %broadcast_in_dim3A_120 : vector<256x1xf32> -> vector<256x1xi32>
    %and3A_132 = arith.constant 63 : i32
    %and3A_133 = vector.broadcast %and3A_132 : i32 to vector<256x1xi32>
    %and3A_134 = arith.andi %bitcast_convert_type3A_131, %and3A_133 : vector<256x1xi32>
    %mul3A_135 = arith.constant 128 : i32
    %mul3A_136 = vector.broadcast %mul3A_135 : i32 to vector<256x1xi32>
    %mul3A_137 = arith.muli %and3A_134, %mul3A_136 : vector<256x1xi32>
    %convert_element_type3A_138 = arith.fptosi %broadcast_in_dim3A_130 : vector<256x1xf32> to vector<256x1xi32>
    %add3A_139 = arith.addi %mul3A_137, %convert_element_type3A_138 : vector<256x1xi32>
    %and3A_140 = arith.constant -64 : i32
    %and3A_141 = vector.broadcast %and3A_140 : i32 to vector<256x1xi32>
    %and3A_142 = arith.andi %bitcast_convert_type3A_131, %and3A_141 : vector<256x1xi32>
    %bitcast_convert_type3A_143 = tpu.bitcast %and3A_142 : vector<256x1xi32> -> vector<256x1xf32>
    %max3A_144 = arith.constant 0.000000e+00 : f32
    %max3A_145 = vector.broadcast %max3A_144 : f32 to vector<256x1xf32>
    %max3A_146 = arith.maximumf %bitcast_convert_type3A_143, %max3A_145 : vector<256x1xf32>
    %sqrt3A_147 = math.sqrt %max3A_146 : vector<256x1xf32>
    %add3A_148 = arith.constant 9.99999993E-9 : f32
    %add3A_149 = vector.broadcast %add3A_148 : f32 to vector<256x1xf32>
    %add3A_150 = arith.addf %sqrt3A_147, %add3A_149 : vector<256x1xf32>
    %div3A_151 = arith.constant 1.000000e+00 : f32
    %div3A_152 = vector.broadcast %div3A_151 : f32 to vector<256x1xf32>
    %div3A_153 = arith.divf %div3A_152, %add3A_150 : vector<256x1xf32>
    %swap3A_154 = arith.constant 0 : index
    %swap3A_155 = arith.constant 2 : index
    %swap3A_156 = vector.load %arg4[%swap3A_154, %swap3A_155] : memref<256x3xf32, #tpu.memory_space<vmem>>, vector<256x1xf32>
    tpu.vector_store %arg4[%swap3A_154, %swap3A_155], %div3A_153 {strides = array<i32>} : memref<256x3xf32, #tpu.memory_space<vmem>>, vector<256x1xf32>,
    %add3A_157 = vector.broadcast %mul3A_26 : i32 to vector<256x1xi32>
    %add3A_158 = arith.addi %add3A_139, %add3A_157 : vector<256x1xi32>
    %swap3A_159 = arith.constant 0 : index
    %swap3A_160 = arith.constant 2 : index
    %swap3A_161 = vector.load %arg5[%swap3A_159, %swap3A_160] : memref<256x3xi32, #tpu.memory_space<vmem>>, vector<256x1xi32>
    tpu.vector_store %arg5[%swap3A_159, %swap3A_160], %add3A_158 {strides = array<i32>} : memref<256x3xi32, #tpu.memory_space<vmem>>, vector<256x1xi32>,
    %get3A_162 = arith.constant 0 : index
    %get3A_163 = arith.constant 0 : index
    %get3A_164 = vector.load %arg4[%get3A_162, %get3A_163] : memref<256x3xf32, #tpu.memory_space<vmem>>, vector<256x3xf32>
    %reduce_sum3A = arith.constant dense<0.000000e+00> : vector<256xf32>
    %reduce_sum3A_165 = vector.multi_reduction <add>, %get3A_164, %reduce_sum3A [1] : vector<256x3xf32> to vector<256xf32>
    %broadcast_in_dim3A_166 = vector.shape_cast %reduce_sum3A_165 : vector<256xf32> to vector<256x1xf32>
    %div3A_167 = vector.broadcast %broadcast_in_dim3A_166 : vector<256x1xf32> to vector<256x3xf32>
    %div3A_168 = arith.divf %get3A_164, %div3A_167 : vector<256x3xf32>
    %swap3A_169 = arith.constant 0 : index
    %swap3A_170 = arith.constant 0 : index
    %swap3A_171 = vector.load %arg4[%swap3A_169, %swap3A_170] : memref<256x3xf32, #tpu.memory_space<vmem>>, vector<256x3xf32>
    tpu.vector_store %arg4[%swap3A_169, %swap3A_170], %div3A_168 {strides = array<i32>} : memref<256x3xf32, #tpu.memory_space<vmem>>, vector<256x3xf32>,
    return
  }
  func.func @transform_0(%arg0: i32, %arg1: i32) -> (i32, i32, i32) {
    %c0_i32 = arith.constant 0 : i32
    %c0_i32_0 = arith.constant 0 : i32
    return %arg0, %arg1, %c0_i32 : i32, i32, i32
  }
  func.func @transform_1(%arg0: i32, %arg1: i32) -> (i32, i32, i32) {
    %c0_i32 = arith.constant 0 : i32
    %c0_i32_0 = arith.constant 0 : i32
    %c0_i32_1 = arith.constant 0 : i32
    return %arg0, %c0_i32, %c0_i32_0 : i32, i32, i32
  }
  func.func @transform_2(%arg0: i32, %arg1: i32) -> (i32, i32) {
    %mul3A = arith.constant 16 : i32
    %mul3A_0 = arith.muli %arg0, %mul3A : i32
    %add3A = arith.addi %mul3A_0, %arg1 : i32
    %c0_i32 = arith.constant 0 : i32
    %c0_i32_1 = arith.constant 0 : i32
    return %add3A, %c0_i32 : i32, i32
  }
  func.func @transform_3(%arg0: i32, %arg1: i32) -> (i32, i32) {
    %mul3A = arith.constant 16 : i32
    %mul3A_0 = arith.muli %arg0, %mul3A : i32
    %add3A = arith.addi %mul3A_0, %arg1 : i32
    %c0_i32 = arith.constant 0 : i32
    %c0_i32_1 = arith.constant 0 : i32
    return %add3A, %c0_i32 : i32, i32
  }
}

</mosaic_0001>

<sc_bundles>
// kernel: kernel.4.cloned.1.call-start
scs
__scs_entry_jumppad:
0x0: {  	(pc) =	sbr.rel $0x88, $3  }
0x1: {  	(tag) =	ssettag $0x0;
	lr =	simm.s32 $0x1  }
0x2: {  	[smem:$0x3F9E] =	sst lr;
	_ =	strace $0xD0000000  }
0x3: {  	_ = 	snop  }
0x4: {  	_ = 	snop  }
0x5: {  	_ = 	snop  }
0x6: {  	_ = 	snop  }
0x7: {  	_ = 	snop  }
__scs_overlays_trampoline_lowered:
0x8: {  	[smem:$0x3FAD] =	sst s0  }
0x9: {  	[smem:$0x3FAE] =	sst s1  }
0xa: {  	[smem:$0x3FAF] =	sst s2  }
0xb: {  	[smem:$0x3FB0] =	sst s3  }
0xc: {  	[smem:$0x3FB1] =	sst s4  }
0xd: {  	[smem:$0x3FB2] =	sst s5  }
0xe: {  	[smem:$0x3FB3] =	sst s6  }
0xf: {  	[smem:$0x3FB4] =	sst s7  }
0x10: {  	[smem:$0x3FB5] =	sst s8  }
0x11: {  	[smem:$0x3FB6] =	sst s9;
	s0 =	simm.s32 @!p0 $0x0  }
0x12: {  	s1 =	sld [smem:$0x3F9C];
	s0 =	simm.s32 @p0 $0x1  }
0x13: {  	[smem:$0x3FB7] =	sst s0;
	s0 =	simm.s32 @!p1 $0x0  }
0x14: {  	s2 =	sld [smem:$0x3F9B];
	s0 =	simm.s32 @p1 $0x1  }
0x15: {  	[smem:$0x3FB8] =	sst s0;
	s0 =	simm.s32 @!p2 $0x0  }
0x16: {  	s3 =	sld [smem:$0x3FDB];
	s0 =	simm.s32 @p2 $0x1  }
0x17: {  	s4 =	simm.s32 $0x1BF5;
	[smem:$0x3FBA] =	sst s0  }
0x18: {  	s0 =	sld [smem:$0x3F9D];
	_ =	swait.ge [sflag:s4], $0x0  }
0x19: {  	s7 =	sld [smem:$0x3F9E]  }
0x1a: {  	s8 =	sadd.s32 $0xFFFFE003, lr  }
0x1b: {  	s9 =	sadd.s32 $0xFFFFFEF7, lr;
	s5 =	simm.s32 $0xFFFFFFFF;
	p2 =	slt.u32 s8, $0xFFFFF086  }
0x1c: {  	p1 =	slt.u32 s9, $0xF7A;
	s5 =	simm.s32 @!p2 $0x0  }
0x1d: {  	s5 =	simm.s32 @p1 $0x1;
	p0 =	seq.s32 s7, s2  }
0x1e: {  	s7 =	smul.u32 @!p0 $0xF7A, s2;
	p2 =	seq.s32 @!p0 s5, $0x0  }
0x1f: {  	s9 =	smul.u32 $0xF7A, s1;
	s8 =	simm.s32 @!p0 $0x1BF5;
	p2 =	por !p2, p0  }
0x20: {  	[sflag:s8] =	ssyncset.s32 @!p0 $0xFFFFF086;
	s6 =	sadd.s32 @!p0 s3, s7;
	s7 =	simm.s32 @!p0 $0x108  }
0x21: {  	s3 =	sadd.s32 s3, s9;
	s6 =	sadd.s32 @!p0 $0x88, s6;
	s7 =	simm.s32 @p2 $0x1082  }
0x22: {  	[simem:s7], [sflag:s8] =	dma.local @!p0 [hbm:s6], $0xF7A  }
0x23: {  	s9 =	sor.u32 $0xD0000000, s2;
	s6 =	simm.s32 $0x108;
	_ =	swait.ge @!p0 [sflag:s8], $0x0  }
0x24: {  	s3 =	sadd.s32 $0x88, s3;
	s6 =	simm.s32 @!p1 $0x1082;
	[sflag:s4] =	ssyncset.s32 $0xFFFFF086  }
0x25: {  	[simem:s6], [sflag:s4] =	dma.local [hbm:s3], $0xF7A  }
0x26: {  	[smem:$0x3F9E] =	sst s1;
	(tag) =	ssettag s2;
	_ =	strace s9  }
0x27: {  	s1 =	sld [smem:$0x3FAE]  }
0x28: {  	s2 =	sld [smem:$0x3FAF]  }
0x29: {  	s4 =	sld [smem:$0x3FB1]  }
0x2a: {  	p0 =	seq.s32 s5, $0x0;
	s5 =	sld [smem:$0x3FB2]  }
0x2b: {  	s6 =	sld [smem:$0x3FB3]  }
0x2c: {  	s7 =	sld [smem:$0x3FB4]  }
0x2d: {  	s3 =	simm.s32 $0x108;
	s8 =	sld [smem:$0x3FB5]  }
0x2e: {  	s3 =	simm.s32 @!p0 $0x1082;
	s9 =	sld [smem:$0x3FB6]  }
0x2f: {  	lr =	sadd.s32 s0, s3;
	s0 =	sld [smem:$0x3FAD]  }
0x30: {  	s3 =	sld [smem:$0x3FB0]  }
0x31: {  	[smem:$0x3FB9] =	sst s10  }
0x32: {  	s10 =	sld [smem:$0x3FB7];
	_ =	sdelay $0x3  }
0x33: {  	p0 =	seq.s32 s10, $0x1;
	s10 =	sld [smem:$0x3FB9];
	_ =	sdelay $0x3  }
0x34: {  	[smem:$0x3FB9] =	sst s10  }
0x35: {  	s10 =	sld [smem:$0x3FB8];
	_ =	sdelay $0x3  }
0x36: {  	p1 =	seq.s32 s10, $0x1;
	s10 =	sld [smem:$0x3FB9];
	_ =	sdelay $0x3  }
0x37: {  	[smem:$0x3FB9] =	sst s10  }
0x38: {  	s10 =	sld [smem:$0x3FBA]  }
0x39: {  	_ = 	snop;
	(pc) =	sbr.ind lr, $3  }
0x3a: {  	_ = 	snop  }
0x3b: {  	_ = 	snop  }
0x3c: {  	p2 =	seq.s32 s10, $0x1;
	s10 =	sld [smem:$0x3FB9]  }
0x3d: {  	_ =	shalt  }
0x3e: {  	_ =	shalt  }
0x3f: {  	_ =	shalt  }
0x40: {  	_ =	shalt  }
0x41: {  	_ =	shalt  }
0x42: {  	_ =	shalt  }
0x43: {  	_ =	shalt  }
0x44: {  	_ =	shalt  }
0x45: {  	_ =	shalt  }
0x46: {  	_ =	shalt  }
0x47: {  	_ =	shalt  }
0x48: {  	_ =	shalt  }
0x49: {  	_ =	shalt  }
0x4a: {  	_ =	shalt  }
0x4b: {  	_ =	shalt  }
0x4c: {  	_ =	shalt  }
0x4d: {  	_ =	shalt  }
0x4e: {  	_ =	shalt  }
0x4f: {  	_ =	shalt  }
0x50: {  	_ =	shalt  }
0x51: {  	_ =	shalt  }
0x52: {  	_ =	shalt  }
0x53: {  	_ =	shalt  }
0x54: {  	_ =	shalt  }
0x55: {  	_ =	shalt  }
0x56: {  	_ =	shalt  }
0x57: {  	_ =	shalt  }
0x58: {  	_ =	shalt  }
0x59: {  	_ =	shalt  }
0x5a: {  	_ =	shalt  }
0x5b: {  	_ =	shalt  }
0x5c: {  	_ =	shalt  }
0x5d: {  	_ =	shalt  }
0x5e: {  	_ =	shalt  }
0x5f: {  	_ =	shalt  }
0x60: {  	_ =	shalt  }
0x61: {  	_ =	shalt  }
0x62: {  	_ =	shalt  }
0x63: {  	_ =	shalt  }
0x64: {  	_ =	shalt  }
0x65: {  	_ =	shalt  }
0x66: {  	_ =	shalt  }
0x67: {  	_ =	shalt  }
0x68: {  	_ =	shalt  }
0x69: {  	_ =	shalt  }
0x6a: {  	_ =	shalt  }
0x6b: {  	_ =	shalt  }
0x6c: {  	_ =	shalt  }
0x6d: {  	_ =	shalt  }
0x6e: {  	_ =	shalt  }
0x6f: {  	_ =	shalt  }
0x70: {  	_ =	shalt  }
0x71: {  	_ =	shalt  }
0x72: {  	_ =	shalt  }
0x73: {  	_ =	shalt  }
0x74: {  	_ =	shalt  }
0x75: {  	_ =	shalt  }
0x76: {  	_ =	shalt  }
0x77: {  	_ =	shalt  }
0x78: {  	_ =	shalt  }
0x79: {  	_ =	shalt  }
0x7a: {  	_ =	shalt  }
0x7b: {  	_ =	shalt  }
0x7c: {  	_ =	shalt  }
0x7d: {  	_ =	shalt  }
0x7e: {  	_ =	shalt  }
0x7f: {  	_ =	shalt  }
0x80: {  	_ =	shalt  }
0x81: {  	_ =	shalt  }
0x82: {  	_ =	shalt  }
0x83: {  	_ =	shalt  }
0x84: {  	_ =	shalt  }
0x85: {  	_ =	shalt  }
0x86: {  	_ =	shalt  }
0x87: {  	_ =	shalt  }
.Lfunc_end0:
.L_simem_size_0:
called_computation_lowered:
.L_overlay_start_0:
0x88: {  	s2 =	sld [smem:$0x3FD9]  }
0x89: {  	s3 =	sld [smem:$0x3FFE];
	_ =	sdelay $0x1  }
0x8a: {  	s1 =	srdreg.scid  }
0x8b: {  	s0 =	sand.u32 $0x1, s1  }
0x8c: {  	s17 =	sshll.u32 s0, $0xA;
	s2 =	sadd.s32 s3, s2  }
0x8d: {  	s2 =	sadd.s32 s2, s17  }
0x8e: {  	[smem:$0x3FC5] =	sst s2  }
0x8f: {  	_ = 	snop  }
0x90: {  	s2 =	sld [smem:$0x3FC7]  }
0x91: {  	s18 =	sld [smem:$0x3FD0];
	(tm) =	ssettm $0x1  }
0x92: {  	s4 =	sld [smem:$0x3FFB];
	_ =	sdelay $0x3  }
0x93: {  	_ =	strace s4  }
0x94: {  	s4 =	sld [smem:$0x3FFC];
	_ =	sdelay $0x3  }
0x95: {  	_ =	strace s4  }
0x96: {  	s4 =	sld [smem:$0x3FFD];
	_ =	sdelay $0x3  }
0x97: {  	_ =	strace s4  }
0x98: {  	_ =	strace $0x8FFFFFFF  }
0x99: {  	s19 =	sld [smem:$0x3FDB];
	_ =	sdelay $0x1  }
0x9a: {  	s5 =	simm.s32 $_scs_section_size  }
0x9b: {  	s6 =	simm.s32 $_size__tile_overlayer_lowered;
	s7 =	simm.s32 $_tile_overlayer_lowered  }
0x9c: {  	s22 =	simm.s32 $0x1BFF;
	s21 =	sshll.u32 s7, $0x1;
	s4 =	sadd.s32 s5, s19  }
0x9d: {  	s8 =	simm.s32 $0x0;
	s20 =	sshll.u32 s6, $0x1;
	s6 =	sadd.s32 s21, s4  }
0x9e: {  	[timem:s8], [sflag:s22] =	dma.local [hbm:s6], s20  }
0x9f: {  	_ =	swait.ge [sflag:s22], s20  }
0xa0: {  	s5 =	ssub.s32 $0x0, s20;
	[sflag:s22] =	ssyncset.done $0x0  }
0xa1: {  	[sflag:s22] =	ssyncadd.s32 s5;
	_ =	sdelay $0x1  }
0xa2: {  	s23 =	simm.s32 $0x1B8B  }
0xa3: {  	_ =	swait.ge [sflag:s23], $0x1  }
0xa4: {  	[sflag:s23] =	ssyncset.done $0x0  }
0xa5: {  	s25 =	simm.s32 $0x1B8E;
	s24 =	sld [smem:$0x3FFE];
	[sflag:s23] =	ssyncadd.s32 $0xFFFFFFFF  }
0xa6: {  	s26 =	simm.s32 $execute0_lowered;
	[smem:$0x3FD2] =	sst s25  }
0xa7: {  	s6 =	sshll.u32 s26, $0x1;
	_ =	strace $0x80000046;
	[dreg:$0x1] =	wrdreg $0xFFFFFFFF  }
0xa8: {  	s28 =	simm.s32 $_size_execute0_lowered;
	s4 =	sadd.s32 s4, s6;
	[dreg:$0x0] =	wrdreg $0x0  }
0xa9: {  	s6 =	sshll.u32 s28, $0x1;
	[dreg:$0x2] =	wrdreg s4  }
0xaa: {  	[dreg:$0x3] =	wrdreg s6  }
0xab: {  	[dreg:$0x4] =	wrdreg $0xC0  }
0xac: {  	_ =	task [dreg:s8], $0x5FFFF  }
0xad: {  	[dreg:$0x1] =	wrdreg $0xFFFFFFFF  }
0xae: {  	[dreg:$0x0] =	wrdreg $0x60  }
0xaf: {  	[dreg:$0x2] =	wrdreg s2  }
0xb0: {  	[dreg:$0x3] =	wrdreg s24  }
0xb1: {  	[dreg:$0x4] =	wrdreg s18  }
0xb2: {  	[dreg:$0x5] =	wrdreg $0x9  }
0xb3: {  	_ =	task.clear_ibuf [dreg:s8], $0x6FFFF;
	_ =	strace $0x90000046  }
0xb4: {  	s29 =	simm.s32 $0x9;
	_ =	strace $0x80000048  }
0xb5: {  	_ =	swait.ge [sflag:s29], $0x1  }
0xb6: {  	[sflag:s29] =	ssyncadd.s32 $0xFFFFFFFF  }
0xb7: {  	_ =	strace $0x90000048  }
0xb8: {  	_ =	sfence  }
0xb9: {  	s30 =	sld [smem:$0x0];
	_ =	sdelay $0x2  }
0xba: {  	s31 =	sshll.u32 s1, $0xD;
	s1 =	sshrl.u32 s1, $0x2  }
0xbb: {  	s3 =	sand.u32 $0x4000, s31;
	s1 =	sadd.s32 s1, s30  }
0xbc: {  	s0 =	sor.u32 s3, s0;
	s1 =	sshll.u32 s1, $0x11  }
0xbd: {  	s0 =	sor.u32 s1, s0  }
0xbe: {  	s0 =	sadd.s32 $0x8F2B, s0  }
0xbf: {  	[sflag:s0] =	ssyncadd.remote.s32 $0x1  }
0xc0: {  	_ =	sfence.sel $0xFFFF  }
0xc1: {  	[dreg:$0x0] =	wrdreg $0xFFFFFFFF;
	(pc) =	sbr.abs _section_cstart, $3  }
0xc2: {  	[dreg:$0x1] =	wrdreg $0xFFFFFFFF  }
0xc3: {  	_ =	task.clear_ibuf [dreg:s8], $0x2FFFF;
	_ =	strace $0x9FFFFFFF  }
0xc4: {  	(tm) =	ssettm $0x7FFFFFFF  }
0xc5: {  	_ =	shalt  }
tec
execute0_lowered:
.L_overlay_start_1:
0x0: {  	(tag) =	ssettag $0x1  }
0x1: {  	s1 =	rddreg [dreg:$0x0]  }
0x2: {  	s2 =	rddreg [dreg:$0x1]  }
0x3: {  	s3 =	rddreg [dreg:$0x2]  }
0x4: {  	s0 =	rddreg [dreg:$0x3];
	s4 =	simm.s32 $0x0  }
0x5: {  	s5 =	srdreg.scid;
	s12 =	simm.s32 $0x80;
	s13 =	simm.s32 $0x100  }
0x6: {  	s14 =	simm.s32 $0x200;
	s15 =	simm.s32 $0x10000;
	s16 =	simm.s32 $0xC180  }
0x7: {  	s17 =	simm.s32 $0x180;
	s18 =	simm.s32 $0x4180;
	s19 =	simm.s32 $0x8180  }
0x8: {  	s20 =	simm.s32 $0x1;
	s21 =	simm.s32 $0xC380;
	s22 =	simm.s32 $0x0  }
0x9: {  	[smem:$0x7FF] =	sst s4;
	s8 =	sand.u32 $0x1, s5;
	s6 =	sadd.s32 $0x3000, s2  }
0xa: {  	s7 =	sadd.s32 $0x2800, s2;
	s5 =	stileid.u32;
	s9 =	ssub.s32 $0x2, s8  }
0xb: {  	_ =	strace $0x80000047;
	s31 =	sshll.u32 s5, $0xA;
	s10 =	sshrl.u32 s9, $0x1  }
0xc: {  	s11 =	sshll.u32 s8, $0x9;
	s8 =	sadd.s32 $0x2000, s2;
	s10 =	ssub.s32 s9, s10  }
0xd: {  	s9 =	sor.u32 s11, s31;
	s11 =	simm.s32 $0x2;
	s10 =	smax.u32 s10, $0x1  }
.LBB2_1:
0xe: {  	s23 =	simm.s32 $0x0  }
.LBB2_2:
0xf: {  	s24 =	sshll.u32 s23, $0x7  }
0x10: {  	s24 =	sadd.s32 s9, s24  }
0x11: {  	s26 =	sshrl.u32 s24, $0x3  }
0x12: {  	s25 =	simm.s32 $0x0;
	s28 =	sadd.s32 s6, s26  }
0x13: {  	[tilespmem:s25], [sflag:$0x2] =	stream.linear.gather [hbm4b:s28+s25], $0x80, $0x38;
	[tilespmem:$0x10380] =	vst v63  }
0x14: {  	_ =	swait.ge [sflag:s11], $0x80  }
0x15: {  	[sflag:s11] =	ssyncset.done $0x0  }
0x16: {  	s30 =	sadd.s32 s7, s26;
	[sflag:s11] =	ssyncadd.s32 $0xFFFFFF80  }
0x17: {  	[tilespmem:s12], [sflag:$0x2] =	stream.linear.gather [hbm4b:s30+s25], $0x80, $0x38;
	[tilespmem:$0x10380] =	vst v63  }
0x18: {  	_ =	swait.ge [sflag:s11], $0x80  }
0x19: {  	[sflag:s11] =	ssyncset.done $0x0  }
0x1a: {  	s26 =	sadd.s32 s8, s26;
	[sflag:s11] =	ssyncadd.s32 $0xFFFFFF80  }
0x1b: {  	[tilespmem:s13], [sflag:$0x2] =	stream.linear.gather [hbm4b:s26+s25], $0x80, $0x38;
	[tilespmem:$0x10380] =	vst v63  }
0x1c: {  	_ =	swait.ge [sflag:s11], $0x80  }
0x1d: {  	s31 =	sshrl.u32 s24, $0x1;
	[sflag:s11] =	ssyncset.done $0x0  }
0x1e: {  	s26 =	sadd.s32 s2, s31;
	[sflag:s11] =	ssyncadd.s32 $0xFFFFFF80  }
0x1f: {  	[tilespmem:s16], [sflag:$0x2] =	stream.strided.gather [hbm4b:s26+s14], $0x0, s15, s14, $0x38;
	[tilespmem:$0x10380] =	vst v63  }
0x20: {  	_ = 	snop  }
0x21: {  	[tilespmem:s16], [sflag:$0x2] =	stream.linear.gather [hbm4b:s26+s25], $0x180, $0x38;
	[tilespmem:$0x10380] =	vst v63  }
0x22: {  	_ =	swait.ge [sflag:s11], $0x180  }
0x23: {  	[sflag:s11] =	ssyncset.done $0x0  }
0x24: {  	[sflag:s11] =	ssyncadd.s32 $0xFFFFFE80  }
0x25: {  	[tilespmem:s17], [sflag:$0x1] =	stream.indirect.gather [hbm4b:s1+s12], $0x80, s25, s12, $0xb8;
	[tilespmem:$0x10380] =	vst v63  }
0x26: {  	_ = 	snop  }
0x27: {  	[tilespmem:s18], [sflag:$0x1] =	stream.indirect.gather [hbm4b:s1+s12], $0x80, s12, s12, $0xb8;
	[tilespmem:$0x10380] =	vst v63  }
0x28: {  	_ = 	snop  }
0x29: {  	[tilespmem:s19], [sflag:$0x1] =	stream.indirect.gather [hbm4b:s1+s12], $0x80, s13, s12, $0xb8;
	[tilespmem:$0x10380] =	vst v63  }
0x2a: {  	_ =	swait.ge [sflag:s20], $0x4000  }
0x2b: {  	[sflag:s20] =	ssyncset.done $0x0  }
0x2c: {  	[sflag:s20] =	ssyncadd.s32 $0xFFFFC000  }
0x2d: {  	_ =	swait.ge [sflag:s20], $0x4000  }
0x2e: {  	[sflag:s20] =	ssyncset.done $0x0  }
0x2f: {  	[sflag:s20] =	ssyncadd.s32 $0xFFFFC000  }
0x30: {  	_ =	swait.ge [sflag:s20], $0x4000  }
0x31: {  	[sflag:s20] =	ssyncset.done $0x0  }
0x32: {  	[sflag:s20] =	ssyncadd.s32 $0xFFFFC000  }
.LBB2_3:
0x33: {  	s26 =	sshll.u32 s25, $0x4  }
0x34: {  	v15 =	vld [tilespmem:s26+$0xC180]  }
0x35: {  	v16 =	vld [tilespmem:s26+$0xC200]  }
0x36: {  	s31 =	sshll.u32 s25, $0xB;
	v17 =	vld [tilespmem:s26+$0xC280]  }
0x37: {  	v6 =	vld [tilespmem:s31+$0x180]  }
0x38: {  	v7 =	vld [tilespmem:s31+$0x4180]  }
0x39: {  	v8 =	vld [tilespmem:s31+$0x8180]  }
0x3a: {  	v9 =	vld [tilespmem:s31+$0x190]  }
0x3b: {  	v10 =	vld [tilespmem:s31+$0x4190]  }
0x3c: {  	v11 =	vld [tilespmem:s31+$0x1A0]  }
0x3d: {  	v12 =	vld [tilespmem:s31+$0x41A0];
	v0 =	vbroadcast v15, $0x0  }
0x3e: {  	v13 =	vld [tilespmem:s31+$0x8190];
	v1 =	vbroadcast v16, $0x0;
	v2 =	vbroadcast v17, $0x0  }
0x3f: {  	v14 =	vld [tilespmem:s31+$0x81A0];
	v6 =	vmul.f32 v6, v0  }
0x40: {  	v7 =	vmul.f32 v7, v1;
	v8 =	vmul.f32 v8, v2  }
0x41: {  	v9 =	vmul.f32 v9, v0;
	v10 =	vmul.f32 v10, v1  }
0x42: {  	v58 =	vmul.f32 v11, v0;
	v59 =	vmul.f32 v12, v1;
	v6 =	vadd.f32 v7, v6  }
0x43: {  	v60 =	vmul.f32 v13, v2;
	v9 =	vadd.f32 v10, v9  }
0x44: {  	v61 =	vmul.f32 v14, v2;
	v7 =	vadd.f32 v59, v58;
	v6 =	vadd.f32 v8, v6  }
0x45: {  	v9 =	vadd.f32 v60, v9  }
0x46: {  	v62 =	vadd.f32 v61, v7;
	[tilespmem:s31+$0xC380] =	vst v6  }
0x47: {  	[tilespmem:s31+$0xC390] =	vst v9  }
0x48: {  	[tilespmem:s31+$0xC3A0] =	vst v62  }
0x49: {  	v6 =	vld [tilespmem:s31+$0x1B0]  }
0x4a: {  	v63 =	vld [tilespmem:s31+$0x82C0];
	_ =	sdelay $0x4  }
0x4b: {  	[tilespmem:$0x1F080] =	vst v63;
	v63 =	vld [tilespmem:s31+$0x82F0];
	_ =	sdelay $0x4  }
0x4c: {  	[tilespmem:$0x1F0B0] =	vst v63;
	v63 =	vld [tilespmem:s31+$0x300];
	_ =	sdelay $0x4  }
0x4d: {  	[tilespmem:$0x1F0C0] =	vst v63;
	v63 =	vld [tilespmem:s31+$0x4300];
	_ =	sdelay $0x4  }
0x4e: {  	[tilespmem:$0x1F0D0] =	vst v63;
	v63 =	vld [tilespmem:s31+$0x8300];
	_ =	sdelay $0x4  }
0x4f: {  	[tilespmem:$0x1F100] =	vst v63;
	v63 =	vld [tilespmem:s31+$0x310];
	_ =	sdelay $0x4  }
0x50: {  	[tilespmem:$0x1F0E0] =	vst v63;
	v63 =	vld [tilespmem:s31+$0x4310];
	_ =	sdelay $0x4  }
0x51: {  	[tilespmem:$0x1F0F0] =	vst v63;
	v63 =	vld [tilespmem:s31+$0x8310];
	_ =	sdelay $0x4  }
0x52: {  	[tilespmem:$0x1F110] =	vst v63;
	v63 =	vld [tilespmem:s31+$0x320];
	_ =	sdelay $0x4  }
0x53: {  	[tilespmem:$0x1F120] =	vst v63;
	v63 =	vld [tilespmem:s31+$0x4320];
	_ =	sdelay $0x4  }
0x54: {  	[tilespmem:$0x1F130] =	vst v63;
	v63 =	vld [tilespmem:s31+$0x8320];
	_ =	sdelay $0x4  }
0x55: {  	[tilespmem:$0x1F160] =	vst v63;
	v63 =	vld [tilespmem:s31+$0x330];
	_ =	sdelay $0x4  }
0x56: {  	[tilespmem:$0x1F140] =	vst v63;
	v63 =	vld [tilespmem:s31+$0x4330];
	_ =	sdelay $0x4  }
0x57: {  	[tilespmem:$0x1F150] =	vst v63;
	v63 =	vld [tilespmem:s31+$0x8330];
	_ =	sdelay $0x4  }
0x58: {  	[tilespmem:$0x1F170] =	vst v63;
	v63 =	vld [tilespmem:s31+$0x340];
	_ =	sdelay $0x4  }
0x59: {  	[tilespmem:$0x1F180] =	vst v63;
	v63 =	vld [tilespmem:s31+$0x4340];
	_ =	sdelay $0x4  }
0x5a: {  	[tilespmem:$0x1F190] =	vst v63;
	v63 =	vld [tilespmem:s31+$0x8340];
	_ =	sdelay $0x4  }
0x5b: {  	[tilespmem:$0x1F1C0] =	vst v63;
	v63 =	vld [tilespmem:s31+$0x350];
	_ =	sdelay $0x4  }
0x5c: {  	[tilespmem:$0x1F1A0] =	vst v63;
	v63 =	vld [tilespmem:s31+$0x4350];
	_ =	sdelay $0x4  }
0x5d: {  	[tilespmem:$0x1F1B0] =	vst v63;
	v63 =	vld [tilespmem:s31+$0x8350];
	_ =	sdelay $0x4  }
0x5e: {  	[tilespmem:$0x1F1D0] =	vst v63;
	v63 =	vld [tilespmem:s31+$0x360];
	_ =	sdelay $0x4  }
0x5f: {  	[tilespmem:$0x1F1E0] =	vst v63;
	v63 =	vld [tilespmem:s31+$0x4360];
	_ =	sdelay $0x4  }
0x60: {  	[tilespmem:$0x1F200] =	vst v63;
	v63 =	vld [tilespmem:s31+$0x8360];
	_ =	sdelay $0x4  }
0x61: {  	[tilespmem:$0x1F220] =	vst v63;
	v63 =	vld [tilespmem:s31+$0x370];
	_ =	sdelay $0x4  }
0x62: {  	[tilespmem:$0x1F1F0] =	vst v63;
	v63 =	vld [tilespmem:s31+$0x4370];
	_ =	sdelay $0x4  }
0x63: {  	[tilespmem:$0x1F210] =	vst v63;
	v63 =	vld [tilespmem:s31+$0x8370];
	_ =	sdelay $0x4  }
0x64: {  	[tilespmem:$0x1F230] =	vst v63;
	v63 =	vld [tilespmem:s31+$0x380];
	_ =	sdelay $0x4  }
0x65: {  	[tilespmem:$0x1F240] =	vst v63;
	v63 =	vld [tilespmem:s31+$0x4380];
	_ =	sdelay $0x4  }
0x66: {  	[tilespmem:$0x1F250] =	vst v63;
	v63 =	vld [tilespmem:s31+$0x8380];
	_ =	sdelay $0x4  }
0x67: {  	[tilespmem:$0x1F280] =	vst v63;
	v63 =	vld [tilespmem:s31+$0x390];
	_ =	sdelay $0x4  }
0x68: {  	[tilespmem:$0x1F260] =	vst v63;
	v63 =	vld [tilespmem:s31+$0x4390];
	_ =	sdelay $0x4  }
0x69: {  	[tilespmem:$0x1F270] =	vst v63;
	v63 =	vld [tilespmem:s31+$0x8390];
	_ =	sdelay $0x4  }
0x6a: {  	[tilespmem:$0x1F290] =	vst v63;
	v63 =	vld [tilespmem:s31+$0x3A0];
	_ =	sdelay $0x4  }
0x6b: {  	[tilespmem:$0x1F2A0] =	vst v63;
	v63 =	vld [tilespmem:s31+$0x43A0];
	_ =	sdelay $0x4  }
0x6c: {  	[tilespmem:$0x1F2B0] =	vst v63;
	v63 =	vld [tilespmem:s31+$0x83A0];
	_ =	sdelay $0x4  }
0x6d: {  	[tilespmem:$0x1F2E0] =	vst v63;
	v63 =	vld [tilespmem:s31+$0x3B0];
	_ =	sdelay $0x4  }
0x6e: {  	[tilespmem:$0x1F2C0] =	vst v63;
	v63 =	vld [tilespmem:s31+$0x43B0];
	_ =	sdelay $0x4  }
0x6f: {  	[tilespmem:$0x1F2D0] =	vst v63;
	v63 =	vld [tilespmem:s31+$0x83B0];
	_ =	sdelay $0x4  }
0x70: {  	[tilespmem:$0x1F2F0] =	vst v63;
	v63 =	vld [tilespmem:s31+$0x3C0];
	_ =	sdelay $0x4  }
0x71: {  	[tilespmem:$0x1F300] =	vst v63;
	v63 =	vld [tilespmem:s31+$0x43C0];
	_ =	sdelay $0x4  }
0x72: {  	[tilespmem:$0x1F310] =	vst v63;
	v63 =	vld [tilespmem:s31+$0x83C0];
	_ =	sdelay $0x4  }
0x73: {  	[tilespmem:$0x1F360] =	vst v63;
	v63 =	vld [tilespmem:s31+$0x3D0];
	_ =	sdelay $0x4  }
0x74: {  	[tilespmem:$0x1F320] =	vst v63;
	v63 =	vld [tilespmem:s31+$0x43D0];
	_ =	sdelay $0x4  }
0x75: {  	[tilespmem:$0x1F330] =	vst v63;
	v63 =	vld [tilespmem:s31+$0x83D0];
	_ =	sdelay $0x4  }
0x76: {  	[tilespmem:$0x1F370] =	vst v63;
	v63 =	vld [tilespmem:s31+$0x3E0];
	_ =	sdelay $0x4  }
0x77: {  	[tilespmem:$0x1F340] =	vst v63;
	v63 =	vld [tilespmem:s31+$0x43E0]  }
0x78: {  	v7 =	vld [tilespmem:s31+$0x41B0]  }
0x79: {  	v8 =	vld [tilespmem:s31+$0x81B0]  }
0x7a: {  	v10 =	vld [tilespmem:s31+$0x1C0]  }
0x7b: {  	v11 =	vld [tilespmem:s31+$0x41C0]  }
0x7c: {  	[tilespmem:$0x1F380] =	vst v63;
	v63 =	vld [tilespmem:s31+$0x83E0]  }
0x7d: {  	v14 =	vld [tilespmem:s31+$0x81C0]  }
0x7e: {  	v12 =	vld [tilespmem:s31+$0x1D0]  }
0x7f: {  	v9 =	vld [tilespmem:s31+$0x41D0]  }
0x80: {  	v3 =	vld [tilespmem:s31+$0x81D0]  }
0x81: {  	[tilespmem:$0x1F3A0] =	vst v63;
	v63 =	vld [tilespmem:s31+$0x3F0]  }
0x82: {  	v4 =	vld [tilespmem:s31+$0x1E0]  }
0x83: {  	v18 =	vld [tilespmem:s31+$0x41E0]  }
0x84: {  	v19 =	vld [tilespmem:s31+$0x81E0]  }
0x85: {  	v13 =	vld [tilespmem:s31+$0x1F0]  }
0x86: {  	[tilespmem:$0x1F350] =	vst v63;
	v63 =	vld [tilespmem:s31+$0x43F0]  }
0x87: {  	v5 =	vld [tilespmem:s31+$0x41F0]  }
0x88: {  	v20 =	vld [tilespmem:s31+$0x81F0]  }
0x89: {  	v21 =	vld [tilespmem:s31+$0x200]  }
0x8a: {  	v22 =	vld [tilespmem:s31+$0x4200]  }
0x8b: {  	[tilespmem:$0x1F390] =	vst v63;
	v63 =	vld [tilespmem:s31+$0x83F0]  }
0x8c: {  	v27 =	vld [tilespmem:s31+$0x8200]  }
0x8d: {  	v24 =	vld [tilespmem:s31+$0x210]  }
0x8e: {  	v23 =	vld [tilespmem:s31+$0x4210]  }
0x8f: {  	v25 =	vld [tilespmem:s31+$0x8210]  }
0x90: {  	[tilespmem:$0x1F3B0] =	vst v63;
	v63 =	vld [tilespmem:s31+$0x400]  }
0x91: {  	v28 =	vld [tilespmem:s31+$0x220]  }
0x92: {  	v26 =	vld [tilespmem:s31+$0x4220]  }
0x93: {  	v33 =	vld [tilespmem:s31+$0x8220]  }
0x94: {  	v30 =	vld [tilespmem:s31+$0x230]  }
0x95: {  	[tilespmem:$0x1F3C0] =	vst v63;
	v63 =	vld [tilespmem:s31+$0x4400]  }
0x96: {  	v29 =	vld [tilespmem:s31+$0x4230]  }
0x97: {  	v31 =	vld [tilespmem:s31+$0x8230]  }
0x98: {  	v32 =	vld [tilespmem:s31+$0x240]  }
0x99: {  	v36 =	vld [tilespmem:s31+$0x4240]  }
0x9a: {  	[tilespmem:$0x1F3D0] =	vst v63;
	v63 =	vld [tilespmem:s31+$0x8400]  }
0x9b: {  	v42 =	vld [tilespmem:s31+$0x8240]  }
0x9c: {  	v34 =	vld [tilespmem:s31+$0x250]  }
0x9d: {  	v38 =	vld [tilespmem:s31+$0x4250]  }
0x9e: {  	v41 =	vld [tilespmem:s31+$0x8250]  }
0x9f: {  	[tilespmem:$0x1F400] =	vst v63;
	v63 =	vld [tilespmem:s31+$0x410]  }
0xa0: {  	v37 =	vld [tilespmem:s31+$0x260]  }
0xa1: {  	v40 =	vld [tilespmem:s31+$0x4260]  }
0xa2: {  	v43 =	vld [tilespmem:s31+$0x8260]  }
0xa3: {  	v35 =	vld [tilespmem:s31+$0x270]  }
0xa4: {  	[tilespmem:$0x1F3E0] =	vst v63;
	v63 =	vld [tilespmem:s31+$0x4410]  }
0xa5: {  	v39 =	vld [tilespmem:s31+$0x4270]  }
0xa6: {  	v44 =	vld [tilespmem:s31+$0x8270]  }
0xa7: {  	v45 =	vld [tilespmem:s31+$0x280]  }
0xa8: {  	v46 =	vld [tilespmem:s31+$0x4280]  }
0xa9: {  	[tilespmem:$0x1F3F0] =	vst v63;
	v63 =	vld [tilespmem:s31+$0x8410]  }
0xaa: {  	v51 =	vld [tilespmem:s31+$0x8280]  }
0xab: {  	v47 =	vld [tilespmem:s31+$0x290]  }
0xac: {  	v48 =	vld [tilespmem:s31+$0x4290]  }
0xad: {  	v49 =	vld [tilespmem:s31+$0x8290]  }
0xae: {  	[tilespmem:$0x1F410] =	vst v63;
	v63 =	vld [tilespmem:s31+$0x420]  }
0xaf: {  	v50 =	vld [tilespmem:s31+$0x2A0]  }
0xb0: {  	v53 =	vld [tilespmem:s31+$0x42A0]  }
0xb1: {  	v52 =	vld [tilespmem:s31+$0x82A0]  }
0xb2: {  	v55 =	vld [tilespmem:s31+$0x2B0]  }
0xb3: {  	[tilespmem:$0x1F420] =	vst v63;
	v63 =	vld [tilespmem:s31+$0x4420]  }
0xb4: {  	v56 =	vld [tilespmem:s31+$0x42B0]  }
0xb5: {  	v60 =	vld [tilespmem:s31+$0x82B0]  }
0xb6: {  	v58 =	vld [tilespmem:s31+$0x2C0]  }
0xb7: {  	v54 =	vld [tilespmem:s31+$0x42C0]  }
0xb8: {  	[tilespmem:$0x1F430] =	vst v63;
	v63 =	vld [tilespmem:s31+$0x8420]  }
0xb9: {  	v57 =	vld [tilespmem:s31+$0x42D0]  }
0xba: {  	v61 =	vld [tilespmem:s31+$0x82D0]  }
0xbb: {  	v59 =	vld [tilespmem:s31+$0x2D0]  }
0xbc: {  	v62 =	vld [tilespmem:s31+$0x82E0]  }
0xbd: {  	v6 =	vmul.f32 v6, v0;
	v7 =	vmul.f32 v7, v1;
	[tilespmem:$0x1F440] =	vst v63;
	v63 =	vld [tilespmem:s31+$0x430]  }
0xbe: {  	[tilespmem:$0x1F070] =	vst v57;
	v57 =	vld [tilespmem:s31+$0x2E0];
	v8 =	vmul.f32 v8, v2;
	v9 =	vmul.f32 v9, v1  }
0xbf: {  	[tilespmem:$0x1F090] =	vst v61;
	v61 =	vld [tilespmem:s31+$0x42E0];
	v6 =	vadd.f32 v7, v6;
	v7 =	vmul.f32 v10, v0;
	v10 =	vmul.f32 v11, v1  }
0xc0: {  	[tilespmem:$0x1F060] =	vst v54;
	v54 =	vld [tilespmem:s31+$0x2F0];
	v14 =	vmul.f32 v14, v2;
	v11 =	vmul.f32 v12, v0  }
0xc1: {  	[tilespmem:$0x1F0A0] =	vst v62;
	v62 =	vld [tilespmem:s31+$0x42F0];
	v19 =	vmul.f32 v19, v2;
	v6 =	vadd.f32 v8, v6;
	v12 =	vadd.f32 v10, v7  }
0xc2: {  	v8 =	vadd.f32 v9, v11;
	v9 =	vmul.f32 v3, v2;
	v10 =	vmul.f32 v4, v0;
	[tilespmem:$0x1F450] =	vst v63;
	v63 =	vld [tilespmem:s31+$0x4430]  }
0xc3: {  	v0 =	vmul.f32 v13, v0;
	v13 =	vld [tilespmem:s31+$0x510];
	v7 =	vbroadcast v15, $0x1  }
0xc4: {  	v11 =	vld [tilespmem:s31+$0x8510];
	v14 =	vadd.f32 v14, v12;
	v12 =	vmul.f32 v18, v1;
	v1 =	vmul.f32 v5, v1  }
0xc5: {  	v4 =	vadd.f32 v9, v8;
	v18 =	vld [tilespmem:s31+$0x4510];
	v9 =	vbroadcast v16, $0x1;
	v8 =	vbroadcast v17, $0x1  }
0xc6: {  	[tilespmem:$0x1F780] =	vst v6;
	v6 =	vadd.f32 v12, v10;
	v0 =	vadd.f32 v1, v0;
	v1 =	vmul.f32 v20, v2;
	v12 =	vld [tilespmem:s31+$0x520]  }
0xc7: {  	v2 =	vmul.f32 v21, v7;
	v20 =	vmul.f32 v24, v7;
	[tilespmem:$0x1F460] =	vst v63;
	v63 =	vld [tilespmem:s31+$0x8430]  }
0xc8: {  	v21 =	vmul.f32 v23, v9;
	v23 =	vmul.f32 v27, v8;
	v24 =	vld [tilespmem:s31+$0x530]  }
0xc9: {  	v10 =	vmul.f32 v25, v8;
	v25 =	vmul.f32 v28, v7;
	v28 =	vld [tilespmem:s31+$0x4530]  }
0xca: {  	v27 =	vmul.f32 v26, v9;
	v26 =	vmul.f32 v32, v7;
	v32 =	vld [tilespmem:s31+$0x8540]  }
0xcb: {  	[tilespmem:$0x1F6E0] =	vst v13;
	v13 =	vmul.f32 v22, v9;
	v22 =	vld [tilespmem:s31+$0x8520]  }
0xcc: {  	[tilespmem:$0x1F470] =	vst v63;
	v63 =	vld [tilespmem:s31+$0x440]  }
0xcd: {  	[tilespmem:$0x1F700] =	vst v11;
	v11 =	vld [tilespmem:s31+$0x550]  }
0xce: {  	v5 =	vadd.f32 v1, v0;
	v0 =	vadd.f32 v21, v20;
	v21 =	vld [tilespmem:s31+$0x8530]  }
0xcf: {  	[tilespmem:$0x1F6F0] =	vst v18;
	v18 =	vadd.f32 v19, v6;
	v19 =	vld [tilespmem:s31+$0x4520]  }
0xd0: {  	v2 =	vadd.f32 v13, v2;
	[tilespmem:$0x1F730] =	vst v24;
	v24 =	vld [tilespmem:s31+$0x540]  }
0xd1: {  	[tilespmem:$0x1F480] =	vst v63;
	v63 =	vld [tilespmem:s31+$0x4440]  }
0xd2: {  	v20 =	vadd.f32 v23, v2;
	v23 =	vmul.f32 v33, v8;
	v33 =	vmul.f32 v38, v9;
	v38 =	vld [tilespmem:s31+$0x8550]  }
0xd3: {  	[tilespmem:$0x1F710] =	vst v12;
	v12 =	vmul.f32 v30, v7;
	v30 =	vld [tilespmem:s31+$0x560]  }
0xd4: {  	[tilespmem:$0x1F740] =	vst v28;
	v28 =	vmul.f32 v36, v9;
	v36 =	vld [tilespmem:s31+$0x570]  }
0xd5: {  	v13 =	vmul.f32 v29, v9;
	[tilespmem:$0x1F750] =	vst v22;
	v22 =	vadd.f32 v27, v25;
	v27 =	vld [tilespmem:s31+$0x4540]  }
0xd6: {  	v29 =	vmul.f32 v34, v7;
	[tilespmem:$0x1F4C0] =	vst v63;
	v63 =	vld [tilespmem:s31+$0x8440]  }
0xd7: {  	v34 =	vmul.f32 v37, v7;
	v7 =	vmul.f32 v35, v7;
	v2 =	vadd.f32 v13, v12;
	v13 =	vld [tilespmem:s31+$0x4550]  }
0xd8: {  	v25 =	vmul.f32 v31, v8;
	v31 =	vmul.f32 v43, v8;
	v1 =	vadd.f32 v33, v29;
	v33 =	vld [tilespmem:s31+$0x4560]  }
0xd9: {  	[tilespmem:$0x1F720] =	vst v19;
	v19 =	vadd.f32 v10, v0;
	v0 =	vadd.f32 v28, v26;
	v28 =	vmul.f32 v40, v9;
	v40 =	vld [tilespmem:s31+$0x8560]  }
0xda: {  	[tilespmem:$0x1F7A0] =	vst v11;
	v11 =	vbroadcast v17, $0x2;
	v22 =	vadd.f32 v23, v22;
	v23 =	vmul.f32 v41, v8;
	v41 =	vld [tilespmem:s31+$0x4570]  }
0xdb: {  	v29 =	vmul.f32 v39, v9;
	v9 =	vbroadcast v15, $0x2;
	[tilespmem:$0x1F500] =	vst v63;
	v63 =	vld [tilespmem:s31+$0x450]  }
0xdc: {  	[tilespmem:$0x1F760] =	vst v21;
	v12 =	vmul.f32 v42, v8;
	v8 =	vmul.f32 v44, v8;
	v44 =	vld [tilespmem:s31+$0x8580];
	v21 =	vadd.f32 v25, v2  }
0xdd: {  	v2 =	vbroadcast v16, $0x2;
	[tilespmem:$0x1F770] =	vst v24;
	v6 =	vadd.f32 v28, v34;
	v34 =	vmul.f32 v45, v9;
	v45 =	vld [tilespmem:s31+$0x8570]  }
0xde: {  	v24 =	vadd.f32 v12, v0;
	v37 =	vmul.f32 v47, v9;
	v12 =	vmul.f32 v49, v11;
	v49 =	vld [tilespmem:s31+$0x4580];
	[tilespmem:$0x1F7B0] =	vst v13  }
0xdf: {  	v0 =	vadd.f32 v29, v7;
	v35 =	vmul.f32 v46, v2;
	v39 =	vmul.f32 v48, v2;
	v48 =	vld [tilespmem:s31+$0x580];
	[tilespmem:$0x1F7E0] =	vst v33  }
0xe0: {  	v23 =	vadd.f32 v23, v1;
	v13 =	vmul.f32 v50, v9;
	v33 =	vmul.f32 v53, v2;
	[tilespmem:$0x1F490] =	vst v63;
	v63 =	vld [tilespmem:s31+$0x4450]  }
0xe1: {  	v43 =	vmul.f32 v51, v11;
	v46 =	vld [tilespmem:$0x1F070];
	v25 =	vadd.f32 v8, v0;
	v42 =	vadd.f32 v35, v34  }
0xe2: {  	v1 =	vadd.f32 v39, v37;
	v0 =	vadd.f32 v33, v13;
	v13 =	vld [tilespmem:$0x1F090]  }
0xe3: {  	[tilespmem:$0x1F7D0] =	vst v36;
	v36 =	vmul.f32 v56, v2;
	v35 =	vmul.f32 v55, v9;
	v28 =	vadd.f32 v43, v42;
	v42 =	vld [tilespmem:$0x1F060]  }
0xe4: {  	[tilespmem:$0x1F790] =	vst v27;
	v27 =	vadd.f32 v12, v1;
	v12 =	vmul.f32 v57, v9;
	v57 =	vld [tilespmem:$0x1F080]  }
0xe5: {  	v37 =	vmul.f32 v60, v11;
	v1 =	vadd.f32 v36, v35;
	[tilespmem:$0x1F4D0] =	vst v63;
	v63 =	vld [tilespmem:s31+$0x8450]  }
0xe6: {  	v47 =	vmul.f32 v61, v2;
	v35 =	vld [tilespmem:$0x1F0A0]  }
0xe7: {  	v29 =	vadd.f32 v37, v1;
	v37 =	vld [tilespmem:$0x1F0B0]  }
0xe8: {  	v8 =	vadd.f32 v47, v12;
	v47 =	vld [tilespmem:s31+$0x85B0]  }
0xe9: {  	v51 =	vld [tilespmem:$0x1F0E0]  }
0xea: {  	v39 =	vmul.f32 v58, v9;
	[tilespmem:$0x1F510] =	vst v63;
	v63 =	vld [tilespmem:s31+$0x460]  }
0xeb: {  	[tilespmem:$0x1F7F0] =	vst v41;
	v41 =	vmul.f32 v59, v9;
	v43 =	vmul.f32 v42, v2;
	v42 =	vld [tilespmem:s31+$0x45B0]  }
0xec: {  	v1 =	vmul.f32 v46, v2;
	v59 =	vmul.f32 v57, v11;
	v57 =	vld [tilespmem:s31+$0x5C0]  }
0xed: {  	v26 =	vadd.f32 v31, v6;
	v7 =	vadd.f32 v43, v39;
	v39 =	vld [tilespmem:$0x1F0C0]  }
0xee: {  	v1 =	vadd.f32 v1, v41;
	v31 =	vmul.f32 v13, v11;
	v36 =	vmul.f32 v35, v11;
	v43 =	vld [tilespmem:$0x1F0D0]  }
0xef: {  	v34 =	vmul.f32 v52, v11;
	[tilespmem:$0x1F4A0] =	vst v63;
	v63 =	vld [tilespmem:s31+$0x4460]  }
0xf0: {  	v31 =	vadd.f32 v31, v1;
	v1 =	vmul.f32 v37, v11;
	v37 =	vadd.f32 v36, v8;
	v8 =	vld [tilespmem:s31+$0x45C0]  }
0xf1: {  	[tilespmem:$0x1F810] =	vst v47;
	v47 =	vld [tilespmem:s31+$0x45D0]  }
0xf2: {  	[tilespmem:$0x1F7C0] =	vst v30;
	v30 =	vadd.f32 v34, v0;
	v0 =	vmul.f32 v54, v9;
	v54 =	vld [tilespmem:$0x1F0F0]  }
0xf3: {  	v33 =	vadd.f32 v59, v7;
	v59 =	vld [tilespmem:$0x1F100]  }
0xf4: {  	v10 =	vbroadcast v15, $0x3;
	[tilespmem:$0x1F4E0] =	vst v63;
	v63 =	vld [tilespmem:s31+$0x8460]  }
0xf5: {  	v9 =	vbroadcast v16, $0x3;
	v34 =	vld [tilespmem:$0x1F120]  }
0xf6: {  	v2 =	vmul.f32 v62, v2;
	v41 =	vmul.f32 v39, v10;
	v39 =	vld [tilespmem:$0x1F130]  }
0xf7: {  	v12 =	vbroadcast v17, $0x3;
	[tilespmem:$0x1F800] =	vst v42;
	v42 =	vld [tilespmem:s31+$0x5D0];
	v46 =	vmul.f32 v43, v9  }
0xf8: {  	v0 =	vadd.f32 v2, v0;
	v2 =	vmul.f32 v51, v10;
	[tilespmem:$0x1F870] =	vst v47;
	v47 =	vld [tilespmem:s31+$0x45E0];
	v56 =	vmul.f32 v54, v9  }
0xf9: {  	v6 =	vadd.f32 v46, v41;
	v61 =	vmul.f32 v59, v12;
	[tilespmem:$0x1F520] =	vst v63;
	v63 =	vld [tilespmem:s31+$0x470]  }
0xfa: {  	v13 =	vld [tilespmem:$0x1F110];
	v11 =	vadd.f32 v56, v2  }
0xfb: {  	v35 =	vadd.f32 v61, v6;
	v61 =	vld [tilespmem:s31+$0x85D0];
	v2 =	vmul.f32 v34, v10;
	v41 =	vmul.f32 v39, v9  }
0xfc: {  	v54 =	vld [tilespmem:$0x1F160]  }
0xfd: {  	v2 =	vadd.f32 v41, v2;
	v41 =	vld [tilespmem:s31+$0x5E0]  }
0xfe: {  	[tilespmem:$0x1F4B0] =	vst v63;
	v63 =	vld [tilespmem:s31+$0x4470]  }
0xff: {  	[tilespmem:$0x1F820] =	vst v57;
	v57 =	vld [tilespmem:$0x1F170]  }
0x100: {  	v43 =	vld [tilespmem:$0x1F140]  }
0x101: {  	v46 =	vld [tilespmem:$0x1F150]  }
0x102: {  	[tilespmem:$0x1F860] =	vst v8;
	v8 =	vld [tilespmem:$0x1F180]  }
0x103: {  	[tilespmem:$0x1F4F0] =	vst v63;
	v63 =	vld [tilespmem:s31+$0x8470]  }
0x104: {  	v36 =	vadd.f32 v1, v0;
	v1 =	vmul.f32 v13, v12;
	v59 =	vmul.f32 v57, v12;
	v57 =	vld [tilespmem:s31+$0x85E0]  }
0x105: {  	v56 =	vmul.f32 v54, v12;
	v0 =	vmul.f32 v43, v10;
	v43 =	vld [tilespmem:$0x1F1B0]  }
0x106: {  	v34 =	vadd.f32 v1, v11;
	v11 =	vld [tilespmem:$0x1F190]  }
0x107: {  	[tilespmem:$0x1F840] =	vst v41;
	v41 =	vadd.f32 v56, v2;
	v56 =	vld [tilespmem:$0x1F1C0]  }
0x108: {  	[tilespmem:$0x1F530] =	vst v63;
	v63 =	vld [tilespmem:s31+$0x480]  }
0x109: {  	v1 =	vmul.f32 v46, v9;
	[tilespmem:$0x1F8B0] =	vst v57;
	v57 =	vld [tilespmem:s31+$0x85F0]  }
0x10a: {  	v46 =	vmul.f32 v43, v9;
	v43 =	vld [tilespmem:s31+$0x5F0]  }
0x10b: {  	[tilespmem:$0x1F830] =	vst v42;
	v0 =	vadd.f32 v1, v0;
	v1 =	vmul.f32 v8, v10;
	v13 =	vmul.f32 v11, v9;
	v42 =	vld [tilespmem:$0x1F1A0]  }
0x10c: {  	v11 =	vld [tilespmem:$0x1F1E0]  }
0x10d: {  	v54 =	vadd.f32 v13, v1;
	v1 =	vmul.f32 v56, v12;
	[tilespmem:$0x1F540] =	vst v63;
	v63 =	vld [tilespmem:s31+$0x4480]  }
0x10e: {  	v39 =	vadd.f32 v59, v0;
	v59 =	vld [tilespmem:$0x1F1D0]  }
0x10f: {  	[tilespmem:$0x1F850] =	vst v43;
	v43 =	vadd.f32 v1, v54;
	v54 =	vld [tilespmem:s31+$0x45F0]  }
0x110: {  	[tilespmem:$0x1F880] =	vst v47;
	v47 =	vld [tilespmem:$0x1F200]  }
0x111: {  	v13 =	vmul.f32 v11, v10;
	v11 =	vld [tilespmem:s31+$0x610]  }
0x112: {  	v2 =	vmul.f32 v42, v10;
	[tilespmem:$0x1F550] =	vst v63;
	v63 =	vld [tilespmem:s31+$0x8480]  }
0x113: {  	[tilespmem:$0x1F8A0] =	vst v61;
	v61 =	vmul.f32 v59, v12;
	v59 =	vld [tilespmem:$0x1F220]  }
0x114: {  	v2 =	vadd.f32 v46, v2;
	v46 =	vld [tilespmem:$0x1F1F0]  }
0x115: {  	v56 =	vld [tilespmem:$0x1F210]  }
0x116: {  	v1 =	vmul.f32 v47, v9;
	v47 =	vld [tilespmem:$0x1F240]  }
0x117: {  	[tilespmem:$0x1F580] =	vst v63;
	v63 =	vld [tilespmem:s31+$0x490]  }
0x118: {  	v6 =	vbroadcast v15, $0x4;
	v1 =	vadd.f32 v1, v13;
	v13 =	vld [tilespmem:s31+$0x600]  }
0x119: {  	v42 =	vadd.f32 v61, v2;
	v61 =	vmul.f32 v59, v12;
	v0 =	vmul.f32 v46, v10;
	v46 =	vld [tilespmem:$0x1F230]  }
0x11a: {  	v2 =	vmul.f32 v56, v9;
	v56 =	vld [tilespmem:s31+$0x4600]  }
0x11b: {  	[tilespmem:$0x1F890] =	vst v54;
	v54 =	vmul.f32 v47, v6;
	v47 =	vadd.f32 v61, v1;
	v61 =	vld [tilespmem:$0x1F260]  }
0x11c: {  	[tilespmem:$0x1F560] =	vst v63;
	v63 =	vld [tilespmem:s31+$0x4490]  }
0x11d: {  	[tilespmem:$0x1F8C0] =	vst v57;
	v57 =	vld [tilespmem:$0x1F250]  }
0x11e: {  	v59 =	vld [tilespmem:s31+$0x8600];
	v0 =	vadd.f32 v2, v0;
	v2 =	vmul.f32 v46, v12  }
0x11f: {  	[tilespmem:$0x1F8E0] =	vst v56;
	v56 =	vld [tilespmem:s31+$0x4610]  }
0x120: {  	v8 =	vbroadcast v16, $0x4;
	v46 =	vadd.f32 v2, v0;
	v0 =	vmul.f32 v61, v6;
	v61 =	vld [tilespmem:s31+$0x8610]  }
0x121: {  	[tilespmem:$0x1F570] =	vst v63;
	v63 =	vld [tilespmem:s31+$0x8490]  }
0x122: {  	v1 =	vmul.f32 v57, v8;
	v12 =	vld [tilespmem:$0x1F280]  }
0x123: {  	v10 =	vld [tilespmem:$0x1F270]  }
0x124: {  	v1 =	vadd.f32 v1, v54;
	v54 =	vld [tilespmem:$0x1F290]  }
0x125: {  	[tilespmem:$0x1F920] =	vst v61;
	v61 =	vld [tilespmem:s31+$0x4620]  }
0x126: {  	v7 =	vbroadcast v17, $0x4;
	[tilespmem:$0x1F590] =	vst v63;
	v63 =	vld [tilespmem:s31+$0x4A0]  }
0x127: {  	v9 =	vld [tilespmem:$0x1F2C0]  }
0x128: {  	[tilespmem:$0x1F8D0] =	vst v13;
	v13 =	vmul.f32 v12, v7;
	v12 =	vld [tilespmem:$0x1F2D0]  }
0x129: {  	[tilespmem:$0x1F910] =	vst v59;
	v59 =	vld [tilespmem:$0x1F2B0]  }
0x12a: {  	v57 =	vld [tilespmem:$0x1F2A0]  }
0x12b: {  	[tilespmem:$0x1F5A0] =	vst v63;
	v63 =	vld [tilespmem:s31+$0x44A0]  }
0x12c: {  	[tilespmem:$0x1F900] =	vst v56;
	v2 =	vmul.f32 v10, v8;
	v10 =	vmul.f32 v54, v7;
	v54 =	vld [tilespmem:s31+$0x620]  }
0x12d: {  	v56 =	vadd.f32 v13, v1;
	[tilespmem:$0x1F940] =	vst v61;
	v61 =	vld [tilespmem:s31+$0x630];
	v1 =	vmul.f32 v9, v6;
	v13 =	vmul.f32 v12, v8  }
0x12e: {  	[tilespmem:$0x1F8F0] =	vst v11;
	v11 =	vmul.f32 v59, v8;
	v59 =	vld [tilespmem:$0x1F2E0]  }
0x12f: {  	v0 =	vadd.f32 v2, v0;
	v1 =	vadd.f32 v13, v1;
	v13 =	vld [tilespmem:$0x1F310]  }
0x130: {  	[tilespmem:$0x1F5B0] =	vst v63;
	v63 =	vld [tilespmem:s31+$0x84A0]  }
0x131: {  	v2 =	vmul.f32 v57, v6;
	[tilespmem:$0x1F930] =	vst v54;
	v54 =	vadd.f32 v10, v0;
	v10 =	vld [tilespmem:$0x1F2F0]  }
0x132: {  	v12 =	vld [tilespmem:s31+$0x8620]  }
0x133: {  	v57 =	vadd.f32 v11, v2;
	v11 =	vld [tilespmem:$0x1F300]  }
0x134: {  	v2 =	vmul.f32 v59, v7;
	v0 =	vmul.f32 v13, v8;
	v13 =	vld [tilespmem:s31+$0x4630]  }
0x135: {  	[tilespmem:$0x1F5E0] =	vst v63;
	v63 =	vld [tilespmem:s31+$0x4B0]  }
0x136: {  	v59 =	vadd.f32 v2, v57;
	v57 =	vld [tilespmem:$0x1F320]  }
0x137: {  	[tilespmem:$0x1F970] =	vst v12;
	v12 =	vld [tilespmem:$0x1F340]  }
0x138: {  	[tilespmem:$0x1F950] =	vst v61;
	v61 =	vld [tilespmem:$0x1F350]  }
0x139: {  	v9 =	vmul.f32 v10, v7;
	v10 =	vmul.f32 v11, v6;
	v11 =	vld [tilespmem:$0x1F330]  }
0x13a: {  	[tilespmem:$0x1F5C0] =	vst v63;
	v63 =	vld [tilespmem:s31+$0x44B0]  }
0x13b: {  	v0 =	vadd.f32 v0, v10;
	v10 =	vld [tilespmem:$0x1F360]  }
0x13c: {  	v2 =	vmul.f32 v57, v6;
	v57 =	vadd.f32 v9, v1;
	v9 =	vmul.f32 v12, v6;
	v12 =	vld [tilespmem:$0x1F370]  }
0x13d: {  	v6 =	vmul.f32 v61, v6;
	v61 =	vld [tilespmem:s31+$0x640]  }
0x13e: {  	v1 =	vmul.f32 v11, v8;
	v11 =	vld [tilespmem:s31+$0x8630]  }
0x13f: {  	[tilespmem:$0x1F5D0] =	vst v63;
	v63 =	vld [tilespmem:s31+$0x84B0]  }
0x140: {  	[tilespmem:$0x1F960] =	vst v13;
	v13 =	vld [tilespmem:$0x1F380]  }
0x141: {  	v10 =	vmul.f32 v10, v7;
	v1 =	vadd.f32 v1, v2;
	v2 =	vmul.f32 v12, v7;
	v12 =	vld [tilespmem:s31+$0x4640]  }
0x142: {  	[tilespmem:$0x1F990] =	vst v61;
	v61 =	vld [tilespmem:s31+$0x8640]  }
0x143: {  	v0 =	vadd.f32 v10, v0;
	v10 =	vld [tilespmem:$0x1F390]  }
0x144: {  	[tilespmem:$0x1F5F0] =	vst v63;
	v63 =	vld [tilespmem:s31+$0x4C0]  }
0x145: {  	[tilespmem:$0x1F980] =	vst v11;
	v11 =	vmul.f32 v13, v8;
	v13 =	vld [tilespmem:$0x1F3A0]  }
0x146: {  	[tilespmem:$0x1F9A0] =	vst v12;
	v12 =	vld [tilespmem:s31+$0x650]  }
0x147: {  	[tilespmem:$0x1F9D0] =	vst v61;
	v61 =	vld [tilespmem:s31+$0x4650]  }
0x148: {  	[tilespmem:$0x1FA20] =	vst v0;
	v0 =	vmul.f32 v10, v8;
	v10 =	vld [tilespmem:$0x1F3B0]  }
0x149: {  	v1 =	vadd.f32 v2, v1;
	[tilespmem:$0x1F600] =	vst v63;
	v63 =	vld [tilespmem:s31+$0x44C0]  }
0x14a: {  	v9 =	vadd.f32 v11, v9;
	v11 =	vld [tilespmem:$0x1F3C0]  }
0x14b: {  	[tilespmem:$0x1FA40] =	vst v1;
	v1 =	vmul.f32 v13, v7;
	v13 =	vld [tilespmem:$0x1F3D0]  }
0x14c: {  	[tilespmem:$0x1F9C0] =	vst v61;
	v61 =	vld [tilespmem:s31+$0x8650]  }
0x14d: {  	v2 =	vbroadcast v16, $0x5;
	v1 =	vadd.f32 v1, v9;
	v9 =	vld [tilespmem:$0x1F3E0]  }
0x14e: {  	v8 =	vbroadcast v15, $0x5;
	v0 =	vadd.f32 v0, v6;
	v7 =	vmul.f32 v10, v7;
	[tilespmem:$0x1F610] =	vst v63;
	v63 =	vld [tilespmem:s31+$0x84C0]  }
0x14f: {  	[tilespmem:$0x1F9B0] =	vst v12;
	v12 =	vld [tilespmem:$0x1F3F0]  }
0x150: {  	v50 =	vld [tilespmem:s31+$0x8590];
	v0 =	vadd.f32 v7, v0;
	v10 =	vmul.f32 v11, v8;
	v6 =	vmul.f32 v13, v2  }
0x151: {  	[tilespmem:$0x1FA60] =	vst v1;
	v7 =	vld [tilespmem:$0x1F400]  }
0x152: {  	[tilespmem:$0x1FA90] =	vst v0;
	v0 =	vadd.f32 v6, v10;
	v10 =	vld [tilespmem:s31+$0x660]  }
0x153: {  	[tilespmem:$0x1F640] =	vst v63;
	v63 =	vld [tilespmem:s31+$0x4D0]  }
0x154: {  	[tilespmem:$0x1F9E0] =	vst v61;
	v61 =	vld [tilespmem:s31+$0x4660];
	v1 =	vmul.f32 v9, v8;
	v13 =	vmul.f32 v12, v2  }
0x155: {  	v12 =	vld [tilespmem:$0x1F410]  }
0x156: {  	v11 =	vbroadcast v17, $0x5;
	v1 =	vadd.f32 v13, v1;
	v13 =	vld [tilespmem:$0x1F420]  }
0x157: {  	[tilespmem:$0x1F9F0] =	vst v10;
	v10 =	vld [tilespmem:$0x1F430]  }
0x158: {  	v6 =	vmul.f32 v7, v11;
	[tilespmem:$0x1F620] =	vst v63;
	v63 =	vld [tilespmem:s31+$0x44D0]  }
0x159: {  	[tilespmem:$0x1FA10] =	vst v61;
	v61 =	vld [tilespmem:$0x1F450]  }
0x15a: {  	v0 =	vadd.f32 v6, v0;
	v7 =	vmul.f32 v12, v11;
	v12 =	vld [tilespmem:$0x1F440]  }
0x15b: {  	v9 =	vmul.f32 v13, v8;
	v13 =	vld [tilespmem:s31+$0x8660]  }
0x15c: {  	[tilespmem:$0x1FAB0] =	vst v0;
	v1 =	vadd.f32 v7, v1;
	v0 =	vmul.f32 v10, v2;
	v10 =	vld [tilespmem:s31+$0x670]  }
0x15d: {  	[tilespmem:$0x1F630] =	vst v63;
	v63 =	vld [tilespmem:s31+$0x84D0]  }
0x15e: {  	[tilespmem:$0x1FAE0] =	vst v1;
	v1 =	vmul.f32 v61, v8;
	v61 =	vld [tilespmem:s31+$0x4670]  }
0x15f: {  	v6 =	vmul.f32 v12, v11;
	v12 =	vld [tilespmem:$0x1F470]  }
0x160: {  	[tilespmem:$0x1FA50] =	vst v13;
	v13 =	vld [tilespmem:$0x1F480]  }
0x161: {  	v7 =	vld [tilespmem:$0x1F460]  }
0x162: {  	[tilespmem:$0x1F650] =	vst v63;
	v63 =	vld [tilespmem:s31+$0x4E0]  }
0x163: {  	[tilespmem:$0x1FA30] =	vst v61;
	v61 =	vld [tilespmem:s31+$0x8670]  }
0x164: {  	v0 =	vadd.f32 v0, v9;
	v9 =	vmul.f32 v12, v11;
	v12 =	vld [tilespmem:$0x1F490]  }
0x165: {  	[tilespmem:$0x1FA00] =	vst v10;
	v10 =	vmul.f32 v13, v8;
	v13 =	vld [tilespmem:$0x1F4A0]  }
0x166: {  	v53 =	vld [tilespmem:s31+$0x5A0]  }
0x167: {  	v7 =	vmul.f32 v7, v2;
	[tilespmem:$0x1F660] =	vst v63;
	v63 =	vld [tilespmem:s31+$0x44E0]  }
0x168: {  	v0 =	vadd.f32 v6, v0;
	v6 =	vld [tilespmem:$0x1F4B0]  }
0x169: {  	v1 =	vadd.f32 v7, v1;
	[tilespmem:$0x1FA70] =	vst v61;
	v61 =	vld [tilespmem:s31+$0x680]  }
0x16a: {  	v7 =	vmul.f32 v12, v8;
	v12 =	vmul.f32 v13, v8;
	v13 =	vld [tilespmem:$0x1F4C0]  }
0x16b: {  	v1 =	vadd.f32 v9, v1;
	v9 =	vld [tilespmem:$0x1F4E0]  }
0x16c: {  	[tilespmem:$0x1F680] =	vst v63;
	v63 =	vld [tilespmem:s31+$0x84E0]  }
0x16d: {  	[tilespmem:$0x1FB10] =	vst v0;
	v0 =	vmul.f32 v6, v8;
	v8 =	vld [tilespmem:$0x1F4D0]  }
0x16e: {  	[tilespmem:$0x1FA80] =	vst v61;
	v61 =	vld [tilespmem:$0x1F4F0]  }
0x16f: {  	v52 =	vld [tilespmem:s31+$0x590]  }
0x170: {  	v6 =	vmul.f32 v13, v2;
	v13 =	vld [tilespmem:s31+$0x4680]  }
0x171: {  	[tilespmem:$0x1F6A0] =	vst v63;
	v63 =	vld [tilespmem:s31+$0x4F0]  }
0x172: {  	[tilespmem:$0x1FB40] =	vst v1;
	v1 =	vmul.f32 v8, v2;
	v8 =	vmul.f32 v9, v2;
	v9 =	vld [tilespmem:$0x1F500]  }
0x173: {  	v2 =	vmul.f32 v61, v2;
	v61 =	vld [tilespmem:s31+$0x690]  }
0x174: {  	v58 =	vld [tilespmem:s31+$0x4590]  }
0x175: {  	[tilespmem:$0x1FAA0] =	vst v13;
	v13 =	vld [tilespmem:$0x1F510]  }
0x176: {  	[tilespmem:$0x1F670] =	vst v63;
	v63 =	vld [tilespmem:s31+$0x44F0]  }
0x177: {  	v6 =	vadd.f32 v6, v10;
	v10 =	vld [tilespmem:s31+$0x8680];
	v9 =	vmul.f32 v9, v11  }
0x178: {  	[tilespmem:$0x1FAC0] =	vst v61;
	v61 =	vld [tilespmem:$0x1F530]  }
0x179: {  	v6 =	vadd.f32 v9, v6;
	v9 =	vld [tilespmem:$0x1F520]  }
0x17a: {  	v1 =	vadd.f32 v1, v7;
	v7 =	vmul.f32 v13, v11;
	v13 =	vld [tilespmem:s31+$0x4690]  }
0x17b: {  	[tilespmem:$0x1F690] =	vst v63;
	v63 =	vld [tilespmem:s31+$0x84F0]  }
0x17c: {  	v1 =	vadd.f32 v7, v1;
	v7 =	vld [tilespmem:$0x1F540]  }
0x17d: {  	v8 =	vadd.f32 v8, v12;
	[tilespmem:$0x1FB70] =	vst v6;
	v12 =	vld [tilespmem:$0x1F550]  }
0x17e: {  	[tilespmem:$0x1FB90] =	vst v1;
	v1 =	vmul.f32 v61, v11;
	v6 =	vmul.f32 v9, v11;
	v11 =	vld [tilespmem:s31+$0x8690]  }
0x17f: {  	v61 =	vld [tilespmem:$0x1F560]  }
0x180: {  	[tilespmem:$0x1F6B0] =	vst v63;
	v63 =	vld [tilespmem:s31+$0x500]  }
0x181: {  	[tilespmem:$0x1FAD0] =	vst v13;
	v13 =	vld [tilespmem:s31+$0x6A0]  }
0x182: {  	v55 =	vld [tilespmem:s31+$0x45A0];
	[tilespmem:$0x1FAF0] =	vst v10;
	v10 =	vbroadcast v15, $0x6  }
0x183: {  	v60 =	vld [tilespmem:s31+$0x85A0];
	v9 =	vbroadcast v16, $0x6  }
0x184: {  	v0 =	vadd.f32 v2, v0;
	[tilespmem:$0x1FB00] =	vst v11;
	v2 =	vmul.f32 v61, v10;
	v61 =	vld [tilespmem:s31+$0x46A0]  }
0x185: {  	v7 =	vmul.f32 v7, v10;
	v11 =	vmul.f32 v12, v9;
	[tilespmem:$0x1F6C0] =	vst v63;
	v63 =	vld [tilespmem:s31+$0x4500]  }
0x186: {  	v8 =	vadd.f32 v6, v8;
	[tilespmem:$0x1FB20] =	vst v13;
	v13 =	vld [tilespmem:$0x1F570]  }
0x187: {  	v6 =	vadd.f32 v11, v7;
	v11 =	vld [tilespmem:$0x1F580]  }
0x188: {  	v62 =	vld [tilespmem:s31+$0x5B0];
	[tilespmem:$0x1FBC0] =	vst v8  }
0x189: {  	v51 =	vld [tilespmem:s31+$0x85C0];
	[tilespmem:$0x1FB30] =	vst v61  }
0x18a: {  	v12 =	vbroadcast v17, $0x6;
	[tilespmem:$0x1F6D0] =	vst v63;
	v63 =	vld [tilespmem:s31+$0x8500]  }
0x18b: {  	v0 =	vadd.f32 v1, v0;
	v13 =	vmul.f32 v13, v9;
	v8 =	vld [tilespmem:s31+$0x86A0]  }
0x18c: {  	v61 =	vmul.f32 v11, v12;
	v11 =	vld [tilespmem:$0x1F590]  }
0x18d: {  	[tilespmem:$0x1FBF0] =	vst v0;
	v0 =	vadd.f32 v13, v2;
	v13 =	vld [tilespmem:s31+$0x6B0]  }
0x18e: {  	v61 =	vadd.f32 v61, v6;
	v6 =	vld [tilespmem:$0x1F5A0]  }
0x18f: {  	v7 =	vld [tilespmem:$0x1F5B0]  }
0x190: {  	[tilespmem:$0x1FC20] =	vst v61;
	v61 =	vld [tilespmem:s31+$0x86B0]  }
0x191: {  	[tilespmem:s31+$0xC3D0] =	vst v4;
	v4 =	vld [tilespmem:s31+$0x720]  }
0x192: {  	[tilespmem:s31+$0xC3F0] =	vst v5;
	v5 =	vld [tilespmem:s31+$0x8720]  }
0x193: {  	[tilespmem:s31+$0xC440] =	vst v24;
	v24 =	vld [tilespmem:s31+$0x8740]  }
0x194: {  	[tilespmem:s31+$0xC460] =	vst v26;
	v26 =	vld [tilespmem:s31+$0x4750]  }
0x195: {  	[tilespmem:$0x1FB80] =	vst v8;
	v8 =	vld [tilespmem:s31+$0x46B0]  }
0x196: {  	v1 =	vmul.f32 v11, v12;
	v11 =	vld [tilespmem:$0x1F5C0]  }
0x197: {  	[tilespmem:$0x1FB50] =	vst v13;
	v13 =	vld [tilespmem:$0x1F5D0]  }
0x198: {  	[tilespmem:s31+$0xC480] =	vst v28;
	v28 =	vld [tilespmem:$0x1F810]  }
0x199: {  	[tilespmem:s31+$0xC470] =	vst v25;
	v25 =	vld [tilespmem:s31+$0x8750];
	v0 =	vadd.f32 v1, v0  }
0x19a: {  	v2 =	vmul.f32 v6, v10;
	[tilespmem:$0x1FB60] =	vst v8;
	v8 =	vld [tilespmem:s31+$0x6C0]  }
0x19b: {  	v6 =	vmul.f32 v7, v9;
	[tilespmem:$0x1FC40] =	vst v0;
	v0 =	vmul.f32 v11, v10;
	v11 =	vld [tilespmem:$0x1F600]  }
0x19c: {  	v1 =	vmul.f32 v13, v9;
	v13 =	vld [tilespmem:$0x1F610]  }
0x19d: {  	v2 =	vadd.f32 v6, v2;
	v6 =	vld [tilespmem:$0x1F5E0]  }
0x19e: {  	[tilespmem:s31+$0xC490] =	vst v27;
	v27 =	vld [tilespmem:$0x1F8A0]  }
0x19f: {  	[tilespmem:s31+$0xC4E0] =	vst v37;
	v37 =	vld [tilespmem:s31+$0x8770]  }
0x1a0: {  	v0 =	vadd.f32 v1, v0;
	v1 =	vmul.f32 v11, v10;
	v11 =	vld [tilespmem:$0x1F620]  }
0x1a1: {  	[tilespmem:$0x1FBB0] =	vst v8;
	v8 =	vmul.f32 v13, v9;
	v13 =	vld [tilespmem:$0x1F630]  }
0x1a2: {  	[tilespmem:$0x1FBA0] =	vst v61;
	v61 =	vld [tilespmem:s31+$0x46C0];
	v6 =	vmul.f32 v6, v12  }
0x1a3: {  	[tilespmem:s31+$0xC4D0] =	vst v31;
	v31 =	vld [tilespmem:$0x1F8B0]  }
0x1a4: {  	v7 =	vld [tilespmem:$0x1F5F0];
	[tilespmem:$0x1FE00] =	vst v37;
	v2 =	vadd.f32 v6, v2  }
0x1a5: {  	[tilespmem:s31+$0xC500] =	vst v35;
	v35 =	vld [tilespmem:$0x1F920]  }
0x1a6: {  	v37 =	vld [tilespmem:$0x1F930];
	[tilespmem:$0x1FC70] =	vst v2;
	v2 =	vmul.f32 v11, v10;
	v6 =	vmul.f32 v13, v9  }
0x1a7: {  	[tilespmem:$0x1FBD0] =	vst v61;
	v61 =	vld [tilespmem:s31+$0x86C0]  }
0x1a8: {  	v2 =	vadd.f32 v6, v2;
	v6 =	vld [tilespmem:$0x1F650]  }
0x1a9: {  	v7 =	vmul.f32 v7, v12;
	v13 =	vld [tilespmem:$0x1F640]  }
0x1aa: {  	[tilespmem:s31+$0xC520] =	vst v41;
	v41 =	vld [tilespmem:s31+$0x8790]  }
0x1ab: {  	v0 =	vadd.f32 v7, v0;
	v7 =	vld [tilespmem:$0x1F660]  }
0x1ac: {  	[tilespmem:$0x1FC30] =	vst v61;
	v61 =	vld [tilespmem:s31+$0x6D0]  }
0x1ad: {  	[tilespmem:s31+$0xC540] =	vst v43;
	v43 =	vld [tilespmem:$0x1F950];
	v6 =	vmul.f32 v6, v12  }
0x1ae: {  	v11 =	vadd.f32 v8, v1;
	v1 =	vmul.f32 v13, v12;
	v13 =	vld [tilespmem:$0x1F680]  }
0x1af: {  	v2 =	vadd.f32 v6, v2;
	v6 =	vld [tilespmem:$0x1F690]  }
0x1b0: {  	[tilespmem:$0x1FC90] =	vst v0;
	v0 =	vadd.f32 v1, v11;
	v11 =	vld [tilespmem:$0x1F670]  }
0x1b1: {  	[tilespmem:$0x1FE90] =	vst v41;
	v41 =	vld [tilespmem:$0x1FA10]  }
0x1b2: {  	v8 =	vld [tilespmem:s31+$0x46D0]  }
0x1b3: {  	[tilespmem:$0x1FBE0] =	vst v61;
	v61 =	vld [tilespmem:s31+$0x86D0]  }
0x1b4: {  	v1 =	vmul.f32 v13, v9;
	[tilespmem:$0x1FCE0] =	vst v2;
	v2 =	vmul.f32 v6, v9;
	v9 =	vld [tilespmem:$0x1F6A0]  }
0x1b5: {  	[tilespmem:$0x1FCB0] =	vst v0;
	v0 =	vmul.f32 v11, v10;
	v11 =	vld [tilespmem:$0x1F6B0]  }
0x1b6: {  	[tilespmem:s31+$0xC560] =	vst v47;
	v47 =	vld [tilespmem:$0x1F970]  }
0x1b7: {  	v7 =	vmul.f32 v7, v10;
	[tilespmem:s31+$0xC550] =	vst v42;
	v42 =	vld [tilespmem:s31+$0x7C0]  }
0x1b8: {  	[tilespmem:$0x1FC00] =	vst v8;
	v8 =	vld [tilespmem:s31+$0x6E0]  }
0x1b9: {  	v1 =	vadd.f32 v1, v7;
	v10 =	vld [tilespmem:s31+$0x46E0];
	v7 =	vmul.f32 v9, v12  }
0x1ba: {  	v0 =	vadd.f32 v2, v0;
	v2 =	vmul.f32 v11, v12;
	v12 =	vld [tilespmem:$0x1F6C0]  }
0x1bb: {  	v1 =	vadd.f32 v7, v1;
	v7 =	vld [tilespmem:$0x1F6D0]  }
0x1bc: {  	[tilespmem:$0x1FC50] =	vst v61;
	v11 =	vld [tilespmem:$0x1F6F0]  }
0x1bd: {  	v61 =	vld [tilespmem:s31+$0x86E0];
	[tilespmem:s31+$0xC570] =	vst v46;
	v6 =	vbroadcast v15, $0x7  }
0x1be: {  	v46 =	vld [tilespmem:$0x1FA40];
	[tilespmem:$0x1FC10] =	vst v8;
	v8 =	vbroadcast v16, $0x7  }
0x1bf: {  	[tilespmem:$0x1FC60] =	vst v10;
	v13 =	vmul.f32 v12, v6;
	v12 =	vld [tilespmem:s31+$0x46F0]  }
0x1c0: {  	v10 =	vld [tilespmem:$0x1F6E0];
	[tilespmem:$0x1FD00] =	vst v1;
	v1 =	vmul.f32 v7, v8  }
0x1c1: {  	v0 =	vadd.f32 v2, v0;
	v2 =	vmul.f32 v11, v8;
	v11 =	vld [tilespmem:$0x1F710];
	v7 =	vbroadcast v17, $0x7  }
0x1c2: {  	v1 =	vadd.f32 v1, v13;
	v13 =	vld [tilespmem:$0x1F700]  }
0x1c3: {  	[tilespmem:$0x1FF40] =	vst v42;
	v9 =	vmul.f32 v63, v7;
	v63 =	vld [tilespmem:s31+$0x86F0]  }
0x1c4: {  	[tilespmem:$0x1FC80] =	vst v12;
	v12 =	vld [tilespmem:$0x1F720]  }
0x1c5: {  	v42 =	vld [tilespmem:$0x1FB70];
	[tilespmem:$0x1FD30] =	vst v0;
	v0 =	vmul.f32 v10, v6  }
0x1c6: {  	[tilespmem:$0x1FCA0] =	vst v61;
	v61 =	vld [tilespmem:s31+$0x6F0]  }
0x1c7: {  	v0 =	vadd.f32 v2, v0;
	v10 =	vmul.f32 v13, v7;
	v13 =	vld [tilespmem:s31+$0x700]  }
0x1c8: {  	v2 =	vmul.f32 v11, v6;
	[tilespmem:$0x1FCC0] =	vst v63;
	v63 =	vld [tilespmem:$0x1F730]  }
0x1c9: {  	v1 =	vadd.f32 v9, v1;
	v9 =	vld [tilespmem:$0x1F740];
	v11 =	vmul.f32 v12, v8;
	v0 =	vadd.f32 v10, v0  }
0x1ca: {  	[tilespmem:s31+$0xC590] =	vst v54;
	v54 =	vld [tilespmem:$0x1FA80]  }
0x1cb: {  	[tilespmem:$0x1FD70] =	vst v0;
	v0 =	vadd.f32 v11, v2;
	v11 =	vld [tilespmem:$0x1F760]  }
0x1cc: {  	[tilespmem:$0x1FCD0] =	vst v13;
	v13 =	vld [tilespmem:s31+$0x4700]  }
0x1cd: {  	[tilespmem:$0x1FD50] =	vst v1;
	v1 =	vmul.f32 v63, v6;
	v63 =	vld [tilespmem:$0x1F750]  }
0x1ce: {  	[tilespmem:s31+$0xC5A0] =	vst v59;
	v59 =	vld [tilespmem:$0x1FAA0];
	v12 =	vmul.f32 v9, v8  }
0x1cf: {  	[tilespmem:s31+$0xC3C0] =	vst v14;
	v10 =	vld [tilespmem:s31+$0x8700]  }
0x1d0: {  	[tilespmem:s31+$0xC3E0] =	vst v18;
	v1 =	vadd.f32 v12, v1;
	v12 =	vld [tilespmem:$0x1F770]  }
0x1d1: {  	[tilespmem:s31+$0xC400] =	vst v20;
	v9 =	vmul.f32 v11, v7;
	v11 =	vld [tilespmem:$0x1F790]  }
0x1d2: {  	[tilespmem:$0x1FCF0] =	vst v13;
	v2 =	vmul.f32 v63, v7;
	v13 =	vld [tilespmem:s31+$0x710]  }
0x1d3: {  	[tilespmem:s31+$0xC410] =	vst v19;
	v63 =	vld [tilespmem:$0x1F780]  }
0x1d4: {  	[tilespmem:s31+$0xC420] =	vst v22;
	v14 =	vadd.f32 v9, v1;
	v9 =	vld [tilespmem:$0x1F7C0];
	v0 =	vadd.f32 v2, v0  }
0x1d5: {  	[tilespmem:$0x1FD40] =	vst v10;
	v10 =	vmul.f32 v12, v6;
	v12 =	vld [tilespmem:$0x1F7A0]  }
0x1d6: {  	[tilespmem:$0x1FD80] =	vst v0;
	v0 =	vmul.f32 v11, v8;
	v11 =	vld [tilespmem:s31+$0x8710]  }
0x1d7: {  	[tilespmem:$0x1FD10] =	vst v13;
	v13 =	vld [tilespmem:s31+$0x4710]  }
0x1d8: {  	[tilespmem:s31+$0xC3B0] =	vst v63;
	v63 =	vld [tilespmem:$0x1F7B0]  }
0x1d9: {  	[tilespmem:s31+$0xC430] =	vst v21;
	v0 =	vadd.f32 v0, v10;
	v10 =	vld [tilespmem:$0x1F890]  }
0x1da: {  	[tilespmem:s31+$0xC5B0] =	vst v57;
	v57 =	vld [tilespmem:s31+$0x87E0]  }
0x1db: {  	[tilespmem:s31+$0xC5D0] =	vst v46;
	v2 =	vmul.f32 v12, v6;
	v12 =	vld [tilespmem:$0x1F7D0]  }
0x1dc: {  	[tilespmem:$0x1FD60] =	vst v11;
	v11 =	vld [tilespmem:$0x1F7E0]  }
0x1dd: {  	v46 =	vld [tilespmem:s31+$0x7F0];
	[tilespmem:$0x1FD20] =	vst v13;
	v1 =	vmul.f32 v63, v8;
	v13 =	vmul.f32 v32, v7  }
0x1de: {  	v63 =	vmul.f32 v38, v7;
	v38 =	vmul.f32 v40, v7;
	v40 =	vld [tilespmem:s31+$0x730]  }
0x1df: {  	[tilespmem:s31+$0xC450] =	vst v23;
	v18 =	vadd.f32 v13, v0;
	v13 =	vld [tilespmem:$0x1F7F0]  }
0x1e0: {  	[tilespmem:s31+$0xC580] =	vst v56;
	v9 =	vmul.f32 v9, v6;
	v56 =	vld [tilespmem:s31+$0x87F0];
	v1 =	vadd.f32 v1, v2;
	v2 =	vbroadcast v16, $0x8  }
0x1e1: {  	v32 =	vld [tilespmem:s31+$0x4720];
	v6 =	vmul.f32 v12, v6;
	v12 =	vmul.f32 v11, v8  }
0x1e2: {  	v20 =	vadd.f32 v63, v1;
	v63 =	vmul.f32 v49, v2;
	v49 =	vld [tilespmem:s31+$0x4740]  }
0x1e3: {  	v11 =	vbroadcast v17, $0x8;
	[tilespmem:$0x1FD90] =	vst v40;
	v40 =	vld [tilespmem:s31+$0x740];
	v9 =	vadd.f32 v12, v9  }
0x1e4: {  	v12 =	vld [tilespmem:s31+$0x8730];
	v0 =	vmul.f32 v13, v8;
	v8 =	vbroadcast v15, $0x8  }
0x1e5: {  	v19 =	vadd.f32 v38, v9;
	v38 =	vmul.f32 v58, v2;
	v58 =	vmul.f32 v60, v11;
	v60 =	vld [tilespmem:s31+$0x750]  }
0x1e6: {  	v9 =	vld [tilespmem:s31+$0x8760]  }
0x1e7: {  	v7 =	vmul.f32 v45, v7;
	v45 =	vmul.f32 v48, v8;
	v48 =	vld [tilespmem:s31+$0x4730]  }
0x1e8: {  	[tilespmem:$0x1FDE0] =	vst v49;
	v49 =	vld [tilespmem:$0x1F840]  }
0x1e9: {  	v13 =	vmul.f32 v52, v8;
	v52 =	vmul.f32 v50, v11;
	v50 =	vld [tilespmem:$0x1F850]  }
0x1ea: {  	v0 =	vadd.f32 v0, v6;
	[tilespmem:s31+$0xC640] =	vst v42;
	v42 =	vld [tilespmem:$0x1FC50]  }
0x1eb: {  	v55 =	vmul.f32 v55, v2;
	v53 =	vmul.f32 v53, v8;
	[tilespmem:$0x1FDC0] =	vst v40;
	v40 =	vld [tilespmem:$0x1F820]  }
0x1ec: {  	[tilespmem:$0x1FDB0] =	vst v12;
	v21 =	vadd.f32 v7, v0;
	v12 =	vld [tilespmem:$0x1F800]  }
0x1ed: {  	v1 =	vadd.f32 v38, v13;
	v0 =	vadd.f32 v55, v53;
	v53 =	vld [tilespmem:s31+$0x760]  }
0x1ee: {  	v45 =	vadd.f32 v63, v45;
	v63 =	vmul.f32 v62, v8;
	v62 =	vld [tilespmem:s31+$0x4760]  }
0x1ef: {  	v23 =	vadd.f32 v52, v1;
	v52 =	vld [tilespmem:$0x1F860]  }
0x1f0: {  	v38 =	vmul.f32 v28, v11;
	[tilespmem:$0x1FDD0] =	vst v60;
	v28 =	vadd.f32 v58, v0;
	v58 =	vld [tilespmem:$0x1F870]  }
0x1f1: {  	v60 =	vld [tilespmem:$0x1F880];
	[tilespmem:$0x1FDA0] =	vst v48;
	v48 =	vmul.f32 v44, v11  }
0x1f2: {  	v44 =	vmul.f32 v40, v8;
	v40 =	vld [tilespmem:s31+$0x770]  }
0x1f3: {  	v22 =	vadd.f32 v48, v45;
	v13 =	vmul.f32 v12, v2;
	v45 =	vld [tilespmem:$0x1F830]  }
0x1f4: {  	v12 =	vmul.f32 v49, v8;
	v49 =	vld [tilespmem:$0x1F8E0]  }
0x1f5: {  	v1 =	vadd.f32 v13, v63;
	v13 =	vmul.f32 v51, v11;
	v51 =	vld [tilespmem:s31+$0x4770]  }
0x1f6: {  	v55 =	vmul.f32 v52, v2;
	v52 =	vld [tilespmem:s31+$0x4780]  }
0x1f7: {  	v1 =	vadd.f32 v38, v1;
	v38 =	vld [tilespmem:$0x1F8C0]  }
0x1f8: {  	v63 =	vmul.f32 v60, v2;
	v6 =	vadd.f32 v55, v44;
	v44 =	vld [tilespmem:$0x1F8D0]  }
0x1f9: {  	[tilespmem:$0x1FDF0] =	vst v9;
	v9 =	vbroadcast v16, $0x9;
	v55 =	vld [tilespmem:$0x1F8F0]  }
0x1fa: {  	v0 =	vmul.f32 v50, v8;
	v48 =	vmul.f32 v45, v8;
	v8 =	vadd.f32 v63, v12;
	v63 =	vld [tilespmem:s31+$0x8780]  }
0x1fb: {  	[tilespmem:s31+$0xC4A0] =	vst v30;
	v50 =	vmul.f32 v49, v9;
	v49 =	vld [tilespmem:$0x1F980]  }
0x1fc: {  	[tilespmem:$0x1FE20] =	vst v1;
	v1 =	vmul.f32 v58, v2;
	v58 =	vld [tilespmem:$0x1F900]  }
0x1fd: {  	[tilespmem:s31+$0xC4C0] =	vst v33;
	v33 =	vmul.f32 v31, v11;
	v30 =	vadd.f32 v13, v6;
	v13 =	vld [tilespmem:s31+$0x4790]  }
0x1fe: {  	v6 =	vld [tilespmem:$0x1F9B0]  }
0x1ff: {  	[tilespmem:s31+$0xC4B0] =	vst v29;
	v29 =	vmul.f32 v27, v11;
	v27 =	vadd.f32 v33, v8;
	v33 =	vld [tilespmem:s31+$0x790]  }
0x200: {  	[tilespmem:$0x1FE30] =	vst v52;
	v52 =	vld [tilespmem:s31+$0x47A0]  }
0x201: {  	v1 =	vadd.f32 v1, v48;
	v48 =	vld [tilespmem:s31+$0x780]  }
0x202: {  	v2 =	vmul.f32 v10, v2;
	v10 =	vbroadcast v15, $0x9;
	[tilespmem:$0x1FE40] =	vst v30;
	v30 =	vld [tilespmem:$0x1F910]  }
0x203: {  	[tilespmem:s31+$0xC730] =	vst v14;
	v14 =	vld [tilespmem:$0x1FDD0]  }
0x204: {  	v45 =	vmul.f32 v44, v10;
	v44 =	vld [tilespmem:$0x1F960]  }
0x205: {  	v0 =	vadd.f32 v2, v0;
	v2 =	vmul.f32 v55, v10;
	v55 =	vld [tilespmem:$0x1F990]  }
0x206: {  	[tilespmem:$0x1FE70] =	vst v63;
	v63 =	vld [tilespmem:s31+$0x87A0]  }
0x207: {  	v12 =	vbroadcast v17, $0x9;
	v1 =	vadd.f32 v29, v1;
	v29 =	vadd.f32 v50, v45;
	v45 =	vld [tilespmem:s31+$0x7A0]  }
0x208: {  	v60 =	vmul.f32 v58, v9;
	v58 =	vld [tilespmem:$0x1F9A0]  }
0x209: {  	v50 =	vmul.f32 v49, v12;
	v49 =	vld [tilespmem:s31+$0x87C0]  }
0x20a: {  	[tilespmem:s31+$0xC770] =	vst v21;
	v21 =	vld [tilespmem:$0x1FDF0]  }
0x20b: {  	[tilespmem:$0x1FE60] =	vst v1;
	v1 =	vmul.f32 v38, v11;
	v38 =	vld [tilespmem:$0x1F940]  }
0x20c: {  	v11 =	vld [tilespmem:$0x1F9C0]  }
0x20d: {  	[tilespmem:$0x1FE50] =	vst v33;
	v33 =	vld [tilespmem:s31+$0x47B0]  }
0x20e: {  	[tilespmem:$0x1FEC0] =	vst v52;
	v52 =	vld [tilespmem:$0x1FA70]  }
0x20f: {  	[tilespmem:$0x1FE10] =	vst v48;
	v31 =	vmul.f32 v30, v12;
	v48 =	vmul.f32 v47, v12;
	v47 =	vld [tilespmem:$0x1FA50]  }
0x210: {  	[tilespmem:s31+$0xC790] =	vst v23;
	v23 =	vld [tilespmem:$0x1FE60]  }
0x211: {  	[tilespmem:s31+$0xC4F0] =	vst v36;
	v36 =	vadd.f32 v31, v29;
	v29 =	vld [tilespmem:s31+$0x7B0]  }
0x212: {  	[tilespmem:s31+$0xC510] =	vst v34;
	v34 =	vadd.f32 v60, v2;
	v0 =	vadd.f32 v1, v0;
	v1 =	vmul.f32 v35, v12;
	v31 =	vld [tilespmem:$0x1F9D0]  }
0x213: {  	[tilespmem:$0x1FF10] =	vst v63;
	v63 =	vld [tilespmem:$0x1FAB0]  }
0x214: {  	[tilespmem:$0x1FEA0] =	vst v0;
	v0 =	vadd.f32 v1, v34;
	v34 =	vld [tilespmem:$0x1F9E0]  }
0x215: {  	v1 =	vmul.f32 v44, v9;
	v44 =	vld [tilespmem:$0x1FA30]  }
0x216: {  	[tilespmem:$0x1FEB0] =	vst v45;
	v45 =	vld [tilespmem:s31+$0x47C0]  }
0x217: {  	v60 =	vmul.f32 v58, v9;
	v58 =	vld [tilespmem:$0x1FA90]  }
0x218: {  	[tilespmem:$0x1FF80] =	vst v49;
	v49 =	vld [tilespmem:$0x1FB90]  }
0x219: {  	[tilespmem:$0x1FED0] =	vst v36;
	v36 =	vld [tilespmem:$0x1F9F0]  }
0x21a: {  	[tilespmem:s31+$0xC530] =	vst v39;
	v39 =	vmul.f32 v38, v9;
	v38 =	vld [tilespmem:s31+$0x87B0]  }
0x21b: {  	[tilespmem:$0x1FE80] =	vst v27;
	v27 =	vmul.f32 v11, v9;
	v11 =	vld [tilespmem:$0x1FAD0]  }
0x21c: {  	v2 =	vmul.f32 v37, v10;
	[tilespmem:$0x1FEF0] =	vst v33;
	v33 =	vld [tilespmem:$0x1FB10]  }
0x21d: {  	[tilespmem:$0x1FF00] =	vst v0;
	v0 =	vmul.f32 v43, v10;
	v43 =	vld [tilespmem:$0x1FA20]  }
0x21e: {  	v2 =	vadd.f32 v39, v2;
	v39 =	vld [tilespmem:$0x1FA00]  }
0x21f: {  	[tilespmem:s31+$0xC600] =	vst v63;
	v63 =	vld [tilespmem:s31+$0x87D0]  }
0x220: {  	[tilespmem:s31+$0xC5F0] =	vst v58;
	v58 =	vld [tilespmem:s31+$0x47D0]  }
0x221: {  	v35 =	vmul.f32 v34, v12;
	v34 =	vld [tilespmem:$0x1FB20]  }
0x222: {  	v2 =	vadd.f32 v48, v2;
	v48 =	vmul.f32 v47, v12;
	v47 =	vld [tilespmem:s31+$0x47F0]  }
0x223: {  	v0 =	vadd.f32 v1, v0;
	[tilespmem:s31+$0xC650] =	vst v49;
	v49 =	vld [tilespmem:s31+$0x4800]  }
0x224: {  	v1 =	vmul.f32 v55, v10;
	[tilespmem:$0x1FF50] =	vst v45;
	v45 =	vld [tilespmem:$0x1FC70]  }
0x225: {  	v0 =	vadd.f32 v50, v0;
	v50 =	vld [tilespmem:$0x1FA60]  }
0x226: {  	v30 =	vadd.f32 v60, v1;
	[tilespmem:$0x1FF20] =	vst v38;
	v60 =	vld [tilespmem:s31+$0x7D0]  }
0x227: {  	v1 =	vmul.f32 v31, v12;
	[tilespmem:s31+$0xC620] =	vst v33;
	v38 =	vld [tilespmem:$0x1FB50]  }
0x228: {  	v33 =	vld [tilespmem:$0x1FC00];
	[tilespmem:$0x1FF30] =	vst v2;
	v2 =	vmul.f32 v6, v10  }
0x229: {  	[tilespmem:$0x1FF60] =	vst v0;
	v0 =	vadd.f32 v1, v30;
	v30 =	vld [tilespmem:$0x1FB00]  }
0x22a: {  	v37 =	vmul.f32 v36, v10;
	v1 =	vmul.f32 v41, v9;
	v2 =	vadd.f32 v27, v2;
	v27 =	vld [tilespmem:$0x1FAF0]  }
0x22b: {  	[tilespmem:$0x1FF70] =	vst v0;
	v0 =	vmul.f32 v39, v10;
	v10 =	vld [tilespmem:$0x1FAC0]  }
0x22c: {  	v1 =	vadd.f32 v1, v37;
	v37 =	vld [tilespmem:$0x1FB40]  }
0x22d: {  	v39 =	vld [tilespmem:$0x1FB60]  }
0x22e: {  	[tilespmem:s31+$0xC6A0] =	vst v45;
	v45 =	vld [tilespmem:$0x1FD00]  }
0x22f: {  	v2 =	vadd.f32 v35, v2;
	v35 =	vld [tilespmem:$0x1FB30]  }
0x230: {  	v7 =	vbroadcast v17, $0xA;
	[tilespmem:s31+$0xC5E0] =	vst v50;
	v50 =	vld [tilespmem:$0x1FBA0]  }
0x231: {  	v8 =	vbroadcast v16, $0xA;
	v1 =	vadd.f32 v48, v1;
	v48 =	vld [tilespmem:$0x1FB80];
	[tilespmem:$0x1FF90] =	vst v2;
	v2 =	vmul.f32 v44, v9  }
0x232: {  	v6 =	vbroadcast v15, $0xA;
	v31 =	vmul.f32 v30, v7;
	v30 =	vld [tilespmem:$0x1FBE0]  }
0x233: {  	[tilespmem:$0x1FFA0] =	vst v1;
	v1 =	vmul.f32 v59, v8;
	v59 =	vld [tilespmem:s31+$0x7E0];
	v0 =	vadd.f32 v2, v0;
	v2 =	vmul.f32 v52, v12  }
0x234: {  	[tilespmem:$0x1FEE0] =	vst v29;
	v29 =	vmul.f32 v27, v7;
	v27 =	vld [tilespmem:$0x1FBC0]  }
0x235: {  	v55 =	vmul.f32 v54, v6;
	v12 =	vld [tilespmem:$0x1FAE0];
	v0 =	vadd.f32 v2, v0  }
0x236: {  	[tilespmem:s31+$0xC630] =	vst v37;
	v37 =	vmul.f32 v61, v6;
	v61 =	vld [tilespmem:s31+$0x8800]  }
0x237: {  	v1 =	vadd.f32 v1, v55;
	v55 =	vld [tilespmem:s31+$0x47E0];
	v2 =	vmul.f32 v11, v8;
	[tilespmem:$0x1FFB0] =	vst v0;
	v0 =	vmul.f32 v10, v6  }
0x238: {  	v52 =	vmul.f32 v50, v7;
	v50 =	vld [tilespmem:$0x1FC90]  }
0x239: {  	v36 =	vmul.f32 v35, v8;
	v11 =	vld [tilespmem:$0x1FBB0];
	v0 =	vadd.f32 v2, v0;
	v2 =	vmul.f32 v34, v6  }
0x23a: {  	v1 =	vadd.f32 v29, v1;
	v29 =	vld [tilespmem:$0x1FBD0]  }
0x23b: {  	[tilespmem:s31+$0xC5C0] =	vst v43;
	v10 =	vld [tilespmem:$0x1FCB0];
	v0 =	vadd.f32 v31, v0;
	v43 =	vadd.f32 v36, v2;
	v2 =	vmul.f32 v48, v7  }
0x23c: {  	v41 =	vmul.f32 v39, v8;
	[tilespmem:$0x1FFC0] =	vst v1;
	v1 =	vmul.f32 v38, v6;
	v38 =	vld [tilespmem:$0x1FC30]  }
0x23d: {  	v48 =	vld [tilespmem:$0x1FC80];
	[tilespmem:$0x1FFD0] =	vst v0;
	v0 =	vadd.f32 v2, v43  }
0x23e: {  	[tilespmem:s31+$0xC610] =	vst v12;
	v1 =	vadd.f32 v41, v1;
	v43 =	vld [tilespmem:$0x1FC60]  }
0x23f: {  	v34 =	vld [tilespmem:$0x1FC10];
	v12 =	vmul.f32 v11, v6;
	[tilespmem:$0x1FFE0] =	vst v0;
	v0 =	vmul.f32 v29, v8  }
0x240: {  	v41 =	vld [tilespmem:$0x1FC40];
	v1 =	vadd.f32 v52, v1  }
0x241: {  	v11 =	vld [tilespmem:$0x1FD70];
	v39 =	vmul.f32 v38, v7;
	v0 =	vadd.f32 v0, v12  }
0x242: {  	v31 =	vld [tilespmem:$0x1FBF0];
	[tilespmem:$0x1FFF0] =	vst v1;
	v1 =	vmul.f32 v33, v8  }
0x243: {  	v44 =	vmul.f32 v43, v8;
	v54 =	vadd.f32 v39, v0;
	v0 =	vmul.f32 v48, v8;
	v8 =	vld [tilespmem:$0x1FCA0]  }
0x244: {  	v36 =	vld [tilespmem:$0x1FC20];
	v2 =	vmul.f32 v30, v6  }
0x245: {  	v52 =	vld [tilespmem:s31+$0x800]  }
0x246: {  	v30 =	vld [tilespmem:$0x1FCD0];
	v35 =	vmul.f32 v34, v6;
	v1 =	vadd.f32 v1, v2;
	v2 =	vmul.f32 v42, v7  }
0x247: {  	[tilespmem:s31+$0xC660] =	vst v27;
	v38 =	vld [tilespmem:s31+$0x4820]  }
0x248: {  	[tilespmem:s31+$0xC6B0] =	vst v50;
	v34 =	vld [tilespmem:$0x1FCF0];
	v50 =	vadd.f32 v2, v1;
	v27 =	vadd.f32 v44, v35;
	v1 =	vmul.f32 v8, v7  }
0x249: {  	v29 =	vld [tilespmem:$0x1FCC0]  }
0x24a: {  	v44 =	vadd.f32 v1, v27;
	v27 =	vld [tilespmem:$0x1FD20]  }
0x24b: {  	[tilespmem:s31+$0xC690] =	vst v41;
	v41 =	vld [tilespmem:s31+$0x4810]  }
0x24c: {  	[tilespmem:s31+$0xC710] =	vst v11;
	v11 =	vld [tilespmem:$0x1FDB0]  }
0x24d: {  	v12 =	vld [tilespmem:$0x1FD10];
	v2 =	vbroadcast v16, $0xB  }
0x24e: {  	v6 =	vbroadcast v15, $0xB;
	v42 =	vld [tilespmem:s31+$0x8810]  }
0x24f: {  	v7 =	vmul.f32 v29, v7;
	v29 =	vmul.f32 v27, v2;
	v27 =	vld [tilespmem:$0x1FD60]  }
0x250: {  	v9 =	vmul.f32 v30, v6;
	v30 =	vld [tilespmem:$0x1FD30]  }
0x251: {  	[tilespmem:s31+$0xC680] =	vst v36;
	v36 =	vld [tilespmem:$0x1FD40]  }
0x252: {  	[tilespmem:s31+$0xC670] =	vst v31;
	v31 =	vld [tilespmem:$0x1FCE0];
	v33 =	vadd.f32 v0, v37;
	v0 =	vbroadcast v17, $0xB;
	v1 =	vmul.f32 v12, v6  }
0x253: {  	v43 =	vld [tilespmem:s31+$0x8820]  }
0x254: {  	v12 =	vld [tilespmem:$0x1FD50];
	v1 =	vadd.f32 v29, v1;
	v29 =	vmul.f32 v27, v0  }
0x255: {  	[tilespmem:s31+$0xC6F0] =	vst v30;
	v30 =	vld [tilespmem:$0x1FDA0]  }
0x256: {  	[tilespmem:s31+$0xC6E0] =	vst v45;
	v35 =	vmul.f32 v34, v2;
	v37 =	vmul.f32 v36, v0;
	v36 =	vadd.f32 v29, v1;
	v29 =	vld [tilespmem:$0x1FD90]  }
0x257: {  	[tilespmem:s31+$0xC6C0] =	vst v10;
	v48 =	vld [tilespmem:s31+$0x810]  }
0x258: {  	v39 =	vld [tilespmem:s31+$0x820];
	[tilespmem:s31+$0xC6D0] =	vst v31;
	v31 =	vadd.f32 v35, v9  }
0x259: {  	v10 =	vmul.f32 v4, v6;
	v34 =	vld [tilespmem:s31+$0x830];
	[tilespmem:s31+$0xC700] =	vst v12;
	v12 =	vmul.f32 v32, v2  }
0x25a: {  	[tilespmem:s31+$0xC8C0] =	vst v54;
	v54 =	vld [tilespmem:s31+$0x48C0];
	v37 =	vadd.f32 v37, v31;
	v45 =	vadd.f32 v7, v33  }
0x25b: {  	v31 =	vmul.f32 v30, v2;
	v7 =	vadd.f32 v12, v10;
	v12 =	vld [tilespmem:$0x1FDC0];
	v1 =	vmul.f32 v29, v6  }
0x25c: {  	[tilespmem:s31+$0xC740] =	vst v18;
	v18 =	vmul.f32 v53, v6;
	v40 =	vmul.f32 v40, v6;
	v35 =	vld [tilespmem:s31+$0x8830]  }
0x25d: {  	[tilespmem:s31+$0xC760] =	vst v19;
	v4 =	vmul.f32 v5, v0;
	v19 =	vmul.f32 v24, v0;
	v1 =	vadd.f32 v31, v1;
	v31 =	vld [tilespmem:$0x1FDE0]  }
0x25e: {  	v24 =	vld [tilespmem:$0x1FE00];
	v8 =	vmul.f32 v14, v6;
	v14 =	vmul.f32 v51, v2  }
0x25f: {  	v3 =	vmul.f32 v11, v0;
	v11 =	vmul.f32 v26, v2;
	v53 =	vadd.f32 v4, v7;
	v4 =	vld [tilespmem:$0x1FE10]  }
0x260: {  	v5 =	vmul.f32 v12, v6;
	v12 =	vmul.f32 v62, v2;
	v6 =	vadd.f32 v14, v40;
	v14 =	vld [tilespmem:$0x1FE50]  }
0x261: {  	v8 =	vadd.f32 v11, v8;
	v11 =	vld [tilespmem:$0x1FE30]  }
0x262: {  	v7 =	vadd.f32 v12, v18;
	v12 =	vld [tilespmem:$0x1FE40];
	v10 =	vmul.f32 v31, v2  }
0x263: {  	[tilespmem:s31+$0xC750] =	vst v20;
	v20 =	vmul.f32 v25, v0;
	v26 =	vld [tilespmem:s31+$0x8850];
	v31 =	vadd.f32 v3, v1;
	v1 =	vbroadcast v15, $0xC  }
0x264: {  	[tilespmem:s31+$0xC780] =	vst v22;
	v22 =	vmul.f32 v21, v0;
	v2 =	vbroadcast v16, $0xC;
	v5 =	vadd.f32 v10, v5;
	v10 =	vld [tilespmem:$0x1FE70]  }
0x265: {  	v25 =	vld [tilespmem:s31+$0x860];
	v4 =	vmul.f32 v4, v1;
	v40 =	vmul.f32 v14, v1  }
0x266: {  	v33 =	vld [tilespmem:s31+$0x840];
	v18 =	vmul.f32 v13, v2;
	v51 =	vadd.f32 v19, v5;
	v5 =	vmul.f32 v24, v0  }
0x267: {  	[tilespmem:s31+$0xC7C0] =	vst v12;
	v12 =	vld [tilespmem:$0x1FE90];
	v9 =	vmul.f32 v11, v2;
	v0 =	vbroadcast v17, $0xC  }
0x268: {  	v21 =	vadd.f32 v5, v6;
	v5 =	vadd.f32 v18, v40;
	v18 =	vld [tilespmem:$0x1FEA0]  }
0x269: {  	v4 =	vadd.f32 v9, v4;
	v9 =	vmul.f32 v10, v0;
	v10 =	vld [tilespmem:$0x1FEE0]  }
0x26a: {  	[tilespmem:s31+$0xC900] =	vst v37;
	v37 =	vld [tilespmem:s31+$0x8E0]  }
0x26b: {  	v30 =	vld [tilespmem:s31+$0x4840]  }
0x26c: {  	[tilespmem:s31+$0xC7A0] =	vst v28;
	v28 =	vadd.f32 v20, v8;
	v8 =	vld [tilespmem:$0x1FE20];
	v6 =	vmul.f32 v12, v0  }
0x26d: {  	v20 =	vld [tilespmem:$0x1FEB0]  }
0x26e: {  	[tilespmem:s31+$0xC7F0] =	vst v18;
	v18 =	vadd.f32 v6, v5;
	v6 =	vmul.f32 v10, v1;
	v10 =	vld [tilespmem:$0x1FF30]  }
0x26f: {  	[tilespmem:s31+$0xC8E0] =	vst v44;
	v44 =	vld [tilespmem:s31+$0x8D0]  }
0x270: {  	v32 =	vld [tilespmem:s31+$0x4830]  }
0x271: {  	[tilespmem:s31+$0xC7D0] =	vst v23;
	v23 =	vadd.f32 v22, v7;
	v7 =	vld [tilespmem:$0x1FEC0]  }
0x272: {  	[tilespmem:s31+$0xC7B0] =	vst v8;
	v8 =	vld [tilespmem:$0x1FED0]  }
0x273: {  	[tilespmem:s31+$0xC820] =	vst v10;
	v10 =	vld [tilespmem:$0x1FF50]  }
0x274: {  	v11 =	vld [tilespmem:$0x1FE80]  }
0x275: {  	v27 =	vld [tilespmem:$0x1FD80]  }
0x276: {  	v62 =	vld [tilespmem:s31+$0x850];
	v3 =	vmul.f32 v7, v2;
	v22 =	vadd.f32 v9, v4;
	v9 =	vmul.f32 v20, v1  }
0x277: {  	v7 =	vld [tilespmem:$0x1FF10]  }
0x278: {  	v5 =	vadd.f32 v3, v9;
	v3 =	vmul.f32 v10, v2;
	v10 =	vld [tilespmem:$0x1FF60]  }
0x279: {  	[tilespmem:s31+$0xC7E0] =	vst v11;
	v11 =	vld [tilespmem:$0x1FEF0]  }
0x27a: {  	[tilespmem:s31+$0xC800] =	vst v8;
	v8 =	vld [tilespmem:$0x1FF20]  }
0x27b: {  	[tilespmem:s31+$0xC720] =	vst v27;
	v27 =	vld [tilespmem:s31+$0x4850]  }
0x27c: {  	v29 =	vld [tilespmem:s31+$0x8840]  }
0x27d: {  	v9 =	vmul.f32 v7, v0;
	[tilespmem:s31+$0xC830] =	vst v10;
	v10 =	vld [tilespmem:$0x1FF70]  }
0x27e: {  	v13 =	vld [tilespmem:s31+$0x870];
	v4 =	vmul.f32 v11, v2  }
0x27f: {  	v14 =	vld [tilespmem:s31+$0x4870];
	v58 =	vmul.f32 v58, v2;
	v5 =	vadd.f32 v9, v5;
	v9 =	vmul.f32 v60, v1  }
0x280: {  	v7 =	vmul.f32 v8, v0;
	v8 =	vld [tilespmem:$0x1FF40];
	v4 =	vadd.f32 v4, v6  }
0x281: {  	[tilespmem:s31+$0xC930] =	vst v31;
	v31 =	vld [tilespmem:s31+$0x88E0];
	v9 =	vadd.f32 v58, v9;
	v58 =	vmul.f32 v63, v0  }
0x282: {  	[tilespmem:s31+$0xC840] =	vst v10;
	v10 =	vadd.f32 v7, v4;
	v4 =	vld [tilespmem:$0x1FF80]  }
0x283: {  	v9 =	vadd.f32 v58, v9;
	v58 =	vld [tilespmem:$0x1FFC0]  }
0x284: {  	v24 =	vld [tilespmem:s31+$0x4860]  }
0x285: {  	v19 =	vld [tilespmem:s31+$0x8860];
	v6 =	vmul.f32 v8, v1  }
0x286: {  	v40 =	vld [tilespmem:s31+$0x8870]  }
0x287: {  	v3 =	vadd.f32 v3, v6;
	v6 =	vmul.f32 v4, v0;
	v4 =	vld [tilespmem:$0x1FF90]  }
0x288: {  	[tilespmem:s31+$0xC880] =	vst v58;
	v58 =	vmul.f32 v57, v0;
	v0 =	vmul.f32 v56, v0;
	v56 =	vld [tilespmem:$0x1FFE0]  }
0x289: {  	v12 =	vld [tilespmem:s31+$0x880]  }
0x28a: {  	v57 =	vld [tilespmem:$0x1FFD0]  }
0x28b: {  	[tilespmem:s31+$0xC970] =	vst v21;
	v21 =	vld [tilespmem:s31+$0x8900]  }
0x28c: {  	[tilespmem:s31+$0xC850] =	vst v4;
	v4 =	vld [tilespmem:$0x1FFA0]  }
0x28d: {  	v20 =	vld [tilespmem:$0x1FF00];
	[tilespmem:s31+$0xC8A0] =	vst v56;
	v56 =	vbroadcast v17, $0xD  }
0x28e: {  	v59 =	vmul.f32 v59, v1;
	[tilespmem:s31+$0xC980] =	vst v22;
	v22 =	vld [tilespmem:s31+$0x4900];
	v1 =	vmul.f32 v46, v1  }
0x28f: {  	[tilespmem:s31+$0xC890] =	vst v57;
	v57 =	vld [tilespmem:$0x1FFF0];
	v61 =	vmul.f32 v61, v56;
	v42 =	vmul.f32 v42, v56  }
0x290: {  	v11 =	vld [tilespmem:s31+$0x4880];
	v29 =	vmul.f32 v29, v56;
	v26 =	vmul.f32 v26, v56  }
0x291: {  	v60 =	vld [tilespmem:s31+$0x4890];
	v19 =	vmul.f32 v19, v56;
	[tilespmem:s31+$0xC860] =	vst v4;
	v4 =	vadd.f32 v6, v3;
	v6 =	vmul.f32 v55, v2  }
0x292: {  	[tilespmem:s31+$0xC810] =	vst v20;
	v20 =	vld [tilespmem:s31+$0x8880];
	v2 =	vmul.f32 v47, v2;
	v47 =	vbroadcast v15, $0xD  }
0x293: {  	[tilespmem:s31+$0xC8F0] =	vst v45;
	v63 =	vld [tilespmem:s31+$0x8A0];
	v45 =	vmul.f32 v40, v56;
	v6 =	vadd.f32 v6, v59;
	v59 =	vbroadcast v16, $0xD  }
0x294: {  	v8 =	vld [tilespmem:s31+$0x890];
	[tilespmem:s31+$0xC8B0] =	vst v57;
	v1 =	vadd.f32 v2, v1;
	v2 =	vmul.f32 v52, v47;
	v57 =	vmul.f32 v48, v47  }
0x295: {  	v46 =	vld [tilespmem:s31+$0x48A0];
	v39 =	vmul.f32 v39, v47;
	v34 =	vmul.f32 v34, v47  }
0x296: {  	[tilespmem:s31+$0xC9D0] =	vst v9;
	v9 =	vld [tilespmem:s31+$0x920];
	v33 =	vmul.f32 v33, v47;
	v62 =	vmul.f32 v62, v47  }
0x297: {  	v7 =	vld [tilespmem:s31+$0x8890];
	v25 =	vmul.f32 v25, v47;
	v13 =	vmul.f32 v13, v47  }
0x298: {  	v55 =	vld [tilespmem:$0x1FFB0];
	v49 =	vmul.f32 v49, v59;
	v41 =	vmul.f32 v41, v59  }
0x299: {  	v3 =	vld [tilespmem:s31+$0x8B0];
	v6 =	vadd.f32 v58, v6;
	v38 =	vmul.f32 v38, v59;
	v30 =	vmul.f32 v30, v59  }
0x29a: {  	v52 =	vld [tilespmem:s31+$0x48B0];
	v0 =	vadd.f32 v0, v1;
	v27 =	vmul.f32 v27, v59;
	v24 =	vmul.f32 v24, v59  }
0x29b: {  	v48 =	vld [tilespmem:s31+$0x8C0];
	v14 =	vmul.f32 v14, v59;
	v2 =	vadd.f32 v49, v2;
	v1 =	vadd.f32 v41, v57  }
0x29c: {  	v58 =	vld [tilespmem:s31+$0x88B0];
	v32 =	vmul.f32 v32, v59;
	v30 =	vadd.f32 v30, v33;
	v27 =	vadd.f32 v27, v62  }
0x29d: {  	[tilespmem:s31+$0xC870] =	vst v55;
	v55 =	vld [tilespmem:s31+$0x88A0];
	v57 =	vmul.f32 v43, v56;
	v43 =	vadd.f32 v24, v25;
	v13 =	vadd.f32 v14, v13  }
0x29e: {  	v41 =	vld [tilespmem:s31+$0x88C0];
	v14 =	vbroadcast v17, $0xE;
	v17 =	vbroadcast v17, $0xF;
	v2 =	vadd.f32 v61, v2  }
0x29f: {  	[tilespmem:s31+$0xC950] =	vst v28;
	v33 =	vld [tilespmem:s31+$0x8F0];
	v61 =	vmul.f32 v35, v56;
	v28 =	vadd.f32 v29, v30;
	v29 =	vbroadcast v15, $0xE  }
0x2a0: {  	[tilespmem:s31+$0xC960] =	vst v23;
	v25 =	vld [tilespmem:s31+$0x900];
	v23 =	vadd.f32 v26, v27;
	v26 =	vbroadcast v16, $0xE;
	v49 =	vmul.f32 v20, v14  }
0x2a1: {  	[tilespmem:s31+$0xC8D0] =	vst v50;
	v38 =	vadd.f32 v38, v39;
	v24 =	vld [tilespmem:s31+$0x4920];
	v7 =	vmul.f32 v7, v14;
	v31 =	vmul.f32 v31, v14  }
0x2a2: {  	[tilespmem:s31+$0xC920] =	vst v53;
	v32 =	vadd.f32 v32, v34;
	v34 =	vld [tilespmem:s31+$0x8920];
	v15 =	vbroadcast v15, $0xF;
	v16 =	vbroadcast v16, $0xF  }
0x2a3: {  	[tilespmem:s31+$0xC910] =	vst v36;
	v39 =	vld [tilespmem:s31+$0x930];
	v36 =	vadd.f32 v57, v38;
	v57 =	vmul.f32 v58, v14;
	v12 =	vmul.f32 v12, v29  }
0x2a4: {  	[tilespmem:s31+$0xC940] =	vst v51;
	v1 =	vadd.f32 v42, v1;
	v42 =	vld [tilespmem:s31+$0x48D0];
	v11 =	vmul.f32 v11, v26;
	v8 =	vmul.f32 v8, v29  }
0x2a5: {  	[tilespmem:s31+$0xC990] =	vst v18;
	v35 =	vld [tilespmem:s31+$0x88D0];
	v47 =	vmul.f32 v60, v26;
	v50 =	vmul.f32 v63, v29  }
0x2a6: {  	[tilespmem:s31+$0xC9A0] =	vst v5;
	v38 =	vld [tilespmem:s31+$0x48E0];
	v51 =	vmul.f32 v46, v26;
	v53 =	vmul.f32 v55, v14  }
0x2a7: {  	[tilespmem:s31+$0xC9B0] =	vst v10;
	v30 =	vld [tilespmem:s31+$0x48F0];
	v3 =	vmul.f32 v3, v29;
	v55 =	vmul.f32 v52, v26  }
0x2a8: {  	[tilespmem:s31+$0xC9C0] =	vst v4;
	v27 =	vld [tilespmem:s31+$0x88F0];
	v18 =	vadd.f32 v19, v43;
	v58 =	vmul.f32 v48, v29;
	v60 =	vmul.f32 v54, v26  }
0x2a9: {  	[tilespmem:s31+$0xC9E0] =	vst v6;
	v5 =	vadd.f32 v45, v13;
	v13 =	vld [tilespmem:s31+$0x910];
	v62 =	vmul.f32 v44, v29;
	v43 =	vmul.f32 v37, v29  }
0x2aa: {  	[tilespmem:s31+$0xC9F0] =	vst v0;
	v19 =	vld [tilespmem:s31+$0x4910];
	v54 =	vmul.f32 v22, v16;
	v9 =	vmul.f32 v9, v15  }
0x2ab: {  	v20 =	vld [tilespmem:s31+$0x8910];
	v32 =	vadd.f32 v61, v32;
	[tilespmem:s31+$0xCA00] =	vst v2;
	v61 =	vmul.f32 v41, v14;
	v52 =	vmul.f32 v25, v15  }
0x2ac: {  	[tilespmem:s31+$0xCA10] =	vst v1;
	v44 =	vld [tilespmem:s31+$0x4930];
	v37 =	vmul.f32 v39, v15;
	v41 =	vmul.f32 v34, v17;
	v11 =	vadd.f32 v11, v12  }
0x2ad: {  	[tilespmem:s31+$0xCA20] =	vst v36;
	v46 =	vld [tilespmem:s31+$0x8930];
	v8 =	vadd.f32 v47, v8;
	v56 =	vadd.f32 v51, v50;
	v47 =	vmul.f32 v33, v29  }
0x2ae: {  	v48 =	vld [tilespmem:s31+$0x940];
	[tilespmem:s31+$0xCA40] =	vst v28;
	v59 =	vadd.f32 v55, v3;
	v63 =	vmul.f32 v42, v26;
	v42 =	vmul.f32 v35, v14  }
0x2af: {  	[tilespmem:s31+$0xCA50] =	vst v23;
	v28 =	vld [tilespmem:s31+$0x960];
	v3 =	vadd.f32 v60, v58;
	v45 =	vmul.f32 v38, v26;
	v51 =	vmul.f32 v27, v14  }
0x2b0: {  	[tilespmem:s31+$0xCA60] =	vst v18;
	v39 =	vld [tilespmem:s31+$0x4960];
	v58 =	vmul.f32 v19, v16;
	v4 =	vadd.f32 v49, v11;
	v7 =	vadd.f32 v7, v8  }
0x2b1: {  	[tilespmem:s31+$0xCA70] =	vst v5;
	v50 =	vld [tilespmem:s31+$0x4940];
	v27 =	vmul.f32 v20, v17;
	v2 =	vadd.f32 v53, v56;
	v0 =	vadd.f32 v57, v59  }
0x2b2: {  	[tilespmem:s31+$0xCA30] =	vst v32;
	v55 =	vld [tilespmem:s31+$0x950];
	v3 =	vadd.f32 v61, v3;
	v49 =	vmul.f32 v30, v26;
	v57 =	vmul.f32 v13, v15  }
0x2b3: {  	v32 =	vld [tilespmem:s31+$0x970];
	v61 =	vadd.f32 v54, v52;
	v6 =	vadd.f32 v63, v62;
	v62 =	vmul.f32 v21, v17;
	[tilespmem:s31+$0xCA80] =	vst v4  }
0x2b4: {  	v53 =	vld [tilespmem:s31+$0x8940];
	v10 =	vadd.f32 v45, v43;
	v38 =	vmul.f32 v44, v16;
	v45 =	vmul.f32 v48, v15;
	[tilespmem:s31+$0xCA90] =	vst v7  }
0x2b5: {  	v59 =	vld [tilespmem:s31+$0x4950];
	v8 =	vmul.f32 v28, v15;
	v56 =	vadd.f32 v49, v47;
	v25 =	vadd.f32 v58, v57;
	[tilespmem:s31+$0xCAA0] =	vst v2  }
0x2b6: {  	v43 =	vld [tilespmem:s31+$0x4970];
	[tilespmem:s31+$0xCAB0] =	vst v0;
	v54 =	vmul.f32 v39, v16;
	v1 =	vadd.f32 v42, v6;
	v60 =	vadd.f32 v31, v10  }
0x2b7: {  	v63 =	vld [tilespmem:s31+$0x8950];
	[tilespmem:s31+$0xCAC0] =	vst v3;
	v30 =	vadd.f32 v62, v61;
	v31 =	vmul.f32 v24, v16;
	v42 =	vmul.f32 v46, v17  }
0x2b8: {  	v47 =	vld [tilespmem:s31+$0x8960];
	v44 =	vadd.f32 v38, v37;
	v46 =	vmul.f32 v50, v16;
	v48 =	vmul.f32 v55, v15;
	[tilespmem:s31+$0xCAD0] =	vst v1  }
0x2b9: {  	v49 =	vld [tilespmem:s31+$0x8970];
	v50 =	vmul.f32 v32, v15;
	v5 =	vadd.f32 v51, v56;
	v33 =	vadd.f32 v27, v25;
	[tilespmem:s31+$0xCAE0] =	vst v60  }
0x2ba: {  	v40 =	vadd.f32 v31, v9;
	v1 =	vadd.f32 v42, v44;
	v51 =	vmul.f32 v59, v16;
	[tilespmem:s31+$0xCB00] =	vst v30  }
0x2bb: {  	v52 =	vadd.f32 v46, v45;
	v53 =	vmul.f32 v53, v17;
	[tilespmem:s31+$0xCAF0] =	vst v5;
	v56 =	vmul.f32 v43, v16  }
0x2bc: {  	[tilespmem:s31+$0xCB10] =	vst v33;
	v57 =	vmul.f32 v63, v17;
	v3 =	vadd.f32 v41, v40;
	v55 =	vadd.f32 v51, v48  }
0x2bd: {  	p0 =	sne.s32 s25, $0x7;
	v58 =	vadd.f32 v54, v8;
	v2 =	vadd.f32 v53, v52;
	v59 =	vmul.f32 v47, v17;
	[tilespmem:s31+$0xCB30] =	vst v1  }
.Ltmp0:
0x2be: {  	v61 =	vmul.f32 v49, v17;
	v60 =	vadd.f32 v56, v50;
	[tilespmem:s31+$0xCB20] =	vst v3;
	v0 =	vadd.f32 v57, v55;
	(pc) =	sbr.rel @p0 .LBB2_3-.Ltmp0, $4  }
0x2bf: {  	[tilespmem:s31+$0xCB40] =	vst v2;
	v62 =	vadd.f32 v59, v58  }
0x2c0: {  	v63 =	vadd.f32 v61, v60;
	[tilespmem:s31+$0xCB50] =	vst v0  }
0x2c1: {  	[tilespmem:s31+$0xCB60] =	vst v62  }
0x2c2: {  	s25 =	sadd.s32 $0x1, s25;
	[tilespmem:s31+$0xCB70] =	vst v63  }
0x2c3: {  	s23 =	sadd.s32 $0x1, s23  }
0x2c4: {  	s24 =	sshll.u32 s24, $0x4;
	p0 =	sne.s32 s23, $0x4  }
.Ltmp1:
0x2c5: {  	s24 =	sadd.s32 s3, s24;
	(pc) =	sbr.rel @p0 .LBB2_2-.Ltmp1, $4  }
0x2c6: {  	[hbm4b:s24+s4] =	stream.linear.scatter [tilespmem:s21], [sflag:$0x2], $0x4000, $0x38;
	[tilespmem:$0x10380] =	vst v63  }
0x2c7: {  	_ =	swait.ge [sflag:s11], $0x4000  }
0x2c8: {  	[sflag:s11] =	ssyncset.done $0x0  }
0x2c9: {  	[sflag:s11] =	ssyncadd.s32 $0xFFFFC000  }
0x2ca: {  	s22 =	sadd.s32 $0x1, s22  }
0x2cb: {  	p0 =	sne.s32 s22, s10  }
.Ltmp2:
0x2cc: {  	_ = 	snop;
	(pc) =	sbr.rel @p0 .LBB2_1-.Ltmp2, $1  }
0x2cd: {  	_ =	sdelay $0x3  }
0x2ce: {  	_ =	sfence.sel $0x180000  }
0x2cf: {  	[bflag:$0x0] =	sbarrier.arrive $0xFFFF  }
0x2d0: {  	p0 =	sne.s32 s5, $0x0;
	_ =	strace $0x90000047  }
0x2d1: {  	s0 =	sadd.s32 @!p0 $0x100000, s0;
	[bflag:$0x2] =	sbarrier.arrive $0xFFFF  }
0x2d2: {  	[sflag:s0] =	ssyncadd.tile.s32 @!p0 $0x1;
	_ =	shalt  }
.Lfunc_end2:
_tile_overlayer_lowered:
.L_overlay_start_2:
0x2d3: {  	(tag) =	ssettag $0x2  }
0x2d4: {  	s0 =	rddreg [dreg:$0x0];
	s2 =	stileid.u32  }
0x2d5: {  	s1 =	rddreg [dreg:$0x1];
	p0 =	sne.s32 s2, $0x0  }
0x2d6: {  	s3 =	rddreg [dreg:$0x2];
	[bflag:$0x3] =	sbarrier.arrive $0xFFFF;
	s2 =	simm.s32 @!p0 $0x1C02  }
0x2d7: {  	[timem:s3], [sflag:s2] =	dma.local @!p0 [hbm:s0], s1  }
0x2d8: {  	s0 =	simm.s32 @!p0 $0x2  }
0x2d9: {  	_ =	swait.ge @!p0 [sflag:s0], s1  }
0x2da: {  	s1 =	ssub.s32 @!p0 $0x0, s1;
	[sflag:s0] =	ssyncset.done @!p0 $0x0  }
0x2db: {  	[sflag:s0] =	ssyncadd.s32 @!p0 s1  }
0x2dc: {  	[bflag:$0x3] =	sbarrier.arrive $0xFFFF  }
0x2dd: {  	_ =	shalt  }

</sc_bundles>
